<compile_context>
chip_gen: v7x
topology: tpu7x:2x2x1
jax: 0.10.2.dev20260603
libtpu: 0.0.44.dev20260713+nightly
codegen_flags: <defaults>
</compile_context>

<pallas_src>
import functools
import jax
import jax.numpy as jnp
from jax import lax
from jax.experimental import pallas as pl
from jax.experimental.pallas import tpu as pltpu
from jax.experimental.pallas import tpu_sc as plsc

F32 = jnp.float32
I32 = jnp.int32

_N = 10000
_D = 128
_H = 4
_OC = 32
_G = 64
_BN = 400
_NB = _N // _BN
_NS = 16
_NT = _N + 16
_CH = 128
_RS = 624



def _k0_body(x_ref, w_ref, b_ref, o_ref):
    o_ref[...] = jnp.dot(x_ref[...], w_ref[...],
                         preferred_element_type=F32) + b_ref[...]


def _proj(x, Wi, bi):
    return pl.pallas_call(
        _k0_body,
        grid=(_NB,),
        in_specs=[
            pl.BlockSpec((_BN, _D), lambda i: (i, 0)),
            pl.BlockSpec((_D, _D), lambda i: (0, 0)),
            pl.BlockSpec((1, _D), lambda i: (0, 0)),
        ],
        out_specs=pl.BlockSpec((_BN, _D), lambda i: (i, 0)),
        out_shape=jax.ShapeDtypeStruct((_N, _D), F32),
    )(x, Wi, bi.reshape(1, _D))


def _ka_body(h_ref, gw_ref, a0_ref, a1_ref, bm_ref,
             xh_ref, atab0_ref, atab1_ref, wsel_ref):
    xh = jnp.dot(h_ref[...], gw_ref[...], preferred_element_type=F32)
    xh_ref[...] = xh
    atab0_ref[...] = jnp.dot(xh, a0_ref[...], preferred_element_type=F32)
    atab1_ref[...] = jnp.dot(xh, a1_ref[...], preferred_element_type=F32)
    sd = jnp.dot(xh, bm_ref[...], preferred_element_type=F32)
    wsel_ref[...] = jnp.exp(jnp.where(sd > 0, sd, 0.2 * sd))


def _pre_edge(h, gW_l, A0_l, A1_l, Bm_l):
    return pl.pallas_call(
        _ka_body,
        grid=(_NB,),
        in_specs=[
            pl.BlockSpec((_BN, _D), lambda i: (i, 0)),
            pl.BlockSpec((_D, _D), lambda i: (0, 0)),
            pl.BlockSpec((_D, 4), lambda i: (0, 0)),
            pl.BlockSpec((_D, 4), lambda i: (0, 0)),
            pl.BlockSpec((_D, 4), lambda i: (0, 0)),
        ],
        out_specs=[
            pl.BlockSpec((_BN, _D), lambda i: (i, 0)),
            pl.BlockSpec((_BN, 4), lambda i: (i, 0)),
            pl.BlockSpec((_BN, 4), lambda i: (i, 0)),
            pl.BlockSpec((_BN, 4), lambda i: (i, 0)),
        ],
        out_shape=[
            jax.ShapeDtypeStruct((_NT, _D), F32),
            jax.ShapeDtypeStruct((_N, 4), F32),
            jax.ShapeDtypeStruct((_N, 4), F32),
            jax.ShapeDtypeStruct((_N, 4), F32),
        ],
    )(h, gW_l, A0_l, A1_l, Bm_l)


def _kb_body(h_ref, posp_ref, acc0_ref, acc1_ref, wsel_ref, gw_ref,
             eexp_ref, cm0_ref, cm1_ref, swa_ref, swb_ref, gb_ref, sb_ref,
             g_ref, b_ref, a_ref, o_ref):
    md = (jnp.dot(acc0_ref[...][:, :80], cm0_ref[...],
                  preferred_element_type=F32) +
          jnp.dot(acc1_ref[...][:, :80], cm1_ref[...],
                  preferred_element_type=F32))
    msg = md[:, :128]
    den = md[:, 128:]
    wex = jnp.dot(wsel_ref[...], eexp_ref[...], preferred_element_type=F32)
    xh = jnp.dot(h_ref[...], gw_ref[...], preferred_element_type=F32)
    msg = msg + xh * wex
    den = den + wex
    h_gat = msg / den + gb_ref[...]
    hs = (jnp.dot(h_gat, swa_ref[...], preferred_element_type=F32) +
          jnp.dot(posp_ref[...], swb_ref[...], preferred_element_type=F32) +
          sb_ref[...])
    a = a_ref[0]
    hn = h_ref[...] + a * h_gat + (1.0 - a) * hs
    mu = jnp.mean(hn, axis=1, keepdims=True)
    xc = hn - mu
    var = jnp.mean(xc * xc, axis=1, keepdims=True)
    y = xc * lax.rsqrt(var + 1e-5) * g_ref[...] + b_ref[...]
    o_ref[...] = jnp.where(y > 0, y, jnp.exp(y) - 1.0)


def _post_edge(h, posp, acc0, acc1, wsel, gW_l, Eexp, CM0, CM1, sWa_l,
               sWb_l, gb_l, sb_l, lng_l, lnb_l, alpha_l):
    return pl.pallas_call(
        _kb_body,
        grid=(_NB,),
        in_specs=[
            pl.BlockSpec((_BN, _D), lambda i: (i, 0)),
            pl.BlockSpec((_BN, 8), lambda i: (i, 0)),
            pl.BlockSpec((_BN, _D), lambda i: (i, 0)),
            pl.BlockSpec((_BN, _D), lambda i: (i, 0)),
            pl.BlockSpec((_BN, 4), lambda i: (i, 0)),
            pl.BlockSpec((_D, _D), lambda i: (0, 0)),
            pl.BlockSpec((4, _D), lambda i: (0, 0)),
            pl.BlockSpec((80, 256), lambda i: (0, 0)),
            pl.BlockSpec((80, 256), lambda i: (0, 0)),
            pl.BlockSpec((_D, _D), lambda i: (0, 0)),
            pl.BlockSpec((8, _D), lambda i: (0, 0)),
            pl.BlockSpec((1, _D), lambda i: (0, 0)),
            pl.BlockSpec((1, _D), lambda i: (0, 0)),
            pl.BlockSpec((1, _D), lambda i: (0, 0)),
            pl.BlockSpec((1, _D), lambda i: (0, 0)),
            pl.BlockSpec(memory_space=pltpu.SMEM),
        ],
        out_specs=pl.BlockSpec((_BN, _D), lambda i: (i, 0)),
        out_shape=jax.ShapeDtypeStruct((_N, _D), F32),
    )(h, posp, acc0, acc1, wsel, gW_l, Eexp, CM0, CM1, sWa_l, sWb_l,
      gb_l.reshape(1, _D), sb_l.reshape(1, _D),
      lng_l.reshape(1, _D), lnb_l.reshape(1, _D), alpha_l.reshape(1))


def _kc_body(h_ref, b_ref, w1_ref, b1_ref, w2_ref, b2_ref, o_ref,
             sums_ref, cnt_ref):
    i = pl.program_id(0)

    @pl.when(i == 0)
    def _():
        sums_ref[...] = jnp.zeros((_G, _D), F32)
        cnt_ref[...] = jnp.zeros((_G, 1), F32)

    b = b_ref[0]
    gi = lax.broadcasted_iota(I32, (_BN, _G), 1)
    oh = (b == gi).astype(F32)
    h = h_ref[...]
    sums_ref[...] += lax.dot_general(oh, h, (((0,), (0,)), ((), ())),
                                     preferred_element_type=F32)
    cnt_ref[...] += lax.dot_general(oh, jnp.ones((_BN, 1), F32),
                                    (((0,), (0,)), ((), ())),
                                    preferred_element_type=F32)

    @pl.when(i == _NB - 1)
    def _():
        hg = sums_ref[...] / jnp.maximum(cnt_ref[...], 1.0)
        o1 = jnp.dot(hg, w1_ref[...], preferred_element_type=F32) + b1_ref[...]
        o1 = jnp.maximum(o1, 0.0)
        o_ref[...] = jnp.dot(o1, w2_ref[...],
                             preferred_element_type=F32) + b2_ref[...]


def _pool_mlp(h, batchr, oW1, ob1, oW2, ob2):
    return pl.pallas_call(
        _kc_body,
        grid=(_NB,),
        in_specs=[
            pl.BlockSpec((_BN, _D), lambda i: (i, 0)),
            pl.BlockSpec((1, _BN, 1), lambda i: (i, 0, 0)),
            pl.BlockSpec((_D, _D), lambda i: (0, 0)),
            pl.BlockSpec((1, _D), lambda i: (0, 0)),
            pl.BlockSpec((_D, _D), lambda i: (0, 0)),
            pl.BlockSpec((1, _D), lambda i: (0, 0)),
        ],
        out_specs=pl.BlockSpec((_G, _D), lambda i: (0, 0)),
        out_shape=jax.ShapeDtypeStruct((_G, _D), F32),
        scratch_shapes=[
            pltpu.VMEM((_G, _D), F32),
            pltpu.VMEM((_G, 1), F32),
        ],
    )(h, batchr, oW1, ob1.reshape(1, _D), oW2, ob2.reshape(1, _D))



def _make_edge_kernel(ep_tile):
    n_chunks = ep_tile // _CH
    mesh = plsc.VectorSubcoreMesh(core_axis_name="c", subcore_axis_name="s")

    @functools.partial(
        pl.kernel,
        out_type=(jax.ShapeDtypeStruct((_NT, _D), F32),
                  jax.ShapeDtypeStruct((_NT, _D), F32)),
        mesh=mesh,
        compiler_params=pltpu.CompilerParams(
            use_tc_tiling_on_sc=False, needs_layout_passes=False,
            has_side_effects=True, vmem_limit_bytes=1048576),
        scratch_types=[
            pltpu.VMEM_SHARED((_NT, 80), F32),
            pltpu.VMEM((_NT * 4,), F32),
            pltpu.VMEM((_CH,), I32),
            pltpu.VMEM((_CH,), I32),
            pltpu.VMEM((_CH,), F32),
            pltpu.VMEM((_CH,), F32),
            pltpu.VMEM((_CH, _D), F32),
            pltpu.VMEM((_CH, 80), F32),
            pltpu.SemaphoreType.DMA,
        ],
    )
    def edge_kernel(s_hbm, d_hbm, xht_hbm, atab0_hbm, atab1_hbm,
                    acc0_hbm, acc1_hbm, acc_s, atab_v, sbuf, dbuf,
                    w0buf, w1buf, rin, rout, sem):
        c = lax.axis_index("c")
        t = lax.axis_index("s")

        @pl.when(c == 0)
        def _():
            pltpu.sync_copy(atab0_hbm, atab_v)

        @pl.when(c == 1)
        def _():
            pltpu.sync_copy(atab1_hbm, atab_v)

        zero16 = jnp.zeros((16,), F32)

        @pl.loop(0, _CH)
        def _zrow(j):
            for q in range(5):
                rout[j, pl.ds(q * 16, 16)] = zero16

        for q in range(6):
            off = t * _RS + q * 104
            pltpu.sync_copy(rout.at[pl.ds(0, 104)],
                            acc_s.at[pl.ds(off, 104)])

        @pl.when(t == 0)
        def _():
            pltpu.sync_copy(rout.at[pl.ds(0, _NT - _NS * _RS)],
                            acc_s.at[pl.ds(_NS * _RS, _NT - _NS * _RS)])

        plsc.subcore_barrier()

        io16 = lax.iota(I32, 16)
        m0 = (io16 == 0).astype(F32)
        m1 = (io16 == 1).astype(F32)
        c1 = jnp.full((16,), 1, I32)
        c2 = jnp.full((16,), 2, I32)
        c3 = jnp.full((16,), 3, I32)
        base0 = t * ep_tile
        co = c * 64

        @pl.loop(0, n_chunks)
        def _chunk(k):
            base = base0 + k * _CH
            pltpu.sync_copy(s_hbm.at[pl.ds(base, _CH)], sbuf)
            pltpu.sync_copy(d_hbm.at[pl.ds(base, _CH)], dbuf)
            pltpu.async_copy(xht_hbm.at[sbuf], rin, sem).wait()

            for g in range(_CH // 16):
                s4 = sbuf[pl.ds(g * 16, 16)] * 4
                d4 = dbuf[pl.ds(g * 16, 16)] * 4
                e0 = (plsc.load_gather(atab_v, [s4]) +
                      plsc.load_gather(atab_v, [d4 + c2]))
                e1 = (plsc.load_gather(atab_v, [s4 + c1]) +
                      plsc.load_gather(atab_v, [d4 + c3]))
                w0buf[pl.ds(g * 16, 16)] = jnp.exp(
                    jnp.where(e0 > 0, e0, 0.2 * e0))
                w1buf[pl.ds(g * 16, 16)] = jnp.exp(
                    jnp.where(e1 > 0, e1, 0.2 * e1))

            @pl.loop(0, _CH, unroll=4)
            def _edge(j):
                jj = jnp.full((16,), j, I32)
                w0s = plsc.load_gather(w0buf, [jj])
                w1s = plsc.load_gather(w1buf, [jj])
                rout[j, pl.ds(0, 16)] = rin[j, pl.ds(co, 16)] * w0s
                rout[j, pl.ds(16, 16)] = rin[j, pl.ds(co + 16, 16)] * w0s
                rout[j, pl.ds(32, 16)] = rin[j, pl.ds(co + 32, 16)] * w1s
                rout[j, pl.ds(48, 16)] = rin[j, pl.ds(co + 48, 16)] * w1s
                rout[j, pl.ds(64, 16)] = w0s * m0 + w1s * m1

            pltpu.sync_copy(rout, acc_s.at[dbuf], add=True)

        plsc.subcore_barrier()

        @pl.when(c == 0)
        def _():
            pltpu.sync_copy(acc_s.at[pl.ds(t * _RS, _RS)],
                            acc0_hbm.at[pl.ds(t * _RS, _RS), pl.ds(0, 80)])

        @pl.when(c == 1)
        def _():
            pltpu.sync_copy(acc_s.at[pl.ds(t * _RS, _RS)],
                            acc1_hbm.at[pl.ds(t * _RS, _RS), pl.ds(0, 80)])

        @pl.when((t == 0) & (c == 0))
        def _():
            pltpu.sync_copy(acc_s.at[pl.ds(_NS * _RS, _NT - _NS * _RS)],
                            acc0_hbm.at[pl.ds(_NS * _RS, _NT - _NS * _RS),
                                        pl.ds(0, 80)])

        @pl.when((t == 0) & (c == 1))
        def _():
            pltpu.sync_copy(acc_s.at[pl.ds(_NS * _RS, _NT - _NS * _RS)],
                            acc1_hbm.at[pl.ds(_NS * _RS, _NT - _NS * _RS),
                                        pl.ds(0, 80)])

    return edge_kernel



def kernel(x, edge_index, pos, batch, Wi, bi, gW, ga_s, ga_d, gb, sW, sb,
           ln_g, ln_b, alphas, oW1, ob1, oW2, ob2):
    E = edge_index.shape[1]
    L = gW.shape[0]
    cpt = -(-E // (_NS * _CH))
    ep_tile = cpt * _CH
    EP = _NS * ep_tile

    s = edge_index[0].astype(I32)
    d = edge_index[1].astype(I32)
    pad = jnp.full((EP - E,), _N, I32)
    sp = jnp.concatenate([s, pad])
    dp = jnp.concatenate([d, pad])

    posp = jnp.concatenate([pos.astype(F32),
                            jnp.zeros((_N, 5), F32)], axis=1)
    batchr = batch.astype(I32).reshape(_NB, _BN, 1)

    A0 = jnp.zeros((L, _D, 4), F32)
    A0 = A0.at[:, 0:32, 0].set(ga_s[:, 0, :])
    A0 = A0.at[:, 32:64, 1].set(ga_s[:, 1, :])
    A0 = A0.at[:, 0:32, 2].set(ga_d[:, 0, :])
    A0 = A0.at[:, 32:64, 3].set(ga_d[:, 1, :])
    A1 = jnp.zeros((L, _D, 4), F32)
    A1 = A1.at[:, 64:96, 0].set(ga_s[:, 2, :])
    A1 = A1.at[:, 96:128, 1].set(ga_s[:, 3, :])
    A1 = A1.at[:, 64:96, 2].set(ga_d[:, 2, :])
    A1 = A1.at[:, 96:128, 3].set(ga_d[:, 3, :])
    Bm = jnp.zeros((L, _D, 4), F32)
    for hh in range(_H):
        Bm = Bm.at[:, hh * 32:(hh + 1) * 32, hh].set(
            ga_s[:, hh, :] + ga_d[:, hh, :])

    I64 = jnp.eye(64, dtype=F32)
    CM0 = jnp.zeros((80, 256), F32)
    CM0 = CM0.at[0:64, 0:64].set(I64)
    CM0 = CM0.at[64, 128:160].set(1.0)
    CM0 = CM0.at[65, 160:192].set(1.0)
    CM1 = jnp.zeros((80, 256), F32)
    CM1 = CM1.at[0:64, 64:128].set(I64)
    CM1 = CM1.at[64, 192:224].set(1.0)
    CM1 = CM1.at[65, 224:256].set(1.0)
    Eexp = jnp.kron(jnp.eye(_H, dtype=F32), jnp.ones((1, _OC), F32))

    sWa = sW[:, :_D, :]
    sWb = jnp.concatenate([sW[:, _D:, :], jnp.zeros((L, 5, _D), F32)], axis=1)

    edge_fn = _make_edge_kernel(ep_tile)

    h = _proj(x, Wi, bi)
    for l in range(L):
        xht, atab0, atab1, wsel = _pre_edge(h, gW[l], A0[l], A1[l], Bm[l])
        at0 = jnp.concatenate([atab0, jnp.zeros((16, 4), F32)]).reshape(-1)
        at1 = jnp.concatenate([atab1, jnp.zeros((16, 4), F32)]).reshape(-1)
        acc0, acc1 = edge_fn(sp, dp, xht, at0, at1)
        h = _post_edge(h, posp, acc0, acc1, wsel, gW[l], Eexp, CM0, CM1,
                       sWa[l], sWb[l], gb[l], sb[l], ln_g[l], ln_b[l],
                       alphas[l])
    return _pool_mlp(h, batchr, oW1, ob1, oW2, ob2)

# --- scband reference (transcript-rebuilt; emitter-appended) ---
"""Pipeline reference for scband-gat-2284922602200 (READ-ONLY COPY).

The authoritative reference and input builder live on the scoring server;
editing this copy changes nothing except your own understanding.
"""

import jax, jax.numpy as jnp
import numpy as np

N = 10000
E = 320000
D = 128
H = 4
OC = 32
L = 3
G = 64


def setup_inputs(seed: int = 0) -> dict:
    key = jax.random.key(seed)
    ks = jax.random.split(key, 16)
    s = 0.05
    x = jax.random.normal(ks[0], (N, D), dtype=jnp.float32)
    edge_index = jax.random.randint(ks[1], (2, E), 0, N)
    pos = jax.random.normal(ks[2], (N, 3), dtype=jnp.float32)
    batch = jnp.sort(jax.random.randint(ks[3], (N,), 0, G))
    Wi = jax.random.normal(ks[4], (D, D), dtype=jnp.float32) * s
    bi = jnp.zeros((D,), dtype=jnp.float32)
    gW = jax.random.normal(ks[5], (L, D, H * OC), dtype=jnp.float32) * s
    ga_s = jax.random.normal(ks[6], (L, H, OC), dtype=jnp.float32) * s
    ga_d = jax.random.normal(ks[7], (L, H, OC), dtype=jnp.float32) * s
    gb = jnp.zeros((L, H * OC), dtype=jnp.float32)
    sW = jax.random.normal(ks[8], (L, D + 3, D), dtype=jnp.float32) * s
    sb = jnp.zeros((L, D), dtype=jnp.float32)
    ln_g = jnp.ones((L, D), dtype=jnp.float32)
    ln_b = jnp.zeros((L, D), dtype=jnp.float32)
    alphas = jnp.full((L,), 0.5, dtype=jnp.float32)
    oW1 = jax.random.normal(ks[9], (D, D), dtype=jnp.float32) * s
    ob1 = jnp.zeros((D,), dtype=jnp.float32)
    oW2 = jax.random.normal(ks[10], (D, D), dtype=jnp.float32) * s
    ob2 = jnp.zeros((D,), dtype=jnp.float32)
    return {"x": x, "edge_index": edge_index, "pos": pos, "batch": batch,
            "Wi": Wi, "bi": bi, "gW": gW, "ga_s": ga_s, "ga_d": ga_d, "gb": gb,
            "sW": sW, "sb": sb, "ln_g": ln_g, "ln_b": ln_b, "alphas": alphas,
            "oW1": oW1, "ob1": ob1, "oW2": oW2, "ob2": ob2}


def _gat_conv(h, src, dst, W, a_s, a_d, b):
    # PyG GATConv semantics (eval mode, no dropout), with self-loops added.
    sl = jnp.arange(N, dtype=src.dtype)
    s = jnp.concatenate([src, sl])
    d = jnp.concatenate([dst, sl])
    xh = (h @ W).reshape(N, H, OC)
    alpha_src = jnp.sum(xh * a_s[None, :, :], axis=-1)  # [N, H]
    alpha_dst = jnp.sum(xh * a_d[None, :, :], axis=-1)  # [N, H]
    e = alpha_src[s] + alpha_dst[d]                      # [E', H]
    e = jax.nn.leaky_relu(e, 0.2)
    emax = jax.ops.segment_max(e, d, num_segments=N)
    emax = jax.lax.stop_gradient(emax)
    ee = jnp.exp(e - emax[d])
    den = jax.ops.segment_sum(ee, d, num_segments=N)
    att = ee / (den[d] + 1e-16)                          # softmax over incoming edges per dst
    msg = xh[s] * att[..., None]                         # [E', H, OC]
    out = jax.ops.segment_sum(msg, d, num_segments=N)
    return out.reshape(N, H * OC) + b


def _layer_norm(h, g, b):
    mu = jnp.mean(h, axis=-1, keepdims=True)
    var = jnp.mean((h - mu) ** 2, axis=-1, keepdims=True)
    return (h - mu) / jnp.sqrt(var + 1e-5) * g + b


def reference(x, edge_index, pos, batch, Wi, bi, gW, ga_s, ga_d, gb, sW, sb, ln_g, ln_b, alphas, oW1, ob1, oW2, ob2):
    src = edge_index[0]
    dst = edge_index[1]
    h = x @ Wi + bi
    for l in range(L):
        h_gat = _gat_conv(h, src, dst, gW[l], ga_s[l], ga_d[l], gb[l])
        spatial = jnp.concatenate([h_gat, pos], axis=-1)
        h_spatial = spatial @ sW[l] + sb[l]
        a = alphas[l]
        h_new = a * h_gat + (1.0 - a) * h_spatial
        h = h + h_new
        h = _layer_norm(h, ln_g[l], ln_b[l])
        h = jax.nn.elu(h)
    sums = jax.ops.segment_sum(h, batch, num_segments=G)
    cnts = jax.ops.segment_sum(jnp.ones((N,), dtype=h.dtype), batch, num_segments=G)
    h_graph = sums / jnp.clip(cnts, 1.0, None)[:, None]
    out = jax.nn.relu(h_graph @ oW1 + ob1)
    out = out @ oW2 + ob2
    return out

if __name__ == "__main__":
    import jax
    _d = setup_inputs()
    print(jax.jit(kernel)(*tuple(_d.values())))

</pallas_src>

<mosaic_0001>
#map = affine_map<(d0, d1) -> (0)>
#map1 = affine_map<(d0, d1) -> (0, 0)>
module attributes {stable_mosaic.version = 14 : i64} {
  func.func @edge_kernel(%arg0: i32, %arg1: i32, %arg2: memref<321536xi32, #tpu.memory_space<hbm>>, %arg3: memref<321536xi32, #tpu.memory_space<hbm>>, %arg4: memref<10016x128xf32, #tpu.memory_space<hbm>>, %arg5: memref<40064xf32, #tpu.memory_space<hbm>>, %arg6: memref<40064xf32, #tpu.memory_space<hbm>>, %arg7: memref<10016x128xf32, #tpu.memory_space<hbm>>, %arg8: memref<10016x128xf32, #tpu.memory_space<hbm>>, %arg9: memref<10016x80xf32, #tpu.memory_space<vmem_shared>>, %arg10: memref<40064xf32, #tpu.memory_space<vmem>>, %arg11: memref<128xi32, #tpu.memory_space<vmem>>, %arg12: memref<128xi32, #tpu.memory_space<vmem>>, %arg13: memref<128xf32, #tpu.memory_space<vmem>>, %arg14: memref<128xf32, #tpu.memory_space<vmem>>, %arg15: memref<128x128xf32, #tpu.memory_space<vmem>>, %arg16: memref<128x80xf32, #tpu.memory_space<vmem>>, %arg17: memref<!tpu.dma_semaphore, #tpu.memory_space<semaphore_mem>>) attributes {dimension_semantics = [#tpu.dimension_semantics<core_parallel>, #tpu.dimension_semantics<subcore_parallel>], iteration_bounds = array<i64: 2, 16>, scalar_prefetch = 0 : i64, scratch_operands = 9 : i64, tpu.core_type = #tpu.core_type<sc_vector_subcore>, window_params = [{transform_indices = #map}, {transform_indices = #map}, {transform_indices = #map1}, {transform_indices = #map}, {transform_indices = #map}, {transform_indices = #map1}, {transform_indices = #map1}]} {
    %eq3A = arith.constant 0 : i32
    %eq3A_0 = arith.cmpi eq, %arg0, %eq3A : i32
    %convert_element_type3A = arith.extui %eq3A_0 : i1 to i32
    %cond3A = arith.constant 0 : i32
    %cond3A_1 = arith.cmpi ne, %convert_element_type3A, %cond3A : i32
    scf.if %cond3A_1 {
      "tpu.region"() ({
        %run_scoped3A = tpu.sem_alloc : memref<!tpu.dma_semaphore, #tpu.memory_space<semaphore_mem>>
        tpu.enqueue_dma source(%arg5 : memref<40064xf32, #tpu.memory_space<hbm>>) target(%arg10 : memref<40064xf32, #tpu.memory_space<vmem>>) target_semaphore(%run_scoped3A : memref<!tpu.dma_semaphore, #tpu.memory_space<semaphore_mem>>)
        tpu.wait_dma2 semaphore(%run_scoped3A : memref<!tpu.dma_semaphore, #tpu.memory_space<semaphore_mem>>) src(%arg5 : memref<40064xf32, #tpu.memory_space<hbm>>) dst(%arg10 : memref<40064xf32, #tpu.memory_space<vmem>>)
        tpu.yield
      }) : () -> ()
    } else {
    }
    %eq3A_2 = arith.constant 1 : i32
    %eq3A_3 = arith.cmpi eq, %arg0, %eq3A_2 : i32
    %convert_element_type3A_4 = arith.extui %eq3A_3 : i1 to i32
    %cond3A_5 = arith.constant 0 : i32
    %cond3A_6 = arith.cmpi ne, %convert_element_type3A_4, %cond3A_5 : i32
    scf.if %cond3A_6 {
      "tpu.region"() ({
        %run_scoped3A = tpu.sem_alloc : memref<!tpu.dma_semaphore, #tpu.memory_space<semaphore_mem>>
        tpu.enqueue_dma source(%arg6 : memref<40064xf32, #tpu.memory_space<hbm>>) target(%arg10 : memref<40064xf32, #tpu.memory_space<vmem>>) target_semaphore(%run_scoped3A : memref<!tpu.dma_semaphore, #tpu.memory_space<semaphore_mem>>)
        tpu.wait_dma2 semaphore(%run_scoped3A : memref<!tpu.dma_semaphore, #tpu.memory_space<semaphore_mem>>) src(%arg6 : memref<40064xf32, #tpu.memory_space<hbm>>) dst(%arg10 : memref<40064xf32, #tpu.memory_space<vmem>>)
        tpu.yield
      }) : () -> ()
    } else {
    }
    %broadcast_in_dim3A = arith.constant 0.000000e+00 : f32
    %broadcast_in_dim3A_7 = vector.broadcast %broadcast_in_dim3A : f32 to vector<16xf32>
    %scan3A = arith.constant 0 : i32
    %scan3A_8 = arith.constant 128 : i32
    %scan3A_9 = arith.addi %scan3A, %scan3A_8 : i32
    %scan3A_10 = arith.constant 1 : i32
    scf.for %scan3A_90 = %scan3A to %scan3A_9 step %scan3A_10  : i32 {
      %mul3A_91 = arith.constant 1 : i32
      %mul3A_92 = arith.muli %scan3A_90, %mul3A_91 : i32
      %add3A_93 = arith.constant 0 : i32
      %add3A_94 = arith.addi %add3A_93, %mul3A_92 : i32
      %swap3A = arith.index_cast %add3A_94 : i32 to index
      %swap3A_95 = arith.constant 0 : index
      %swap3A_96 = tpu.vector_load %arg16[%swap3A, %swap3A_95] {strides = array<i32>} : memref<128x80xf32, #tpu.memory_space<vmem>>, vector<16xf32>,
      tpu.vector_store %arg16[%swap3A, %swap3A_95], %broadcast_in_dim3A_7 {strides = array<i32>} : memref<128x80xf32, #tpu.memory_space<vmem>>, vector<16xf32>,
      %swap3A_97 = arith.index_cast %add3A_94 : i32 to index
      %swap3A_98 = arith.constant 16 : index
      %swap3A_99 = tpu.vector_load %arg16[%swap3A_97, %swap3A_98] {strides = array<i32>} : memref<128x80xf32, #tpu.memory_space<vmem>>, vector<16xf32>,
      tpu.vector_store %arg16[%swap3A_97, %swap3A_98], %broadcast_in_dim3A_7 {strides = array<i32>} : memref<128x80xf32, #tpu.memory_space<vmem>>, vector<16xf32>,
      %swap3A_100 = arith.index_cast %add3A_94 : i32 to index
      %swap3A_101 = arith.constant 32 : index
      %swap3A_102 = tpu.vector_load %arg16[%swap3A_100, %swap3A_101] {strides = array<i32>} : memref<128x80xf32, #tpu.memory_space<vmem>>, vector<16xf32>,
      tpu.vector_store %arg16[%swap3A_100, %swap3A_101], %broadcast_in_dim3A_7 {strides = array<i32>} : memref<128x80xf32, #tpu.memory_space<vmem>>, vector<16xf32>,
      %swap3A_103 = arith.index_cast %add3A_94 : i32 to index
      %swap3A_104 = arith.constant 48 : index
      %swap3A_105 = tpu.vector_load %arg16[%swap3A_103, %swap3A_104] {strides = array<i32>} : memref<128x80xf32, #tpu.memory_space<vmem>>, vector<16xf32>,
      tpu.vector_store %arg16[%swap3A_103, %swap3A_104], %broadcast_in_dim3A_7 {strides = array<i32>} : memref<128x80xf32, #tpu.memory_space<vmem>>, vector<16xf32>,
      %swap3A_106 = arith.index_cast %add3A_94 : i32 to index
      %swap3A_107 = arith.constant 64 : index
      %swap3A_108 = tpu.vector_load %arg16[%swap3A_106, %swap3A_107] {strides = array<i32>} : memref<128x80xf32, #tpu.memory_space<vmem>>, vector<16xf32>,
      tpu.vector_store %arg16[%swap3A_106, %swap3A_107], %broadcast_in_dim3A_7 {strides = array<i32>} : memref<128x80xf32, #tpu.memory_space<vmem>>, vector<16xf32>,
    }
    %scan3A_11 = arith.constant 128 : i32
    %mul3A = arith.constant 624 : i32
    %mul3A_12 = arith.muli %arg1, %mul3A : i32
    %add3A = arith.constant 0 : i32
    %add3A_13 = arith.addi %mul3A_12, %add3A : i32
    "tpu.region"() ({
      %run_scoped3A = tpu.sem_alloc : memref<!tpu.dma_semaphore, #tpu.memory_space<semaphore_mem>>
      %dma_start3A = arith.constant 0 : i32
      %dma_start3A_90 = arith.constant 0 : i32
      %dma_start3A_91 = tpu.memref_slice %arg16[%dma_start3A, %dma_start3A_90] : memref<128x80xf32, #tpu.memory_space<vmem>> -> memref<104x80xf32, #tpu.memory_space<vmem>>
      %dma_start3A_92 = arith.constant 0 : i32
      %dma_start3A_93 = tpu.memref_slice %arg9[%add3A_13, %dma_start3A_92] : memref<10016x80xf32, #tpu.memory_space<vmem_shared>> -> memref<104x80xf32, #tpu.memory_space<vmem_shared>>
      %dma_start3A_94 = arith.constant 0 : i32
      %dma_start3A_95 = tpu.memref_slice %arg9[%add3A_13, %dma_start3A_94] : memref<10016x80xf32, #tpu.memory_space<vmem_shared>> -> memref<104x80xf32, #tpu.memory_space<vmem_shared>>
      %dma_start3A_96 = arith.constant 0 : i32
      %dma_start3A_97 = arith.constant 0 : i32
      %dma_start3A_98 = tpu.memref_slice %arg16[%dma_start3A_96, %dma_start3A_97] : memref<128x80xf32, #tpu.memory_space<vmem>> -> memref<104x80xf32, #tpu.memory_space<vmem>>
      tpu.enqueue_dma source(%dma_start3A_98 : memref<104x80xf32, #tpu.memory_space<vmem>>) target(%dma_start3A_95 : memref<104x80xf32, #tpu.memory_space<vmem_shared>>) target_semaphore(%run_scoped3A : memref<!tpu.dma_semaphore, #tpu.memory_space<semaphore_mem>>)
      %dma_wait3A = arith.constant 0 : i32
      %dma_wait3A_99 = arith.constant 0 : i32
      %dma_wait3A_100 = tpu.memref_slice %arg16[%dma_wait3A, %dma_wait3A_99] : memref<128x80xf32, #tpu.memory_space<vmem>> -> memref<104x80xf32, #tpu.memory_space<vmem>>
      %dma_wait3A_101 = arith.constant 0 : i32
      %dma_wait3A_102 = tpu.memref_slice %arg9[%add3A_13, %dma_wait3A_101] : memref<10016x80xf32, #tpu.memory_space<vmem_shared>> -> memref<104x80xf32, #tpu.memory_space<vmem_shared>>
      %dma_wait3A_103 = arith.constant 0 : i32
      %dma_wait3A_104 = tpu.memref_slice %arg9[%add3A_13, %dma_wait3A_103] : memref<10016x80xf32, #tpu.memory_space<vmem_shared>> -> memref<104x80xf32, #tpu.memory_space<vmem_shared>>
      %dma_wait3A_105 = arith.constant 0 : i32
      %dma_wait3A_106 = arith.constant 0 : i32
      %dma_wait3A_107 = tpu.memref_slice %arg16[%dma_wait3A_105, %dma_wait3A_106] : memref<128x80xf32, #tpu.memory_space<vmem>> -> memref<104x80xf32, #tpu.memory_space<vmem>>
      tpu.wait_dma2 semaphore(%run_scoped3A : memref<!tpu.dma_semaphore, #tpu.memory_space<semaphore_mem>>) src(%dma_wait3A_107 : memref<104x80xf32, #tpu.memory_space<vmem>>) dst(%dma_wait3A_104 : memref<104x80xf32, #tpu.memory_space<vmem_shared>>)
      tpu.yield
    }) : () -> ()
    %mul3A_14 = arith.constant 624 : i32
    %mul3A_15 = arith.muli %arg1, %mul3A_14 : i32
    %add3A_16 = arith.constant 104 : i32
    %add3A_17 = arith.addi %mul3A_15, %add3A_16 : i32
    "tpu.region"() ({
      %run_scoped3A = tpu.sem_alloc : memref<!tpu.dma_semaphore, #tpu.memory_space<semaphore_mem>>
      %dma_start3A = arith.constant 0 : i32
      %dma_start3A_90 = arith.constant 0 : i32
      %dma_start3A_91 = tpu.memref_slice %arg16[%dma_start3A, %dma_start3A_90] : memref<128x80xf32, #tpu.memory_space<vmem>> -> memref<104x80xf32, #tpu.memory_space<vmem>>
      %dma_start3A_92 = arith.constant 0 : i32
      %dma_start3A_93 = tpu.memref_slice %arg9[%add3A_17, %dma_start3A_92] : memref<10016x80xf32, #tpu.memory_space<vmem_shared>> -> memref<104x80xf32, #tpu.memory_space<vmem_shared>>
      %dma_start3A_94 = arith.constant 0 : i32
      %dma_start3A_95 = tpu.memref_slice %arg9[%add3A_17, %dma_start3A_94] : memref<10016x80xf32, #tpu.memory_space<vmem_shared>> -> memref<104x80xf32, #tpu.memory_space<vmem_shared>>
      %dma_start3A_96 = arith.constant 0 : i32
      %dma_start3A_97 = arith.constant 0 : i32
      %dma_start3A_98 = tpu.memref_slice %arg16[%dma_start3A_96, %dma_start3A_97] : memref<128x80xf32, #tpu.memory_space<vmem>> -> memref<104x80xf32, #tpu.memory_space<vmem>>
      tpu.enqueue_dma source(%dma_start3A_98 : memref<104x80xf32, #tpu.memory_space<vmem>>) target(%dma_start3A_95 : memref<104x80xf32, #tpu.memory_space<vmem_shared>>) target_semaphore(%run_scoped3A : memref<!tpu.dma_semaphore, #tpu.memory_space<semaphore_mem>>)
      %dma_wait3A = arith.constant 0 : i32
      %dma_wait3A_99 = arith.constant 0 : i32
      %dma_wait3A_100 = tpu.memref_slice %arg16[%dma_wait3A, %dma_wait3A_99] : memref<128x80xf32, #tpu.memory_space<vmem>> -> memref<104x80xf32, #tpu.memory_space<vmem>>
      %dma_wait3A_101 = arith.constant 0 : i32
      %dma_wait3A_102 = tpu.memref_slice %arg9[%add3A_17, %dma_wait3A_101] : memref<10016x80xf32, #tpu.memory_space<vmem_shared>> -> memref<104x80xf32, #tpu.memory_space<vmem_shared>>
      %dma_wait3A_103 = arith.constant 0 : i32
      %dma_wait3A_104 = tpu.memref_slice %arg9[%add3A_17, %dma_wait3A_103] : memref<10016x80xf32, #tpu.memory_space<vmem_shared>> -> memref<104x80xf32, #tpu.memory_space<vmem_shared>>
      %dma_wait3A_105 = arith.constant 0 : i32
      %dma_wait3A_106 = arith.constant 0 : i32
      %dma_wait3A_107 = tpu.memref_slice %arg16[%dma_wait3A_105, %dma_wait3A_106] : memref<128x80xf32, #tpu.memory_space<vmem>> -> memref<104x80xf32, #tpu.memory_space<vmem>>
      tpu.wait_dma2 semaphore(%run_scoped3A : memref<!tpu.dma_semaphore, #tpu.memory_space<semaphore_mem>>) src(%dma_wait3A_107 : memref<104x80xf32, #tpu.memory_space<vmem>>) dst(%dma_wait3A_104 : memref<104x80xf32, #tpu.memory_space<vmem_shared>>)
      tpu.yield
    }) : () -> ()
    %mul3A_18 = arith.constant 624 : i32
    %mul3A_19 = arith.muli %arg1, %mul3A_18 : i32
    %add3A_20 = arith.constant 208 : i32
    %add3A_21 = arith.addi %mul3A_19, %add3A_20 : i32
    "tpu.region"() ({
      %run_scoped3A = tpu.sem_alloc : memref<!tpu.dma_semaphore, #tpu.memory_space<semaphore_mem>>
      %dma_start3A = arith.constant 0 : i32
      %dma_start3A_90 = arith.constant 0 : i32
      %dma_start3A_91 = tpu.memref_slice %arg16[%dma_start3A, %dma_start3A_90] : memref<128x80xf32, #tpu.memory_space<vmem>> -> memref<104x80xf32, #tpu.memory_space<vmem>>
      %dma_start3A_92 = arith.constant 0 : i32
      %dma_start3A_93 = tpu.memref_slice %arg9[%add3A_21, %dma_start3A_92] : memref<10016x80xf32, #tpu.memory_space<vmem_shared>> -> memref<104x80xf32, #tpu.memory_space<vmem_shared>>
      %dma_start3A_94 = arith.constant 0 : i32
      %dma_start3A_95 = tpu.memref_slice %arg9[%add3A_21, %dma_start3A_94] : memref<10016x80xf32, #tpu.memory_space<vmem_shared>> -> memref<104x80xf32, #tpu.memory_space<vmem_shared>>
      %dma_start3A_96 = arith.constant 0 : i32
      %dma_start3A_97 = arith.constant 0 : i32
      %dma_start3A_98 = tpu.memref_slice %arg16[%dma_start3A_96, %dma_start3A_97] : memref<128x80xf32, #tpu.memory_space<vmem>> -> memref<104x80xf32, #tpu.memory_space<vmem>>
      tpu.enqueue_dma source(%dma_start3A_98 : memref<104x80xf32, #tpu.memory_space<vmem>>) target(%dma_start3A_95 : memref<104x80xf32, #tpu.memory_space<vmem_shared>>) target_semaphore(%run_scoped3A : memref<!tpu.dma_semaphore, #tpu.memory_space<semaphore_mem>>)
      %dma_wait3A = arith.constant 0 : i32
      %dma_wait3A_99 = arith.constant 0 : i32
      %dma_wait3A_100 = tpu.memref_slice %arg16[%dma_wait3A, %dma_wait3A_99] : memref<128x80xf32, #tpu.memory_space<vmem>> -> memref<104x80xf32, #tpu.memory_space<vmem>>
      %dma_wait3A_101 = arith.constant 0 : i32
      %dma_wait3A_102 = tpu.memref_slice %arg9[%add3A_21, %dma_wait3A_101] : memref<10016x80xf32, #tpu.memory_space<vmem_shared>> -> memref<104x80xf32, #tpu.memory_space<vmem_shared>>
      %dma_wait3A_103 = arith.constant 0 : i32
      %dma_wait3A_104 = tpu.memref_slice %arg9[%add3A_21, %dma_wait3A_103] : memref<10016x80xf32, #tpu.memory_space<vmem_shared>> -> memref<104x80xf32, #tpu.memory_space<vmem_shared>>
      %dma_wait3A_105 = arith.constant 0 : i32
      %dma_wait3A_106 = arith.constant 0 : i32
      %dma_wait3A_107 = tpu.memref_slice %arg16[%dma_wait3A_105, %dma_wait3A_106] : memref<128x80xf32, #tpu.memory_space<vmem>> -> memref<104x80xf32, #tpu.memory_space<vmem>>
      tpu.wait_dma2 semaphore(%run_scoped3A : memref<!tpu.dma_semaphore, #tpu.memory_space<semaphore_mem>>) src(%dma_wait3A_107 : memref<104x80xf32, #tpu.memory_space<vmem>>) dst(%dma_wait3A_104 : memref<104x80xf32, #tpu.memory_space<vmem_shared>>)
      tpu.yield
    }) : () -> ()
    %mul3A_22 = arith.constant 624 : i32
    %mul3A_23 = arith.muli %arg1, %mul3A_22 : i32
    %add3A_24 = arith.constant 312 : i32
    %add3A_25 = arith.addi %mul3A_23, %add3A_24 : i32
    "tpu.region"() ({
      %run_scoped3A = tpu.sem_alloc : memref<!tpu.dma_semaphore, #tpu.memory_space<semaphore_mem>>
      %dma_start3A = arith.constant 0 : i32
      %dma_start3A_90 = arith.constant 0 : i32
      %dma_start3A_91 = tpu.memref_slice %arg16[%dma_start3A, %dma_start3A_90] : memref<128x80xf32, #tpu.memory_space<vmem>> -> memref<104x80xf32, #tpu.memory_space<vmem>>
      %dma_start3A_92 = arith.constant 0 : i32
      %dma_start3A_93 = tpu.memref_slice %arg9[%add3A_25, %dma_start3A_92] : memref<10016x80xf32, #tpu.memory_space<vmem_shared>> -> memref<104x80xf32, #tpu.memory_space<vmem_shared>>
      %dma_start3A_94 = arith.constant 0 : i32
      %dma_start3A_95 = tpu.memref_slice %arg9[%add3A_25, %dma_start3A_94] : memref<10016x80xf32, #tpu.memory_space<vmem_shared>> -> memref<104x80xf32, #tpu.memory_space<vmem_shared>>
      %dma_start3A_96 = arith.constant 0 : i32
      %dma_start3A_97 = arith.constant 0 : i32
      %dma_start3A_98 = tpu.memref_slice %arg16[%dma_start3A_96, %dma_start3A_97] : memref<128x80xf32, #tpu.memory_space<vmem>> -> memref<104x80xf32, #tpu.memory_space<vmem>>
      tpu.enqueue_dma source(%dma_start3A_98 : memref<104x80xf32, #tpu.memory_space<vmem>>) target(%dma_start3A_95 : memref<104x80xf32, #tpu.memory_space<vmem_shared>>) target_semaphore(%run_scoped3A : memref<!tpu.dma_semaphore, #tpu.memory_space<semaphore_mem>>)
      %dma_wait3A = arith.constant 0 : i32
      %dma_wait3A_99 = arith.constant 0 : i32
      %dma_wait3A_100 = tpu.memref_slice %arg16[%dma_wait3A, %dma_wait3A_99] : memref<128x80xf32, #tpu.memory_space<vmem>> -> memref<104x80xf32, #tpu.memory_space<vmem>>
      %dma_wait3A_101 = arith.constant 0 : i32
      %dma_wait3A_102 = tpu.memref_slice %arg9[%add3A_25, %dma_wait3A_101] : memref<10016x80xf32, #tpu.memory_space<vmem_shared>> -> memref<104x80xf32, #tpu.memory_space<vmem_shared>>
      %dma_wait3A_103 = arith.constant 0 : i32
      %dma_wait3A_104 = tpu.memref_slice %arg9[%add3A_25, %dma_wait3A_103] : memref<10016x80xf32, #tpu.memory_space<vmem_shared>> -> memref<104x80xf32, #tpu.memory_space<vmem_shared>>
      %dma_wait3A_105 = arith.constant 0 : i32
      %dma_wait3A_106 = arith.constant 0 : i32
      %dma_wait3A_107 = tpu.memref_slice %arg16[%dma_wait3A_105, %dma_wait3A_106] : memref<128x80xf32, #tpu.memory_space<vmem>> -> memref<104x80xf32, #tpu.memory_space<vmem>>
      tpu.wait_dma2 semaphore(%run_scoped3A : memref<!tpu.dma_semaphore, #tpu.memory_space<semaphore_mem>>) src(%dma_wait3A_107 : memref<104x80xf32, #tpu.memory_space<vmem>>) dst(%dma_wait3A_104 : memref<104x80xf32, #tpu.memory_space<vmem_shared>>)
      tpu.yield
    }) : () -> ()
    %mul3A_26 = arith.constant 624 : i32
    %mul3A_27 = arith.muli %arg1, %mul3A_26 : i32
    %add3A_28 = arith.constant 416 : i32
    %add3A_29 = arith.addi %mul3A_27, %add3A_28 : i32
    "tpu.region"() ({
      %run_scoped3A = tpu.sem_alloc : memref<!tpu.dma_semaphore, #tpu.memory_space<semaphore_mem>>
      %dma_start3A = arith.constant 0 : i32
      %dma_start3A_90 = arith.constant 0 : i32
      %dma_start3A_91 = tpu.memref_slice %arg16[%dma_start3A, %dma_start3A_90] : memref<128x80xf32, #tpu.memory_space<vmem>> -> memref<104x80xf32, #tpu.memory_space<vmem>>
      %dma_start3A_92 = arith.constant 0 : i32
      %dma_start3A_93 = tpu.memref_slice %arg9[%add3A_29, %dma_start3A_92] : memref<10016x80xf32, #tpu.memory_space<vmem_shared>> -> memref<104x80xf32, #tpu.memory_space<vmem_shared>>
      %dma_start3A_94 = arith.constant 0 : i32
      %dma_start3A_95 = tpu.memref_slice %arg9[%add3A_29, %dma_start3A_94] : memref<10016x80xf32, #tpu.memory_space<vmem_shared>> -> memref<104x80xf32, #tpu.memory_space<vmem_shared>>
      %dma_start3A_96 = arith.constant 0 : i32
      %dma_start3A_97 = arith.constant 0 : i32
      %dma_start3A_98 = tpu.memref_slice %arg16[%dma_start3A_96, %dma_start3A_97] : memref<128x80xf32, #tpu.memory_space<vmem>> -> memref<104x80xf32, #tpu.memory_space<vmem>>
      tpu.enqueue_dma source(%dma_start3A_98 : memref<104x80xf32, #tpu.memory_space<vmem>>) target(%dma_start3A_95 : memref<104x80xf32, #tpu.memory_space<vmem_shared>>) target_semaphore(%run_scoped3A : memref<!tpu.dma_semaphore, #tpu.memory_space<semaphore_mem>>)
      %dma_wait3A = arith.constant 0 : i32
      %dma_wait3A_99 = arith.constant 0 : i32
      %dma_wait3A_100 = tpu.memref_slice %arg16[%dma_wait3A, %dma_wait3A_99] : memref<128x80xf32, #tpu.memory_space<vmem>> -> memref<104x80xf32, #tpu.memory_space<vmem>>
      %dma_wait3A_101 = arith.constant 0 : i32
      %dma_wait3A_102 = tpu.memref_slice %arg9[%add3A_29, %dma_wait3A_101] : memref<10016x80xf32, #tpu.memory_space<vmem_shared>> -> memref<104x80xf32, #tpu.memory_space<vmem_shared>>
      %dma_wait3A_103 = arith.constant 0 : i32
      %dma_wait3A_104 = tpu.memref_slice %arg9[%add3A_29, %dma_wait3A_103] : memref<10016x80xf32, #tpu.memory_space<vmem_shared>> -> memref<104x80xf32, #tpu.memory_space<vmem_shared>>
      %dma_wait3A_105 = arith.constant 0 : i32
      %dma_wait3A_106 = arith.constant 0 : i32
      %dma_wait3A_107 = tpu.memref_slice %arg16[%dma_wait3A_105, %dma_wait3A_106] : memref<128x80xf32, #tpu.memory_space<vmem>> -> memref<104x80xf32, #tpu.memory_space<vmem>>
      tpu.wait_dma2 semaphore(%run_scoped3A : memref<!tpu.dma_semaphore, #tpu.memory_space<semaphore_mem>>) src(%dma_wait3A_107 : memref<104x80xf32, #tpu.memory_space<vmem>>) dst(%dma_wait3A_104 : memref<104x80xf32, #tpu.memory_space<vmem_shared>>)
      tpu.yield
    }) : () -> ()
    %mul3A_30 = arith.constant 624 : i32
    %mul3A_31 = arith.muli %arg1, %mul3A_30 : i32
    %add3A_32 = arith.constant 520 : i32
    %add3A_33 = arith.addi %mul3A_31, %add3A_32 : i32
    "tpu.region"() ({
      %run_scoped3A = tpu.sem_alloc : memref<!tpu.dma_semaphore, #tpu.memory_space<semaphore_mem>>
      %dma_start3A = arith.constant 0 : i32
      %dma_start3A_90 = arith.constant 0 : i32
      %dma_start3A_91 = tpu.memref_slice %arg16[%dma_start3A, %dma_start3A_90] : memref<128x80xf32, #tpu.memory_space<vmem>> -> memref<104x80xf32, #tpu.memory_space<vmem>>
      %dma_start3A_92 = arith.constant 0 : i32
      %dma_start3A_93 = tpu.memref_slice %arg9[%add3A_33, %dma_start3A_92] : memref<10016x80xf32, #tpu.memory_space<vmem_shared>> -> memref<104x80xf32, #tpu.memory_space<vmem_shared>>
      %dma_start3A_94 = arith.constant 0 : i32
      %dma_start3A_95 = tpu.memref_slice %arg9[%add3A_33, %dma_start3A_94] : memref<10016x80xf32, #tpu.memory_space<vmem_shared>> -> memref<104x80xf32, #tpu.memory_space<vmem_shared>>
      %dma_start3A_96 = arith.constant 0 : i32
      %dma_start3A_97 = arith.constant 0 : i32
      %dma_start3A_98 = tpu.memref_slice %arg16[%dma_start3A_96, %dma_start3A_97] : memref<128x80xf32, #tpu.memory_space<vmem>> -> memref<104x80xf32, #tpu.memory_space<vmem>>
      tpu.enqueue_dma source(%dma_start3A_98 : memref<104x80xf32, #tpu.memory_space<vmem>>) target(%dma_start3A_95 : memref<104x80xf32, #tpu.memory_space<vmem_shared>>) target_semaphore(%run_scoped3A : memref<!tpu.dma_semaphore, #tpu.memory_space<semaphore_mem>>)
      %dma_wait3A = arith.constant 0 : i32
      %dma_wait3A_99 = arith.constant 0 : i32
      %dma_wait3A_100 = tpu.memref_slice %arg16[%dma_wait3A, %dma_wait3A_99] : memref<128x80xf32, #tpu.memory_space<vmem>> -> memref<104x80xf32, #tpu.memory_space<vmem>>
      %dma_wait3A_101 = arith.constant 0 : i32
      %dma_wait3A_102 = tpu.memref_slice %arg9[%add3A_33, %dma_wait3A_101] : memref<10016x80xf32, #tpu.memory_space<vmem_shared>> -> memref<104x80xf32, #tpu.memory_space<vmem_shared>>
      %dma_wait3A_103 = arith.constant 0 : i32
      %dma_wait3A_104 = tpu.memref_slice %arg9[%add3A_33, %dma_wait3A_103] : memref<10016x80xf32, #tpu.memory_space<vmem_shared>> -> memref<104x80xf32, #tpu.memory_space<vmem_shared>>
      %dma_wait3A_105 = arith.constant 0 : i32
      %dma_wait3A_106 = arith.constant 0 : i32
      %dma_wait3A_107 = tpu.memref_slice %arg16[%dma_wait3A_105, %dma_wait3A_106] : memref<128x80xf32, #tpu.memory_space<vmem>> -> memref<104x80xf32, #tpu.memory_space<vmem>>
      tpu.wait_dma2 semaphore(%run_scoped3A : memref<!tpu.dma_semaphore, #tpu.memory_space<semaphore_mem>>) src(%dma_wait3A_107 : memref<104x80xf32, #tpu.memory_space<vmem>>) dst(%dma_wait3A_104 : memref<104x80xf32, #tpu.memory_space<vmem_shared>>)
      tpu.yield
    }) : () -> ()
    %eq3A_34 = arith.constant 0 : i32
    %eq3A_35 = arith.cmpi eq, %arg1, %eq3A_34 : i32
    %convert_element_type3A_36 = arith.extui %eq3A_35 : i1 to i32
    %cond3A_37 = arith.constant 0 : i32
    %cond3A_38 = arith.cmpi ne, %convert_element_type3A_36, %cond3A_37 : i32
    scf.if %cond3A_38 {
      "tpu.region"() ({
        %run_scoped3A = tpu.sem_alloc : memref<!tpu.dma_semaphore, #tpu.memory_space<semaphore_mem>>
        %dma_start3A = arith.constant 0 : i32
        %dma_start3A_90 = arith.constant 0 : i32
        %dma_start3A_91 = tpu.memref_slice %arg16[%dma_start3A, %dma_start3A_90] : memref<128x80xf32, #tpu.memory_space<vmem>> -> memref<32x80xf32, #tpu.memory_space<vmem>>
        %dma_start3A_92 = arith.constant 9984 : i32
        %dma_start3A_93 = arith.constant 0 : i32
        %dma_start3A_94 = tpu.memref_slice %arg9[%dma_start3A_92, %dma_start3A_93] : memref<10016x80xf32, #tpu.memory_space<vmem_shared>> -> memref<32x80xf32, #tpu.memory_space<vmem_shared>>
        %dma_start3A_95 = arith.constant 9984 : i32
        %dma_start3A_96 = arith.constant 0 : i32
        %dma_start3A_97 = tpu.memref_slice %arg9[%dma_start3A_95, %dma_start3A_96] : memref<10016x80xf32, #tpu.memory_space<vmem_shared>> -> memref<32x80xf32, #tpu.memory_space<vmem_shared>>
        %dma_start3A_98 = arith.constant 0 : i32
        %dma_start3A_99 = arith.constant 0 : i32
        %dma_start3A_100 = tpu.memref_slice %arg16[%dma_start3A_98, %dma_start3A_99] : memref<128x80xf32, #tpu.memory_space<vmem>> -> memref<32x80xf32, #tpu.memory_space<vmem>>
        tpu.enqueue_dma source(%dma_start3A_100 : memref<32x80xf32, #tpu.memory_space<vmem>>) target(%dma_start3A_97 : memref<32x80xf32, #tpu.memory_space<vmem_shared>>) target_semaphore(%run_scoped3A : memref<!tpu.dma_semaphore, #tpu.memory_space<semaphore_mem>>)
        %dma_wait3A = arith.constant 0 : i32
        %dma_wait3A_101 = arith.constant 0 : i32
        %dma_wait3A_102 = tpu.memref_slice %arg16[%dma_wait3A, %dma_wait3A_101] : memref<128x80xf32, #tpu.memory_space<vmem>> -> memref<32x80xf32, #tpu.memory_space<vmem>>
        %dma_wait3A_103 = arith.constant 9984 : i32
        %dma_wait3A_104 = arith.constant 0 : i32
        %dma_wait3A_105 = tpu.memref_slice %arg9[%dma_wait3A_103, %dma_wait3A_104] : memref<10016x80xf32, #tpu.memory_space<vmem_shared>> -> memref<32x80xf32, #tpu.memory_space<vmem_shared>>
        %dma_wait3A_106 = arith.constant 9984 : i32
        %dma_wait3A_107 = arith.constant 0 : i32
        %dma_wait3A_108 = tpu.memref_slice %arg9[%dma_wait3A_106, %dma_wait3A_107] : memref<10016x80xf32, #tpu.memory_space<vmem_shared>> -> memref<32x80xf32, #tpu.memory_space<vmem_shared>>
        %dma_wait3A_109 = arith.constant 0 : i32
        %dma_wait3A_110 = arith.constant 0 : i32
        %dma_wait3A_111 = tpu.memref_slice %arg16[%dma_wait3A_109, %dma_wait3A_110] : memref<128x80xf32, #tpu.memory_space<vmem>> -> memref<32x80xf32, #tpu.memory_space<vmem>>
        tpu.wait_dma2 semaphore(%run_scoped3A : memref<!tpu.dma_semaphore, #tpu.memory_space<semaphore_mem>>) src(%dma_wait3A_111 : memref<32x80xf32, #tpu.memory_space<vmem>>) dst(%dma_wait3A_108 : memref<32x80xf32, #tpu.memory_space<vmem_shared>>)
        tpu.yield
      }) : () -> ()
    } else {
    }
    %barrier3A = arith.constant 0 : index
    tpu.barrier barrier_id(%barrier3A)
    %iota3A = tpu.iota {dimensions = array<i32: 0>} : vector<16xi32>
    %eq3A_39 = arith.constant 0 : i32
    %eq3A_40 = vector.broadcast %eq3A_39 : i32 to vector<16xi32>
    %eq3A_41 = arith.cmpi eq, %iota3A, %eq3A_40 : vector<16xi32>
    %convert_element_type3A_42 = arith.extui %eq3A_41 : vector<16xi1> to vector<16xi32>
    %convert_element_type3A_43 = arith.sitofp %convert_element_type3A_42 : vector<16xi32> to vector<16xf32>
    %eq3A_44 = arith.constant 1 : i32
    %eq3A_45 = vector.broadcast %eq3A_44 : i32 to vector<16xi32>
    %eq3A_46 = arith.cmpi eq, %iota3A, %eq3A_45 : vector<16xi32>
    %convert_element_type3A_47 = arith.extui %eq3A_46 : vector<16xi1> to vector<16xi32>
    %convert_element_type3A_48 = arith.sitofp %convert_element_type3A_47 : vector<16xi32> to vector<16xf32>
    %broadcast_in_dim3A_49 = arith.constant 1 : i32
    %broadcast_in_dim3A_50 = vector.broadcast %broadcast_in_dim3A_49 : i32 to vector<16xi32>
    %broadcast_in_dim3A_51 = arith.constant 2 : i32
    %broadcast_in_dim3A_52 = vector.broadcast %broadcast_in_dim3A_51 : i32 to vector<16xi32>
    %broadcast_in_dim3A_53 = arith.constant 3 : i32
    %broadcast_in_dim3A_54 = vector.broadcast %broadcast_in_dim3A_53 : i32 to vector<16xi32>
    %mul3A_55 = arith.constant 20096 : i32
    %mul3A_56 = arith.muli %arg1, %mul3A_55 : i32
    %mul3A_57 = arith.constant 64 : i32
    %mul3A_58 = arith.muli %arg0, %mul3A_57 : i32
    %scan3A_59 = arith.constant 0 : i32
    %scan3A_60 = arith.constant 157 : i32
    %scan3A_61 = arith.addi %scan3A_59, %scan3A_60 : i32
    %scan3A_62 = arith.constant 1 : i32
    scf.for %scan3A_90 = %scan3A_59 to %scan3A_61 step %scan3A_62  : i32 {
      %mul3A_91 = arith.constant 1 : i32
      %mul3A_92 = arith.muli %scan3A_90, %mul3A_91 : i32
      %add3A_93 = arith.constant 0 : i32
      %add3A_94 = arith.addi %add3A_93, %mul3A_92 : i32
      %mul3A_95 = arith.constant 128 : i32
      %mul3A_96 = arith.muli %add3A_94, %mul3A_95 : i32
      %add3A_97 = arith.addi %mul3A_56, %mul3A_96 : i32
      "tpu.region"() ({
        %run_scoped3A = tpu.sem_alloc : memref<!tpu.dma_semaphore, #tpu.memory_space<semaphore_mem>>
        %dma_start3A_413 = tpu.memref_slice %arg2[%add3A_97] : memref<321536xi32, #tpu.memory_space<hbm>> -> memref<128xi32, #tpu.memory_space<hbm>>
        %dma_start3A_414 = tpu.memref_slice %arg2[%add3A_97] : memref<321536xi32, #tpu.memory_space<hbm>> -> memref<128xi32, #tpu.memory_space<hbm>>
        tpu.enqueue_dma source(%dma_start3A_414 : memref<128xi32, #tpu.memory_space<hbm>>) target(%arg11 : memref<128xi32, #tpu.memory_space<vmem>>) target_semaphore(%run_scoped3A : memref<!tpu.dma_semaphore, #tpu.memory_space<semaphore_mem>>)
        %dma_wait3A_415 = tpu.memref_slice %arg2[%add3A_97] : memref<321536xi32, #tpu.memory_space<hbm>> -> memref<128xi32, #tpu.memory_space<hbm>>
        %dma_wait3A_416 = tpu.memref_slice %arg2[%add3A_97] : memref<321536xi32, #tpu.memory_space<hbm>> -> memref<128xi32, #tpu.memory_space<hbm>>
        tpu.wait_dma2 semaphore(%run_scoped3A : memref<!tpu.dma_semaphore, #tpu.memory_space<semaphore_mem>>) src(%dma_wait3A_416 : memref<128xi32, #tpu.memory_space<hbm>>) dst(%arg11 : memref<128xi32, #tpu.memory_space<vmem>>)
        tpu.yield
      }) : () -> ()
      "tpu.region"() ({
        %run_scoped3A = tpu.sem_alloc : memref<!tpu.dma_semaphore, #tpu.memory_space<semaphore_mem>>
        %dma_start3A_413 = tpu.memref_slice %arg3[%add3A_97] : memref<321536xi32, #tpu.memory_space<hbm>> -> memref<128xi32, #tpu.memory_space<hbm>>
        %dma_start3A_414 = tpu.memref_slice %arg3[%add3A_97] : memref<321536xi32, #tpu.memory_space<hbm>> -> memref<128xi32, #tpu.memory_space<hbm>>
        tpu.enqueue_dma source(%dma_start3A_414 : memref<128xi32, #tpu.memory_space<hbm>>) target(%arg12 : memref<128xi32, #tpu.memory_space<vmem>>) target_semaphore(%run_scoped3A : memref<!tpu.dma_semaphore, #tpu.memory_space<semaphore_mem>>)
        %dma_wait3A_415 = tpu.memref_slice %arg3[%add3A_97] : memref<321536xi32, #tpu.memory_space<hbm>> -> memref<128xi32, #tpu.memory_space<hbm>>
        %dma_wait3A_416 = tpu.memref_slice %arg3[%add3A_97] : memref<321536xi32, #tpu.memory_space<hbm>> -> memref<128xi32, #tpu.memory_space<hbm>>
        tpu.wait_dma2 semaphore(%run_scoped3A : memref<!tpu.dma_semaphore, #tpu.memory_space<semaphore_mem>>) src(%dma_wait3A_416 : memref<128xi32, #tpu.memory_space<hbm>>) dst(%arg12 : memref<128xi32, #tpu.memory_space<vmem>>)
        tpu.yield
      }) : () -> ()
      %dma_start3A = arith.constant 0 : i32
      %dma_start3A_98 = arith.constant 0 : i32
      %dma_start3A_99 = tpu.memref_slice %arg4[%dma_start3A, %dma_start3A_98] : memref<10016x128xf32, #tpu.memory_space<hbm>> -> memref<10016x128xf32, #tpu.memory_space<hbm>>
      tpu.enqueue_indirect_dma source(%dma_start3A_99 : memref<10016x128xf32, #tpu.memory_space<hbm>>) target(%arg15 : memref<128x128xf32, #tpu.memory_space<vmem>>) offsets(%arg11 : memref<128xi32, #tpu.memory_space<vmem>>) semaphore(%arg17 : memref<!tpu.dma_semaphore, #tpu.memory_space<semaphore_mem>>)
      %dma_wait3A = arith.constant 0 : i32
      %dma_wait3A_100 = arith.constant 0 : i32
      %dma_wait3A_101 = tpu.memref_slice %arg4[%dma_wait3A, %dma_wait3A_100] : memref<10016x128xf32, #tpu.memory_space<hbm>> -> memref<10016x128xf32, #tpu.memory_space<hbm>>
      tpu.wait_indirect_dma semaphore(%arg17 : memref<!tpu.dma_semaphore, #tpu.memory_space<semaphore_mem>>) src(%dma_wait3A_101 : memref<10016x128xf32, #tpu.memory_space<hbm>>) dst(%arg15 : memref<128x128xf32, #tpu.memory_space<vmem>>)
      %get3A = arith.constant 0 : index
      %get3A_102 = tpu.vector_load %arg11[%get3A] {strides = array<i32>} : memref<128xi32, #tpu.memory_space<vmem>>, vector<16xi32>,
      %mul3A_103 = arith.constant 4 : i32
      %mul3A_104 = vector.broadcast %mul3A_103 : i32 to vector<16xi32>
      %mul3A_105 = arith.muli %get3A_102, %mul3A_104 : vector<16xi32>
      %get3A_106 = arith.constant 0 : index
      %get3A_107 = tpu.vector_load %arg12[%get3A_106] {strides = array<i32>} : memref<128xi32, #tpu.memory_space<vmem>>, vector<16xi32>,
      %mul3A_108 = arith.constant 4 : i32
      %mul3A_109 = vector.broadcast %mul3A_108 : i32 to vector<16xi32>
      %mul3A_110 = arith.muli %get3A_107, %mul3A_109 : vector<16xi32>
      %gather3A = tpu.vector_load_idx %arg10[%mul3A_105] : memref<40064xf32, #tpu.memory_space<vmem>>[vector<16xi32>], vector<16xf32>,
      %add3A_111 = arith.addi %mul3A_110, %broadcast_in_dim3A_52 : vector<16xi32>
      %gather3A_112 = tpu.vector_load_idx %arg10[%add3A_111] : memref<40064xf32, #tpu.memory_space<vmem>>[vector<16xi32>], vector<16xf32>,
      %add3A_113 = arith.addf %gather3A, %gather3A_112 : vector<16xf32>
      %add3A_114 = arith.addi %mul3A_105, %broadcast_in_dim3A_50 : vector<16xi32>
      %gather3A_115 = tpu.vector_load_idx %arg10[%add3A_114] : memref<40064xf32, #tpu.memory_space<vmem>>[vector<16xi32>], vector<16xf32>,
      %add3A_116 = arith.addi %mul3A_110, %broadcast_in_dim3A_54 : vector<16xi32>
      %gather3A_117 = tpu.vector_load_idx %arg10[%add3A_116] : memref<40064xf32, #tpu.memory_space<vmem>>[vector<16xi32>], vector<16xf32>,
      %add3A_118 = arith.addf %gather3A_115, %gather3A_117 : vector<16xf32>
      %gt3A = arith.constant 0.000000e+00 : f32
      %gt3A_119 = vector.broadcast %gt3A : f32 to vector<16xf32>
      %gt3A_120 = arith.cmpf ogt, %add3A_113, %gt3A_119 : vector<16xf32>
      %mul3A_121 = arith.constant 2.000000e-01 : f32
      %mul3A_122 = vector.broadcast %mul3A_121 : f32 to vector<16xf32>
      %mul3A_123 = arith.mulf %mul3A_122, %add3A_113 : vector<16xf32>
      %select_n3A = arith.select %gt3A_120, %add3A_113, %mul3A_123 : vector<16xi1>, vector<16xf32>
      %exp3A = math.exp %select_n3A : vector<16xf32>
      %swap3A = arith.constant 0 : index
      %swap3A_124 = tpu.vector_load %arg13[%swap3A] {strides = array<i32>} : memref<128xf32, #tpu.memory_space<vmem>>, vector<16xf32>,
      tpu.vector_store %arg13[%swap3A], %exp3A {strides = array<i32>} : memref<128xf32, #tpu.memory_space<vmem>>, vector<16xf32>,
      %gt3A_125 = arith.constant 0.000000e+00 : f32
      %gt3A_126 = vector.broadcast %gt3A_125 : f32 to vector<16xf32>
      %gt3A_127 = arith.cmpf ogt, %add3A_118, %gt3A_126 : vector<16xf32>
      %mul3A_128 = arith.constant 2.000000e-01 : f32
      %mul3A_129 = vector.broadcast %mul3A_128 : f32 to vector<16xf32>
      %mul3A_130 = arith.mulf %mul3A_129, %add3A_118 : vector<16xf32>
      %select_n3A_131 = arith.select %gt3A_127, %add3A_118, %mul3A_130 : vector<16xi1>, vector<16xf32>
      %exp3A_132 = math.exp %select_n3A_131 : vector<16xf32>
      %swap3A_133 = arith.constant 0 : index
      %swap3A_134 = tpu.vector_load %arg14[%swap3A_133] {strides = array<i32>} : memref<128xf32, #tpu.memory_space<vmem>>, vector<16xf32>,
      tpu.vector_store %arg14[%swap3A_133], %exp3A_132 {strides = array<i32>} : memref<128xf32, #tpu.memory_space<vmem>>, vector<16xf32>,
      %get3A_135 = arith.constant 16 : index
      %get3A_136 = tpu.vector_load %arg11[%get3A_135] {strides = array<i32>} : memref<128xi32, #tpu.memory_space<vmem>>, vector<16xi32>,
      %mul3A_137 = arith.constant 4 : i32
      %mul3A_138 = vector.broadcast %mul3A_137 : i32 to vector<16xi32>
      %mul3A_139 = arith.muli %get3A_136, %mul3A_138 : vector<16xi32>
      %get3A_140 = arith.constant 16 : index
      %get3A_141 = tpu.vector_load %arg12[%get3A_140] {strides = array<i32>} : memref<128xi32, #tpu.memory_space<vmem>>, vector<16xi32>,
      %mul3A_142 = arith.constant 4 : i32
      %mul3A_143 = vector.broadcast %mul3A_142 : i32 to vector<16xi32>
      %mul3A_144 = arith.muli %get3A_141, %mul3A_143 : vector<16xi32>
      %gather3A_145 = tpu.vector_load_idx %arg10[%mul3A_139] : memref<40064xf32, #tpu.memory_space<vmem>>[vector<16xi32>], vector<16xf32>,
      %add3A_146 = arith.addi %mul3A_144, %broadcast_in_dim3A_52 : vector<16xi32>
      %gather3A_147 = tpu.vector_load_idx %arg10[%add3A_146] : memref<40064xf32, #tpu.memory_space<vmem>>[vector<16xi32>], vector<16xf32>,
      %add3A_148 = arith.addf %gather3A_145, %gather3A_147 : vector<16xf32>
      %add3A_149 = arith.addi %mul3A_139, %broadcast_in_dim3A_50 : vector<16xi32>
      %gather3A_150 = tpu.vector_load_idx %arg10[%add3A_149] : memref<40064xf32, #tpu.memory_space<vmem>>[vector<16xi32>], vector<16xf32>,
      %add3A_151 = arith.addi %mul3A_144, %broadcast_in_dim3A_54 : vector<16xi32>
      %gather3A_152 = tpu.vector_load_idx %arg10[%add3A_151] : memref<40064xf32, #tpu.memory_space<vmem>>[vector<16xi32>], vector<16xf32>,
      %add3A_153 = arith.addf %gather3A_150, %gather3A_152 : vector<16xf32>
      %gt3A_154 = arith.constant 0.000000e+00 : f32
      %gt3A_155 = vector.broadcast %gt3A_154 : f32 to vector<16xf32>
      %gt3A_156 = arith.cmpf ogt, %add3A_148, %gt3A_155 : vector<16xf32>
      %mul3A_157 = arith.constant 2.000000e-01 : f32
      %mul3A_158 = vector.broadcast %mul3A_157 : f32 to vector<16xf32>
      %mul3A_159 = arith.mulf %mul3A_158, %add3A_148 : vector<16xf32>
      %select_n3A_160 = arith.select %gt3A_156, %add3A_148, %mul3A_159 : vector<16xi1>, vector<16xf32>
      %exp3A_161 = math.exp %select_n3A_160 : vector<16xf32>
      %swap3A_162 = arith.constant 16 : index
      %swap3A_163 = tpu.vector_load %arg13[%swap3A_162] {strides = array<i32>} : memref<128xf32, #tpu.memory_space<vmem>>, vector<16xf32>,
      tpu.vector_store %arg13[%swap3A_162], %exp3A_161 {strides = array<i32>} : memref<128xf32, #tpu.memory_space<vmem>>, vector<16xf32>,
      %gt3A_164 = arith.constant 0.000000e+00 : f32
      %gt3A_165 = vector.broadcast %gt3A_164 : f32 to vector<16xf32>
      %gt3A_166 = arith.cmpf ogt, %add3A_153, %gt3A_165 : vector<16xf32>
      %mul3A_167 = arith.constant 2.000000e-01 : f32
      %mul3A_168 = vector.broadcast %mul3A_167 : f32 to vector<16xf32>
      %mul3A_169 = arith.mulf %mul3A_168, %add3A_153 : vector<16xf32>
      %select_n3A_170 = arith.select %gt3A_166, %add3A_153, %mul3A_169 : vector<16xi1>, vector<16xf32>
      %exp3A_171 = math.exp %select_n3A_170 : vector<16xf32>
      %swap3A_172 = arith.constant 16 : index
      %swap3A_173 = tpu.vector_load %arg14[%swap3A_172] {strides = array<i32>} : memref<128xf32, #tpu.memory_space<vmem>>, vector<16xf32>,
      tpu.vector_store %arg14[%swap3A_172], %exp3A_171 {strides = array<i32>} : memref<128xf32, #tpu.memory_space<vmem>>, vector<16xf32>,
      %get3A_174 = arith.constant 32 : index
      %get3A_175 = tpu.vector_load %arg11[%get3A_174] {strides = array<i32>} : memref<128xi32, #tpu.memory_space<vmem>>, vector<16xi32>,
      %mul3A_176 = arith.constant 4 : i32
      %mul3A_177 = vector.broadcast %mul3A_176 : i32 to vector<16xi32>
      %mul3A_178 = arith.muli %get3A_175, %mul3A_177 : vector<16xi32>
      %get3A_179 = arith.constant 32 : index
      %get3A_180 = tpu.vector_load %arg12[%get3A_179] {strides = array<i32>} : memref<128xi32, #tpu.memory_space<vmem>>, vector<16xi32>,
      %mul3A_181 = arith.constant 4 : i32
      %mul3A_182 = vector.broadcast %mul3A_181 : i32 to vector<16xi32>
      %mul3A_183 = arith.muli %get3A_180, %mul3A_182 : vector<16xi32>
      %gather3A_184 = tpu.vector_load_idx %arg10[%mul3A_178] : memref<40064xf32, #tpu.memory_space<vmem>>[vector<16xi32>], vector<16xf32>,
      %add3A_185 = arith.addi %mul3A_183, %broadcast_in_dim3A_52 : vector<16xi32>
      %gather3A_186 = tpu.vector_load_idx %arg10[%add3A_185] : memref<40064xf32, #tpu.memory_space<vmem>>[vector<16xi32>], vector<16xf32>,
      %add3A_187 = arith.addf %gather3A_184, %gather3A_186 : vector<16xf32>
      %add3A_188 = arith.addi %mul3A_178, %broadcast_in_dim3A_50 : vector<16xi32>
      %gather3A_189 = tpu.vector_load_idx %arg10[%add3A_188] : memref<40064xf32, #tpu.memory_space<vmem>>[vector<16xi32>], vector<16xf32>,
      %add3A_190 = arith.addi %mul3A_183, %broadcast_in_dim3A_54 : vector<16xi32>
      %gather3A_191 = tpu.vector_load_idx %arg10[%add3A_190] : memref<40064xf32, #tpu.memory_space<vmem>>[vector<16xi32>], vector<16xf32>,
      %add3A_192 = arith.addf %gather3A_189, %gather3A_191 : vector<16xf32>
      %gt3A_193 = arith.constant 0.000000e+00 : f32
      %gt3A_194 = vector.broadcast %gt3A_193 : f32 to vector<16xf32>
      %gt3A_195 = arith.cmpf ogt, %add3A_187, %gt3A_194 : vector<16xf32>
      %mul3A_196 = arith.constant 2.000000e-01 : f32
      %mul3A_197 = vector.broadcast %mul3A_196 : f32 to vector<16xf32>
      %mul3A_198 = arith.mulf %mul3A_197, %add3A_187 : vector<16xf32>
      %select_n3A_199 = arith.select %gt3A_195, %add3A_187, %mul3A_198 : vector<16xi1>, vector<16xf32>
      %exp3A_200 = math.exp %select_n3A_199 : vector<16xf32>
      %swap3A_201 = arith.constant 32 : index
      %swap3A_202 = tpu.vector_load %arg13[%swap3A_201] {strides = array<i32>} : memref<128xf32, #tpu.memory_space<vmem>>, vector<16xf32>,
      tpu.vector_store %arg13[%swap3A_201], %exp3A_200 {strides = array<i32>} : memref<128xf32, #tpu.memory_space<vmem>>, vector<16xf32>,
      %gt3A_203 = arith.constant 0.000000e+00 : f32
      %gt3A_204 = vector.broadcast %gt3A_203 : f32 to vector<16xf32>
      %gt3A_205 = arith.cmpf ogt, %add3A_192, %gt3A_204 : vector<16xf32>
      %mul3A_206 = arith.constant 2.000000e-01 : f32
      %mul3A_207 = vector.broadcast %mul3A_206 : f32 to vector<16xf32>
      %mul3A_208 = arith.mulf %mul3A_207, %add3A_192 : vector<16xf32>
      %select_n3A_209 = arith.select %gt3A_205, %add3A_192, %mul3A_208 : vector<16xi1>, vector<16xf32>
      %exp3A_210 = math.exp %select_n3A_209 : vector<16xf32>
      %swap3A_211 = arith.constant 32 : index
      %swap3A_212 = tpu.vector_load %arg14[%swap3A_211] {strides = array<i32>} : memref<128xf32, #tpu.memory_space<vmem>>, vector<16xf32>,
      tpu.vector_store %arg14[%swap3A_211], %exp3A_210 {strides = array<i32>} : memref<128xf32, #tpu.memory_space<vmem>>, vector<16xf32>,
      %get3A_213 = arith.constant 48 : index
      %get3A_214 = tpu.vector_load %arg11[%get3A_213] {strides = array<i32>} : memref<128xi32, #tpu.memory_space<vmem>>, vector<16xi32>,
      %mul3A_215 = arith.constant 4 : i32
      %mul3A_216 = vector.broadcast %mul3A_215 : i32 to vector<16xi32>
      %mul3A_217 = arith.muli %get3A_214, %mul3A_216 : vector<16xi32>
      %get3A_218 = arith.constant 48 : index
      %get3A_219 = tpu.vector_load %arg12[%get3A_218] {strides = array<i32>} : memref<128xi32, #tpu.memory_space<vmem>>, vector<16xi32>,
      %mul3A_220 = arith.constant 4 : i32
      %mul3A_221 = vector.broadcast %mul3A_220 : i32 to vector<16xi32>
      %mul3A_222 = arith.muli %get3A_219, %mul3A_221 : vector<16xi32>
      %gather3A_223 = tpu.vector_load_idx %arg10[%mul3A_217] : memref<40064xf32, #tpu.memory_space<vmem>>[vector<16xi32>], vector<16xf32>,
      %add3A_224 = arith.addi %mul3A_222, %broadcast_in_dim3A_52 : vector<16xi32>
      %gather3A_225 = tpu.vector_load_idx %arg10[%add3A_224] : memref<40064xf32, #tpu.memory_space<vmem>>[vector<16xi32>], vector<16xf32>,
      %add3A_226 = arith.addf %gather3A_223, %gather3A_225 : vector<16xf32>
      %add3A_227 = arith.addi %mul3A_217, %broadcast_in_dim3A_50 : vector<16xi32>
      %gather3A_228 = tpu.vector_load_idx %arg10[%add3A_227] : memref<40064xf32, #tpu.memory_space<vmem>>[vector<16xi32>], vector<16xf32>,
      %add3A_229 = arith.addi %mul3A_222, %broadcast_in_dim3A_54 : vector<16xi32>
      %gather3A_230 = tpu.vector_load_idx %arg10[%add3A_229] : memref<40064xf32, #tpu.memory_space<vmem>>[vector<16xi32>], vector<16xf32>,
      %add3A_231 = arith.addf %gather3A_228, %gather3A_230 : vector<16xf32>
      %gt3A_232 = arith.constant 0.000000e+00 : f32
      %gt3A_233 = vector.broadcast %gt3A_232 : f32 to vector<16xf32>
      %gt3A_234 = arith.cmpf ogt, %add3A_226, %gt3A_233 : vector<16xf32>
      %mul3A_235 = arith.constant 2.000000e-01 : f32
      %mul3A_236 = vector.broadcast %mul3A_235 : f32 to vector<16xf32>
      %mul3A_237 = arith.mulf %mul3A_236, %add3A_226 : vector<16xf32>
      %select_n3A_238 = arith.select %gt3A_234, %add3A_226, %mul3A_237 : vector<16xi1>, vector<16xf32>
      %exp3A_239 = math.exp %select_n3A_238 : vector<16xf32>
      %swap3A_240 = arith.constant 48 : index
      %swap3A_241 = tpu.vector_load %arg13[%swap3A_240] {strides = array<i32>} : memref<128xf32, #tpu.memory_space<vmem>>, vector<16xf32>,
      tpu.vector_store %arg13[%swap3A_240], %exp3A_239 {strides = array<i32>} : memref<128xf32, #tpu.memory_space<vmem>>, vector<16xf32>,
      %gt3A_242 = arith.constant 0.000000e+00 : f32
      %gt3A_243 = vector.broadcast %gt3A_242 : f32 to vector<16xf32>
      %gt3A_244 = arith.cmpf ogt, %add3A_231, %gt3A_243 : vector<16xf32>
      %mul3A_245 = arith.constant 2.000000e-01 : f32
      %mul3A_246 = vector.broadcast %mul3A_245 : f32 to vector<16xf32>
      %mul3A_247 = arith.mulf %mul3A_246, %add3A_231 : vector<16xf32>
      %select_n3A_248 = arith.select %gt3A_244, %add3A_231, %mul3A_247 : vector<16xi1>, vector<16xf32>
      %exp3A_249 = math.exp %select_n3A_248 : vector<16xf32>
      %swap3A_250 = arith.constant 48 : index
      %swap3A_251 = tpu.vector_load %arg14[%swap3A_250] {strides = array<i32>} : memref<128xf32, #tpu.memory_space<vmem>>, vector<16xf32>,
      tpu.vector_store %arg14[%swap3A_250], %exp3A_249 {strides = array<i32>} : memref<128xf32, #tpu.memory_space<vmem>>, vector<16xf32>,
      %get3A_252 = arith.constant 64 : index
      %get3A_253 = tpu.vector_load %arg11[%get3A_252] {strides = array<i32>} : memref<128xi32, #tpu.memory_space<vmem>>, vector<16xi32>,
      %mul3A_254 = arith.constant 4 : i32
      %mul3A_255 = vector.broadcast %mul3A_254 : i32 to vector<16xi32>
      %mul3A_256 = arith.muli %get3A_253, %mul3A_255 : vector<16xi32>
      %get3A_257 = arith.constant 64 : index
      %get3A_258 = tpu.vector_load %arg12[%get3A_257] {strides = array<i32>} : memref<128xi32, #tpu.memory_space<vmem>>, vector<16xi32>,
      %mul3A_259 = arith.constant 4 : i32
      %mul3A_260 = vector.broadcast %mul3A_259 : i32 to vector<16xi32>
      %mul3A_261 = arith.muli %get3A_258, %mul3A_260 : vector<16xi32>
      %gather3A_262 = tpu.vector_load_idx %arg10[%mul3A_256] : memref<40064xf32, #tpu.memory_space<vmem>>[vector<16xi32>], vector<16xf32>,
      %add3A_263 = arith.addi %mul3A_261, %broadcast_in_dim3A_52 : vector<16xi32>
      %gather3A_264 = tpu.vector_load_idx %arg10[%add3A_263] : memref<40064xf32, #tpu.memory_space<vmem>>[vector<16xi32>], vector<16xf32>,
      %add3A_265 = arith.addf %gather3A_262, %gather3A_264 : vector<16xf32>
      %add3A_266 = arith.addi %mul3A_256, %broadcast_in_dim3A_50 : vector<16xi32>
      %gather3A_267 = tpu.vector_load_idx %arg10[%add3A_266] : memref<40064xf32, #tpu.memory_space<vmem>>[vector<16xi32>], vector<16xf32>,
      %add3A_268 = arith.addi %mul3A_261, %broadcast_in_dim3A_54 : vector<16xi32>
      %gather3A_269 = tpu.vector_load_idx %arg10[%add3A_268] : memref<40064xf32, #tpu.memory_space<vmem>>[vector<16xi32>], vector<16xf32>,
      %add3A_270 = arith.addf %gather3A_267, %gather3A_269 : vector<16xf32>
      %gt3A_271 = arith.constant 0.000000e+00 : f32
      %gt3A_272 = vector.broadcast %gt3A_271 : f32 to vector<16xf32>
      %gt3A_273 = arith.cmpf ogt, %add3A_265, %gt3A_272 : vector<16xf32>
      %mul3A_274 = arith.constant 2.000000e-01 : f32
      %mul3A_275 = vector.broadcast %mul3A_274 : f32 to vector<16xf32>
      %mul3A_276 = arith.mulf %mul3A_275, %add3A_265 : vector<16xf32>
      %select_n3A_277 = arith.select %gt3A_273, %add3A_265, %mul3A_276 : vector<16xi1>, vector<16xf32>
      %exp3A_278 = math.exp %select_n3A_277 : vector<16xf32>
      %swap3A_279 = arith.constant 64 : index
      %swap3A_280 = tpu.vector_load %arg13[%swap3A_279] {strides = array<i32>} : memref<128xf32, #tpu.memory_space<vmem>>, vector<16xf32>,
      tpu.vector_store %arg13[%swap3A_279], %exp3A_278 {strides = array<i32>} : memref<128xf32, #tpu.memory_space<vmem>>, vector<16xf32>,
      %gt3A_281 = arith.constant 0.000000e+00 : f32
      %gt3A_282 = vector.broadcast %gt3A_281 : f32 to vector<16xf32>
      %gt3A_283 = arith.cmpf ogt, %add3A_270, %gt3A_282 : vector<16xf32>
      %mul3A_284 = arith.constant 2.000000e-01 : f32
      %mul3A_285 = vector.broadcast %mul3A_284 : f32 to vector<16xf32>
      %mul3A_286 = arith.mulf %mul3A_285, %add3A_270 : vector<16xf32>
      %select_n3A_287 = arith.select %gt3A_283, %add3A_270, %mul3A_286 : vector<16xi1>, vector<16xf32>
      %exp3A_288 = math.exp %select_n3A_287 : vector<16xf32>
      %swap3A_289 = arith.constant 64 : index
      %swap3A_290 = tpu.vector_load %arg14[%swap3A_289] {strides = array<i32>} : memref<128xf32, #tpu.memory_space<vmem>>, vector<16xf32>,
      tpu.vector_store %arg14[%swap3A_289], %exp3A_288 {strides = array<i32>} : memref<128xf32, #tpu.memory_space<vmem>>, vector<16xf32>,
      %get3A_291 = arith.constant 80 : index
      %get3A_292 = tpu.vector_load %arg11[%get3A_291] {strides = array<i32>} : memref<128xi32, #tpu.memory_space<vmem>>, vector<16xi32>,
      %mul3A_293 = arith.constant 4 : i32
      %mul3A_294 = vector.broadcast %mul3A_293 : i32 to vector<16xi32>
      %mul3A_295 = arith.muli %get3A_292, %mul3A_294 : vector<16xi32>
      %get3A_296 = arith.constant 80 : index
      %get3A_297 = tpu.vector_load %arg12[%get3A_296] {strides = array<i32>} : memref<128xi32, #tpu.memory_space<vmem>>, vector<16xi32>,
      %mul3A_298 = arith.constant 4 : i32
      %mul3A_299 = vector.broadcast %mul3A_298 : i32 to vector<16xi32>
      %mul3A_300 = arith.muli %get3A_297, %mul3A_299 : vector<16xi32>
      %gather3A_301 = tpu.vector_load_idx %arg10[%mul3A_295] : memref<40064xf32, #tpu.memory_space<vmem>>[vector<16xi32>], vector<16xf32>,
      %add3A_302 = arith.addi %mul3A_300, %broadcast_in_dim3A_52 : vector<16xi32>
      %gather3A_303 = tpu.vector_load_idx %arg10[%add3A_302] : memref<40064xf32, #tpu.memory_space<vmem>>[vector<16xi32>], vector<16xf32>,
      %add3A_304 = arith.addf %gather3A_301, %gather3A_303 : vector<16xf32>
      %add3A_305 = arith.addi %mul3A_295, %broadcast_in_dim3A_50 : vector<16xi32>
      %gather3A_306 = tpu.vector_load_idx %arg10[%add3A_305] : memref<40064xf32, #tpu.memory_space<vmem>>[vector<16xi32>], vector<16xf32>,
      %add3A_307 = arith.addi %mul3A_300, %broadcast_in_dim3A_54 : vector<16xi32>
      %gather3A_308 = tpu.vector_load_idx %arg10[%add3A_307] : memref<40064xf32, #tpu.memory_space<vmem>>[vector<16xi32>], vector<16xf32>,
      %add3A_309 = arith.addf %gather3A_306, %gather3A_308 : vector<16xf32>
      %gt3A_310 = arith.constant 0.000000e+00 : f32
      %gt3A_311 = vector.broadcast %gt3A_310 : f32 to vector<16xf32>
      %gt3A_312 = arith.cmpf ogt, %add3A_304, %gt3A_311 : vector<16xf32>
      %mul3A_313 = arith.constant 2.000000e-01 : f32
      %mul3A_314 = vector.broadcast %mul3A_313 : f32 to vector<16xf32>
      %mul3A_315 = arith.mulf %mul3A_314, %add3A_304 : vector<16xf32>
      %select_n3A_316 = arith.select %gt3A_312, %add3A_304, %mul3A_315 : vector<16xi1>, vector<16xf32>
      %exp3A_317 = math.exp %select_n3A_316 : vector<16xf32>
      %swap3A_318 = arith.constant 80 : index
      %swap3A_319 = tpu.vector_load %arg13[%swap3A_318] {strides = array<i32>} : memref<128xf32, #tpu.memory_space<vmem>>, vector<16xf32>,
      tpu.vector_store %arg13[%swap3A_318], %exp3A_317 {strides = array<i32>} : memref<128xf32, #tpu.memory_space<vmem>>, vector<16xf32>,
      %gt3A_320 = arith.constant 0.000000e+00 : f32
      %gt3A_321 = vector.broadcast %gt3A_320 : f32 to vector<16xf32>
      %gt3A_322 = arith.cmpf ogt, %add3A_309, %gt3A_321 : vector<16xf32>
      %mul3A_323 = arith.constant 2.000000e-01 : f32
      %mul3A_324 = vector.broadcast %mul3A_323 : f32 to vector<16xf32>
      %mul3A_325 = arith.mulf %mul3A_324, %add3A_309 : vector<16xf32>
      %select_n3A_326 = arith.select %gt3A_322, %add3A_309, %mul3A_325 : vector<16xi1>, vector<16xf32>
      %exp3A_327 = math.exp %select_n3A_326 : vector<16xf32>
      %swap3A_328 = arith.constant 80 : index
      %swap3A_329 = tpu.vector_load %arg14[%swap3A_328] {strides = array<i32>} : memref<128xf32, #tpu.memory_space<vmem>>, vector<16xf32>,
      tpu.vector_store %arg14[%swap3A_328], %exp3A_327 {strides = array<i32>} : memref<128xf32, #tpu.memory_space<vmem>>, vector<16xf32>,
      %get3A_330 = arith.constant 96 : index
      %get3A_331 = tpu.vector_load %arg11[%get3A_330] {strides = array<i32>} : memref<128xi32, #tpu.memory_space<vmem>>, vector<16xi32>,
      %mul3A_332 = arith.constant 4 : i32
      %mul3A_333 = vector.broadcast %mul3A_332 : i32 to vector<16xi32>
      %mul3A_334 = arith.muli %get3A_331, %mul3A_333 : vector<16xi32>
      %get3A_335 = arith.constant 96 : index
      %get3A_336 = tpu.vector_load %arg12[%get3A_335] {strides = array<i32>} : memref<128xi32, #tpu.memory_space<vmem>>, vector<16xi32>,
      %mul3A_337 = arith.constant 4 : i32
      %mul3A_338 = vector.broadcast %mul3A_337 : i32 to vector<16xi32>
      %mul3A_339 = arith.muli %get3A_336, %mul3A_338 : vector<16xi32>
      %gather3A_340 = tpu.vector_load_idx %arg10[%mul3A_334] : memref<40064xf32, #tpu.memory_space<vmem>>[vector<16xi32>], vector<16xf32>,
      %add3A_341 = arith.addi %mul3A_339, %broadcast_in_dim3A_52 : vector<16xi32>
      %gather3A_342 = tpu.vector_load_idx %arg10[%add3A_341] : memref<40064xf32, #tpu.memory_space<vmem>>[vector<16xi32>], vector<16xf32>,
      %add3A_343 = arith.addf %gather3A_340, %gather3A_342 : vector<16xf32>
      %add3A_344 = arith.addi %mul3A_334, %broadcast_in_dim3A_50 : vector<16xi32>
      %gather3A_345 = tpu.vector_load_idx %arg10[%add3A_344] : memref<40064xf32, #tpu.memory_space<vmem>>[vector<16xi32>], vector<16xf32>,
      %add3A_346 = arith.addi %mul3A_339, %broadcast_in_dim3A_54 : vector<16xi32>
      %gather3A_347 = tpu.vector_load_idx %arg10[%add3A_346] : memref<40064xf32, #tpu.memory_space<vmem>>[vector<16xi32>], vector<16xf32>,
      %add3A_348 = arith.addf %gather3A_345, %gather3A_347 : vector<16xf32>
      %gt3A_349 = arith.constant 0.000000e+00 : f32
      %gt3A_350 = vector.broadcast %gt3A_349 : f32 to vector<16xf32>
      %gt3A_351 = arith.cmpf ogt, %add3A_343, %gt3A_350 : vector<16xf32>
      %mul3A_352 = arith.constant 2.000000e-01 : f32
      %mul3A_353 = vector.broadcast %mul3A_352 : f32 to vector<16xf32>
      %mul3A_354 = arith.mulf %mul3A_353, %add3A_343 : vector<16xf32>
      %select_n3A_355 = arith.select %gt3A_351, %add3A_343, %mul3A_354 : vector<16xi1>, vector<16xf32>
      %exp3A_356 = math.exp %select_n3A_355 : vector<16xf32>
      %swap3A_357 = arith.constant 96 : index
      %swap3A_358 = tpu.vector_load %arg13[%swap3A_357] {strides = array<i32>} : memref<128xf32, #tpu.memory_space<vmem>>, vector<16xf32>,
      tpu.vector_store %arg13[%swap3A_357], %exp3A_356 {strides = array<i32>} : memref<128xf32, #tpu.memory_space<vmem>>, vector<16xf32>,
      %gt3A_359 = arith.constant 0.000000e+00 : f32
      %gt3A_360 = vector.broadcast %gt3A_359 : f32 to vector<16xf32>
      %gt3A_361 = arith.cmpf ogt, %add3A_348, %gt3A_360 : vector<16xf32>
      %mul3A_362 = arith.constant 2.000000e-01 : f32
      %mul3A_363 = vector.broadcast %mul3A_362 : f32 to vector<16xf32>
      %mul3A_364 = arith.mulf %mul3A_363, %add3A_348 : vector<16xf32>
      %select_n3A_365 = arith.select %gt3A_361, %add3A_348, %mul3A_364 : vector<16xi1>, vector<16xf32>
      %exp3A_366 = math.exp %select_n3A_365 : vector<16xf32>
      %swap3A_367 = arith.constant 96 : index
      %swap3A_368 = tpu.vector_load %arg14[%swap3A_367] {strides = array<i32>} : memref<128xf32, #tpu.memory_space<vmem>>, vector<16xf32>,
      tpu.vector_store %arg14[%swap3A_367], %exp3A_366 {strides = array<i32>} : memref<128xf32, #tpu.memory_space<vmem>>, vector<16xf32>,
      %get3A_369 = arith.constant 112 : index
      %get3A_370 = tpu.vector_load %arg11[%get3A_369] {strides = array<i32>} : memref<128xi32, #tpu.memory_space<vmem>>, vector<16xi32>,
      %mul3A_371 = arith.constant 4 : i32
      %mul3A_372 = vector.broadcast %mul3A_371 : i32 to vector<16xi32>
      %mul3A_373 = arith.muli %get3A_370, %mul3A_372 : vector<16xi32>
      %get3A_374 = arith.constant 112 : index
      %get3A_375 = tpu.vector_load %arg12[%get3A_374] {strides = array<i32>} : memref<128xi32, #tpu.memory_space<vmem>>, vector<16xi32>,
      %mul3A_376 = arith.constant 4 : i32
      %mul3A_377 = vector.broadcast %mul3A_376 : i32 to vector<16xi32>
      %mul3A_378 = arith.muli %get3A_375, %mul3A_377 : vector<16xi32>
      %gather3A_379 = tpu.vector_load_idx %arg10[%mul3A_373] : memref<40064xf32, #tpu.memory_space<vmem>>[vector<16xi32>], vector<16xf32>,
      %add3A_380 = arith.addi %mul3A_378, %broadcast_in_dim3A_52 : vector<16xi32>
      %gather3A_381 = tpu.vector_load_idx %arg10[%add3A_380] : memref<40064xf32, #tpu.memory_space<vmem>>[vector<16xi32>], vector<16xf32>,
      %add3A_382 = arith.addf %gather3A_379, %gather3A_381 : vector<16xf32>
      %add3A_383 = arith.addi %mul3A_373, %broadcast_in_dim3A_50 : vector<16xi32>
      %gather3A_384 = tpu.vector_load_idx %arg10[%add3A_383] : memref<40064xf32, #tpu.memory_space<vmem>>[vector<16xi32>], vector<16xf32>,
      %add3A_385 = arith.addi %mul3A_378, %broadcast_in_dim3A_54 : vector<16xi32>
      %gather3A_386 = tpu.vector_load_idx %arg10[%add3A_385] : memref<40064xf32, #tpu.memory_space<vmem>>[vector<16xi32>], vector<16xf32>,
      %add3A_387 = arith.addf %gather3A_384, %gather3A_386 : vector<16xf32>
      %gt3A_388 = arith.constant 0.000000e+00 : f32
      %gt3A_389 = vector.broadcast %gt3A_388 : f32 to vector<16xf32>
      %gt3A_390 = arith.cmpf ogt, %add3A_382, %gt3A_389 : vector<16xf32>
      %mul3A_391 = arith.constant 2.000000e-01 : f32
      %mul3A_392 = vector.broadcast %mul3A_391 : f32 to vector<16xf32>
      %mul3A_393 = arith.mulf %mul3A_392, %add3A_382 : vector<16xf32>
      %select_n3A_394 = arith.select %gt3A_390, %add3A_382, %mul3A_393 : vector<16xi1>, vector<16xf32>
      %exp3A_395 = math.exp %select_n3A_394 : vector<16xf32>
      %swap3A_396 = arith.constant 112 : index
      %swap3A_397 = tpu.vector_load %arg13[%swap3A_396] {strides = array<i32>} : memref<128xf32, #tpu.memory_space<vmem>>, vector<16xf32>,
      tpu.vector_store %arg13[%swap3A_396], %exp3A_395 {strides = array<i32>} : memref<128xf32, #tpu.memory_space<vmem>>, vector<16xf32>,
      %gt3A_398 = arith.constant 0.000000e+00 : f32
      %gt3A_399 = vector.broadcast %gt3A_398 : f32 to vector<16xf32>
      %gt3A_400 = arith.cmpf ogt, %add3A_387, %gt3A_399 : vector<16xf32>
      %mul3A_401 = arith.constant 2.000000e-01 : f32
      %mul3A_402 = vector.broadcast %mul3A_401 : f32 to vector<16xf32>
      %mul3A_403 = arith.mulf %mul3A_402, %add3A_387 : vector<16xf32>
      %select_n3A_404 = arith.select %gt3A_400, %add3A_387, %mul3A_403 : vector<16xi1>, vector<16xf32>
      %exp3A_405 = math.exp %select_n3A_404 : vector<16xf32>
      %swap3A_406 = arith.constant 112 : index
      %swap3A_407 = tpu.vector_load %arg14[%swap3A_406] {strides = array<i32>} : memref<128xf32, #tpu.memory_space<vmem>>, vector<16xf32>,
      tpu.vector_store %arg14[%swap3A_406], %exp3A_405 {strides = array<i32>} : memref<128xf32, #tpu.memory_space<vmem>>, vector<16xf32>,
      %scan3A_408 = arith.constant 0 : i32
      %scan3A_409 = arith.constant 128 : i32
      %scan3A_410 = arith.addi %scan3A_408, %scan3A_409 : i32
      %scan3A_411 = arith.constant 4 : i32
      scf.for %scan3A_413 = %scan3A_408 to %scan3A_410 step %scan3A_411  : i32 {
        %mul3A_414 = arith.constant 1 : i32
        %mul3A_415 = arith.muli %scan3A_413, %mul3A_414 : i32
        %add3A_416 = arith.constant 0 : i32
        %add3A_417 = arith.addi %add3A_416, %mul3A_415 : i32
        %broadcast_in_dim3A_418 = vector.broadcast %add3A_417 : i32 to vector<16xi32>
        %gather3A_419 = tpu.vector_load_idx %arg13[%broadcast_in_dim3A_418] : memref<128xf32, #tpu.memory_space<vmem>>[vector<16xi32>], vector<16xf32>,
        %gather3A_420 = tpu.vector_load_idx %arg14[%broadcast_in_dim3A_418] : memref<128xf32, #tpu.memory_space<vmem>>[vector<16xi32>], vector<16xf32>,
        %get3A_421 = arith.index_cast %add3A_417 : i32 to index
        %get3A_422 = arith.index_cast %mul3A_58 : i32 to index
        %get3A_423 = tpu.vector_load %arg15[%get3A_421, %get3A_422] {strides = array<i32>} : memref<128x128xf32, #tpu.memory_space<vmem>>, vector<16xf32>,
        %mul3A_424 = arith.mulf %get3A_423, %gather3A_419 : vector<16xf32>
        %swap3A_425 = arith.index_cast %add3A_417 : i32 to index
        %swap3A_426 = arith.constant 0 : index
        %swap3A_427 = tpu.vector_load %arg16[%swap3A_425, %swap3A_426] {strides = array<i32>} : memref<128x80xf32, #tpu.memory_space<vmem>>, vector<16xf32>,
        tpu.vector_store %arg16[%swap3A_425, %swap3A_426], %mul3A_424 {strides = array<i32>} : memref<128x80xf32, #tpu.memory_space<vmem>>, vector<16xf32>,
        %add3A_428 = arith.constant 16 : i32
        %add3A_429 = arith.addi %mul3A_58, %add3A_428 : i32
        %get3A_430 = arith.index_cast %add3A_417 : i32 to index
        %get3A_431 = arith.index_cast %add3A_429 : i32 to index
        %get3A_432 = tpu.vector_load %arg15[%get3A_430, %get3A_431] {strides = array<i32>} : memref<128x128xf32, #tpu.memory_space<vmem>>, vector<16xf32>,
        %mul3A_433 = arith.mulf %get3A_432, %gather3A_419 : vector<16xf32>
        %swap3A_434 = arith.index_cast %add3A_417 : i32 to index
        %swap3A_435 = arith.constant 16 : index
        %swap3A_436 = tpu.vector_load %arg16[%swap3A_434, %swap3A_435] {strides = array<i32>} : memref<128x80xf32, #tpu.memory_space<vmem>>, vector<16xf32>,
        tpu.vector_store %arg16[%swap3A_434, %swap3A_435], %mul3A_433 {strides = array<i32>} : memref<128x80xf32, #tpu.memory_space<vmem>>, vector<16xf32>,
        %add3A_437 = arith.constant 32 : i32
        %add3A_438 = arith.addi %mul3A_58, %add3A_437 : i32
        %get3A_439 = arith.index_cast %add3A_417 : i32 to index
        %get3A_440 = arith.index_cast %add3A_438 : i32 to index
        %get3A_441 = tpu.vector_load %arg15[%get3A_439, %get3A_440] {strides = array<i32>} : memref<128x128xf32, #tpu.memory_space<vmem>>, vector<16xf32>,
        %mul3A_442 = arith.mulf %get3A_441, %gather3A_420 : vector<16xf32>
        %swap3A_443 = arith.index_cast %add3A_417 : i32 to index
        %swap3A_444 = arith.constant 32 : index
        %swap3A_445 = tpu.vector_load %arg16[%swap3A_443, %swap3A_444] {strides = array<i32>} : memref<128x80xf32, #tpu.memory_space<vmem>>, vector<16xf32>,
        tpu.vector_store %arg16[%swap3A_443, %swap3A_444], %mul3A_442 {strides = array<i32>} : memref<128x80xf32, #tpu.memory_space<vmem>>, vector<16xf32>,
        %add3A_446 = arith.constant 48 : i32
        %add3A_447 = arith.addi %mul3A_58, %add3A_446 : i32
        %get3A_448 = arith.index_cast %add3A_417 : i32 to index
        %get3A_449 = arith.index_cast %add3A_447 : i32 to index
        %get3A_450 = tpu.vector_load %arg15[%get3A_448, %get3A_449] {strides = array<i32>} : memref<128x128xf32, #tpu.memory_space<vmem>>, vector<16xf32>,
        %mul3A_451 = arith.mulf %get3A_450, %gather3A_420 : vector<16xf32>
        %swap3A_452 = arith.index_cast %add3A_417 : i32 to index
        %swap3A_453 = arith.constant 48 : index
        %swap3A_454 = tpu.vector_load %arg16[%swap3A_452, %swap3A_453] {strides = array<i32>} : memref<128x80xf32, #tpu.memory_space<vmem>>, vector<16xf32>,
        tpu.vector_store %arg16[%swap3A_452, %swap3A_453], %mul3A_451 {strides = array<i32>} : memref<128x80xf32, #tpu.memory_space<vmem>>, vector<16xf32>,
        %mul3A_455 = arith.mulf %gather3A_419, %convert_element_type3A_43 : vector<16xf32>
        %mul3A_456 = arith.mulf %gather3A_420, %convert_element_type3A_48 : vector<16xf32>
        %add3A_457 = arith.addf %mul3A_455, %mul3A_456 : vector<16xf32>
        %swap3A_458 = arith.index_cast %add3A_417 : i32 to index
        %swap3A_459 = arith.constant 64 : index
        %swap3A_460 = tpu.vector_load %arg16[%swap3A_458, %swap3A_459] {strides = array<i32>} : memref<128x80xf32, #tpu.memory_space<vmem>>, vector<16xf32>,
        tpu.vector_store %arg16[%swap3A_458, %swap3A_459], %add3A_457 {strides = array<i32>} : memref<128x80xf32, #tpu.memory_space<vmem>>, vector<16xf32>,
        %scan3A_461 = arith.constant 1 : i32
        %scan3A_462 = arith.addi %scan3A_413, %scan3A_461 : i32
        %mul3A_463 = arith.constant 1 : i32
        %mul3A_464 = arith.muli %scan3A_462, %mul3A_463 : i32
        %add3A_465 = arith.constant 0 : i32
        %add3A_466 = arith.addi %add3A_465, %mul3A_464 : i32
        %broadcast_in_dim3A_467 = vector.broadcast %add3A_466 : i32 to vector<16xi32>
        %gather3A_468 = tpu.vector_load_idx %arg13[%broadcast_in_dim3A_467] : memref<128xf32, #tpu.memory_space<vmem>>[vector<16xi32>], vector<16xf32>,
        %gather3A_469 = tpu.vector_load_idx %arg14[%broadcast_in_dim3A_467] : memref<128xf32, #tpu.memory_space<vmem>>[vector<16xi32>], vector<16xf32>,
        %get3A_470 = arith.index_cast %add3A_466 : i32 to index
        %get3A_471 = arith.index_cast %mul3A_58 : i32 to index
        %get3A_472 = tpu.vector_load %arg15[%get3A_470, %get3A_471] {strides = array<i32>} : memref<128x128xf32, #tpu.memory_space<vmem>>, vector<16xf32>,
        %mul3A_473 = arith.mulf %get3A_472, %gather3A_468 : vector<16xf32>
        %swap3A_474 = arith.index_cast %add3A_466 : i32 to index
        %swap3A_475 = arith.constant 0 : index
        %swap3A_476 = tpu.vector_load %arg16[%swap3A_474, %swap3A_475] {strides = array<i32>} : memref<128x80xf32, #tpu.memory_space<vmem>>, vector<16xf32>,
        tpu.vector_store %arg16[%swap3A_474, %swap3A_475], %mul3A_473 {strides = array<i32>} : memref<128x80xf32, #tpu.memory_space<vmem>>, vector<16xf32>,
        %add3A_477 = arith.constant 16 : i32
        %add3A_478 = arith.addi %mul3A_58, %add3A_477 : i32
        %get3A_479 = arith.index_cast %add3A_466 : i32 to index
        %get3A_480 = arith.index_cast %add3A_478 : i32 to index
        %get3A_481 = tpu.vector_load %arg15[%get3A_479, %get3A_480] {strides = array<i32>} : memref<128x128xf32, #tpu.memory_space<vmem>>, vector<16xf32>,
        %mul3A_482 = arith.mulf %get3A_481, %gather3A_468 : vector<16xf32>
        %swap3A_483 = arith.index_cast %add3A_466 : i32 to index
        %swap3A_484 = arith.constant 16 : index
        %swap3A_485 = tpu.vector_load %arg16[%swap3A_483, %swap3A_484] {strides = array<i32>} : memref<128x80xf32, #tpu.memory_space<vmem>>, vector<16xf32>,
        tpu.vector_store %arg16[%swap3A_483, %swap3A_484], %mul3A_482 {strides = array<i32>} : memref<128x80xf32, #tpu.memory_space<vmem>>, vector<16xf32>,
        %add3A_486 = arith.constant 32 : i32
        %add3A_487 = arith.addi %mul3A_58, %add3A_486 : i32
        %get3A_488 = arith.index_cast %add3A_466 : i32 to index
        %get3A_489 = arith.index_cast %add3A_487 : i32 to index
        %get3A_490 = tpu.vector_load %arg15[%get3A_488, %get3A_489] {strides = array<i32>} : memref<128x128xf32, #tpu.memory_space<vmem>>, vector<16xf32>,
        %mul3A_491 = arith.mulf %get3A_490, %gather3A_469 : vector<16xf32>
        %swap3A_492 = arith.index_cast %add3A_466 : i32 to index
        %swap3A_493 = arith.constant 32 : index
        %swap3A_494 = tpu.vector_load %arg16[%swap3A_492, %swap3A_493] {strides = array<i32>} : memref<128x80xf32, #tpu.memory_space<vmem>>, vector<16xf32>,
        tpu.vector_store %arg16[%swap3A_492, %swap3A_493], %mul3A_491 {strides = array<i32>} : memref<128x80xf32, #tpu.memory_space<vmem>>, vector<16xf32>,
        %add3A_495 = arith.constant 48 : i32
        %add3A_496 = arith.addi %mul3A_58, %add3A_495 : i32
        %get3A_497 = arith.index_cast %add3A_466 : i32 to index
        %get3A_498 = arith.index_cast %add3A_496 : i32 to index
        %get3A_499 = tpu.vector_load %arg15[%get3A_497, %get3A_498] {strides = array<i32>} : memref<128x128xf32, #tpu.memory_space<vmem>>, vector<16xf32>,
        %mul3A_500 = arith.mulf %get3A_499, %gather3A_469 : vector<16xf32>
        %swap3A_501 = arith.index_cast %add3A_466 : i32 to index
        %swap3A_502 = arith.constant 48 : index
        %swap3A_503 = tpu.vector_load %arg16[%swap3A_501, %swap3A_502] {strides = array<i32>} : memref<128x80xf32, #tpu.memory_space<vmem>>, vector<16xf32>,
        tpu.vector_store %arg16[%swap3A_501, %swap3A_502], %mul3A_500 {strides = array<i32>} : memref<128x80xf32, #tpu.memory_space<vmem>>, vector<16xf32>,
        %mul3A_504 = arith.mulf %gather3A_468, %convert_element_type3A_43 : vector<16xf32>
        %mul3A_505 = arith.mulf %gather3A_469, %convert_element_type3A_48 : vector<16xf32>
        %add3A_506 = arith.addf %mul3A_504, %mul3A_505 : vector<16xf32>
        %swap3A_507 = arith.index_cast %add3A_466 : i32 to index
        %swap3A_508 = arith.constant 64 : index
        %swap3A_509 = tpu.vector_load %arg16[%swap3A_507, %swap3A_508] {strides = array<i32>} : memref<128x80xf32, #tpu.memory_space<vmem>>, vector<16xf32>,
        tpu.vector_store %arg16[%swap3A_507, %swap3A_508], %add3A_506 {strides = array<i32>} : memref<128x80xf32, #tpu.memory_space<vmem>>, vector<16xf32>,
        %scan3A_510 = arith.constant 2 : i32
        %scan3A_511 = arith.addi %scan3A_413, %scan3A_510 : i32
        %mul3A_512 = arith.constant 1 : i32
        %mul3A_513 = arith.muli %scan3A_511, %mul3A_512 : i32
        %add3A_514 = arith.constant 0 : i32
        %add3A_515 = arith.addi %add3A_514, %mul3A_513 : i32
        %broadcast_in_dim3A_516 = vector.broadcast %add3A_515 : i32 to vector<16xi32>
        %gather3A_517 = tpu.vector_load_idx %arg13[%broadcast_in_dim3A_516] : memref<128xf32, #tpu.memory_space<vmem>>[vector<16xi32>], vector<16xf32>,
        %gather3A_518 = tpu.vector_load_idx %arg14[%broadcast_in_dim3A_516] : memref<128xf32, #tpu.memory_space<vmem>>[vector<16xi32>], vector<16xf32>,
        %get3A_519 = arith.index_cast %add3A_515 : i32 to index
        %get3A_520 = arith.index_cast %mul3A_58 : i32 to index
        %get3A_521 = tpu.vector_load %arg15[%get3A_519, %get3A_520] {strides = array<i32>} : memref<128x128xf32, #tpu.memory_space<vmem>>, vector<16xf32>,
        %mul3A_522 = arith.mulf %get3A_521, %gather3A_517 : vector<16xf32>
        %swap3A_523 = arith.index_cast %add3A_515 : i32 to index
        %swap3A_524 = arith.constant 0 : index
        %swap3A_525 = tpu.vector_load %arg16[%swap3A_523, %swap3A_524] {strides = array<i32>} : memref<128x80xf32, #tpu.memory_space<vmem>>, vector<16xf32>,
        tpu.vector_store %arg16[%swap3A_523, %swap3A_524], %mul3A_522 {strides = array<i32>} : memref<128x80xf32, #tpu.memory_space<vmem>>, vector<16xf32>,
        %add3A_526 = arith.constant 16 : i32
        %add3A_527 = arith.addi %mul3A_58, %add3A_526 : i32
        %get3A_528 = arith.index_cast %add3A_515 : i32 to index
        %get3A_529 = arith.index_cast %add3A_527 : i32 to index
        %get3A_530 = tpu.vector_load %arg15[%get3A_528, %get3A_529] {strides = array<i32>} : memref<128x128xf32, #tpu.memory_space<vmem>>, vector<16xf32>,
        %mul3A_531 = arith.mulf %get3A_530, %gather3A_517 : vector<16xf32>
        %swap3A_532 = arith.index_cast %add3A_515 : i32 to index
        %swap3A_533 = arith.constant 16 : index
        %swap3A_534 = tpu.vector_load %arg16[%swap3A_532, %swap3A_533] {strides = array<i32>} : memref<128x80xf32, #tpu.memory_space<vmem>>, vector<16xf32>,
        tpu.vector_store %arg16[%swap3A_532, %swap3A_533], %mul3A_531 {strides = array<i32>} : memref<128x80xf32, #tpu.memory_space<vmem>>, vector<16xf32>,
        %add3A_535 = arith.constant 32 : i32
        %add3A_536 = arith.addi %mul3A_58, %add3A_535 : i32
        %get3A_537 = arith.index_cast %add3A_515 : i32 to index
        %get3A_538 = arith.index_cast %add3A_536 : i32 to index
        %get3A_539 = tpu.vector_load %arg15[%get3A_537, %get3A_538] {strides = array<i32>} : memref<128x128xf32, #tpu.memory_space<vmem>>, vector<16xf32>,
        %mul3A_540 = arith.mulf %get3A_539, %gather3A_518 : vector<16xf32>
        %swap3A_541 = arith.index_cast %add3A_515 : i32 to index
        %swap3A_542 = arith.constant 32 : index
        %swap3A_543 = tpu.vector_load %arg16[%swap3A_541, %swap3A_542] {strides = array<i32>} : memref<128x80xf32, #tpu.memory_space<vmem>>, vector<16xf32>,
        tpu.vector_store %arg16[%swap3A_541, %swap3A_542], %mul3A_540 {strides = array<i32>} : memref<128x80xf32, #tpu.memory_space<vmem>>, vector<16xf32>,
        %add3A_544 = arith.constant 48 : i32
        %add3A_545 = arith.addi %mul3A_58, %add3A_544 : i32
        %get3A_546 = arith.index_cast %add3A_515 : i32 to index
        %get3A_547 = arith.index_cast %add3A_545 : i32 to index
        %get3A_548 = tpu.vector_load %arg15[%get3A_546, %get3A_547] {strides = array<i32>} : memref<128x128xf32, #tpu.memory_space<vmem>>, vector<16xf32>,
        %mul3A_549 = arith.mulf %get3A_548, %gather3A_518 : vector<16xf32>
        %swap3A_550 = arith.index_cast %add3A_515 : i32 to index
        %swap3A_551 = arith.constant 48 : index
        %swap3A_552 = tpu.vector_load %arg16[%swap3A_550, %swap3A_551] {strides = array<i32>} : memref<128x80xf32, #tpu.memory_space<vmem>>, vector<16xf32>,
        tpu.vector_store %arg16[%swap3A_550, %swap3A_551], %mul3A_549 {strides = array<i32>} : memref<128x80xf32, #tpu.memory_space<vmem>>, vector<16xf32>,
        %mul3A_553 = arith.mulf %gather3A_517, %convert_element_type3A_43 : vector<16xf32>
        %mul3A_554 = arith.mulf %gather3A_518, %convert_element_type3A_48 : vector<16xf32>
        %add3A_555 = arith.addf %mul3A_553, %mul3A_554 : vector<16xf32>
        %swap3A_556 = arith.index_cast %add3A_515 : i32 to index
        %swap3A_557 = arith.constant 64 : index
        %swap3A_558 = tpu.vector_load %arg16[%swap3A_556, %swap3A_557] {strides = array<i32>} : memref<128x80xf32, #tpu.memory_space<vmem>>, vector<16xf32>,
        tpu.vector_store %arg16[%swap3A_556, %swap3A_557], %add3A_555 {strides = array<i32>} : memref<128x80xf32, #tpu.memory_space<vmem>>, vector<16xf32>,
        %scan3A_559 = arith.constant 3 : i32
        %scan3A_560 = arith.addi %scan3A_413, %scan3A_559 : i32
        %mul3A_561 = arith.constant 1 : i32
        %mul3A_562 = arith.muli %scan3A_560, %mul3A_561 : i32
        %add3A_563 = arith.constant 0 : i32
        %add3A_564 = arith.addi %add3A_563, %mul3A_562 : i32
        %broadcast_in_dim3A_565 = vector.broadcast %add3A_564 : i32 to vector<16xi32>
        %gather3A_566 = tpu.vector_load_idx %arg13[%broadcast_in_dim3A_565] : memref<128xf32, #tpu.memory_space<vmem>>[vector<16xi32>], vector<16xf32>,
        %gather3A_567 = tpu.vector_load_idx %arg14[%broadcast_in_dim3A_565] : memref<128xf32, #tpu.memory_space<vmem>>[vector<16xi32>], vector<16xf32>,
        %get3A_568 = arith.index_cast %add3A_564 : i32 to index
        %get3A_569 = arith.index_cast %mul3A_58 : i32 to index
        %get3A_570 = tpu.vector_load %arg15[%get3A_568, %get3A_569] {strides = array<i32>} : memref<128x128xf32, #tpu.memory_space<vmem>>, vector<16xf32>,
        %mul3A_571 = arith.mulf %get3A_570, %gather3A_566 : vector<16xf32>
        %swap3A_572 = arith.index_cast %add3A_564 : i32 to index
        %swap3A_573 = arith.constant 0 : index
        %swap3A_574 = tpu.vector_load %arg16[%swap3A_572, %swap3A_573] {strides = array<i32>} : memref<128x80xf32, #tpu.memory_space<vmem>>, vector<16xf32>,
        tpu.vector_store %arg16[%swap3A_572, %swap3A_573], %mul3A_571 {strides = array<i32>} : memref<128x80xf32, #tpu.memory_space<vmem>>, vector<16xf32>,
        %add3A_575 = arith.constant 16 : i32
        %add3A_576 = arith.addi %mul3A_58, %add3A_575 : i32
        %get3A_577 = arith.index_cast %add3A_564 : i32 to index
        %get3A_578 = arith.index_cast %add3A_576 : i32 to index
        %get3A_579 = tpu.vector_load %arg15[%get3A_577, %get3A_578] {strides = array<i32>} : memref<128x128xf32, #tpu.memory_space<vmem>>, vector<16xf32>,
        %mul3A_580 = arith.mulf %get3A_579, %gather3A_566 : vector<16xf32>
        %swap3A_581 = arith.index_cast %add3A_564 : i32 to index
        %swap3A_582 = arith.constant 16 : index
        %swap3A_583 = tpu.vector_load %arg16[%swap3A_581, %swap3A_582] {strides = array<i32>} : memref<128x80xf32, #tpu.memory_space<vmem>>, vector<16xf32>,
        tpu.vector_store %arg16[%swap3A_581, %swap3A_582], %mul3A_580 {strides = array<i32>} : memref<128x80xf32, #tpu.memory_space<vmem>>, vector<16xf32>,
        %add3A_584 = arith.constant 32 : i32
        %add3A_585 = arith.addi %mul3A_58, %add3A_584 : i32
        %get3A_586 = arith.index_cast %add3A_564 : i32 to index
        %get3A_587 = arith.index_cast %add3A_585 : i32 to index
        %get3A_588 = tpu.vector_load %arg15[%get3A_586, %get3A_587] {strides = array<i32>} : memref<128x128xf32, #tpu.memory_space<vmem>>, vector<16xf32>,
        %mul3A_589 = arith.mulf %get3A_588, %gather3A_567 : vector<16xf32>
        %swap3A_590 = arith.index_cast %add3A_564 : i32 to index
        %swap3A_591 = arith.constant 32 : index
        %swap3A_592 = tpu.vector_load %arg16[%swap3A_590, %swap3A_591] {strides = array<i32>} : memref<128x80xf32, #tpu.memory_space<vmem>>, vector<16xf32>,
        tpu.vector_store %arg16[%swap3A_590, %swap3A_591], %mul3A_589 {strides = array<i32>} : memref<128x80xf32, #tpu.memory_space<vmem>>, vector<16xf32>,
        %add3A_593 = arith.constant 48 : i32
        %add3A_594 = arith.addi %mul3A_58, %add3A_593 : i32
        %get3A_595 = arith.index_cast %add3A_564 : i32 to index
        %get3A_596 = arith.index_cast %add3A_594 : i32 to index
        %get3A_597 = tpu.vector_load %arg15[%get3A_595, %get3A_596] {strides = array<i32>} : memref<128x128xf32, #tpu.memory_space<vmem>>, vector<16xf32>,
        %mul3A_598 = arith.mulf %get3A_597, %gather3A_567 : vector<16xf32>
        %swap3A_599 = arith.index_cast %add3A_564 : i32 to index
        %swap3A_600 = arith.constant 48 : index
        %swap3A_601 = tpu.vector_load %arg16[%swap3A_599, %swap3A_600] {strides = array<i32>} : memref<128x80xf32, #tpu.memory_space<vmem>>, vector<16xf32>,
        tpu.vector_store %arg16[%swap3A_599, %swap3A_600], %mul3A_598 {strides = array<i32>} : memref<128x80xf32, #tpu.memory_space<vmem>>, vector<16xf32>,
        %mul3A_602 = arith.mulf %gather3A_566, %convert_element_type3A_43 : vector<16xf32>
        %mul3A_603 = arith.mulf %gather3A_567, %convert_element_type3A_48 : vector<16xf32>
        %add3A_604 = arith.addf %mul3A_602, %mul3A_603 : vector<16xf32>
        %swap3A_605 = arith.index_cast %add3A_564 : i32 to index
        %swap3A_606 = arith.constant 64 : index
        %swap3A_607 = tpu.vector_load %arg16[%swap3A_605, %swap3A_606] {strides = array<i32>} : memref<128x80xf32, #tpu.memory_space<vmem>>, vector<16xf32>,
        tpu.vector_store %arg16[%swap3A_605, %swap3A_606], %add3A_604 {strides = array<i32>} : memref<128x80xf32, #tpu.memory_space<vmem>>, vector<16xf32>,
      }
      %scan3A_412 = arith.constant 128 : i32
      "tpu.region"() ({
        %run_scoped3A = tpu.sem_alloc : memref<!tpu.dma_semaphore, #tpu.memory_space<semaphore_mem>>
        %dma_start3A_413 = arith.constant 0 : i32
        %dma_start3A_414 = arith.constant 0 : i32
        %dma_start3A_415 = tpu.memref_slice %arg9[%dma_start3A_413, %dma_start3A_414] : memref<10016x80xf32, #tpu.memory_space<vmem_shared>> -> memref<10016x80xf32, #tpu.memory_space<vmem_shared>>
        tpu.enqueue_indirect_dma source(%arg16 : memref<128x80xf32, #tpu.memory_space<vmem>>) target(%dma_start3A_415 : memref<10016x80xf32, #tpu.memory_space<vmem_shared>>) offsets(%arg12 : memref<128xi32, #tpu.memory_space<vmem>>) semaphore(%run_scoped3A : memref<!tpu.dma_semaphore, #tpu.memory_space<semaphore_mem>>) {add = true}
        %dma_wait3A_416 = arith.constant 0 : i32
        %dma_wait3A_417 = arith.constant 0 : i32
        %dma_wait3A_418 = tpu.memref_slice %arg9[%dma_wait3A_416, %dma_wait3A_417] : memref<10016x80xf32, #tpu.memory_space<vmem_shared>> -> memref<10016x80xf32, #tpu.memory_space<vmem_shared>>
        tpu.wait_indirect_dma semaphore(%run_scoped3A : memref<!tpu.dma_semaphore, #tpu.memory_space<semaphore_mem>>) src(%arg16 : memref<128x80xf32, #tpu.memory_space<vmem>>) dst(%dma_wait3A_418 : memref<10016x80xf32, #tpu.memory_space<vmem_shared>>)
        tpu.yield
      }) : () -> ()
    }
    %scan3A_63 = arith.constant 157 : i32
    %barrier3A_64 = arith.constant 0 : index
    tpu.barrier barrier_id(%barrier3A_64)
    %eq3A_65 = arith.constant 0 : i32
    %eq3A_66 = arith.cmpi eq, %arg0, %eq3A_65 : i32
    %convert_element_type3A_67 = arith.extui %eq3A_66 : i1 to i32
    %cond3A_68 = arith.constant 0 : i32
    %cond3A_69 = arith.cmpi ne, %convert_element_type3A_67, %cond3A_68 : i32
    scf.if %cond3A_69 {
      %mul3A_90 = arith.constant 624 : i32
      %mul3A_91 = arith.muli %arg1, %mul3A_90 : i32
      %mul3A_92 = arith.constant 624 : i32
      %mul3A_93 = arith.muli %arg1, %mul3A_92 : i32
      "tpu.region"() ({
        %run_scoped3A = tpu.sem_alloc : memref<!tpu.dma_semaphore, #tpu.memory_space<semaphore_mem>>
        %dma_start3A = arith.constant 0 : i32
        %dma_start3A_94 = tpu.memref_slice %arg7[%mul3A_93, %dma_start3A] : memref<10016x128xf32, #tpu.memory_space<hbm>> -> memref<624x80xf32, #tpu.memory_space<hbm>>
        %dma_start3A_95 = arith.constant 0 : i32
        %dma_start3A_96 = tpu.memref_slice %arg9[%mul3A_91, %dma_start3A_95] : memref<10016x80xf32, #tpu.memory_space<vmem_shared>> -> memref<624x80xf32, #tpu.memory_space<vmem_shared>>
        tpu.enqueue_dma source(%dma_start3A_96 : memref<624x80xf32, #tpu.memory_space<vmem_shared>>) target(%dma_start3A_94 : memref<624x80xf32, #tpu.memory_space<hbm>>) target_semaphore(%run_scoped3A : memref<!tpu.dma_semaphore, #tpu.memory_space<semaphore_mem>>)
        %dma_wait3A = arith.constant 0 : i32
        %dma_wait3A_97 = tpu.memref_slice %arg7[%mul3A_93, %dma_wait3A] : memref<10016x128xf32, #tpu.memory_space<hbm>> -> memref<624x80xf32, #tpu.memory_space<hbm>>
        %dma_wait3A_98 = arith.constant 0 : i32
        %dma_wait3A_99 = tpu.memref_slice %arg9[%mul3A_91, %dma_wait3A_98] : memref<10016x80xf32, #tpu.memory_space<vmem_shared>> -> memref<624x80xf32, #tpu.memory_space<vmem_shared>>
        tpu.wait_dma2 semaphore(%run_scoped3A : memref<!tpu.dma_semaphore, #tpu.memory_space<semaphore_mem>>) src(%dma_wait3A_99 : memref<624x80xf32, #tpu.memory_space<vmem_shared>>) dst(%dma_wait3A_97 : memref<624x80xf32, #tpu.memory_space<hbm>>)
        tpu.yield
      }) : () -> ()
    } else {
    }
    %eq3A_70 = arith.constant 1 : i32
    %eq3A_71 = arith.cmpi eq, %arg0, %eq3A_70 : i32
    %convert_element_type3A_72 = arith.extui %eq3A_71 : i1 to i32
    %cond3A_73 = arith.constant 0 : i32
    %cond3A_74 = arith.cmpi ne, %convert_element_type3A_72, %cond3A_73 : i32
    scf.if %cond3A_74 {
      %mul3A_90 = arith.constant 624 : i32
      %mul3A_91 = arith.muli %arg1, %mul3A_90 : i32
      %mul3A_92 = arith.constant 624 : i32
      %mul3A_93 = arith.muli %arg1, %mul3A_92 : i32
      "tpu.region"() ({
        %run_scoped3A = tpu.sem_alloc : memref<!tpu.dma_semaphore, #tpu.memory_space<semaphore_mem>>
        %dma_start3A = arith.constant 0 : i32
        %dma_start3A_94 = tpu.memref_slice %arg8[%mul3A_93, %dma_start3A] : memref<10016x128xf32, #tpu.memory_space<hbm>> -> memref<624x80xf32, #tpu.memory_space<hbm>>
        %dma_start3A_95 = arith.constant 0 : i32
        %dma_start3A_96 = tpu.memref_slice %arg9[%mul3A_91, %dma_start3A_95] : memref<10016x80xf32, #tpu.memory_space<vmem_shared>> -> memref<624x80xf32, #tpu.memory_space<vmem_shared>>
        tpu.enqueue_dma source(%dma_start3A_96 : memref<624x80xf32, #tpu.memory_space<vmem_shared>>) target(%dma_start3A_94 : memref<624x80xf32, #tpu.memory_space<hbm>>) target_semaphore(%run_scoped3A : memref<!tpu.dma_semaphore, #tpu.memory_space<semaphore_mem>>)
        %dma_wait3A = arith.constant 0 : i32
        %dma_wait3A_97 = tpu.memref_slice %arg8[%mul3A_93, %dma_wait3A] : memref<10016x128xf32, #tpu.memory_space<hbm>> -> memref<624x80xf32, #tpu.memory_space<hbm>>
        %dma_wait3A_98 = arith.constant 0 : i32
        %dma_wait3A_99 = tpu.memref_slice %arg9[%mul3A_91, %dma_wait3A_98] : memref<10016x80xf32, #tpu.memory_space<vmem_shared>> -> memref<624x80xf32, #tpu.memory_space<vmem_shared>>
        tpu.wait_dma2 semaphore(%run_scoped3A : memref<!tpu.dma_semaphore, #tpu.memory_space<semaphore_mem>>) src(%dma_wait3A_99 : memref<624x80xf32, #tpu.memory_space<vmem_shared>>) dst(%dma_wait3A_97 : memref<624x80xf32, #tpu.memory_space<hbm>>)
        tpu.yield
      }) : () -> ()
    } else {
    }
    %eq3A_75 = arith.constant 0 : i32
    %eq3A_76 = arith.cmpi eq, %arg1, %eq3A_75 : i32
    %eq3A_77 = arith.constant 0 : i32
    %eq3A_78 = arith.cmpi eq, %arg0, %eq3A_77 : i32
    %and3A = arith.andi %eq3A_76, %eq3A_78 : i1
    %convert_element_type3A_79 = arith.extui %and3A : i1 to i32
    %cond3A_80 = arith.constant 0 : i32
    %cond3A_81 = arith.cmpi ne, %convert_element_type3A_79, %cond3A_80 : i32
    scf.if %cond3A_81 {
      "tpu.region"() ({
        %run_scoped3A = tpu.sem_alloc : memref<!tpu.dma_semaphore, #tpu.memory_space<semaphore_mem>>
        %dma_start3A = arith.constant 9984 : i32
        %dma_start3A_90 = arith.constant 0 : i32
        %dma_start3A_91 = tpu.memref_slice %arg7[%dma_start3A, %dma_start3A_90] : memref<10016x128xf32, #tpu.memory_space<hbm>> -> memref<32x80xf32, #tpu.memory_space<hbm>>
        %dma_start3A_92 = arith.constant 9984 : i32
        %dma_start3A_93 = arith.constant 0 : i32
        %dma_start3A_94 = tpu.memref_slice %arg9[%dma_start3A_92, %dma_start3A_93] : memref<10016x80xf32, #tpu.memory_space<vmem_shared>> -> memref<32x80xf32, #tpu.memory_space<vmem_shared>>
        tpu.enqueue_dma source(%dma_start3A_94 : memref<32x80xf32, #tpu.memory_space<vmem_shared>>) target(%dma_start3A_91 : memref<32x80xf32, #tpu.memory_space<hbm>>) target_semaphore(%run_scoped3A : memref<!tpu.dma_semaphore, #tpu.memory_space<semaphore_mem>>)
        %dma_wait3A = arith.constant 9984 : i32
        %dma_wait3A_95 = arith.constant 0 : i32
        %dma_wait3A_96 = tpu.memref_slice %arg7[%dma_wait3A, %dma_wait3A_95] : memref<10016x128xf32, #tpu.memory_space<hbm>> -> memref<32x80xf32, #tpu.memory_space<hbm>>
        %dma_wait3A_97 = arith.constant 9984 : i32
        %dma_wait3A_98 = arith.constant 0 : i32
        %dma_wait3A_99 = tpu.memref_slice %arg9[%dma_wait3A_97, %dma_wait3A_98] : memref<10016x80xf32, #tpu.memory_space<vmem_shared>> -> memref<32x80xf32, #tpu.memory_space<vmem_shared>>
        tpu.wait_dma2 semaphore(%run_scoped3A : memref<!tpu.dma_semaphore, #tpu.memory_space<semaphore_mem>>) src(%dma_wait3A_99 : memref<32x80xf32, #tpu.memory_space<vmem_shared>>) dst(%dma_wait3A_96 : memref<32x80xf32, #tpu.memory_space<hbm>>)
        tpu.yield
      }) : () -> ()
    } else {
    }
    %eq3A_82 = arith.constant 0 : i32
    %eq3A_83 = arith.cmpi eq, %arg1, %eq3A_82 : i32
    %eq3A_84 = arith.constant 1 : i32
    %eq3A_85 = arith.cmpi eq, %arg0, %eq3A_84 : i32
    %and3A_86 = arith.andi %eq3A_83, %eq3A_85 : i1
    %convert_element_type3A_87 = arith.extui %and3A_86 : i1 to i32
    %cond3A_88 = arith.constant 0 : i32
    %cond3A_89 = arith.cmpi ne, %convert_element_type3A_87, %cond3A_88 : i32
    scf.if %cond3A_89 {
      "tpu.region"() ({
        %run_scoped3A = tpu.sem_alloc : memref<!tpu.dma_semaphore, #tpu.memory_space<semaphore_mem>>
        %dma_start3A = arith.constant 9984 : i32
        %dma_start3A_90 = arith.constant 0 : i32
        %dma_start3A_91 = tpu.memref_slice %arg8[%dma_start3A, %dma_start3A_90] : memref<10016x128xf32, #tpu.memory_space<hbm>> -> memref<32x80xf32, #tpu.memory_space<hbm>>
        %dma_start3A_92 = arith.constant 9984 : i32
        %dma_start3A_93 = arith.constant 0 : i32
        %dma_start3A_94 = tpu.memref_slice %arg9[%dma_start3A_92, %dma_start3A_93] : memref<10016x80xf32, #tpu.memory_space<vmem_shared>> -> memref<32x80xf32, #tpu.memory_space<vmem_shared>>
        tpu.enqueue_dma source(%dma_start3A_94 : memref<32x80xf32, #tpu.memory_space<vmem_shared>>) target(%dma_start3A_91 : memref<32x80xf32, #tpu.memory_space<hbm>>) target_semaphore(%run_scoped3A : memref<!tpu.dma_semaphore, #tpu.memory_space<semaphore_mem>>)
        %dma_wait3A = arith.constant 9984 : i32
        %dma_wait3A_95 = arith.constant 0 : i32
        %dma_wait3A_96 = tpu.memref_slice %arg8[%dma_wait3A, %dma_wait3A_95] : memref<10016x128xf32, #tpu.memory_space<hbm>> -> memref<32x80xf32, #tpu.memory_space<hbm>>
        %dma_wait3A_97 = arith.constant 9984 : i32
        %dma_wait3A_98 = arith.constant 0 : i32
        %dma_wait3A_99 = tpu.memref_slice %arg9[%dma_wait3A_97, %dma_wait3A_98] : memref<10016x80xf32, #tpu.memory_space<vmem_shared>> -> memref<32x80xf32, #tpu.memory_space<vmem_shared>>
        tpu.wait_dma2 semaphore(%run_scoped3A : memref<!tpu.dma_semaphore, #tpu.memory_space<semaphore_mem>>) src(%dma_wait3A_99 : memref<32x80xf32, #tpu.memory_space<vmem_shared>>) dst(%dma_wait3A_96 : memref<32x80xf32, #tpu.memory_space<hbm>>)
        tpu.yield
      }) : () -> ()
    } else {
    }
    return
  }
}

#map = affine_map<(d0, d1) -> (0)>
#map1 = affine_map<(d0, d1) -> (0, 0)>
module attributes {stable_mosaic.version = 14 : i64} {
  func.func @edge_kernel(%arg0: i32, %arg1: i32, %arg2: memref<321536xi32, #tpu.memory_space<hbm>>, %arg3: memref<321536xi32, #tpu.memory_space<hbm>>, %arg4: memref<10016x128xf32, #tpu.memory_space<hbm>>, %arg5: memref<40064xf32, #tpu.memory_space<hbm>>, %arg6: memref<40064xf32, #tpu.memory_space<hbm>>, %arg7: memref<10016x128xf32, #tpu.memory_space<hbm>>, %arg8: memref<10016x128xf32, #tpu.memory_space<hbm>>, %arg9: memref<10016x80xf32, #tpu.memory_space<vmem_shared>>, %arg10: memref<40064xf32, #tpu.memory_space<vmem>>, %arg11: memref<128xi32, #tpu.memory_space<vmem>>, %arg12: memref<128xi32, #tpu.memory_space<vmem>>, %arg13: memref<128xf32, #tpu.memory_space<vmem>>, %arg14: memref<128xf32, #tpu.memory_space<vmem>>, %arg15: memref<128x128xf32, #tpu.memory_space<vmem>>, %arg16: memref<128x80xf32, #tpu.memory_space<vmem>>, %arg17: memref<!tpu.dma_semaphore, #tpu.memory_space<semaphore_mem>>) attributes {dimension_semantics = [#tpu.dimension_semantics<core_parallel>, #tpu.dimension_semantics<subcore_parallel>], iteration_bounds = array<i64: 2, 16>, scalar_prefetch = 0 : i64, scratch_operands = 9 : i64, tpu.core_type = #tpu.core_type<sc_vector_subcore>, window_params = [{transform_indices = #map}, {transform_indices = #map}, {transform_indices = #map1}, {transform_indices = #map}, {transform_indices = #map}, {transform_indices = #map1}, {transform_indices = #map1}]} {
    %eq3A = arith.constant 0 : i32
    %eq3A_0 = arith.cmpi eq, %arg0, %eq3A : i32
    %convert_element_type3A = arith.extui %eq3A_0 : i1 to i32
    %cond3A = arith.constant 0 : i32
    %cond3A_1 = arith.cmpi ne, %convert_element_type3A, %cond3A : i32
    scf.if %cond3A_1 {
      "tpu.region"() ({
        %run_scoped3A = tpu.sem_alloc : memref<!tpu.dma_semaphore, #tpu.memory_space<semaphore_mem>>
        tpu.enqueue_dma source(%arg5 : memref<40064xf32, #tpu.memory_space<hbm>>) target(%arg10 : memref<40064xf32, #tpu.memory_space<vmem>>) target_semaphore(%run_scoped3A : memref<!tpu.dma_semaphore, #tpu.memory_space<semaphore_mem>>)
        tpu.wait_dma2 semaphore(%run_scoped3A : memref<!tpu.dma_semaphore, #tpu.memory_space<semaphore_mem>>) src(%arg5 : memref<40064xf32, #tpu.memory_space<hbm>>) dst(%arg10 : memref<40064xf32, #tpu.memory_space<vmem>>)
        tpu.yield
      }) : () -> ()
    } else {
    }
    %eq3A_2 = arith.constant 1 : i32
    %eq3A_3 = arith.cmpi eq, %arg0, %eq3A_2 : i32
    %convert_element_type3A_4 = arith.extui %eq3A_3 : i1 to i32
    %cond3A_5 = arith.constant 0 : i32
    %cond3A_6 = arith.cmpi ne, %convert_element_type3A_4, %cond3A_5 : i32
    scf.if %cond3A_6 {
      "tpu.region"() ({
        %run_scoped3A = tpu.sem_alloc : memref<!tpu.dma_semaphore, #tpu.memory_space<semaphore_mem>>
        tpu.enqueue_dma source(%arg6 : memref<40064xf32, #tpu.memory_space<hbm>>) target(%arg10 : memref<40064xf32, #tpu.memory_space<vmem>>) target_semaphore(%run_scoped3A : memref<!tpu.dma_semaphore, #tpu.memory_space<semaphore_mem>>)
        tpu.wait_dma2 semaphore(%run_scoped3A : memref<!tpu.dma_semaphore, #tpu.memory_space<semaphore_mem>>) src(%arg6 : memref<40064xf32, #tpu.memory_space<hbm>>) dst(%arg10 : memref<40064xf32, #tpu.memory_space<vmem>>)
        tpu.yield
      }) : () -> ()
    } else {
    }
    %broadcast_in_dim3A = arith.constant 0.000000e+00 : f32
    %broadcast_in_dim3A_7 = vector.broadcast %broadcast_in_dim3A : f32 to vector<16xf32>
    %scan3A = arith.constant 0 : i32
    %scan3A_8 = arith.constant 128 : i32
    %scan3A_9 = arith.addi %scan3A, %scan3A_8 : i32
    %scan3A_10 = arith.constant 1 : i32
    scf.for %scan3A_90 = %scan3A to %scan3A_9 step %scan3A_10  : i32 {
      %mul3A_91 = arith.constant 1 : i32
      %mul3A_92 = arith.muli %scan3A_90, %mul3A_91 : i32
      %add3A_93 = arith.constant 0 : i32
      %add3A_94 = arith.addi %add3A_93, %mul3A_92 : i32
      %swap3A = arith.index_cast %add3A_94 : i32 to index
      %swap3A_95 = arith.constant 0 : index
      %swap3A_96 = tpu.vector_load %arg16[%swap3A, %swap3A_95] {strides = array<i32>} : memref<128x80xf32, #tpu.memory_space<vmem>>, vector<16xf32>,
      tpu.vector_store %arg16[%swap3A, %swap3A_95], %broadcast_in_dim3A_7 {strides = array<i32>} : memref<128x80xf32, #tpu.memory_space<vmem>>, vector<16xf32>,
      %swap3A_97 = arith.index_cast %add3A_94 : i32 to index
      %swap3A_98 = arith.constant 16 : index
      %swap3A_99 = tpu.vector_load %arg16[%swap3A_97, %swap3A_98] {strides = array<i32>} : memref<128x80xf32, #tpu.memory_space<vmem>>, vector<16xf32>,
      tpu.vector_store %arg16[%swap3A_97, %swap3A_98], %broadcast_in_dim3A_7 {strides = array<i32>} : memref<128x80xf32, #tpu.memory_space<vmem>>, vector<16xf32>,
      %swap3A_100 = arith.index_cast %add3A_94 : i32 to index
      %swap3A_101 = arith.constant 32 : index
      %swap3A_102 = tpu.vector_load %arg16[%swap3A_100, %swap3A_101] {strides = array<i32>} : memref<128x80xf32, #tpu.memory_space<vmem>>, vector<16xf32>,
      tpu.vector_store %arg16[%swap3A_100, %swap3A_101], %broadcast_in_dim3A_7 {strides = array<i32>} : memref<128x80xf32, #tpu.memory_space<vmem>>, vector<16xf32>,
      %swap3A_103 = arith.index_cast %add3A_94 : i32 to index
      %swap3A_104 = arith.constant 48 : index
      %swap3A_105 = tpu.vector_load %arg16[%swap3A_103, %swap3A_104] {strides = array<i32>} : memref<128x80xf32, #tpu.memory_space<vmem>>, vector<16xf32>,
      tpu.vector_store %arg16[%swap3A_103, %swap3A_104], %broadcast_in_dim3A_7 {strides = array<i32>} : memref<128x80xf32, #tpu.memory_space<vmem>>, vector<16xf32>,
      %swap3A_106 = arith.index_cast %add3A_94 : i32 to index
      %swap3A_107 = arith.constant 64 : index
      %swap3A_108 = tpu.vector_load %arg16[%swap3A_106, %swap3A_107] {strides = array<i32>} : memref<128x80xf32, #tpu.memory_space<vmem>>, vector<16xf32>,
      tpu.vector_store %arg16[%swap3A_106, %swap3A_107], %broadcast_in_dim3A_7 {strides = array<i32>} : memref<128x80xf32, #tpu.memory_space<vmem>>, vector<16xf32>,
    }
    %scan3A_11 = arith.constant 128 : i32
    %mul3A = arith.constant 624 : i32
    %mul3A_12 = arith.muli %arg1, %mul3A : i32
    %add3A = arith.constant 0 : i32
    %add3A_13 = arith.addi %mul3A_12, %add3A : i32
    "tpu.region"() ({
      %run_scoped3A = tpu.sem_alloc : memref<!tpu.dma_semaphore, #tpu.memory_space<semaphore_mem>>
      %dma_start3A = arith.constant 0 : i32
      %dma_start3A_90 = arith.constant 0 : i32
      %dma_start3A_91 = tpu.memref_slice %arg16[%dma_start3A, %dma_start3A_90] : memref<128x80xf32, #tpu.memory_space<vmem>> -> memref<104x80xf32, #tpu.memory_space<vmem>>
      %dma_start3A_92 = arith.constant 0 : i32
      %dma_start3A_93 = tpu.memref_slice %arg9[%add3A_13, %dma_start3A_92] : memref<10016x80xf32, #tpu.memory_space<vmem_shared>> -> memref<104x80xf32, #tpu.memory_space<vmem_shared>>
      %dma_start3A_94 = arith.constant 0 : i32
      %dma_start3A_95 = tpu.memref_slice %arg9[%add3A_13, %dma_start3A_94] : memref<10016x80xf32, #tpu.memory_space<vmem_shared>> -> memref<104x80xf32, #tpu.memory_space<vmem_shared>>
      %dma_start3A_96 = arith.constant 0 : i32
      %dma_start3A_97 = arith.constant 0 : i32
      %dma_start3A_98 = tpu.memref_slice %arg16[%dma_start3A_96, %dma_start3A_97] : memref<128x80xf32, #tpu.memory_space<vmem>> -> memref<104x80xf32, #tpu.memory_space<vmem>>
      tpu.enqueue_dma source(%dma_start3A_98 : memref<104x80xf32, #tpu.memory_space<vmem>>) target(%dma_start3A_95 : memref<104x80xf32, #tpu.memory_space<vmem_shared>>) target_semaphore(%run_scoped3A : memref<!tpu.dma_semaphore, #tpu.memory_space<semaphore_mem>>)
      %dma_wait3A = arith.constant 0 : i32
      %dma_wait3A_99 = arith.constant 0 : i32
      %dma_wait3A_100 = tpu.memref_slice %arg16[%dma_wait3A, %dma_wait3A_99] : memref<128x80xf32, #tpu.memory_space<vmem>> -> memref<104x80xf32, #tpu.memory_space<vmem>>
      %dma_wait3A_101 = arith.constant 0 : i32
      %dma_wait3A_102 = tpu.memref_slice %arg9[%add3A_13, %dma_wait3A_101] : memref<10016x80xf32, #tpu.memory_space<vmem_shared>> -> memref<104x80xf32, #tpu.memory_space<vmem_shared>>
      %dma_wait3A_103 = arith.constant 0 : i32
      %dma_wait3A_104 = tpu.memref_slice %arg9[%add3A_13, %dma_wait3A_103] : memref<10016x80xf32, #tpu.memory_space<vmem_shared>> -> memref<104x80xf32, #tpu.memory_space<vmem_shared>>
      %dma_wait3A_105 = arith.constant 0 : i32
      %dma_wait3A_106 = arith.constant 0 : i32
      %dma_wait3A_107 = tpu.memref_slice %arg16[%dma_wait3A_105, %dma_wait3A_106] : memref<128x80xf32, #tpu.memory_space<vmem>> -> memref<104x80xf32, #tpu.memory_space<vmem>>
      tpu.wait_dma2 semaphore(%run_scoped3A : memref<!tpu.dma_semaphore, #tpu.memory_space<semaphore_mem>>) src(%dma_wait3A_107 : memref<104x80xf32, #tpu.memory_space<vmem>>) dst(%dma_wait3A_104 : memref<104x80xf32, #tpu.memory_space<vmem_shared>>)
      tpu.yield
    }) : () -> ()
    %mul3A_14 = arith.constant 624 : i32
    %mul3A_15 = arith.muli %arg1, %mul3A_14 : i32
    %add3A_16 = arith.constant 104 : i32
    %add3A_17 = arith.addi %mul3A_15, %add3A_16 : i32
    "tpu.region"() ({
      %run_scoped3A = tpu.sem_alloc : memref<!tpu.dma_semaphore, #tpu.memory_space<semaphore_mem>>
      %dma_start3A = arith.constant 0 : i32
      %dma_start3A_90 = arith.constant 0 : i32
      %dma_start3A_91 = tpu.memref_slice %arg16[%dma_start3A, %dma_start3A_90] : memref<128x80xf32, #tpu.memory_space<vmem>> -> memref<104x80xf32, #tpu.memory_space<vmem>>
      %dma_start3A_92 = arith.constant 0 : i32
      %dma_start3A_93 = tpu.memref_slice %arg9[%add3A_17, %dma_start3A_92] : memref<10016x80xf32, #tpu.memory_space<vmem_shared>> -> memref<104x80xf32, #tpu.memory_space<vmem_shared>>
      %dma_start3A_94 = arith.constant 0 : i32
      %dma_start3A_95 = tpu.memref_slice %arg9[%add3A_17, %dma_start3A_94] : memref<10016x80xf32, #tpu.memory_space<vmem_shared>> -> memref<104x80xf32, #tpu.memory_space<vmem_shared>>
      %dma_start3A_96 = arith.constant 0 : i32
      %dma_start3A_97 = arith.constant 0 : i32
      %dma_start3A_98 = tpu.memref_slice %arg16[%dma_start3A_96, %dma_start3A_97] : memref<128x80xf32, #tpu.memory_space<vmem>> -> memref<104x80xf32, #tpu.memory_space<vmem>>
      tpu.enqueue_dma source(%dma_start3A_98 : memref<104x80xf32, #tpu.memory_space<vmem>>) target(%dma_start3A_95 : memref<104x80xf32, #tpu.memory_space<vmem_shared>>) target_semaphore(%run_scoped3A : memref<!tpu.dma_semaphore, #tpu.memory_space<semaphore_mem>>)
      %dma_wait3A = arith.constant 0 : i32
      %dma_wait3A_99 = arith.constant 0 : i32
      %dma_wait3A_100 = tpu.memref_slice %arg16[%dma_wait3A, %dma_wait3A_99] : memref<128x80xf32, #tpu.memory_space<vmem>> -> memref<104x80xf32, #tpu.memory_space<vmem>>
      %dma_wait3A_101 = arith.constant 0 : i32
      %dma_wait3A_102 = tpu.memref_slice %arg9[%add3A_17, %dma_wait3A_101] : memref<10016x80xf32, #tpu.memory_space<vmem_shared>> -> memref<104x80xf32, #tpu.memory_space<vmem_shared>>
      %dma_wait3A_103 = arith.constant 0 : i32
      %dma_wait3A_104 = tpu.memref_slice %arg9[%add3A_17, %dma_wait3A_103] : memref<10016x80xf32, #tpu.memory_space<vmem_shared>> -> memref<104x80xf32, #tpu.memory_space<vmem_shared>>
      %dma_wait3A_105 = arith.constant 0 : i32
      %dma_wait3A_106 = arith.constant 0 : i32
      %dma_wait3A_107 = tpu.memref_slice %arg16[%dma_wait3A_105, %dma_wait3A_106] : memref<128x80xf32, #tpu.memory_space<vmem>> -> memref<104x80xf32, #tpu.memory_space<vmem>>
      tpu.wait_dma2 semaphore(%run_scoped3A : memref<!tpu.dma_semaphore, #tpu.memory_space<semaphore_mem>>) src(%dma_wait3A_107 : memref<104x80xf32, #tpu.memory_space<vmem>>) dst(%dma_wait3A_104 : memref<104x80xf32, #tpu.memory_space<vmem_shared>>)
      tpu.yield
    }) : () -> ()
    %mul3A_18 = arith.constant 624 : i32
    %mul3A_19 = arith.muli %arg1, %mul3A_18 : i32
    %add3A_20 = arith.constant 208 : i32
    %add3A_21 = arith.addi %mul3A_19, %add3A_20 : i32
    "tpu.region"() ({
      %run_scoped3A = tpu.sem_alloc : memref<!tpu.dma_semaphore, #tpu.memory_space<semaphore_mem>>
      %dma_start3A = arith.constant 0 : i32
      %dma_start3A_90 = arith.constant 0 : i32
      %dma_start3A_91 = tpu.memref_slice %arg16[%dma_start3A, %dma_start3A_90] : memref<128x80xf32, #tpu.memory_space<vmem>> -> memref<104x80xf32, #tpu.memory_space<vmem>>
      %dma_start3A_92 = arith.constant 0 : i32
      %dma_start3A_93 = tpu.memref_slice %arg9[%add3A_21, %dma_start3A_92] : memref<10016x80xf32, #tpu.memory_space<vmem_shared>> -> memref<104x80xf32, #tpu.memory_space<vmem_shared>>
      %dma_start3A_94 = arith.constant 0 : i32
      %dma_start3A_95 = tpu.memref_slice %arg9[%add3A_21, %dma_start3A_94] : memref<10016x80xf32, #tpu.memory_space<vmem_shared>> -> memref<104x80xf32, #tpu.memory_space<vmem_shared>>
      %dma_start3A_96 = arith.constant 0 : i32
      %dma_start3A_97 = arith.constant 0 : i32
      %dma_start3A_98 = tpu.memref_slice %arg16[%dma_start3A_96, %dma_start3A_97] : memref<128x80xf32, #tpu.memory_space<vmem>> -> memref<104x80xf32, #tpu.memory_space<vmem>>
      tpu.enqueue_dma source(%dma_start3A_98 : memref<104x80xf32, #tpu.memory_space<vmem>>) target(%dma_start3A_95 : memref<104x80xf32, #tpu.memory_space<vmem_shared>>) target_semaphore(%run_scoped3A : memref<!tpu.dma_semaphore, #tpu.memory_space<semaphore_mem>>)
      %dma_wait3A = arith.constant 0 : i32
      %dma_wait3A_99 = arith.constant 0 : i32
      %dma_wait3A_100 = tpu.memref_slice %arg16[%dma_wait3A, %dma_wait3A_99] : memref<128x80xf32, #tpu.memory_space<vmem>> -> memref<104x80xf32, #tpu.memory_space<vmem>>
      %dma_wait3A_101 = arith.constant 0 : i32
      %dma_wait3A_102 = tpu.memref_slice %arg9[%add3A_21, %dma_wait3A_101] : memref<10016x80xf32, #tpu.memory_space<vmem_shared>> -> memref<104x80xf32, #tpu.memory_space<vmem_shared>>
      %dma_wait3A_103 = arith.constant 0 : i32
      %dma_wait3A_104 = tpu.memref_slice %arg9[%add3A_21, %dma_wait3A_103] : memref<10016x80xf32, #tpu.memory_space<vmem_shared>> -> memref<104x80xf32, #tpu.memory_space<vmem_shared>>
      %dma_wait3A_105 = arith.constant 0 : i32
      %dma_wait3A_106 = arith.constant 0 : i32
      %dma_wait3A_107 = tpu.memref_slice %arg16[%dma_wait3A_105, %dma_wait3A_106] : memref<128x80xf32, #tpu.memory_space<vmem>> -> memref<104x80xf32, #tpu.memory_space<vmem>>
      tpu.wait_dma2 semaphore(%run_scoped3A : memref<!tpu.dma_semaphore, #tpu.memory_space<semaphore_mem>>) src(%dma_wait3A_107 : memref<104x80xf32, #tpu.memory_space<vmem>>) dst(%dma_wait3A_104 : memref<104x80xf32, #tpu.memory_space<vmem_shared>>)
      tpu.yield
    }) : () -> ()
    %mul3A_22 = arith.constant 624 : i32
    %mul3A_23 = arith.muli %arg1, %mul3A_22 : i32
    %add3A_24 = arith.constant 312 : i32
    %add3A_25 = arith.addi %mul3A_23, %add3A_24 : i32
    "tpu.region"() ({
      %run_scoped3A = tpu.sem_alloc : memref<!tpu.dma_semaphore, #tpu.memory_space<semaphore_mem>>
      %dma_start3A = arith.constant 0 : i32
      %dma_start3A_90 = arith.constant 0 : i32
      %dma_start3A_91 = tpu.memref_slice %arg16[%dma_start3A, %dma_start3A_90] : memref<128x80xf32, #tpu.memory_space<vmem>> -> memref<104x80xf32, #tpu.memory_space<vmem>>
      %dma_start3A_92 = arith.constant 0 : i32
      %dma_start3A_93 = tpu.memref_slice %arg9[%add3A_25, %dma_start3A_92] : memref<10016x80xf32, #tpu.memory_space<vmem_shared>> -> memref<104x80xf32, #tpu.memory_space<vmem_shared>>
      %dma_start3A_94 = arith.constant 0 : i32
      %dma_start3A_95 = tpu.memref_slice %arg9[%add3A_25, %dma_start3A_94] : memref<10016x80xf32, #tpu.memory_space<vmem_shared>> -> memref<104x80xf32, #tpu.memory_space<vmem_shared>>
      %dma_start3A_96 = arith.constant 0 : i32
      %dma_start3A_97 = arith.constant 0 : i32
      %dma_start3A_98 = tpu.memref_slice %arg16[%dma_start3A_96, %dma_start3A_97] : memref<128x80xf32, #tpu.memory_space<vmem>> -> memref<104x80xf32, #tpu.memory_space<vmem>>
      tpu.enqueue_dma source(%dma_start3A_98 : memref<104x80xf32, #tpu.memory_space<vmem>>) target(%dma_start3A_95 : memref<104x80xf32, #tpu.memory_space<vmem_shared>>) target_semaphore(%run_scoped3A : memref<!tpu.dma_semaphore, #tpu.memory_space<semaphore_mem>>)
      %dma_wait3A = arith.constant 0 : i32
      %dma_wait3A_99 = arith.constant 0 : i32
      %dma_wait3A_100 = tpu.memref_slice %arg16[%dma_wait3A, %dma_wait3A_99] : memref<128x80xf32, #tpu.memory_space<vmem>> -> memref<104x80xf32, #tpu.memory_space<vmem>>
      %dma_wait3A_101 = arith.constant 0 : i32
      %dma_wait3A_102 = tpu.memref_slice %arg9[%add3A_25, %dma_wait3A_101] : memref<10016x80xf32, #tpu.memory_space<vmem_shared>> -> memref<104x80xf32, #tpu.memory_space<vmem_shared>>
      %dma_wait3A_103 = arith.constant 0 : i32
      %dma_wait3A_104 = tpu.memref_slice %arg9[%add3A_25, %dma_wait3A_103] : memref<10016x80xf32, #tpu.memory_space<vmem_shared>> -> memref<104x80xf32, #tpu.memory_space<vmem_shared>>
      %dma_wait3A_105 = arith.constant 0 : i32
      %dma_wait3A_106 = arith.constant 0 : i32
      %dma_wait3A_107 = tpu.memref_slice %arg16[%dma_wait3A_105, %dma_wait3A_106] : memref<128x80xf32, #tpu.memory_space<vmem>> -> memref<104x80xf32, #tpu.memory_space<vmem>>
      tpu.wait_dma2 semaphore(%run_scoped3A : memref<!tpu.dma_semaphore, #tpu.memory_space<semaphore_mem>>) src(%dma_wait3A_107 : memref<104x80xf32, #tpu.memory_space<vmem>>) dst(%dma_wait3A_104 : memref<104x80xf32, #tpu.memory_space<vmem_shared>>)
      tpu.yield
    }) : () -> ()
    %mul3A_26 = arith.constant 624 : i32
    %mul3A_27 = arith.muli %arg1, %mul3A_26 : i32
    %add3A_28 = arith.constant 416 : i32
    %add3A_29 = arith.addi %mul3A_27, %add3A_28 : i32
    "tpu.region"() ({
      %run_scoped3A = tpu.sem_alloc : memref<!tpu.dma_semaphore, #tpu.memory_space<semaphore_mem>>
      %dma_start3A = arith.constant 0 : i32
      %dma_start3A_90 = arith.constant 0 : i32
      %dma_start3A_91 = tpu.memref_slice %arg16[%dma_start3A, %dma_start3A_90] : memref<128x80xf32, #tpu.memory_space<vmem>> -> memref<104x80xf32, #tpu.memory_space<vmem>>
      %dma_start3A_92 = arith.constant 0 : i32
      %dma_start3A_93 = tpu.memref_slice %arg9[%add3A_29, %dma_start3A_92] : memref<10016x80xf32, #tpu.memory_space<vmem_shared>> -> memref<104x80xf32, #tpu.memory_space<vmem_shared>>
      %dma_start3A_94 = arith.constant 0 : i32
      %dma_start3A_95 = tpu.memref_slice %arg9[%add3A_29, %dma_start3A_94] : memref<10016x80xf32, #tpu.memory_space<vmem_shared>> -> memref<104x80xf32, #tpu.memory_space<vmem_shared>>
      %dma_start3A_96 = arith.constant 0 : i32
      %dma_start3A_97 = arith.constant 0 : i32
      %dma_start3A_98 = tpu.memref_slice %arg16[%dma_start3A_96, %dma_start3A_97] : memref<128x80xf32, #tpu.memory_space<vmem>> -> memref<104x80xf32, #tpu.memory_space<vmem>>
      tpu.enqueue_dma source(%dma_start3A_98 : memref<104x80xf32, #tpu.memory_space<vmem>>) target(%dma_start3A_95 : memref<104x80xf32, #tpu.memory_space<vmem_shared>>) target_semaphore(%run_scoped3A : memref<!tpu.dma_semaphore, #tpu.memory_space<semaphore_mem>>)
      %dma_wait3A = arith.constant 0 : i32
      %dma_wait3A_99 = arith.constant 0 : i32
      %dma_wait3A_100 = tpu.memref_slice %arg16[%dma_wait3A, %dma_wait3A_99] : memref<128x80xf32, #tpu.memory_space<vmem>> -> memref<104x80xf32, #tpu.memory_space<vmem>>
      %dma_wait3A_101 = arith.constant 0 : i32
      %dma_wait3A_102 = tpu.memref_slice %arg9[%add3A_29, %dma_wait3A_101] : memref<10016x80xf32, #tpu.memory_space<vmem_shared>> -> memref<104x80xf32, #tpu.memory_space<vmem_shared>>
      %dma_wait3A_103 = arith.constant 0 : i32
      %dma_wait3A_104 = tpu.memref_slice %arg9[%add3A_29, %dma_wait3A_103] : memref<10016x80xf32, #tpu.memory_space<vmem_shared>> -> memref<104x80xf32, #tpu.memory_space<vmem_shared>>
      %dma_wait3A_105 = arith.constant 0 : i32
      %dma_wait3A_106 = arith.constant 0 : i32
      %dma_wait3A_107 = tpu.memref_slice %arg16[%dma_wait3A_105, %dma_wait3A_106] : memref<128x80xf32, #tpu.memory_space<vmem>> -> memref<104x80xf32, #tpu.memory_space<vmem>>
      tpu.wait_dma2 semaphore(%run_scoped3A : memref<!tpu.dma_semaphore, #tpu.memory_space<semaphore_mem>>) src(%dma_wait3A_107 : memref<104x80xf32, #tpu.memory_space<vmem>>) dst(%dma_wait3A_104 : memref<104x80xf32, #tpu.memory_space<vmem_shared>>)
      tpu.yield
    }) : () -> ()
    %mul3A_30 = arith.constant 624 : i32
    %mul3A_31 = arith.muli %arg1, %mul3A_30 : i32
    %add3A_32 = arith.constant 520 : i32
    %add3A_33 = arith.addi %mul3A_31, %add3A_32 : i32
    "tpu.region"() ({
      %run_scoped3A = tpu.sem_alloc : memref<!tpu.dma_semaphore, #tpu.memory_space<semaphore_mem>>
      %dma_start3A = arith.constant 0 : i32
      %dma_start3A_90 = arith.constant 0 : i32
      %dma_start3A_91 = tpu.memref_slice %arg16[%dma_start3A, %dma_start3A_90] : memref<128x80xf32, #tpu.memory_space<vmem>> -> memref<104x80xf32, #tpu.memory_space<vmem>>
      %dma_start3A_92 = arith.constant 0 : i32
      %dma_start3A_93 = tpu.memref_slice %arg9[%add3A_33, %dma_start3A_92] : memref<10016x80xf32, #tpu.memory_space<vmem_shared>> -> memref<104x80xf32, #tpu.memory_space<vmem_shared>>
      %dma_start3A_94 = arith.constant 0 : i32
      %dma_start3A_95 = tpu.memref_slice %arg9[%add3A_33, %dma_start3A_94] : memref<10016x80xf32, #tpu.memory_space<vmem_shared>> -> memref<104x80xf32, #tpu.memory_space<vmem_shared>>
      %dma_start3A_96 = arith.constant 0 : i32
      %dma_start3A_97 = arith.constant 0 : i32
      %dma_start3A_98 = tpu.memref_slice %arg16[%dma_start3A_96, %dma_start3A_97] : memref<128x80xf32, #tpu.memory_space<vmem>> -> memref<104x80xf32, #tpu.memory_space<vmem>>
      tpu.enqueue_dma source(%dma_start3A_98 : memref<104x80xf32, #tpu.memory_space<vmem>>) target(%dma_start3A_95 : memref<104x80xf32, #tpu.memory_space<vmem_shared>>) target_semaphore(%run_scoped3A : memref<!tpu.dma_semaphore, #tpu.memory_space<semaphore_mem>>)
      %dma_wait3A = arith.constant 0 : i32
      %dma_wait3A_99 = arith.constant 0 : i32
      %dma_wait3A_100 = tpu.memref_slice %arg16[%dma_wait3A, %dma_wait3A_99] : memref<128x80xf32, #tpu.memory_space<vmem>> -> memref<104x80xf32, #tpu.memory_space<vmem>>
      %dma_wait3A_101 = arith.constant 0 : i32
      %dma_wait3A_102 = tpu.memref_slice %arg9[%add3A_33, %dma_wait3A_101] : memref<10016x80xf32, #tpu.memory_space<vmem_shared>> -> memref<104x80xf32, #tpu.memory_space<vmem_shared>>
      %dma_wait3A_103 = arith.constant 0 : i32
      %dma_wait3A_104 = tpu.memref_slice %arg9[%add3A_33, %dma_wait3A_103] : memref<10016x80xf32, #tpu.memory_space<vmem_shared>> -> memref<104x80xf32, #tpu.memory_space<vmem_shared>>
      %dma_wait3A_105 = arith.constant 0 : i32
      %dma_wait3A_106 = arith.constant 0 : i32
      %dma_wait3A_107 = tpu.memref_slice %arg16[%dma_wait3A_105, %dma_wait3A_106] : memref<128x80xf32, #tpu.memory_space<vmem>> -> memref<104x80xf32, #tpu.memory_space<vmem>>
      tpu.wait_dma2 semaphore(%run_scoped3A : memref<!tpu.dma_semaphore, #tpu.memory_space<semaphore_mem>>) src(%dma_wait3A_107 : memref<104x80xf32, #tpu.memory_space<vmem>>) dst(%dma_wait3A_104 : memref<104x80xf32, #tpu.memory_space<vmem_shared>>)
      tpu.yield
    }) : () -> ()
    %eq3A_34 = arith.constant 0 : i32
    %eq3A_35 = arith.cmpi eq, %arg1, %eq3A_34 : i32
    %convert_element_type3A_36 = arith.extui %eq3A_35 : i1 to i32
    %cond3A_37 = arith.constant 0 : i32
    %cond3A_38 = arith.cmpi ne, %convert_element_type3A_36, %cond3A_37 : i32
    scf.if %cond3A_38 {
      "tpu.region"() ({
        %run_scoped3A = tpu.sem_alloc : memref<!tpu.dma_semaphore, #tpu.memory_space<semaphore_mem>>
        %dma_start3A = arith.constant 0 : i32
        %dma_start3A_90 = arith.constant 0 : i32
        %dma_start3A_91 = tpu.memref_slice %arg16[%dma_start3A, %dma_start3A_90] : memref<128x80xf32, #tpu.memory_space<vmem>> -> memref<32x80xf32, #tpu.memory_space<vmem>>
        %dma_start3A_92 = arith.constant 9984 : i32
        %dma_start3A_93 = arith.constant 0 : i32
        %dma_start3A_94 = tpu.memref_slice %arg9[%dma_start3A_92, %dma_start3A_93] : memref<10016x80xf32, #tpu.memory_space<vmem_shared>> -> memref<32x80xf32, #tpu.memory_space<vmem_shared>>
        %dma_start3A_95 = arith.constant 9984 : i32
        %dma_start3A_96 = arith.constant 0 : i32
        %dma_start3A_97 = tpu.memref_slice %arg9[%dma_start3A_95, %dma_start3A_96] : memref<10016x80xf32, #tpu.memory_space<vmem_shared>> -> memref<32x80xf32, #tpu.memory_space<vmem_shared>>
        %dma_start3A_98 = arith.constant 0 : i32
        %dma_start3A_99 = arith.constant 0 : i32
        %dma_start3A_100 = tpu.memref_slice %arg16[%dma_start3A_98, %dma_start3A_99] : memref<128x80xf32, #tpu.memory_space<vmem>> -> memref<32x80xf32, #tpu.memory_space<vmem>>
        tpu.enqueue_dma source(%dma_start3A_100 : memref<32x80xf32, #tpu.memory_space<vmem>>) target(%dma_start3A_97 : memref<32x80xf32, #tpu.memory_space<vmem_shared>>) target_semaphore(%run_scoped3A : memref<!tpu.dma_semaphore, #tpu.memory_space<semaphore_mem>>)
        %dma_wait3A = arith.constant 0 : i32
        %dma_wait3A_101 = arith.constant 0 : i32
        %dma_wait3A_102 = tpu.memref_slice %arg16[%dma_wait3A, %dma_wait3A_101] : memref<128x80xf32, #tpu.memory_space<vmem>> -> memref<32x80xf32, #tpu.memory_space<vmem>>
        %dma_wait3A_103 = arith.constant 9984 : i32
        %dma_wait3A_104 = arith.constant 0 : i32
        %dma_wait3A_105 = tpu.memref_slice %arg9[%dma_wait3A_103, %dma_wait3A_104] : memref<10016x80xf32, #tpu.memory_space<vmem_shared>> -> memref<32x80xf32, #tpu.memory_space<vmem_shared>>
        %dma_wait3A_106 = arith.constant 9984 : i32
        %dma_wait3A_107 = arith.constant 0 : i32
        %dma_wait3A_108 = tpu.memref_slice %arg9[%dma_wait3A_106, %dma_wait3A_107] : memref<10016x80xf32, #tpu.memory_space<vmem_shared>> -> memref<32x80xf32, #tpu.memory_space<vmem_shared>>
        %dma_wait3A_109 = arith.constant 0 : i32
        %dma_wait3A_110 = arith.constant 0 : i32
        %dma_wait3A_111 = tpu.memref_slice %arg16[%dma_wait3A_109, %dma_wait3A_110] : memref<128x80xf32, #tpu.memory_space<vmem>> -> memref<32x80xf32, #tpu.memory_space<vmem>>
        tpu.wait_dma2 semaphore(%run_scoped3A : memref<!tpu.dma_semaphore, #tpu.memory_space<semaphore_mem>>) src(%dma_wait3A_111 : memref<32x80xf32, #tpu.memory_space<vmem>>) dst(%dma_wait3A_108 : memref<32x80xf32, #tpu.memory_space<vmem_shared>>)
        tpu.yield
      }) : () -> ()
    } else {
    }
    %barrier3A = arith.constant 0 : index
    tpu.barrier barrier_id(%barrier3A)
    %iota3A = tpu.iota {dimensions = array<i32: 0>} : vector<16xi32>
    %eq3A_39 = arith.constant 0 : i32
    %eq3A_40 = vector.broadcast %eq3A_39 : i32 to vector<16xi32>
    %eq3A_41 = arith.cmpi eq, %iota3A, %eq3A_40 : vector<16xi32>
    %convert_element_type3A_42 = arith.extui %eq3A_41 : vector<16xi1> to vector<16xi32>
    %convert_element_type3A_43 = arith.sitofp %convert_element_type3A_42 : vector<16xi32> to vector<16xf32>
    %eq3A_44 = arith.constant 1 : i32
    %eq3A_45 = vector.broadcast %eq3A_44 : i32 to vector<16xi32>
    %eq3A_46 = arith.cmpi eq, %iota3A, %eq3A_45 : vector<16xi32>
    %convert_element_type3A_47 = arith.extui %eq3A_46 : vector<16xi1> to vector<16xi32>
    %convert_element_type3A_48 = arith.sitofp %convert_element_type3A_47 : vector<16xi32> to vector<16xf32>
    %broadcast_in_dim3A_49 = arith.constant 1 : i32
    %broadcast_in_dim3A_50 = vector.broadcast %broadcast_in_dim3A_49 : i32 to vector<16xi32>
    %broadcast_in_dim3A_51 = arith.constant 2 : i32
    %broadcast_in_dim3A_52 = vector.broadcast %broadcast_in_dim3A_51 : i32 to vector<16xi32>
    %broadcast_in_dim3A_53 = arith.constant 3 : i32
    %broadcast_in_dim3A_54 = vector.broadcast %broadcast_in_dim3A_53 : i32 to vector<16xi32>
    %mul3A_55 = arith.constant 20096 : i32
    %mul3A_56 = arith.muli %arg1, %mul3A_55 : i32
    %mul3A_57 = arith.constant 64 : i32
    %mul3A_58 = arith.muli %arg0, %mul3A_57 : i32
    %scan3A_59 = arith.constant 0 : i32
    %scan3A_60 = arith.constant 157 : i32
    %scan3A_61 = arith.addi %scan3A_59, %scan3A_60 : i32
    %scan3A_62 = arith.constant 1 : i32
    scf.for %scan3A_90 = %scan3A_59 to %scan3A_61 step %scan3A_62  : i32 {
      %mul3A_91 = arith.constant 1 : i32
      %mul3A_92 = arith.muli %scan3A_90, %mul3A_91 : i32
      %add3A_93 = arith.constant 0 : i32
      %add3A_94 = arith.addi %add3A_93, %mul3A_92 : i32
      %mul3A_95 = arith.constant 128 : i32
      %mul3A_96 = arith.muli %add3A_94, %mul3A_95 : i32
      %add3A_97 = arith.addi %mul3A_56, %mul3A_96 : i32
      "tpu.region"() ({
        %run_scoped3A = tpu.sem_alloc : memref<!tpu.dma_semaphore, #tpu.memory_space<semaphore_mem>>
        %dma_start3A_413 = tpu.memref_slice %arg2[%add3A_97] : memref<321536xi32, #tpu.memory_space<hbm>> -> memref<128xi32, #tpu.memory_space<hbm>>
        %dma_start3A_414 = tpu.memref_slice %arg2[%add3A_97] : memref<321536xi32, #tpu.memory_space<hbm>> -> memref<128xi32, #tpu.memory_space<hbm>>
        tpu.enqueue_dma source(%dma_start3A_414 : memref<128xi32, #tpu.memory_space<hbm>>) target(%arg11 : memref<128xi32, #tpu.memory_space<vmem>>) target_semaphore(%run_scoped3A : memref<!tpu.dma_semaphore, #tpu.memory_space<semaphore_mem>>)
        %dma_wait3A_415 = tpu.memref_slice %arg2[%add3A_97] : memref<321536xi32, #tpu.memory_space<hbm>> -> memref<128xi32, #tpu.memory_space<hbm>>
        %dma_wait3A_416 = tpu.memref_slice %arg2[%add3A_97] : memref<321536xi32, #tpu.memory_space<hbm>> -> memref<128xi32, #tpu.memory_space<hbm>>
        tpu.wait_dma2 semaphore(%run_scoped3A : memref<!tpu.dma_semaphore, #tpu.memory_space<semaphore_mem>>) src(%dma_wait3A_416 : memref<128xi32, #tpu.memory_space<hbm>>) dst(%arg11 : memref<128xi32, #tpu.memory_space<vmem>>)
        tpu.yield
      }) : () -> ()
      "tpu.region"() ({
        %run_scoped3A = tpu.sem_alloc : memref<!tpu.dma_semaphore, #tpu.memory_space<semaphore_mem>>
        %dma_start3A_413 = tpu.memref_slice %arg3[%add3A_97] : memref<321536xi32, #tpu.memory_space<hbm>> -> memref<128xi32, #tpu.memory_space<hbm>>
        %dma_start3A_414 = tpu.memref_slice %arg3[%add3A_97] : memref<321536xi32, #tpu.memory_space<hbm>> -> memref<128xi32, #tpu.memory_space<hbm>>
        tpu.enqueue_dma source(%dma_start3A_414 : memref<128xi32, #tpu.memory_space<hbm>>) target(%arg12 : memref<128xi32, #tpu.memory_space<vmem>>) target_semaphore(%run_scoped3A : memref<!tpu.dma_semaphore, #tpu.memory_space<semaphore_mem>>)
        %dma_wait3A_415 = tpu.memref_slice %arg3[%add3A_97] : memref<321536xi32, #tpu.memory_space<hbm>> -> memref<128xi32, #tpu.memory_space<hbm>>
        %dma_wait3A_416 = tpu.memref_slice %arg3[%add3A_97] : memref<321536xi32, #tpu.memory_space<hbm>> -> memref<128xi32, #tpu.memory_space<hbm>>
        tpu.wait_dma2 semaphore(%run_scoped3A : memref<!tpu.dma_semaphore, #tpu.memory_space<semaphore_mem>>) src(%dma_wait3A_416 : memref<128xi32, #tpu.memory_space<hbm>>) dst(%arg12 : memref<128xi32, #tpu.memory_space<vmem>>)
        tpu.yield
      }) : () -> ()
      %dma_start3A = arith.constant 0 : i32
      %dma_start3A_98 = arith.constant 0 : i32
      %dma_start3A_99 = tpu.memref_slice %arg4[%dma_start3A, %dma_start3A_98] : memref<10016x128xf32, #tpu.memory_space<hbm>> -> memref<10016x128xf32, #tpu.memory_space<hbm>>
      tpu.enqueue_indirect_dma source(%dma_start3A_99 : memref<10016x128xf32, #tpu.memory_space<hbm>>) target(%arg15 : memref<128x128xf32, #tpu.memory_space<vmem>>) offsets(%arg11 : memref<128xi32, #tpu.memory_space<vmem>>) semaphore(%arg17 : memref<!tpu.dma_semaphore, #tpu.memory_space<semaphore_mem>>)
      %dma_wait3A = arith.constant 0 : i32
      %dma_wait3A_100 = arith.constant 0 : i32
      %dma_wait3A_101 = tpu.memref_slice %arg4[%dma_wait3A, %dma_wait3A_100] : memref<10016x128xf32, #tpu.memory_space<hbm>> -> memref<10016x128xf32, #tpu.memory_space<hbm>>
      tpu.wait_indirect_dma semaphore(%arg17 : memref<!tpu.dma_semaphore, #tpu.memory_space<semaphore_mem>>) src(%dma_wait3A_101 : memref<10016x128xf32, #tpu.memory_space<hbm>>) dst(%arg15 : memref<128x128xf32, #tpu.memory_space<vmem>>)
      %get3A = arith.constant 0 : index
      %get3A_102 = tpu.vector_load %arg11[%get3A] {strides = array<i32>} : memref<128xi32, #tpu.memory_space<vmem>>, vector<16xi32>,
      %mul3A_103 = arith.constant 4 : i32
      %mul3A_104 = vector.broadcast %mul3A_103 : i32 to vector<16xi32>
      %mul3A_105 = arith.muli %get3A_102, %mul3A_104 : vector<16xi32>
      %get3A_106 = arith.constant 0 : index
      %get3A_107 = tpu.vector_load %arg12[%get3A_106] {strides = array<i32>} : memref<128xi32, #tpu.memory_space<vmem>>, vector<16xi32>,
      %mul3A_108 = arith.constant 4 : i32
      %mul3A_109 = vector.broadcast %mul3A_108 : i32 to vector<16xi32>
      %mul3A_110 = arith.muli %get3A_107, %mul3A_109 : vector<16xi32>
      %gather3A = tpu.vector_load_idx %arg10[%mul3A_105] : memref<40064xf32, #tpu.memory_space<vmem>>[vector<16xi32>], vector<16xf32>,
      %add3A_111 = arith.addi %mul3A_110, %broadcast_in_dim3A_52 : vector<16xi32>
      %gather3A_112 = tpu.vector_load_idx %arg10[%add3A_111] : memref<40064xf32, #tpu.memory_space<vmem>>[vector<16xi32>], vector<16xf32>,
      %add3A_113 = arith.addf %gather3A, %gather3A_112 : vector<16xf32>
      %add3A_114 = arith.addi %mul3A_105, %broadcast_in_dim3A_50 : vector<16xi32>
      %gather3A_115 = tpu.vector_load_idx %arg10[%add3A_114] : memref<40064xf32, #tpu.memory_space<vmem>>[vector<16xi32>], vector<16xf32>,
      %add3A_116 = arith.addi %mul3A_110, %broadcast_in_dim3A_54 : vector<16xi32>
      %gather3A_117 = tpu.vector_load_idx %arg10[%add3A_116] : memref<40064xf32, #tpu.memory_space<vmem>>[vector<16xi32>], vector<16xf32>,
      %add3A_118 = arith.addf %gather3A_115, %gather3A_117 : vector<16xf32>
      %gt3A = arith.constant 0.000000e+00 : f32
      %gt3A_119 = vector.broadcast %gt3A : f32 to vector<16xf32>
      %gt3A_120 = arith.cmpf ogt, %add3A_113, %gt3A_119 : vector<16xf32>
      %mul3A_121 = arith.constant 2.000000e-01 : f32
      %mul3A_122 = vector.broadcast %mul3A_121 : f32 to vector<16xf32>
      %mul3A_123 = arith.mulf %mul3A_122, %add3A_113 : vector<16xf32>
      %select_n3A = arith.select %gt3A_120, %add3A_113, %mul3A_123 : vector<16xi1>, vector<16xf32>
      %exp3A = math.exp %select_n3A : vector<16xf32>
      %swap3A = arith.constant 0 : index
      %swap3A_124 = tpu.vector_load %arg13[%swap3A] {strides = array<i32>} : memref<128xf32, #tpu.memory_space<vmem>>, vector<16xf32>,
      tpu.vector_store %arg13[%swap3A], %exp3A {strides = array<i32>} : memref<128xf32, #tpu.memory_space<vmem>>, vector<16xf32>,
      %gt3A_125 = arith.constant 0.000000e+00 : f32
      %gt3A_126 = vector.broadcast %gt3A_125 : f32 to vector<16xf32>
      %gt3A_127 = arith.cmpf ogt, %add3A_118, %gt3A_126 : vector<16xf32>
      %mul3A_128 = arith.constant 2.000000e-01 : f32
      %mul3A_129 = vector.broadcast %mul3A_128 : f32 to vector<16xf32>
      %mul3A_130 = arith.mulf %mul3A_129, %add3A_118 : vector<16xf32>
      %select_n3A_131 = arith.select %gt3A_127, %add3A_118, %mul3A_130 : vector<16xi1>, vector<16xf32>
      %exp3A_132 = math.exp %select_n3A_131 : vector<16xf32>
      %swap3A_133 = arith.constant 0 : index
      %swap3A_134 = tpu.vector_load %arg14[%swap3A_133] {strides = array<i32>} : memref<128xf32, #tpu.memory_space<vmem>>, vector<16xf32>,
      tpu.vector_store %arg14[%swap3A_133], %exp3A_132 {strides = array<i32>} : memref<128xf32, #tpu.memory_space<vmem>>, vector<16xf32>,
      %get3A_135 = arith.constant 16 : index
      %get3A_136 = tpu.vector_load %arg11[%get3A_135] {strides = array<i32>} : memref<128xi32, #tpu.memory_space<vmem>>, vector<16xi32>,
      %mul3A_137 = arith.constant 4 : i32
      %mul3A_138 = vector.broadcast %mul3A_137 : i32 to vector<16xi32>
      %mul3A_139 = arith.muli %get3A_136, %mul3A_138 : vector<16xi32>
      %get3A_140 = arith.constant 16 : index
      %get3A_141 = tpu.vector_load %arg12[%get3A_140] {strides = array<i32>} : memref<128xi32, #tpu.memory_space<vmem>>, vector<16xi32>,
      %mul3A_142 = arith.constant 4 : i32
      %mul3A_143 = vector.broadcast %mul3A_142 : i32 to vector<16xi32>
      %mul3A_144 = arith.muli %get3A_141, %mul3A_143 : vector<16xi32>
      %gather3A_145 = tpu.vector_load_idx %arg10[%mul3A_139] : memref<40064xf32, #tpu.memory_space<vmem>>[vector<16xi32>], vector<16xf32>,
      %add3A_146 = arith.addi %mul3A_144, %broadcast_in_dim3A_52 : vector<16xi32>
      %gather3A_147 = tpu.vector_load_idx %arg10[%add3A_146] : memref<40064xf32, #tpu.memory_space<vmem>>[vector<16xi32>], vector<16xf32>,
      %add3A_148 = arith.addf %gather3A_145, %gather3A_147 : vector<16xf32>
      %add3A_149 = arith.addi %mul3A_139, %broadcast_in_dim3A_50 : vector<16xi32>
      %gather3A_150 = tpu.vector_load_idx %arg10[%add3A_149] : memref<40064xf32, #tpu.memory_space<vmem>>[vector<16xi32>], vector<16xf32>,
      %add3A_151 = arith.addi %mul3A_144, %broadcast_in_dim3A_54 : vector<16xi32>
      %gather3A_152 = tpu.vector_load_idx %arg10[%add3A_151] : memref<40064xf32, #tpu.memory_space<vmem>>[vector<16xi32>], vector<16xf32>,
      %add3A_153 = arith.addf %gather3A_150, %gather3A_152 : vector<16xf32>
      %gt3A_154 = arith.constant 0.000000e+00 : f32
      %gt3A_155 = vector.broadcast %gt3A_154 : f32 to vector<16xf32>
      %gt3A_156 = arith.cmpf ogt, %add3A_148, %gt3A_155 : vector<16xf32>
      %mul3A_157 = arith.constant 2.000000e-01 : f32
      %mul3A_158 = vector.broadcast %mul3A_157 : f32 to vector<16xf32>
      %mul3A_159 = arith.mulf %mul3A_158, %add3A_148 : vector<16xf32>
      %select_n3A_160 = arith.select %gt3A_156, %add3A_148, %mul3A_159 : vector<16xi1>, vector<16xf32>
      %exp3A_161 = math.exp %select_n3A_160 : vector<16xf32>
      %swap3A_162 = arith.constant 16 : index
      %swap3A_163 = tpu.vector_load %arg13[%swap3A_162] {strides = array<i32>} : memref<128xf32, #tpu.memory_space<vmem>>, vector<16xf32>,
      tpu.vector_store %arg13[%swap3A_162], %exp3A_161 {strides = array<i32>} : memref<128xf32, #tpu.memory_space<vmem>>, vector<16xf32>,
      %gt3A_164 = arith.constant 0.000000e+00 : f32
      %gt3A_165 = vector.broadcast %gt3A_164 : f32 to vector<16xf32>
      %gt3A_166 = arith.cmpf ogt, %add3A_153, %gt3A_165 : vector<16xf32>
      %mul3A_167 = arith.constant 2.000000e-01 : f32
      %mul3A_168 = vector.broadcast %mul3A_167 : f32 to vector<16xf32>
      %mul3A_169 = arith.mulf %mul3A_168, %add3A_153 : vector<16xf32>
      %select_n3A_170 = arith.select %gt3A_166, %add3A_153, %mul3A_169 : vector<16xi1>, vector<16xf32>
      %exp3A_171 = math.exp %select_n3A_170 : vector<16xf32>
      %swap3A_172 = arith.constant 16 : index
      %swap3A_173 = tpu.vector_load %arg14[%swap3A_172] {strides = array<i32>} : memref<128xf32, #tpu.memory_space<vmem>>, vector<16xf32>,
      tpu.vector_store %arg14[%swap3A_172], %exp3A_171 {strides = array<i32>} : memref<128xf32, #tpu.memory_space<vmem>>, vector<16xf32>,
      %get3A_174 = arith.constant 32 : index
      %get3A_175 = tpu.vector_load %arg11[%get3A_174] {strides = array<i32>} : memref<128xi32, #tpu.memory_space<vmem>>, vector<16xi32>,
      %mul3A_176 = arith.constant 4 : i32
      %mul3A_177 = vector.broadcast %mul3A_176 : i32 to vector<16xi32>
      %mul3A_178 = arith.muli %get3A_175, %mul3A_177 : vector<16xi32>
      %get3A_179 = arith.constant 32 : index
      %get3A_180 = tpu.vector_load %arg12[%get3A_179] {strides = array<i32>} : memref<128xi32, #tpu.memory_space<vmem>>, vector<16xi32>,
      %mul3A_181 = arith.constant 4 : i32
      %mul3A_182 = vector.broadcast %mul3A_181 : i32 to vector<16xi32>
      %mul3A_183 = arith.muli %get3A_180, %mul3A_182 : vector<16xi32>
      %gather3A_184 = tpu.vector_load_idx %arg10[%mul3A_178] : memref<40064xf32, #tpu.memory_space<vmem>>[vector<16xi32>], vector<16xf32>,
      %add3A_185 = arith.addi %mul3A_183, %broadcast_in_dim3A_52 : vector<16xi32>
      %gather3A_186 = tpu.vector_load_idx %arg10[%add3A_185] : memref<40064xf32, #tpu.memory_space<vmem>>[vector<16xi32>], vector<16xf32>,
      %add3A_187 = arith.addf %gather3A_184, %gather3A_186 : vector<16xf32>
      %add3A_188 = arith.addi %mul3A_178, %broadcast_in_dim3A_50 : vector<16xi32>
      %gather3A_189 = tpu.vector_load_idx %arg10[%add3A_188] : memref<40064xf32, #tpu.memory_space<vmem>>[vector<16xi32>], vector<16xf32>,
      %add3A_190 = arith.addi %mul3A_183, %broadcast_in_dim3A_54 : vector<16xi32>
      %gather3A_191 = tpu.vector_load_idx %arg10[%add3A_190] : memref<40064xf32, #tpu.memory_space<vmem>>[vector<16xi32>], vector<16xf32>,
      %add3A_192 = arith.addf %gather3A_189, %gather3A_191 : vector<16xf32>
      %gt3A_193 = arith.constant 0.000000e+00 : f32
      %gt3A_194 = vector.broadcast %gt3A_193 : f32 to vector<16xf32>
      %gt3A_195 = arith.cmpf ogt, %add3A_187, %gt3A_194 : vector<16xf32>
      %mul3A_196 = arith.constant 2.000000e-01 : f32
      %mul3A_197 = vector.broadcast %mul3A_196 : f32 to vector<16xf32>
      %mul3A_198 = arith.mulf %mul3A_197, %add3A_187 : vector<16xf32>
      %select_n3A_199 = arith.select %gt3A_195, %add3A_187, %mul3A_198 : vector<16xi1>, vector<16xf32>
      %exp3A_200 = math.exp %select_n3A_199 : vector<16xf32>
      %swap3A_201 = arith.constant 32 : index
      %swap3A_202 = tpu.vector_load %arg13[%swap3A_201] {strides = array<i32>} : memref<128xf32, #tpu.memory_space<vmem>>, vector<16xf32>,
      tpu.vector_store %arg13[%swap3A_201], %exp3A_200 {strides = array<i32>} : memref<128xf32, #tpu.memory_space<vmem>>, vector<16xf32>,
      %gt3A_203 = arith.constant 0.000000e+00 : f32
      %gt3A_204 = vector.broadcast %gt3A_203 : f32 to vector<16xf32>
      %gt3A_205 = arith.cmpf ogt, %add3A_192, %gt3A_204 : vector<16xf32>
      %mul3A_206 = arith.constant 2.000000e-01 : f32
      %mul3A_207 = vector.broadcast %mul3A_206 : f32 to vector<16xf32>
      %mul3A_208 = arith.mulf %mul3A_207, %add3A_192 : vector<16xf32>
      %select_n3A_209 = arith.select %gt3A_205, %add3A_192, %mul3A_208 : vector<16xi1>, vector<16xf32>
      %exp3A_210 = math.exp %select_n3A_209 : vector<16xf32>
      %swap3A_211 = arith.constant 32 : index
      %swap3A_212 = tpu.vector_load %arg14[%swap3A_211] {strides = array<i32>} : memref<128xf32, #tpu.memory_space<vmem>>, vector<16xf32>,
      tpu.vector_store %arg14[%swap3A_211], %exp3A_210 {strides = array<i32>} : memref<128xf32, #tpu.memory_space<vmem>>, vector<16xf32>,
      %get3A_213 = arith.constant 48 : index
      %get3A_214 = tpu.vector_load %arg11[%get3A_213] {strides = array<i32>} : memref<128xi32, #tpu.memory_space<vmem>>, vector<16xi32>,
      %mul3A_215 = arith.constant 4 : i32
      %mul3A_216 = vector.broadcast %mul3A_215 : i32 to vector<16xi32>
      %mul3A_217 = arith.muli %get3A_214, %mul3A_216 : vector<16xi32>
      %get3A_218 = arith.constant 48 : index
      %get3A_219 = tpu.vector_load %arg12[%get3A_218] {strides = array<i32>} : memref<128xi32, #tpu.memory_space<vmem>>, vector<16xi32>,
      %mul3A_220 = arith.constant 4 : i32
      %mul3A_221 = vector.broadcast %mul3A_220 : i32 to vector<16xi32>
      %mul3A_222 = arith.muli %get3A_219, %mul3A_221 : vector<16xi32>
      %gather3A_223 = tpu.vector_load_idx %arg10[%mul3A_217] : memref<40064xf32, #tpu.memory_space<vmem>>[vector<16xi32>], vector<16xf32>,
      %add3A_224 = arith.addi %mul3A_222, %broadcast_in_dim3A_52 : vector<16xi32>
      %gather3A_225 = tpu.vector_load_idx %arg10[%add3A_224] : memref<40064xf32, #tpu.memory_space<vmem>>[vector<16xi32>], vector<16xf32>,
      %add3A_226 = arith.addf %gather3A_223, %gather3A_225 : vector<16xf32>
      %add3A_227 = arith.addi %mul3A_217, %broadcast_in_dim3A_50 : vector<16xi32>
      %gather3A_228 = tpu.vector_load_idx %arg10[%add3A_227] : memref<40064xf32, #tpu.memory_space<vmem>>[vector<16xi32>], vector<16xf32>,
      %add3A_229 = arith.addi %mul3A_222, %broadcast_in_dim3A_54 : vector<16xi32>
      %gather3A_230 = tpu.vector_load_idx %arg10[%add3A_229] : memref<40064xf32, #tpu.memory_space<vmem>>[vector<16xi32>], vector<16xf32>,
      %add3A_231 = arith.addf %gather3A_228, %gather3A_230 : vector<16xf32>
      %gt3A_232 = arith.constant 0.000000e+00 : f32
      %gt3A_233 = vector.broadcast %gt3A_232 : f32 to vector<16xf32>
      %gt3A_234 = arith.cmpf ogt, %add3A_226, %gt3A_233 : vector<16xf32>
      %mul3A_235 = arith.constant 2.000000e-01 : f32
      %mul3A_236 = vector.broadcast %mul3A_235 : f32 to vector<16xf32>
      %mul3A_237 = arith.mulf %mul3A_236, %add3A_226 : vector<16xf32>
      %select_n3A_238 = arith.select %gt3A_234, %add3A_226, %mul3A_237 : vector<16xi1>, vector<16xf32>
      %exp3A_239 = math.exp %select_n3A_238 : vector<16xf32>
      %swap3A_240 = arith.constant 48 : index
      %swap3A_241 = tpu.vector_load %arg13[%swap3A_240] {strides = array<i32>} : memref<128xf32, #tpu.memory_space<vmem>>, vector<16xf32>,
      tpu.vector_store %arg13[%swap3A_240], %exp3A_239 {strides = array<i32>} : memref<128xf32, #tpu.memory_space<vmem>>, vector<16xf32>,
      %gt3A_242 = arith.constant 0.000000e+00 : f32
      %gt3A_243 = vector.broadcast %gt3A_242 : f32 to vector<16xf32>
      %gt3A_244 = arith.cmpf ogt, %add3A_231, %gt3A_243 : vector<16xf32>
      %mul3A_245 = arith.constant 2.000000e-01 : f32
      %mul3A_246 = vector.broadcast %mul3A_245 : f32 to vector<16xf32>
      %mul3A_247 = arith.mulf %mul3A_246, %add3A_231 : vector<16xf32>
      %select_n3A_248 = arith.select %gt3A_244, %add3A_231, %mul3A_247 : vector<16xi1>, vector<16xf32>
      %exp3A_249 = math.exp %select_n3A_248 : vector<16xf32>
      %swap3A_250 = arith.constant 48 : index
      %swap3A_251 = tpu.vector_load %arg14[%swap3A_250] {strides = array<i32>} : memref<128xf32, #tpu.memory_space<vmem>>, vector<16xf32>,
      tpu.vector_store %arg14[%swap3A_250], %exp3A_249 {strides = array<i32>} : memref<128xf32, #tpu.memory_space<vmem>>, vector<16xf32>,
      %get3A_252 = arith.constant 64 : index
      %get3A_253 = tpu.vector_load %arg11[%get3A_252] {strides = array<i32>} : memref<128xi32, #tpu.memory_space<vmem>>, vector<16xi32>,
      %mul3A_254 = arith.constant 4 : i32
      %mul3A_255 = vector.broadcast %mul3A_254 : i32 to vector<16xi32>
      %mul3A_256 = arith.muli %get3A_253, %mul3A_255 : vector<16xi32>
      %get3A_257 = arith.constant 64 : index
      %get3A_258 = tpu.vector_load %arg12[%get3A_257] {strides = array<i32>} : memref<128xi32, #tpu.memory_space<vmem>>, vector<16xi32>,
      %mul3A_259 = arith.constant 4 : i32
      %mul3A_260 = vector.broadcast %mul3A_259 : i32 to vector<16xi32>
      %mul3A_261 = arith.muli %get3A_258, %mul3A_260 : vector<16xi32>
      %gather3A_262 = tpu.vector_load_idx %arg10[%mul3A_256] : memref<40064xf32, #tpu.memory_space<vmem>>[vector<16xi32>], vector<16xf32>,
      %add3A_263 = arith.addi %mul3A_261, %broadcast_in_dim3A_52 : vector<16xi32>
      %gather3A_264 = tpu.vector_load_idx %arg10[%add3A_263] : memref<40064xf32, #tpu.memory_space<vmem>>[vector<16xi32>], vector<16xf32>,
      %add3A_265 = arith.addf %gather3A_262, %gather3A_264 : vector<16xf32>
      %add3A_266 = arith.addi %mul3A_256, %broadcast_in_dim3A_50 : vector<16xi32>
      %gather3A_267 = tpu.vector_load_idx %arg10[%add3A_266] : memref<40064xf32, #tpu.memory_space<vmem>>[vector<16xi32>], vector<16xf32>,
      %add3A_268 = arith.addi %mul3A_261, %broadcast_in_dim3A_54 : vector<16xi32>
      %gather3A_269 = tpu.vector_load_idx %arg10[%add3A_268] : memref<40064xf32, #tpu.memory_space<vmem>>[vector<16xi32>], vector<16xf32>,
      %add3A_270 = arith.addf %gather3A_267, %gather3A_269 : vector<16xf32>
      %gt3A_271 = arith.constant 0.000000e+00 : f32
      %gt3A_272 = vector.broadcast %gt3A_271 : f32 to vector<16xf32>
      %gt3A_273 = arith.cmpf ogt, %add3A_265, %gt3A_272 : vector<16xf32>
      %mul3A_274 = arith.constant 2.000000e-01 : f32
      %mul3A_275 = vector.broadcast %mul3A_274 : f32 to vector<16xf32>
      %mul3A_276 = arith.mulf %mul3A_275, %add3A_265 : vector<16xf32>
      %select_n3A_277 = arith.select %gt3A_273, %add3A_265, %mul3A_276 : vector<16xi1>, vector<16xf32>
      %exp3A_278 = math.exp %select_n3A_277 : vector<16xf32>
      %swap3A_279 = arith.constant 64 : index
      %swap3A_280 = tpu.vector_load %arg13[%swap3A_279] {strides = array<i32>} : memref<128xf32, #tpu.memory_space<vmem>>, vector<16xf32>,
      tpu.vector_store %arg13[%swap3A_279], %exp3A_278 {strides = array<i32>} : memref<128xf32, #tpu.memory_space<vmem>>, vector<16xf32>,
      %gt3A_281 = arith.constant 0.000000e+00 : f32
      %gt3A_282 = vector.broadcast %gt3A_281 : f32 to vector<16xf32>
      %gt3A_283 = arith.cmpf ogt, %add3A_270, %gt3A_282 : vector<16xf32>
      %mul3A_284 = arith.constant 2.000000e-01 : f32
      %mul3A_285 = vector.broadcast %mul3A_284 : f32 to vector<16xf32>
      %mul3A_286 = arith.mulf %mul3A_285, %add3A_270 : vector<16xf32>
      %select_n3A_287 = arith.select %gt3A_283, %add3A_270, %mul3A_286 : vector<16xi1>, vector<16xf32>
      %exp3A_288 = math.exp %select_n3A_287 : vector<16xf32>
      %swap3A_289 = arith.constant 64 : index
      %swap3A_290 = tpu.vector_load %arg14[%swap3A_289] {strides = array<i32>} : memref<128xf32, #tpu.memory_space<vmem>>, vector<16xf32>,
      tpu.vector_store %arg14[%swap3A_289], %exp3A_288 {strides = array<i32>} : memref<128xf32, #tpu.memory_space<vmem>>, vector<16xf32>,
      %get3A_291 = arith.constant 80 : index
      %get3A_292 = tpu.vector_load %arg11[%get3A_291] {strides = array<i32>} : memref<128xi32, #tpu.memory_space<vmem>>, vector<16xi32>,
      %mul3A_293 = arith.constant 4 : i32
      %mul3A_294 = vector.broadcast %mul3A_293 : i32 to vector<16xi32>
      %mul3A_295 = arith.muli %get3A_292, %mul3A_294 : vector<16xi32>
      %get3A_296 = arith.constant 80 : index
      %get3A_297 = tpu.vector_load %arg12[%get3A_296] {strides = array<i32>} : memref<128xi32, #tpu.memory_space<vmem>>, vector<16xi32>,
      %mul3A_298 = arith.constant 4 : i32
      %mul3A_299 = vector.broadcast %mul3A_298 : i32 to vector<16xi32>
      %mul3A_300 = arith.muli %get3A_297, %mul3A_299 : vector<16xi32>
      %gather3A_301 = tpu.vector_load_idx %arg10[%mul3A_295] : memref<40064xf32, #tpu.memory_space<vmem>>[vector<16xi32>], vector<16xf32>,
      %add3A_302 = arith.addi %mul3A_300, %broadcast_in_dim3A_52 : vector<16xi32>
      %gather3A_303 = tpu.vector_load_idx %arg10[%add3A_302] : memref<40064xf32, #tpu.memory_space<vmem>>[vector<16xi32>], vector<16xf32>,
      %add3A_304 = arith.addf %gather3A_301, %gather3A_303 : vector<16xf32>
      %add3A_305 = arith.addi %mul3A_295, %broadcast_in_dim3A_50 : vector<16xi32>
      %gather3A_306 = tpu.vector_load_idx %arg10[%add3A_305] : memref<40064xf32, #tpu.memory_space<vmem>>[vector<16xi32>], vector<16xf32>,
      %add3A_307 = arith.addi %mul3A_300, %broadcast_in_dim3A_54 : vector<16xi32>
      %gather3A_308 = tpu.vector_load_idx %arg10[%add3A_307] : memref<40064xf32, #tpu.memory_space<vmem>>[vector<16xi32>], vector<16xf32>,
      %add3A_309 = arith.addf %gather3A_306, %gather3A_308 : vector<16xf32>
      %gt3A_310 = arith.constant 0.000000e+00 : f32
      %gt3A_311 = vector.broadcast %gt3A_310 : f32 to vector<16xf32>
      %gt3A_312 = arith.cmpf ogt, %add3A_304, %gt3A_311 : vector<16xf32>
      %mul3A_313 = arith.constant 2.000000e-01 : f32
      %mul3A_314 = vector.broadcast %mul3A_313 : f32 to vector<16xf32>
      %mul3A_315 = arith.mulf %mul3A_314, %add3A_304 : vector<16xf32>
      %select_n3A_316 = arith.select %gt3A_312, %add3A_304, %mul3A_315 : vector<16xi1>, vector<16xf32>
      %exp3A_317 = math.exp %select_n3A_316 : vector<16xf32>
      %swap3A_318 = arith.constant 80 : index
      %swap3A_319 = tpu.vector_load %arg13[%swap3A_318] {strides = array<i32>} : memref<128xf32, #tpu.memory_space<vmem>>, vector<16xf32>,
      tpu.vector_store %arg13[%swap3A_318], %exp3A_317 {strides = array<i32>} : memref<128xf32, #tpu.memory_space<vmem>>, vector<16xf32>,
      %gt3A_320 = arith.constant 0.000000e+00 : f32
      %gt3A_321 = vector.broadcast %gt3A_320 : f32 to vector<16xf32>
      %gt3A_322 = arith.cmpf ogt, %add3A_309, %gt3A_321 : vector<16xf32>
      %mul3A_323 = arith.constant 2.000000e-01 : f32
      %mul3A_324 = vector.broadcast %mul3A_323 : f32 to vector<16xf32>
      %mul3A_325 = arith.mulf %mul3A_324, %add3A_309 : vector<16xf32>
      %select_n3A_326 = arith.select %gt3A_322, %add3A_309, %mul3A_325 : vector<16xi1>, vector<16xf32>
      %exp3A_327 = math.exp %select_n3A_326 : vector<16xf32>
      %swap3A_328 = arith.constant 80 : index
      %swap3A_329 = tpu.vector_load %arg14[%swap3A_328] {strides = array<i32>} : memref<128xf32, #tpu.memory_space<vmem>>, vector<16xf32>,
      tpu.vector_store %arg14[%swap3A_328], %exp3A_327 {strides = array<i32>} : memref<128xf32, #tpu.memory_space<vmem>>, vector<16xf32>,
      %get3A_330 = arith.constant 96 : index
      %get3A_331 = tpu.vector_load %arg11[%get3A_330] {strides = array<i32>} : memref<128xi32, #tpu.memory_space<vmem>>, vector<16xi32>,
      %mul3A_332 = arith.constant 4 : i32
      %mul3A_333 = vector.broadcast %mul3A_332 : i32 to vector<16xi32>
      %mul3A_334 = arith.muli %get3A_331, %mul3A_333 : vector<16xi32>
      %get3A_335 = arith.constant 96 : index
      %get3A_336 = tpu.vector_load %arg12[%get3A_335] {strides = array<i32>} : memref<128xi32, #tpu.memory_space<vmem>>, vector<16xi32>,
      %mul3A_337 = arith.constant 4 : i32
      %mul3A_338 = vector.broadcast %mul3A_337 : i32 to vector<16xi32>
      %mul3A_339 = arith.muli %get3A_336, %mul3A_338 : vector<16xi32>
      %gather3A_340 = tpu.vector_load_idx %arg10[%mul3A_334] : memref<40064xf32, #tpu.memory_space<vmem>>[vector<16xi32>], vector<16xf32>,
      %add3A_341 = arith.addi %mul3A_339, %broadcast_in_dim3A_52 : vector<16xi32>
      %gather3A_342 = tpu.vector_load_idx %arg10[%add3A_341] : memref<40064xf32, #tpu.memory_space<vmem>>[vector<16xi32>], vector<16xf32>,
      %add3A_343 = arith.addf %gather3A_340, %gather3A_342 : vector<16xf32>
      %add3A_344 = arith.addi %mul3A_334, %broadcast_in_dim3A_50 : vector<16xi32>
      %gather3A_345 = tpu.vector_load_idx %arg10[%add3A_344] : memref<40064xf32, #tpu.memory_space<vmem>>[vector<16xi32>], vector<16xf32>,
      %add3A_346 = arith.addi %mul3A_339, %broadcast_in_dim3A_54 : vector<16xi32>
      %gather3A_347 = tpu.vector_load_idx %arg10[%add3A_346] : memref<40064xf32, #tpu.memory_space<vmem>>[vector<16xi32>], vector<16xf32>,
      %add3A_348 = arith.addf %gather3A_345, %gather3A_347 : vector<16xf32>
      %gt3A_349 = arith.constant 0.000000e+00 : f32
      %gt3A_350 = vector.broadcast %gt3A_349 : f32 to vector<16xf32>
      %gt3A_351 = arith.cmpf ogt, %add3A_343, %gt3A_350 : vector<16xf32>
      %mul3A_352 = arith.constant 2.000000e-01 : f32
      %mul3A_353 = vector.broadcast %mul3A_352 : f32 to vector<16xf32>
      %mul3A_354 = arith.mulf %mul3A_353, %add3A_343 : vector<16xf32>
      %select_n3A_355 = arith.select %gt3A_351, %add3A_343, %mul3A_354 : vector<16xi1>, vector<16xf32>
      %exp3A_356 = math.exp %select_n3A_355 : vector<16xf32>
      %swap3A_357 = arith.constant 96 : index
      %swap3A_358 = tpu.vector_load %arg13[%swap3A_357] {strides = array<i32>} : memref<128xf32, #tpu.memory_space<vmem>>, vector<16xf32>,
      tpu.vector_store %arg13[%swap3A_357], %exp3A_356 {strides = array<i32>} : memref<128xf32, #tpu.memory_space<vmem>>, vector<16xf32>,
      %gt3A_359 = arith.constant 0.000000e+00 : f32
      %gt3A_360 = vector.broadcast %gt3A_359 : f32 to vector<16xf32>
      %gt3A_361 = arith.cmpf ogt, %add3A_348, %gt3A_360 : vector<16xf32>
      %mul3A_362 = arith.constant 2.000000e-01 : f32
      %mul3A_363 = vector.broadcast %mul3A_362 : f32 to vector<16xf32>
      %mul3A_364 = arith.mulf %mul3A_363, %add3A_348 : vector<16xf32>
      %select_n3A_365 = arith.select %gt3A_361, %add3A_348, %mul3A_364 : vector<16xi1>, vector<16xf32>
      %exp3A_366 = math.exp %select_n3A_365 : vector<16xf32>
      %swap3A_367 = arith.constant 96 : index
      %swap3A_368 = tpu.vector_load %arg14[%swap3A_367] {strides = array<i32>} : memref<128xf32, #tpu.memory_space<vmem>>, vector<16xf32>,
      tpu.vector_store %arg14[%swap3A_367], %exp3A_366 {strides = array<i32>} : memref<128xf32, #tpu.memory_space<vmem>>, vector<16xf32>,
      %get3A_369 = arith.constant 112 : index
      %get3A_370 = tpu.vector_load %arg11[%get3A_369] {strides = array<i32>} : memref<128xi32, #tpu.memory_space<vmem>>, vector<16xi32>,
      %mul3A_371 = arith.constant 4 : i32
      %mul3A_372 = vector.broadcast %mul3A_371 : i32 to vector<16xi32>
      %mul3A_373 = arith.muli %get3A_370, %mul3A_372 : vector<16xi32>
      %get3A_374 = arith.constant 112 : index
      %get3A_375 = tpu.vector_load %arg12[%get3A_374] {strides = array<i32>} : memref<128xi32, #tpu.memory_space<vmem>>, vector<16xi32>,
      %mul3A_376 = arith.constant 4 : i32
      %mul3A_377 = vector.broadcast %mul3A_376 : i32 to vector<16xi32>
      %mul3A_378 = arith.muli %get3A_375, %mul3A_377 : vector<16xi32>
      %gather3A_379 = tpu.vector_load_idx %arg10[%mul3A_373] : memref<40064xf32, #tpu.memory_space<vmem>>[vector<16xi32>], vector<16xf32>,
      %add3A_380 = arith.addi %mul3A_378, %broadcast_in_dim3A_52 : vector<16xi32>
      %gather3A_381 = tpu.vector_load_idx %arg10[%add3A_380] : memref<40064xf32, #tpu.memory_space<vmem>>[vector<16xi32>], vector<16xf32>,
      %add3A_382 = arith.addf %gather3A_379, %gather3A_381 : vector<16xf32>
      %add3A_383 = arith.addi %mul3A_373, %broadcast_in_dim3A_50 : vector<16xi32>
      %gather3A_384 = tpu.vector_load_idx %arg10[%add3A_383] : memref<40064xf32, #tpu.memory_space<vmem>>[vector<16xi32>], vector<16xf32>,
      %add3A_385 = arith.addi %mul3A_378, %broadcast_in_dim3A_54 : vector<16xi32>
      %gather3A_386 = tpu.vector_load_idx %arg10[%add3A_385] : memref<40064xf32, #tpu.memory_space<vmem>>[vector<16xi32>], vector<16xf32>,
      %add3A_387 = arith.addf %gather3A_384, %gather3A_386 : vector<16xf32>
      %gt3A_388 = arith.constant 0.000000e+00 : f32
      %gt3A_389 = vector.broadcast %gt3A_388 : f32 to vector<16xf32>
      %gt3A_390 = arith.cmpf ogt, %add3A_382, %gt3A_389 : vector<16xf32>
      %mul3A_391 = arith.constant 2.000000e-01 : f32
      %mul3A_392 = vector.broadcast %mul3A_391 : f32 to vector<16xf32>
      %mul3A_393 = arith.mulf %mul3A_392, %add3A_382 : vector<16xf32>
      %select_n3A_394 = arith.select %gt3A_390, %add3A_382, %mul3A_393 : vector<16xi1>, vector<16xf32>
      %exp3A_395 = math.exp %select_n3A_394 : vector<16xf32>
      %swap3A_396 = arith.constant 112 : index
      %swap3A_397 = tpu.vector_load %arg13[%swap3A_396] {strides = array<i32>} : memref<128xf32, #tpu.memory_space<vmem>>, vector<16xf32>,
      tpu.vector_store %arg13[%swap3A_396], %exp3A_395 {strides = array<i32>} : memref<128xf32, #tpu.memory_space<vmem>>, vector<16xf32>,
      %gt3A_398 = arith.constant 0.000000e+00 : f32
      %gt3A_399 = vector.broadcast %gt3A_398 : f32 to vector<16xf32>
      %gt3A_400 = arith.cmpf ogt, %add3A_387, %gt3A_399 : vector<16xf32>
      %mul3A_401 = arith.constant 2.000000e-01 : f32
      %mul3A_402 = vector.broadcast %mul3A_401 : f32 to vector<16xf32>
      %mul3A_403 = arith.mulf %mul3A_402, %add3A_387 : vector<16xf32>
      %select_n3A_404 = arith.select %gt3A_400, %add3A_387, %mul3A_403 : vector<16xi1>, vector<16xf32>
      %exp3A_405 = math.exp %select_n3A_404 : vector<16xf32>
      %swap3A_406 = arith.constant 112 : index
      %swap3A_407 = tpu.vector_load %arg14[%swap3A_406] {strides = array<i32>} : memref<128xf32, #tpu.memory_space<vmem>>, vector<16xf32>,
      tpu.vector_store %arg14[%swap3A_406], %exp3A_405 {strides = array<i32>} : memref<128xf32, #tpu.memory_space<vmem>>, vector<16xf32>,
      %scan3A_408 = arith.constant 0 : i32
      %scan3A_409 = arith.constant 128 : i32
      %scan3A_410 = arith.addi %scan3A_408, %scan3A_409 : i32
      %scan3A_411 = arith.constant 4 : i32
      scf.for %scan3A_413 = %scan3A_408 to %scan3A_410 step %scan3A_411  : i32 {
        %mul3A_414 = arith.constant 1 : i32
        %mul3A_415 = arith.muli %scan3A_413, %mul3A_414 : i32
        %add3A_416 = arith.constant 0 : i32
        %add3A_417 = arith.addi %add3A_416, %mul3A_415 : i32
        %broadcast_in_dim3A_418 = vector.broadcast %add3A_417 : i32 to vector<16xi32>
        %gather3A_419 = tpu.vector_load_idx %arg13[%broadcast_in_dim3A_418] : memref<128xf32, #tpu.memory_space<vmem>>[vector<16xi32>], vector<16xf32>,
        %gather3A_420 = tpu.vector_load_idx %arg14[%broadcast_in_dim3A_418] : memref<128xf32, #tpu.memory_space<vmem>>[vector<16xi32>], vector<16xf32>,
        %get3A_421 = arith.index_cast %add3A_417 : i32 to index
        %get3A_422 = arith.index_cast %mul3A_58 : i32 to index
        %get3A_423 = tpu.vector_load %arg15[%get3A_421, %get3A_422] {strides = array<i32>} : memref<128x128xf32, #tpu.memory_space<vmem>>, vector<16xf32>,
        %mul3A_424 = arith.mulf %get3A_423, %gather3A_419 : vector<16xf32>
        %swap3A_425 = arith.index_cast %add3A_417 : i32 to index
        %swap3A_426 = arith.constant 0 : index
        %swap3A_427 = tpu.vector_load %arg16[%swap3A_425, %swap3A_426] {strides = array<i32>} : memref<128x80xf32, #tpu.memory_space<vmem>>, vector<16xf32>,
        tpu.vector_store %arg16[%swap3A_425, %swap3A_426], %mul3A_424 {strides = array<i32>} : memref<128x80xf32, #tpu.memory_space<vmem>>, vector<16xf32>,
        %add3A_428 = arith.constant 16 : i32
        %add3A_429 = arith.addi %mul3A_58, %add3A_428 : i32
        %get3A_430 = arith.index_cast %add3A_417 : i32 to index
        %get3A_431 = arith.index_cast %add3A_429 : i32 to index
        %get3A_432 = tpu.vector_load %arg15[%get3A_430, %get3A_431] {strides = array<i32>} : memref<128x128xf32, #tpu.memory_space<vmem>>, vector<16xf32>,
        %mul3A_433 = arith.mulf %get3A_432, %gather3A_419 : vector<16xf32>
        %swap3A_434 = arith.index_cast %add3A_417 : i32 to index
        %swap3A_435 = arith.constant 16 : index
        %swap3A_436 = tpu.vector_load %arg16[%swap3A_434, %swap3A_435] {strides = array<i32>} : memref<128x80xf32, #tpu.memory_space<vmem>>, vector<16xf32>,
        tpu.vector_store %arg16[%swap3A_434, %swap3A_435], %mul3A_433 {strides = array<i32>} : memref<128x80xf32, #tpu.memory_space<vmem>>, vector<16xf32>,
        %add3A_437 = arith.constant 32 : i32
        %add3A_438 = arith.addi %mul3A_58, %add3A_437 : i32
        %get3A_439 = arith.index_cast %add3A_417 : i32 to index
        %get3A_440 = arith.index_cast %add3A_438 : i32 to index
        %get3A_441 = tpu.vector_load %arg15[%get3A_439, %get3A_440] {strides = array<i32>} : memref<128x128xf32, #tpu.memory_space<vmem>>, vector<16xf32>,
        %mul3A_442 = arith.mulf %get3A_441, %gather3A_420 : vector<16xf32>
        %swap3A_443 = arith.index_cast %add3A_417 : i32 to index
        %swap3A_444 = arith.constant 32 : index
        %swap3A_445 = tpu.vector_load %arg16[%swap3A_443, %swap3A_444] {strides = array<i32>} : memref<128x80xf32, #tpu.memory_space<vmem>>, vector<16xf32>,
        tpu.vector_store %arg16[%swap3A_443, %swap3A_444], %mul3A_442 {strides = array<i32>} : memref<128x80xf32, #tpu.memory_space<vmem>>, vector<16xf32>,
        %add3A_446 = arith.constant 48 : i32
        %add3A_447 = arith.addi %mul3A_58, %add3A_446 : i32
        %get3A_448 = arith.index_cast %add3A_417 : i32 to index
        %get3A_449 = arith.index_cast %add3A_447 : i32 to index
        %get3A_450 = tpu.vector_load %arg15[%get3A_448, %get3A_449] {strides = array<i32>} : memref<128x128xf32, #tpu.memory_space<vmem>>, vector<16xf32>,
        %mul3A_451 = arith.mulf %get3A_450, %gather3A_420 : vector<16xf32>
        %swap3A_452 = arith.index_cast %add3A_417 : i32 to index
        %swap3A_453 = arith.constant 48 : index
        %swap3A_454 = tpu.vector_load %arg16[%swap3A_452, %swap3A_453] {strides = array<i32>} : memref<128x80xf32, #tpu.memory_space<vmem>>, vector<16xf32>,
        tpu.vector_store %arg16[%swap3A_452, %swap3A_453], %mul3A_451 {strides = array<i32>} : memref<128x80xf32, #tpu.memory_space<vmem>>, vector<16xf32>,
        %mul3A_455 = arith.mulf %gather3A_419, %convert_element_type3A_43 : vector<16xf32>
        %mul3A_456 = arith.mulf %gather3A_420, %convert_element_type3A_48 : vector<16xf32>
        %add3A_457 = arith.addf %mul3A_455, %mul3A_456 : vector<16xf32>
        %swap3A_458 = arith.index_cast %add3A_417 : i32 to index
        %swap3A_459 = arith.constant 64 : index
        %swap3A_460 = tpu.vector_load %arg16[%swap3A_458, %swap3A_459] {strides = array<i32>} : memref<128x80xf32, #tpu.memory_space<vmem>>, vector<16xf32>,
        tpu.vector_store %arg16[%swap3A_458, %swap3A_459], %add3A_457 {strides = array<i32>} : memref<128x80xf32, #tpu.memory_space<vmem>>, vector<16xf32>,
        %scan3A_461 = arith.constant 1 : i32
        %scan3A_462 = arith.addi %scan3A_413, %scan3A_461 : i32
        %mul3A_463 = arith.constant 1 : i32
        %mul3A_464 = arith.muli %scan3A_462, %mul3A_463 : i32
        %add3A_465 = arith.constant 0 : i32
        %add3A_466 = arith.addi %add3A_465, %mul3A_464 : i32
        %broadcast_in_dim3A_467 = vector.broadcast %add3A_466 : i32 to vector<16xi32>
        %gather3A_468 = tpu.vector_load_idx %arg13[%broadcast_in_dim3A_467] : memref<128xf32, #tpu.memory_space<vmem>>[vector<16xi32>], vector<16xf32>,
        %gather3A_469 = tpu.vector_load_idx %arg14[%broadcast_in_dim3A_467] : memref<128xf32, #tpu.memory_space<vmem>>[vector<16xi32>], vector<16xf32>,
        %get3A_470 = arith.index_cast %add3A_466 : i32 to index
        %get3A_471 = arith.index_cast %mul3A_58 : i32 to index
        %get3A_472 = tpu.vector_load %arg15[%get3A_470, %get3A_471] {strides = array<i32>} : memref<128x128xf32, #tpu.memory_space<vmem>>, vector<16xf32>,
        %mul3A_473 = arith.mulf %get3A_472, %gather3A_468 : vector<16xf32>
        %swap3A_474 = arith.index_cast %add3A_466 : i32 to index
        %swap3A_475 = arith.constant 0 : index
        %swap3A_476 = tpu.vector_load %arg16[%swap3A_474, %swap3A_475] {strides = array<i32>} : memref<128x80xf32, #tpu.memory_space<vmem>>, vector<16xf32>,
        tpu.vector_store %arg16[%swap3A_474, %swap3A_475], %mul3A_473 {strides = array<i32>} : memref<128x80xf32, #tpu.memory_space<vmem>>, vector<16xf32>,
        %add3A_477 = arith.constant 16 : i32
        %add3A_478 = arith.addi %mul3A_58, %add3A_477 : i32
        %get3A_479 = arith.index_cast %add3A_466 : i32 to index
        %get3A_480 = arith.index_cast %add3A_478 : i32 to index
        %get3A_481 = tpu.vector_load %arg15[%get3A_479, %get3A_480] {strides = array<i32>} : memref<128x128xf32, #tpu.memory_space<vmem>>, vector<16xf32>,
        %mul3A_482 = arith.mulf %get3A_481, %gather3A_468 : vector<16xf32>
        %swap3A_483 = arith.index_cast %add3A_466 : i32 to index
        %swap3A_484 = arith.constant 16 : index
        %swap3A_485 = tpu.vector_load %arg16[%swap3A_483, %swap3A_484] {strides = array<i32>} : memref<128x80xf32, #tpu.memory_space<vmem>>, vector<16xf32>,
        tpu.vector_store %arg16[%swap3A_483, %swap3A_484], %mul3A_482 {strides = array<i32>} : memref<128x80xf32, #tpu.memory_space<vmem>>, vector<16xf32>,
        %add3A_486 = arith.constant 32 : i32
        %add3A_487 = arith.addi %mul3A_58, %add3A_486 : i32
        %get3A_488 = arith.index_cast %add3A_466 : i32 to index
        %get3A_489 = arith.index_cast %add3A_487 : i32 to index
        %get3A_490 = tpu.vector_load %arg15[%get3A_488, %get3A_489] {strides = array<i32>} : memref<128x128xf32, #tpu.memory_space<vmem>>, vector<16xf32>,
        %mul3A_491 = arith.mulf %get3A_490, %gather3A_469 : vector<16xf32>
        %swap3A_492 = arith.index_cast %add3A_466 : i32 to index
        %swap3A_493 = arith.constant 32 : index
        %swap3A_494 = tpu.vector_load %arg16[%swap3A_492, %swap3A_493] {strides = array<i32>} : memref<128x80xf32, #tpu.memory_space<vmem>>, vector<16xf32>,
        tpu.vector_store %arg16[%swap3A_492, %swap3A_493], %mul3A_491 {strides = array<i32>} : memref<128x80xf32, #tpu.memory_space<vmem>>, vector<16xf32>,
        %add3A_495 = arith.constant 48 : i32
        %add3A_496 = arith.addi %mul3A_58, %add3A_495 : i32
        %get3A_497 = arith.index_cast %add3A_466 : i32 to index
        %get3A_498 = arith.index_cast %add3A_496 : i32 to index
        %get3A_499 = tpu.vector_load %arg15[%get3A_497, %get3A_498] {strides = array<i32>} : memref<128x128xf32, #tpu.memory_space<vmem>>, vector<16xf32>,
        %mul3A_500 = arith.mulf %get3A_499, %gather3A_469 : vector<16xf32>
        %swap3A_501 = arith.index_cast %add3A_466 : i32 to index
        %swap3A_502 = arith.constant 48 : index
        %swap3A_503 = tpu.vector_load %arg16[%swap3A_501, %swap3A_502] {strides = array<i32>} : memref<128x80xf32, #tpu.memory_space<vmem>>, vector<16xf32>,
        tpu.vector_store %arg16[%swap3A_501, %swap3A_502], %mul3A_500 {strides = array<i32>} : memref<128x80xf32, #tpu.memory_space<vmem>>, vector<16xf32>,
        %mul3A_504 = arith.mulf %gather3A_468, %convert_element_type3A_43 : vector<16xf32>
        %mul3A_505 = arith.mulf %gather3A_469, %convert_element_type3A_48 : vector<16xf32>
        %add3A_506 = arith.addf %mul3A_504, %mul3A_505 : vector<16xf32>
        %swap3A_507 = arith.index_cast %add3A_466 : i32 to index
        %swap3A_508 = arith.constant 64 : index
        %swap3A_509 = tpu.vector_load %arg16[%swap3A_507, %swap3A_508] {strides = array<i32>} : memref<128x80xf32, #tpu.memory_space<vmem>>, vector<16xf32>,
        tpu.vector_store %arg16[%swap3A_507, %swap3A_508], %add3A_506 {strides = array<i32>} : memref<128x80xf32, #tpu.memory_space<vmem>>, vector<16xf32>,
        %scan3A_510 = arith.constant 2 : i32
        %scan3A_511 = arith.addi %scan3A_413, %scan3A_510 : i32
        %mul3A_512 = arith.constant 1 : i32
        %mul3A_513 = arith.muli %scan3A_511, %mul3A_512 : i32
        %add3A_514 = arith.constant 0 : i32
        %add3A_515 = arith.addi %add3A_514, %mul3A_513 : i32
        %broadcast_in_dim3A_516 = vector.broadcast %add3A_515 : i32 to vector<16xi32>
        %gather3A_517 = tpu.vector_load_idx %arg13[%broadcast_in_dim3A_516] : memref<128xf32, #tpu.memory_space<vmem>>[vector<16xi32>], vector<16xf32>,
        %gather3A_518 = tpu.vector_load_idx %arg14[%broadcast_in_dim3A_516] : memref<128xf32, #tpu.memory_space<vmem>>[vector<16xi32>], vector<16xf32>,
        %get3A_519 = arith.index_cast %add3A_515 : i32 to index
        %get3A_520 = arith.index_cast %mul3A_58 : i32 to index
        %get3A_521 = tpu.vector_load %arg15[%get3A_519, %get3A_520] {strides = array<i32>} : memref<128x128xf32, #tpu.memory_space<vmem>>, vector<16xf32>,
        %mul3A_522 = arith.mulf %get3A_521, %gather3A_517 : vector<16xf32>
        %swap3A_523 = arith.index_cast %add3A_515 : i32 to index
        %swap3A_524 = arith.constant 0 : index
        %swap3A_525 = tpu.vector_load %arg16[%swap3A_523, %swap3A_524] {strides = array<i32>} : memref<128x80xf32, #tpu.memory_space<vmem>>, vector<16xf32>,
        tpu.vector_store %arg16[%swap3A_523, %swap3A_524], %mul3A_522 {strides = array<i32>} : memref<128x80xf32, #tpu.memory_space<vmem>>, vector<16xf32>,
        %add3A_526 = arith.constant 16 : i32
        %add3A_527 = arith.addi %mul3A_58, %add3A_526 : i32
        %get3A_528 = arith.index_cast %add3A_515 : i32 to index
        %get3A_529 = arith.index_cast %add3A_527 : i32 to index
        %get3A_530 = tpu.vector_load %arg15[%get3A_528, %get3A_529] {strides = array<i32>} : memref<128x128xf32, #tpu.memory_space<vmem>>, vector<16xf32>,
        %mul3A_531 = arith.mulf %get3A_530, %gather3A_517 : vector<16xf32>
        %swap3A_532 = arith.index_cast %add3A_515 : i32 to index
        %swap3A_533 = arith.constant 16 : index
        %swap3A_534 = tpu.vector_load %arg16[%swap3A_532, %swap3A_533] {strides = array<i32>} : memref<128x80xf32, #tpu.memory_space<vmem>>, vector<16xf32>,
        tpu.vector_store %arg16[%swap3A_532, %swap3A_533], %mul3A_531 {strides = array<i32>} : memref<128x80xf32, #tpu.memory_space<vmem>>, vector<16xf32>,
        %add3A_535 = arith.constant 32 : i32
        %add3A_536 = arith.addi %mul3A_58, %add3A_535 : i32
        %get3A_537 = arith.index_cast %add3A_515 : i32 to index
        %get3A_538 = arith.index_cast %add3A_536 : i32 to index
        %get3A_539 = tpu.vector_load %arg15[%get3A_537, %get3A_538] {strides = array<i32>} : memref<128x128xf32, #tpu.memory_space<vmem>>, vector<16xf32>,
        %mul3A_540 = arith.mulf %get3A_539, %gather3A_518 : vector<16xf32>
        %swap3A_541 = arith.index_cast %add3A_515 : i32 to index
        %swap3A_542 = arith.constant 32 : index
        %swap3A_543 = tpu.vector_load %arg16[%swap3A_541, %swap3A_542] {strides = array<i32>} : memref<128x80xf32, #tpu.memory_space<vmem>>, vector<16xf32>,
        tpu.vector_store %arg16[%swap3A_541, %swap3A_542], %mul3A_540 {strides = array<i32>} : memref<128x80xf32, #tpu.memory_space<vmem>>, vector<16xf32>,
        %add3A_544 = arith.constant 48 : i32
        %add3A_545 = arith.addi %mul3A_58, %add3A_544 : i32
        %get3A_546 = arith.index_cast %add3A_515 : i32 to index
        %get3A_547 = arith.index_cast %add3A_545 : i32 to index
        %get3A_548 = tpu.vector_load %arg15[%get3A_546, %get3A_547] {strides = array<i32>} : memref<128x128xf32, #tpu.memory_space<vmem>>, vector<16xf32>,
        %mul3A_549 = arith.mulf %get3A_548, %gather3A_518 : vector<16xf32>
        %swap3A_550 = arith.index_cast %add3A_515 : i32 to index
        %swap3A_551 = arith.constant 48 : index
        %swap3A_552 = tpu.vector_load %arg16[%swap3A_550, %swap3A_551] {strides = array<i32>} : memref<128x80xf32, #tpu.memory_space<vmem>>, vector<16xf32>,
        tpu.vector_store %arg16[%swap3A_550, %swap3A_551], %mul3A_549 {strides = array<i32>} : memref<128x80xf32, #tpu.memory_space<vmem>>, vector<16xf32>,
        %mul3A_553 = arith.mulf %gather3A_517, %convert_element_type3A_43 : vector<16xf32>
        %mul3A_554 = arith.mulf %gather3A_518, %convert_element_type3A_48 : vector<16xf32>
        %add3A_555 = arith.addf %mul3A_553, %mul3A_554 : vector<16xf32>
        %swap3A_556 = arith.index_cast %add3A_515 : i32 to index
        %swap3A_557 = arith.constant 64 : index
        %swap3A_558 = tpu.vector_load %arg16[%swap3A_556, %swap3A_557] {strides = array<i32>} : memref<128x80xf32, #tpu.memory_space<vmem>>, vector<16xf32>,
        tpu.vector_store %arg16[%swap3A_556, %swap3A_557], %add3A_555 {strides = array<i32>} : memref<128x80xf32, #tpu.memory_space<vmem>>, vector<16xf32>,
        %scan3A_559 = arith.constant 3 : i32
        %scan3A_560 = arith.addi %scan3A_413, %scan3A_559 : i32
        %mul3A_561 = arith.constant 1 : i32
        %mul3A_562 = arith.muli %scan3A_560, %mul3A_561 : i32
        %add3A_563 = arith.constant 0 : i32
        %add3A_564 = arith.addi %add3A_563, %mul3A_562 : i32
        %broadcast_in_dim3A_565 = vector.broadcast %add3A_564 : i32 to vector<16xi32>
        %gather3A_566 = tpu.vector_load_idx %arg13[%broadcast_in_dim3A_565] : memref<128xf32, #tpu.memory_space<vmem>>[vector<16xi32>], vector<16xf32>,
        %gather3A_567 = tpu.vector_load_idx %arg14[%broadcast_in_dim3A_565] : memref<128xf32, #tpu.memory_space<vmem>>[vector<16xi32>], vector<16xf32>,
        %get3A_568 = arith.index_cast %add3A_564 : i32 to index
        %get3A_569 = arith.index_cast %mul3A_58 : i32 to index
        %get3A_570 = tpu.vector_load %arg15[%get3A_568, %get3A_569] {strides = array<i32>} : memref<128x128xf32, #tpu.memory_space<vmem>>, vector<16xf32>,
        %mul3A_571 = arith.mulf %get3A_570, %gather3A_566 : vector<16xf32>
        %swap3A_572 = arith.index_cast %add3A_564 : i32 to index
        %swap3A_573 = arith.constant 0 : index
        %swap3A_574 = tpu.vector_load %arg16[%swap3A_572, %swap3A_573] {strides = array<i32>} : memref<128x80xf32, #tpu.memory_space<vmem>>, vector<16xf32>,
        tpu.vector_store %arg16[%swap3A_572, %swap3A_573], %mul3A_571 {strides = array<i32>} : memref<128x80xf32, #tpu.memory_space<vmem>>, vector<16xf32>,
        %add3A_575 = arith.constant 16 : i32
        %add3A_576 = arith.addi %mul3A_58, %add3A_575 : i32
        %get3A_577 = arith.index_cast %add3A_564 : i32 to index
        %get3A_578 = arith.index_cast %add3A_576 : i32 to index
        %get3A_579 = tpu.vector_load %arg15[%get3A_577, %get3A_578] {strides = array<i32>} : memref<128x128xf32, #tpu.memory_space<vmem>>, vector<16xf32>,
        %mul3A_580 = arith.mulf %get3A_579, %gather3A_566 : vector<16xf32>
        %swap3A_581 = arith.index_cast %add3A_564 : i32 to index
        %swap3A_582 = arith.constant 16 : index
        %swap3A_583 = tpu.vector_load %arg16[%swap3A_581, %swap3A_582] {strides = array<i32>} : memref<128x80xf32, #tpu.memory_space<vmem>>, vector<16xf32>,
        tpu.vector_store %arg16[%swap3A_581, %swap3A_582], %mul3A_580 {strides = array<i32>} : memref<128x80xf32, #tpu.memory_space<vmem>>, vector<16xf32>,
        %add3A_584 = arith.constant 32 : i32
        %add3A_585 = arith.addi %mul3A_58, %add3A_584 : i32
        %get3A_586 = arith.index_cast %add3A_564 : i32 to index
        %get3A_587 = arith.index_cast %add3A_585 : i32 to index
        %get3A_588 = tpu.vector_load %arg15[%get3A_586, %get3A_587] {strides = array<i32>} : memref<128x128xf32, #tpu.memory_space<vmem>>, vector<16xf32>,
        %mul3A_589 = arith.mulf %get3A_588, %gather3A_567 : vector<16xf32>
        %swap3A_590 = arith.index_cast %add3A_564 : i32 to index
        %swap3A_591 = arith.constant 32 : index
        %swap3A_592 = tpu.vector_load %arg16[%swap3A_590, %swap3A_591] {strides = array<i32>} : memref<128x80xf32, #tpu.memory_space<vmem>>, vector<16xf32>,
        tpu.vector_store %arg16[%swap3A_590, %swap3A_591], %mul3A_589 {strides = array<i32>} : memref<128x80xf32, #tpu.memory_space<vmem>>, vector<16xf32>,
        %add3A_593 = arith.constant 48 : i32
        %add3A_594 = arith.addi %mul3A_58, %add3A_593 : i32
        %get3A_595 = arith.index_cast %add3A_564 : i32 to index
        %get3A_596 = arith.index_cast %add3A_594 : i32 to index
        %get3A_597 = tpu.vector_load %arg15[%get3A_595, %get3A_596] {strides = array<i32>} : memref<128x128xf32, #tpu.memory_space<vmem>>, vector<16xf32>,
        %mul3A_598 = arith.mulf %get3A_597, %gather3A_567 : vector<16xf32>
        %swap3A_599 = arith.index_cast %add3A_564 : i32 to index
        %swap3A_600 = arith.constant 48 : index
        %swap3A_601 = tpu.vector_load %arg16[%swap3A_599, %swap3A_600] {strides = array<i32>} : memref<128x80xf32, #tpu.memory_space<vmem>>, vector<16xf32>,
        tpu.vector_store %arg16[%swap3A_599, %swap3A_600], %mul3A_598 {strides = array<i32>} : memref<128x80xf32, #tpu.memory_space<vmem>>, vector<16xf32>,
        %mul3A_602 = arith.mulf %gather3A_566, %convert_element_type3A_43 : vector<16xf32>
        %mul3A_603 = arith.mulf %gather3A_567, %convert_element_type3A_48 : vector<16xf32>
        %add3A_604 = arith.addf %mul3A_602, %mul3A_603 : vector<16xf32>
        %swap3A_605 = arith.index_cast %add3A_564 : i32 to index
        %swap3A_606 = arith.constant 64 : index
        %swap3A_607 = tpu.vector_load %arg16[%swap3A_605, %swap3A_606] {strides = array<i32>} : memref<128x80xf32, #tpu.memory_space<vmem>>, vector<16xf32>,
        tpu.vector_store %arg16[%swap3A_605, %swap3A_606], %add3A_604 {strides = array<i32>} : memref<128x80xf32, #tpu.memory_space<vmem>>, vector<16xf32>,
      }
      %scan3A_412 = arith.constant 128 : i32
      "tpu.region"() ({
        %run_scoped3A = tpu.sem_alloc : memref<!tpu.dma_semaphore, #tpu.memory_space<semaphore_mem>>
        %dma_start3A_413 = arith.constant 0 : i32
        %dma_start3A_414 = arith.constant 0 : i32
        %dma_start3A_415 = tpu.memref_slice %arg9[%dma_start3A_413, %dma_start3A_414] : memref<10016x80xf32, #tpu.memory_space<vmem_shared>> -> memref<10016x80xf32, #tpu.memory_space<vmem_shared>>
        tpu.enqueue_indirect_dma source(%arg16 : memref<128x80xf32, #tpu.memory_space<vmem>>) target(%dma_start3A_415 : memref<10016x80xf32, #tpu.memory_space<vmem_shared>>) offsets(%arg12 : memref<128xi32, #tpu.memory_space<vmem>>) semaphore(%run_scoped3A : memref<!tpu.dma_semaphore, #tpu.memory_space<semaphore_mem>>) {add = true}
        %dma_wait3A_416 = arith.constant 0 : i32
        %dma_wait3A_417 = arith.constant 0 : i32
        %dma_wait3A_418 = tpu.memref_slice %arg9[%dma_wait3A_416, %dma_wait3A_417] : memref<10016x80xf32, #tpu.memory_space<vmem_shared>> -> memref<10016x80xf32, #tpu.memory_space<vmem_shared>>
        tpu.wait_indirect_dma semaphore(%run_scoped3A : memref<!tpu.dma_semaphore, #tpu.memory_space<semaphore_mem>>) src(%arg16 : memref<128x80xf32, #tpu.memory_space<vmem>>) dst(%dma_wait3A_418 : memref<10016x80xf32, #tpu.memory_space<vmem_shared>>)
        tpu.yield
      }) : () -> ()
    }
    %scan3A_63 = arith.constant 157 : i32
    %barrier3A_64 = arith.constant 0 : index
    tpu.barrier barrier_id(%barrier3A_64)
    %eq3A_65 = arith.constant 0 : i32
    %eq3A_66 = arith.cmpi eq, %arg0, %eq3A_65 : i32
    %convert_element_type3A_67 = arith.extui %eq3A_66 : i1 to i32
    %cond3A_68 = arith.constant 0 : i32
    %cond3A_69 = arith.cmpi ne, %convert_element_type3A_67, %cond3A_68 : i32
    scf.if %cond3A_69 {
      %mul3A_90 = arith.constant 624 : i32
      %mul3A_91 = arith.muli %arg1, %mul3A_90 : i32
      %mul3A_92 = arith.constant 624 : i32
      %mul3A_93 = arith.muli %arg1, %mul3A_92 : i32
      "tpu.region"() ({
        %run_scoped3A = tpu.sem_alloc : memref<!tpu.dma_semaphore, #tpu.memory_space<semaphore_mem>>
        %dma_start3A = arith.constant 0 : i32
        %dma_start3A_94 = tpu.memref_slice %arg7[%mul3A_93, %dma_start3A] : memref<10016x128xf32, #tpu.memory_space<hbm>> -> memref<624x80xf32, #tpu.memory_space<hbm>>
        %dma_start3A_95 = arith.constant 0 : i32
        %dma_start3A_96 = tpu.memref_slice %arg9[%mul3A_91, %dma_start3A_95] : memref<10016x80xf32, #tpu.memory_space<vmem_shared>> -> memref<624x80xf32, #tpu.memory_space<vmem_shared>>
        tpu.enqueue_dma source(%dma_start3A_96 : memref<624x80xf32, #tpu.memory_space<vmem_shared>>) target(%dma_start3A_94 : memref<624x80xf32, #tpu.memory_space<hbm>>) target_semaphore(%run_scoped3A : memref<!tpu.dma_semaphore, #tpu.memory_space<semaphore_mem>>)
        %dma_wait3A = arith.constant 0 : i32
        %dma_wait3A_97 = tpu.memref_slice %arg7[%mul3A_93, %dma_wait3A] : memref<10016x128xf32, #tpu.memory_space<hbm>> -> memref<624x80xf32, #tpu.memory_space<hbm>>
        %dma_wait3A_98 = arith.constant 0 : i32
        %dma_wait3A_99 = tpu.memref_slice %arg9[%mul3A_91, %dma_wait3A_98] : memref<10016x80xf32, #tpu.memory_space<vmem_shared>> -> memref<624x80xf32, #tpu.memory_space<vmem_shared>>
        tpu.wait_dma2 semaphore(%run_scoped3A : memref<!tpu.dma_semaphore, #tpu.memory_space<semaphore_mem>>) src(%dma_wait3A_99 : memref<624x80xf32, #tpu.memory_space<vmem_shared>>) dst(%dma_wait3A_97 : memref<624x80xf32, #tpu.memory_space<hbm>>)
        tpu.yield
      }) : () -> ()
    } else {
    }
    %eq3A_70 = arith.constant 1 : i32
    %eq3A_71 = arith.cmpi eq, %arg0, %eq3A_70 : i32
    %convert_element_type3A_72 = arith.extui %eq3A_71 : i1 to i32
    %cond3A_73 = arith.constant 0 : i32
    %cond3A_74 = arith.cmpi ne, %convert_element_type3A_72, %cond3A_73 : i32
    scf.if %cond3A_74 {
      %mul3A_90 = arith.constant 624 : i32
      %mul3A_91 = arith.muli %arg1, %mul3A_90 : i32
      %mul3A_92 = arith.constant 624 : i32
      %mul3A_93 = arith.muli %arg1, %mul3A_92 : i32
      "tpu.region"() ({
        %run_scoped3A = tpu.sem_alloc : memref<!tpu.dma_semaphore, #tpu.memory_space<semaphore_mem>>
        %dma_start3A = arith.constant 0 : i32
        %dma_start3A_94 = tpu.memref_slice %arg8[%mul3A_93, %dma_start3A] : memref<10016x128xf32, #tpu.memory_space<hbm>> -> memref<624x80xf32, #tpu.memory_space<hbm>>
        %dma_start3A_95 = arith.constant 0 : i32
        %dma_start3A_96 = tpu.memref_slice %arg9[%mul3A_91, %dma_start3A_95] : memref<10016x80xf32, #tpu.memory_space<vmem_shared>> -> memref<624x80xf32, #tpu.memory_space<vmem_shared>>
        tpu.enqueue_dma source(%dma_start3A_96 : memref<624x80xf32, #tpu.memory_space<vmem_shared>>) target(%dma_start3A_94 : memref<624x80xf32, #tpu.memory_space<hbm>>) target_semaphore(%run_scoped3A : memref<!tpu.dma_semaphore, #tpu.memory_space<semaphore_mem>>)
        %dma_wait3A = arith.constant 0 : i32
        %dma_wait3A_97 = tpu.memref_slice %arg8[%mul3A_93, %dma_wait3A] : memref<10016x128xf32, #tpu.memory_space<hbm>> -> memref<624x80xf32, #tpu.memory_space<hbm>>
        %dma_wait3A_98 = arith.constant 0 : i32
        %dma_wait3A_99 = tpu.memref_slice %arg9[%mul3A_91, %dma_wait3A_98] : memref<10016x80xf32, #tpu.memory_space<vmem_shared>> -> memref<624x80xf32, #tpu.memory_space<vmem_shared>>
        tpu.wait_dma2 semaphore(%run_scoped3A : memref<!tpu.dma_semaphore, #tpu.memory_space<semaphore_mem>>) src(%dma_wait3A_99 : memref<624x80xf32, #tpu.memory_space<vmem_shared>>) dst(%dma_wait3A_97 : memref<624x80xf32, #tpu.memory_space<hbm>>)
        tpu.yield
      }) : () -> ()
    } else {
    }
    %eq3A_75 = arith.constant 0 : i32
    %eq3A_76 = arith.cmpi eq, %arg1, %eq3A_75 : i32
    %eq3A_77 = arith.constant 0 : i32
    %eq3A_78 = arith.cmpi eq, %arg0, %eq3A_77 : i32
    %and3A = arith.andi %eq3A_76, %eq3A_78 : i1
    %convert_element_type3A_79 = arith.extui %and3A : i1 to i32
    %cond3A_80 = arith.constant 0 : i32
    %cond3A_81 = arith.cmpi ne, %convert_element_type3A_79, %cond3A_80 : i32
    scf.if %cond3A_81 {
      "tpu.region"() ({
        %run_scoped3A = tpu.sem_alloc : memref<!tpu.dma_semaphore, #tpu.memory_space<semaphore_mem>>
        %dma_start3A = arith.constant 9984 : i32
        %dma_start3A_90 = arith.constant 0 : i32
        %dma_start3A_91 = tpu.memref_slice %arg7[%dma_start3A, %dma_start3A_90] : memref<10016x128xf32, #tpu.memory_space<hbm>> -> memref<32x80xf32, #tpu.memory_space<hbm>>
        %dma_start3A_92 = arith.constant 9984 : i32
        %dma_start3A_93 = arith.constant 0 : i32
        %dma_start3A_94 = tpu.memref_slice %arg9[%dma_start3A_92, %dma_start3A_93] : memref<10016x80xf32, #tpu.memory_space<vmem_shared>> -> memref<32x80xf32, #tpu.memory_space<vmem_shared>>
        tpu.enqueue_dma source(%dma_start3A_94 : memref<32x80xf32, #tpu.memory_space<vmem_shared>>) target(%dma_start3A_91 : memref<32x80xf32, #tpu.memory_space<hbm>>) target_semaphore(%run_scoped3A : memref<!tpu.dma_semaphore, #tpu.memory_space<semaphore_mem>>)
        %dma_wait3A = arith.constant 9984 : i32
        %dma_wait3A_95 = arith.constant 0 : i32
        %dma_wait3A_96 = tpu.memref_slice %arg7[%dma_wait3A, %dma_wait3A_95] : memref<10016x128xf32, #tpu.memory_space<hbm>> -> memref<32x80xf32, #tpu.memory_space<hbm>>
        %dma_wait3A_97 = arith.constant 9984 : i32
        %dma_wait3A_98 = arith.constant 0 : i32
        %dma_wait3A_99 = tpu.memref_slice %arg9[%dma_wait3A_97, %dma_wait3A_98] : memref<10016x80xf32, #tpu.memory_space<vmem_shared>> -> memref<32x80xf32, #tpu.memory_space<vmem_shared>>
        tpu.wait_dma2 semaphore(%run_scoped3A : memref<!tpu.dma_semaphore, #tpu.memory_space<semaphore_mem>>) src(%dma_wait3A_99 : memref<32x80xf32, #tpu.memory_space<vmem_shared>>) dst(%dma_wait3A_96 : memref<32x80xf32, #tpu.memory_space<hbm>>)
        tpu.yield
      }) : () -> ()
    } else {
    }
    %eq3A_82 = arith.constant 0 : i32
    %eq3A_83 = arith.cmpi eq, %arg1, %eq3A_82 : i32
    %eq3A_84 = arith.constant 1 : i32
    %eq3A_85 = arith.cmpi eq, %arg0, %eq3A_84 : i32
    %and3A_86 = arith.andi %eq3A_83, %eq3A_85 : i1
    %convert_element_type3A_87 = arith.extui %and3A_86 : i1 to i32
    %cond3A_88 = arith.constant 0 : i32
    %cond3A_89 = arith.cmpi ne, %convert_element_type3A_87, %cond3A_88 : i32
    scf.if %cond3A_89 {
      "tpu.region"() ({
        %run_scoped3A = tpu.sem_alloc : memref<!tpu.dma_semaphore, #tpu.memory_space<semaphore_mem>>
        %dma_start3A = arith.constant 9984 : i32
        %dma_start3A_90 = arith.constant 0 : i32
        %dma_start3A_91 = tpu.memref_slice %arg8[%dma_start3A, %dma_start3A_90] : memref<10016x128xf32, #tpu.memory_space<hbm>> -> memref<32x80xf32, #tpu.memory_space<hbm>>
        %dma_start3A_92 = arith.constant 9984 : i32
        %dma_start3A_93 = arith.constant 0 : i32
        %dma_start3A_94 = tpu.memref_slice %arg9[%dma_start3A_92, %dma_start3A_93] : memref<10016x80xf32, #tpu.memory_space<vmem_shared>> -> memref<32x80xf32, #tpu.memory_space<vmem_shared>>
        tpu.enqueue_dma source(%dma_start3A_94 : memref<32x80xf32, #tpu.memory_space<vmem_shared>>) target(%dma_start3A_91 : memref<32x80xf32, #tpu.memory_space<hbm>>) target_semaphore(%run_scoped3A : memref<!tpu.dma_semaphore, #tpu.memory_space<semaphore_mem>>)
        %dma_wait3A = arith.constant 9984 : i32
        %dma_wait3A_95 = arith.constant 0 : i32
        %dma_wait3A_96 = tpu.memref_slice %arg8[%dma_wait3A, %dma_wait3A_95] : memref<10016x128xf32, #tpu.memory_space<hbm>> -> memref<32x80xf32, #tpu.memory_space<hbm>>
        %dma_wait3A_97 = arith.constant 9984 : i32
        %dma_wait3A_98 = arith.constant 0 : i32
        %dma_wait3A_99 = tpu.memref_slice %arg9[%dma_wait3A_97, %dma_wait3A_98] : memref<10016x80xf32, #tpu.memory_space<vmem_shared>> -> memref<32x80xf32, #tpu.memory_space<vmem_shared>>
        tpu.wait_dma2 semaphore(%run_scoped3A : memref<!tpu.dma_semaphore, #tpu.memory_space<semaphore_mem>>) src(%dma_wait3A_99 : memref<32x80xf32, #tpu.memory_space<vmem_shared>>) dst(%dma_wait3A_96 : memref<32x80xf32, #tpu.memory_space<hbm>>)
        tpu.yield
      }) : () -> ()
    } else {
    }
    return
  }
}

#map = affine_map<(d0, d1) -> (0)>
#map1 = affine_map<(d0, d1) -> (0, 0)>
module attributes {stable_mosaic.version = 14 : i64} {
  func.func @edge_kernel(%arg0: i32, %arg1: i32, %arg2: memref<321536xi32, #tpu.memory_space<hbm>>, %arg3: memref<321536xi32, #tpu.memory_space<hbm>>, %arg4: memref<10016x128xf32, #tpu.memory_space<hbm>>, %arg5: memref<40064xf32, #tpu.memory_space<hbm>>, %arg6: memref<40064xf32, #tpu.memory_space<hbm>>, %arg7: memref<10016x128xf32, #tpu.memory_space<hbm>>, %arg8: memref<10016x128xf32, #tpu.memory_space<hbm>>, %arg9: memref<10016x80xf32, #tpu.memory_space<vmem_shared>>, %arg10: memref<40064xf32, #tpu.memory_space<vmem>>, %arg11: memref<128xi32, #tpu.memory_space<vmem>>, %arg12: memref<128xi32, #tpu.memory_space<vmem>>, %arg13: memref<128xf32, #tpu.memory_space<vmem>>, %arg14: memref<128xf32, #tpu.memory_space<vmem>>, %arg15: memref<128x128xf32, #tpu.memory_space<vmem>>, %arg16: memref<128x80xf32, #tpu.memory_space<vmem>>, %arg17: memref<!tpu.dma_semaphore, #tpu.memory_space<semaphore_mem>>) attributes {dimension_semantics = [#tpu.dimension_semantics<core_parallel>, #tpu.dimension_semantics<subcore_parallel>], iteration_bounds = array<i64: 2, 16>, scalar_prefetch = 0 : i64, scratch_operands = 9 : i64, tpu.core_type = #tpu.core_type<sc_vector_subcore>, window_params = [{transform_indices = #map}, {transform_indices = #map}, {transform_indices = #map1}, {transform_indices = #map}, {transform_indices = #map}, {transform_indices = #map1}, {transform_indices = #map1}]} {
    %eq3A = arith.constant 0 : i32
    %eq3A_0 = arith.cmpi eq, %arg0, %eq3A : i32
    %convert_element_type3A = arith.extui %eq3A_0 : i1 to i32
    %cond3A = arith.constant 0 : i32
    %cond3A_1 = arith.cmpi ne, %convert_element_type3A, %cond3A : i32
    scf.if %cond3A_1 {
      "tpu.region"() ({
        %run_scoped3A = tpu.sem_alloc : memref<!tpu.dma_semaphore, #tpu.memory_space<semaphore_mem>>
        tpu.enqueue_dma source(%arg5 : memref<40064xf32, #tpu.memory_space<hbm>>) target(%arg10 : memref<40064xf32, #tpu.memory_space<vmem>>) target_semaphore(%run_scoped3A : memref<!tpu.dma_semaphore, #tpu.memory_space<semaphore_mem>>)
        tpu.wait_dma2 semaphore(%run_scoped3A : memref<!tpu.dma_semaphore, #tpu.memory_space<semaphore_mem>>) src(%arg5 : memref<40064xf32, #tpu.memory_space<hbm>>) dst(%arg10 : memref<40064xf32, #tpu.memory_space<vmem>>)
        tpu.yield
      }) : () -> ()
    } else {
    }
    %eq3A_2 = arith.constant 1 : i32
    %eq3A_3 = arith.cmpi eq, %arg0, %eq3A_2 : i32
    %convert_element_type3A_4 = arith.extui %eq3A_3 : i1 to i32
    %cond3A_5 = arith.constant 0 : i32
    %cond3A_6 = arith.cmpi ne, %convert_element_type3A_4, %cond3A_5 : i32
    scf.if %cond3A_6 {
      "tpu.region"() ({
        %run_scoped3A = tpu.sem_alloc : memref<!tpu.dma_semaphore, #tpu.memory_space<semaphore_mem>>
        tpu.enqueue_dma source(%arg6 : memref<40064xf32, #tpu.memory_space<hbm>>) target(%arg10 : memref<40064xf32, #tpu.memory_space<vmem>>) target_semaphore(%run_scoped3A : memref<!tpu.dma_semaphore, #tpu.memory_space<semaphore_mem>>)
        tpu.wait_dma2 semaphore(%run_scoped3A : memref<!tpu.dma_semaphore, #tpu.memory_space<semaphore_mem>>) src(%arg6 : memref<40064xf32, #tpu.memory_space<hbm>>) dst(%arg10 : memref<40064xf32, #tpu.memory_space<vmem>>)
        tpu.yield
      }) : () -> ()
    } else {
    }
    %broadcast_in_dim3A = arith.constant 0.000000e+00 : f32
    %broadcast_in_dim3A_7 = vector.broadcast %broadcast_in_dim3A : f32 to vector<16xf32>
    %scan3A = arith.constant 0 : i32
    %scan3A_8 = arith.constant 128 : i32
    %scan3A_9 = arith.addi %scan3A, %scan3A_8 : i32
    %scan3A_10 = arith.constant 1 : i32
    scf.for %scan3A_90 = %scan3A to %scan3A_9 step %scan3A_10  : i32 {
      %mul3A_91 = arith.constant 1 : i32
      %mul3A_92 = arith.muli %scan3A_90, %mul3A_91 : i32
      %add3A_93 = arith.constant 0 : i32
      %add3A_94 = arith.addi %add3A_93, %mul3A_92 : i32
      %swap3A = arith.index_cast %add3A_94 : i32 to index
      %swap3A_95 = arith.constant 0 : index
      %swap3A_96 = tpu.vector_load %arg16[%swap3A, %swap3A_95] {strides = array<i32>} : memref<128x80xf32, #tpu.memory_space<vmem>>, vector<16xf32>,
      tpu.vector_store %arg16[%swap3A, %swap3A_95], %broadcast_in_dim3A_7 {strides = array<i32>} : memref<128x80xf32, #tpu.memory_space<vmem>>, vector<16xf32>,
      %swap3A_97 = arith.index_cast %add3A_94 : i32 to index
      %swap3A_98 = arith.constant 16 : index
      %swap3A_99 = tpu.vector_load %arg16[%swap3A_97, %swap3A_98] {strides = array<i32>} : memref<128x80xf32, #tpu.memory_space<vmem>>, vector<16xf32>,
      tpu.vector_store %arg16[%swap3A_97, %swap3A_98], %broadcast_in_dim3A_7 {strides = array<i32>} : memref<128x80xf32, #tpu.memory_space<vmem>>, vector<16xf32>,
      %swap3A_100 = arith.index_cast %add3A_94 : i32 to index
      %swap3A_101 = arith.constant 32 : index
      %swap3A_102 = tpu.vector_load %arg16[%swap3A_100, %swap3A_101] {strides = array<i32>} : memref<128x80xf32, #tpu.memory_space<vmem>>, vector<16xf32>,
      tpu.vector_store %arg16[%swap3A_100, %swap3A_101], %broadcast_in_dim3A_7 {strides = array<i32>} : memref<128x80xf32, #tpu.memory_space<vmem>>, vector<16xf32>,
      %swap3A_103 = arith.index_cast %add3A_94 : i32 to index
      %swap3A_104 = arith.constant 48 : index
      %swap3A_105 = tpu.vector_load %arg16[%swap3A_103, %swap3A_104] {strides = array<i32>} : memref<128x80xf32, #tpu.memory_space<vmem>>, vector<16xf32>,
      tpu.vector_store %arg16[%swap3A_103, %swap3A_104], %broadcast_in_dim3A_7 {strides = array<i32>} : memref<128x80xf32, #tpu.memory_space<vmem>>, vector<16xf32>,
      %swap3A_106 = arith.index_cast %add3A_94 : i32 to index
      %swap3A_107 = arith.constant 64 : index
      %swap3A_108 = tpu.vector_load %arg16[%swap3A_106, %swap3A_107] {strides = array<i32>} : memref<128x80xf32, #tpu.memory_space<vmem>>, vector<16xf32>,
      tpu.vector_store %arg16[%swap3A_106, %swap3A_107], %broadcast_in_dim3A_7 {strides = array<i32>} : memref<128x80xf32, #tpu.memory_space<vmem>>, vector<16xf32>,
    }
    %scan3A_11 = arith.constant 128 : i32
    %mul3A = arith.constant 624 : i32
    %mul3A_12 = arith.muli %arg1, %mul3A : i32
    %add3A = arith.constant 0 : i32
    %add3A_13 = arith.addi %mul3A_12, %add3A : i32
    "tpu.region"() ({
      %run_scoped3A = tpu.sem_alloc : memref<!tpu.dma_semaphore, #tpu.memory_space<semaphore_mem>>
      %dma_start3A = arith.constant 0 : i32
      %dma_start3A_90 = arith.constant 0 : i32
      %dma_start3A_91 = tpu.memref_slice %arg16[%dma_start3A, %dma_start3A_90] : memref<128x80xf32, #tpu.memory_space<vmem>> -> memref<104x80xf32, #tpu.memory_space<vmem>>
      %dma_start3A_92 = arith.constant 0 : i32
      %dma_start3A_93 = tpu.memref_slice %arg9[%add3A_13, %dma_start3A_92] : memref<10016x80xf32, #tpu.memory_space<vmem_shared>> -> memref<104x80xf32, #tpu.memory_space<vmem_shared>>
      %dma_start3A_94 = arith.constant 0 : i32
      %dma_start3A_95 = tpu.memref_slice %arg9[%add3A_13, %dma_start3A_94] : memref<10016x80xf32, #tpu.memory_space<vmem_shared>> -> memref<104x80xf32, #tpu.memory_space<vmem_shared>>
      %dma_start3A_96 = arith.constant 0 : i32
      %dma_start3A_97 = arith.constant 0 : i32
      %dma_start3A_98 = tpu.memref_slice %arg16[%dma_start3A_96, %dma_start3A_97] : memref<128x80xf32, #tpu.memory_space<vmem>> -> memref<104x80xf32, #tpu.memory_space<vmem>>
      tpu.enqueue_dma source(%dma_start3A_98 : memref<104x80xf32, #tpu.memory_space<vmem>>) target(%dma_start3A_95 : memref<104x80xf32, #tpu.memory_space<vmem_shared>>) target_semaphore(%run_scoped3A : memref<!tpu.dma_semaphore, #tpu.memory_space<semaphore_mem>>)
      %dma_wait3A = arith.constant 0 : i32
      %dma_wait3A_99 = arith.constant 0 : i32
      %dma_wait3A_100 = tpu.memref_slice %arg16[%dma_wait3A, %dma_wait3A_99] : memref<128x80xf32, #tpu.memory_space<vmem>> -> memref<104x80xf32, #tpu.memory_space<vmem>>
      %dma_wait3A_101 = arith.constant 0 : i32
      %dma_wait3A_102 = tpu.memref_slice %arg9[%add3A_13, %dma_wait3A_101] : memref<10016x80xf32, #tpu.memory_space<vmem_shared>> -> memref<104x80xf32, #tpu.memory_space<vmem_shared>>
      %dma_wait3A_103 = arith.constant 0 : i32
      %dma_wait3A_104 = tpu.memref_slice %arg9[%add3A_13, %dma_wait3A_103] : memref<10016x80xf32, #tpu.memory_space<vmem_shared>> -> memref<104x80xf32, #tpu.memory_space<vmem_shared>>
      %dma_wait3A_105 = arith.constant 0 : i32
      %dma_wait3A_106 = arith.constant 0 : i32
      %dma_wait3A_107 = tpu.memref_slice %arg16[%dma_wait3A_105, %dma_wait3A_106] : memref<128x80xf32, #tpu.memory_space<vmem>> -> memref<104x80xf32, #tpu.memory_space<vmem>>
      tpu.wait_dma2 semaphore(%run_scoped3A : memref<!tpu.dma_semaphore, #tpu.memory_space<semaphore_mem>>) src(%dma_wait3A_107 : memref<104x80xf32, #tpu.memory_space<vmem>>) dst(%dma_wait3A_104 : memref<104x80xf32, #tpu.memory_space<vmem_shared>>)
      tpu.yield
    }) : () -> ()
    %mul3A_14 = arith.constant 624 : i32
    %mul3A_15 = arith.muli %arg1, %mul3A_14 : i32
    %add3A_16 = arith.constant 104 : i32
    %add3A_17 = arith.addi %mul3A_15, %add3A_16 : i32
    "tpu.region"() ({
      %run_scoped3A = tpu.sem_alloc : memref<!tpu.dma_semaphore, #tpu.memory_space<semaphore_mem>>
      %dma_start3A = arith.constant 0 : i32
      %dma_start3A_90 = arith.constant 0 : i32
      %dma_start3A_91 = tpu.memref_slice %arg16[%dma_start3A, %dma_start3A_90] : memref<128x80xf32, #tpu.memory_space<vmem>> -> memref<104x80xf32, #tpu.memory_space<vmem>>
      %dma_start3A_92 = arith.constant 0 : i32
      %dma_start3A_93 = tpu.memref_slice %arg9[%add3A_17, %dma_start3A_92] : memref<10016x80xf32, #tpu.memory_space<vmem_shared>> -> memref<104x80xf32, #tpu.memory_space<vmem_shared>>
      %dma_start3A_94 = arith.constant 0 : i32
      %dma_start3A_95 = tpu.memref_slice %arg9[%add3A_17, %dma_start3A_94] : memref<10016x80xf32, #tpu.memory_space<vmem_shared>> -> memref<104x80xf32, #tpu.memory_space<vmem_shared>>
      %dma_start3A_96 = arith.constant 0 : i32
      %dma_start3A_97 = arith.constant 0 : i32
      %dma_start3A_98 = tpu.memref_slice %arg16[%dma_start3A_96, %dma_start3A_97] : memref<128x80xf32, #tpu.memory_space<vmem>> -> memref<104x80xf32, #tpu.memory_space<vmem>>
      tpu.enqueue_dma source(%dma_start3A_98 : memref<104x80xf32, #tpu.memory_space<vmem>>) target(%dma_start3A_95 : memref<104x80xf32, #tpu.memory_space<vmem_shared>>) target_semaphore(%run_scoped3A : memref<!tpu.dma_semaphore, #tpu.memory_space<semaphore_mem>>)
      %dma_wait3A = arith.constant 0 : i32
      %dma_wait3A_99 = arith.constant 0 : i32
      %dma_wait3A_100 = tpu.memref_slice %arg16[%dma_wait3A, %dma_wait3A_99] : memref<128x80xf32, #tpu.memory_space<vmem>> -> memref<104x80xf32, #tpu.memory_space<vmem>>
      %dma_wait3A_101 = arith.constant 0 : i32
      %dma_wait3A_102 = tpu.memref_slice %arg9[%add3A_17, %dma_wait3A_101] : memref<10016x80xf32, #tpu.memory_space<vmem_shared>> -> memref<104x80xf32, #tpu.memory_space<vmem_shared>>
      %dma_wait3A_103 = arith.constant 0 : i32
      %dma_wait3A_104 = tpu.memref_slice %arg9[%add3A_17, %dma_wait3A_103] : memref<10016x80xf32, #tpu.memory_space<vmem_shared>> -> memref<104x80xf32, #tpu.memory_space<vmem_shared>>
      %dma_wait3A_105 = arith.constant 0 : i32
      %dma_wait3A_106 = arith.constant 0 : i32
      %dma_wait3A_107 = tpu.memref_slice %arg16[%dma_wait3A_105, %dma_wait3A_106] : memref<128x80xf32, #tpu.memory_space<vmem>> -> memref<104x80xf32, #tpu.memory_space<vmem>>
      tpu.wait_dma2 semaphore(%run_scoped3A : memref<!tpu.dma_semaphore, #tpu.memory_space<semaphore_mem>>) src(%dma_wait3A_107 : memref<104x80xf32, #tpu.memory_space<vmem>>) dst(%dma_wait3A_104 : memref<104x80xf32, #tpu.memory_space<vmem_shared>>)
      tpu.yield
    }) : () -> ()
    %mul3A_18 = arith.constant 624 : i32
    %mul3A_19 = arith.muli %arg1, %mul3A_18 : i32
    %add3A_20 = arith.constant 208 : i32
    %add3A_21 = arith.addi %mul3A_19, %add3A_20 : i32
    "tpu.region"() ({
      %run_scoped3A = tpu.sem_alloc : memref<!tpu.dma_semaphore, #tpu.memory_space<semaphore_mem>>
      %dma_start3A = arith.constant 0 : i32
      %dma_start3A_90 = arith.constant 0 : i32
      %dma_start3A_91 = tpu.memref_slice %arg16[%dma_start3A, %dma_start3A_90] : memref<128x80xf32, #tpu.memory_space<vmem>> -> memref<104x80xf32, #tpu.memory_space<vmem>>
      %dma_start3A_92 = arith.constant 0 : i32
      %dma_start3A_93 = tpu.memref_slice %arg9[%add3A_21, %dma_start3A_92] : memref<10016x80xf32, #tpu.memory_space<vmem_shared>> -> memref<104x80xf32, #tpu.memory_space<vmem_shared>>
      %dma_start3A_94 = arith.constant 0 : i32
      %dma_start3A_95 = tpu.memref_slice %arg9[%add3A_21, %dma_start3A_94] : memref<10016x80xf32, #tpu.memory_space<vmem_shared>> -> memref<104x80xf32, #tpu.memory_space<vmem_shared>>
      %dma_start3A_96 = arith.constant 0 : i32
      %dma_start3A_97 = arith.constant 0 : i32
      %dma_start3A_98 = tpu.memref_slice %arg16[%dma_start3A_96, %dma_start3A_97] : memref<128x80xf32, #tpu.memory_space<vmem>> -> memref<104x80xf32, #tpu.memory_space<vmem>>
      tpu.enqueue_dma source(%dma_start3A_98 : memref<104x80xf32, #tpu.memory_space<vmem>>) target(%dma_start3A_95 : memref<104x80xf32, #tpu.memory_space<vmem_shared>>) target_semaphore(%run_scoped3A : memref<!tpu.dma_semaphore, #tpu.memory_space<semaphore_mem>>)
      %dma_wait3A = arith.constant 0 : i32
      %dma_wait3A_99 = arith.constant 0 : i32
      %dma_wait3A_100 = tpu.memref_slice %arg16[%dma_wait3A, %dma_wait3A_99] : memref<128x80xf32, #tpu.memory_space<vmem>> -> memref<104x80xf32, #tpu.memory_space<vmem>>
      %dma_wait3A_101 = arith.constant 0 : i32
      %dma_wait3A_102 = tpu.memref_slice %arg9[%add3A_21, %dma_wait3A_101] : memref<10016x80xf32, #tpu.memory_space<vmem_shared>> -> memref<104x80xf32, #tpu.memory_space<vmem_shared>>
      %dma_wait3A_103 = arith.constant 0 : i32
      %dma_wait3A_104 = tpu.memref_slice %arg9[%add3A_21, %dma_wait3A_103] : memref<10016x80xf32, #tpu.memory_space<vmem_shared>> -> memref<104x80xf32, #tpu.memory_space<vmem_shared>>
      %dma_wait3A_105 = arith.constant 0 : i32
      %dma_wait3A_106 = arith.constant 0 : i32
      %dma_wait3A_107 = tpu.memref_slice %arg16[%dma_wait3A_105, %dma_wait3A_106] : memref<128x80xf32, #tpu.memory_space<vmem>> -> memref<104x80xf32, #tpu.memory_space<vmem>>
      tpu.wait_dma2 semaphore(%run_scoped3A : memref<!tpu.dma_semaphore, #tpu.memory_space<semaphore_mem>>) src(%dma_wait3A_107 : memref<104x80xf32, #tpu.memory_space<vmem>>) dst(%dma_wait3A_104 : memref<104x80xf32, #tpu.memory_space<vmem_shared>>)
      tpu.yield
    }) : () -> ()
    %mul3A_22 = arith.constant 624 : i32
    %mul3A_23 = arith.muli %arg1, %mul3A_22 : i32
    %add3A_24 = arith.constant 312 : i32
    %add3A_25 = arith.addi %mul3A_23, %add3A_24 : i32
    "tpu.region"() ({
      %run_scoped3A = tpu.sem_alloc : memref<!tpu.dma_semaphore, #tpu.memory_space<semaphore_mem>>
      %dma_start3A = arith.constant 0 : i32
      %dma_start3A_90 = arith.constant 0 : i32
      %dma_start3A_91 = tpu.memref_slice %arg16[%dma_start3A, %dma_start3A_90] : memref<128x80xf32, #tpu.memory_space<vmem>> -> memref<104x80xf32, #tpu.memory_space<vmem>>
      %dma_start3A_92 = arith.constant 0 : i32
      %dma_start3A_93 = tpu.memref_slice %arg9[%add3A_25, %dma_start3A_92] : memref<10016x80xf32, #tpu.memory_space<vmem_shared>> -> memref<104x80xf32, #tpu.memory_space<vmem_shared>>
      %dma_start3A_94 = arith.constant 0 : i32
      %dma_start3A_95 = tpu.memref_slice %arg9[%add3A_25, %dma_start3A_94] : memref<10016x80xf32, #tpu.memory_space<vmem_shared>> -> memref<104x80xf32, #tpu.memory_space<vmem_shared>>
      %dma_start3A_96 = arith.constant 0 : i32
      %dma_start3A_97 = arith.constant 0 : i32
      %dma_start3A_98 = tpu.memref_slice %arg16[%dma_start3A_96, %dma_start3A_97] : memref<128x80xf32, #tpu.memory_space<vmem>> -> memref<104x80xf32, #tpu.memory_space<vmem>>
      tpu.enqueue_dma source(%dma_start3A_98 : memref<104x80xf32, #tpu.memory_space<vmem>>) target(%dma_start3A_95 : memref<104x80xf32, #tpu.memory_space<vmem_shared>>) target_semaphore(%run_scoped3A : memref<!tpu.dma_semaphore, #tpu.memory_space<semaphore_mem>>)
      %dma_wait3A = arith.constant 0 : i32
      %dma_wait3A_99 = arith.constant 0 : i32
      %dma_wait3A_100 = tpu.memref_slice %arg16[%dma_wait3A, %dma_wait3A_99] : memref<128x80xf32, #tpu.memory_space<vmem>> -> memref<104x80xf32, #tpu.memory_space<vmem>>
      %dma_wait3A_101 = arith.constant 0 : i32
      %dma_wait3A_102 = tpu.memref_slice %arg9[%add3A_25, %dma_wait3A_101] : memref<10016x80xf32, #tpu.memory_space<vmem_shared>> -> memref<104x80xf32, #tpu.memory_space<vmem_shared>>
      %dma_wait3A_103 = arith.constant 0 : i32
      %dma_wait3A_104 = tpu.memref_slice %arg9[%add3A_25, %dma_wait3A_103] : memref<10016x80xf32, #tpu.memory_space<vmem_shared>> -> memref<104x80xf32, #tpu.memory_space<vmem_shared>>
      %dma_wait3A_105 = arith.constant 0 : i32
      %dma_wait3A_106 = arith.constant 0 : i32
      %dma_wait3A_107 = tpu.memref_slice %arg16[%dma_wait3A_105, %dma_wait3A_106] : memref<128x80xf32, #tpu.memory_space<vmem>> -> memref<104x80xf32, #tpu.memory_space<vmem>>
      tpu.wait_dma2 semaphore(%run_scoped3A : memref<!tpu.dma_semaphore, #tpu.memory_space<semaphore_mem>>) src(%dma_wait3A_107 : memref<104x80xf32, #tpu.memory_space<vmem>>) dst(%dma_wait3A_104 : memref<104x80xf32, #tpu.memory_space<vmem_shared>>)
      tpu.yield
    }) : () -> ()
    %mul3A_26 = arith.constant 624 : i32
    %mul3A_27 = arith.muli %arg1, %mul3A_26 : i32
    %add3A_28 = arith.constant 416 : i32
    %add3A_29 = arith.addi %mul3A_27, %add3A_28 : i32
    "tpu.region"() ({
      %run_scoped3A = tpu.sem_alloc : memref<!tpu.dma_semaphore, #tpu.memory_space<semaphore_mem>>
      %dma_start3A = arith.constant 0 : i32
      %dma_start3A_90 = arith.constant 0 : i32
      %dma_start3A_91 = tpu.memref_slice %arg16[%dma_start3A, %dma_start3A_90] : memref<128x80xf32, #tpu.memory_space<vmem>> -> memref<104x80xf32, #tpu.memory_space<vmem>>
      %dma_start3A_92 = arith.constant 0 : i32
      %dma_start3A_93 = tpu.memref_slice %arg9[%add3A_29, %dma_start3A_92] : memref<10016x80xf32, #tpu.memory_space<vmem_shared>> -> memref<104x80xf32, #tpu.memory_space<vmem_shared>>
      %dma_start3A_94 = arith.constant 0 : i32
      %dma_start3A_95 = tpu.memref_slice %arg9[%add3A_29, %dma_start3A_94] : memref<10016x80xf32, #tpu.memory_space<vmem_shared>> -> memref<104x80xf32, #tpu.memory_space<vmem_shared>>
      %dma_start3A_96 = arith.constant 0 : i32
      %dma_start3A_97 = arith.constant 0 : i32
      %dma_start3A_98 = tpu.memref_slice %arg16[%dma_start3A_96, %dma_start3A_97] : memref<128x80xf32, #tpu.memory_space<vmem>> -> memref<104x80xf32, #tpu.memory_space<vmem>>
      tpu.enqueue_dma source(%dma_start3A_98 : memref<104x80xf32, #tpu.memory_space<vmem>>) target(%dma_start3A_95 : memref<104x80xf32, #tpu.memory_space<vmem_shared>>) target_semaphore(%run_scoped3A : memref<!tpu.dma_semaphore, #tpu.memory_space<semaphore_mem>>)
      %dma_wait3A = arith.constant 0 : i32
      %dma_wait3A_99 = arith.constant 0 : i32
      %dma_wait3A_100 = tpu.memref_slice %arg16[%dma_wait3A, %dma_wait3A_99] : memref<128x80xf32, #tpu.memory_space<vmem>> -> memref<104x80xf32, #tpu.memory_space<vmem>>
      %dma_wait3A_101 = arith.constant 0 : i32
      %dma_wait3A_102 = tpu.memref_slice %arg9[%add3A_29, %dma_wait3A_101] : memref<10016x80xf32, #tpu.memory_space<vmem_shared>> -> memref<104x80xf32, #tpu.memory_space<vmem_shared>>
      %dma_wait3A_103 = arith.constant 0 : i32
      %dma_wait3A_104 = tpu.memref_slice %arg9[%add3A_29, %dma_wait3A_103] : memref<10016x80xf32, #tpu.memory_space<vmem_shared>> -> memref<104x80xf32, #tpu.memory_space<vmem_shared>>
      %dma_wait3A_105 = arith.constant 0 : i32
      %dma_wait3A_106 = arith.constant 0 : i32
      %dma_wait3A_107 = tpu.memref_slice %arg16[%dma_wait3A_105, %dma_wait3A_106] : memref<128x80xf32, #tpu.memory_space<vmem>> -> memref<104x80xf32, #tpu.memory_space<vmem>>
      tpu.wait_dma2 semaphore(%run_scoped3A : memref<!tpu.dma_semaphore, #tpu.memory_space<semaphore_mem>>) src(%dma_wait3A_107 : memref<104x80xf32, #tpu.memory_space<vmem>>) dst(%dma_wait3A_104 : memref<104x80xf32, #tpu.memory_space<vmem_shared>>)
      tpu.yield
    }) : () -> ()
    %mul3A_30 = arith.constant 624 : i32
    %mul3A_31 = arith.muli %arg1, %mul3A_30 : i32
    %add3A_32 = arith.constant 520 : i32
    %add3A_33 = arith.addi %mul3A_31, %add3A_32 : i32
    "tpu.region"() ({
      %run_scoped3A = tpu.sem_alloc : memref<!tpu.dma_semaphore, #tpu.memory_space<semaphore_mem>>
      %dma_start3A = arith.constant 0 : i32
      %dma_start3A_90 = arith.constant 0 : i32
      %dma_start3A_91 = tpu.memref_slice %arg16[%dma_start3A, %dma_start3A_90] : memref<128x80xf32, #tpu.memory_space<vmem>> -> memref<104x80xf32, #tpu.memory_space<vmem>>
      %dma_start3A_92 = arith.constant 0 : i32
      %dma_start3A_93 = tpu.memref_slice %arg9[%add3A_33, %dma_start3A_92] : memref<10016x80xf32, #tpu.memory_space<vmem_shared>> -> memref<104x80xf32, #tpu.memory_space<vmem_shared>>
      %dma_start3A_94 = arith.constant 0 : i32
      %dma_start3A_95 = tpu.memref_slice %arg9[%add3A_33, %dma_start3A_94] : memref<10016x80xf32, #tpu.memory_space<vmem_shared>> -> memref<104x80xf32, #tpu.memory_space<vmem_shared>>
      %dma_start3A_96 = arith.constant 0 : i32
      %dma_start3A_97 = arith.constant 0 : i32
      %dma_start3A_98 = tpu.memref_slice %arg16[%dma_start3A_96, %dma_start3A_97] : memref<128x80xf32, #tpu.memory_space<vmem>> -> memref<104x80xf32, #tpu.memory_space<vmem>>
      tpu.enqueue_dma source(%dma_start3A_98 : memref<104x80xf32, #tpu.memory_space<vmem>>) target(%dma_start3A_95 : memref<104x80xf32, #tpu.memory_space<vmem_shared>>) target_semaphore(%run_scoped3A : memref<!tpu.dma_semaphore, #tpu.memory_space<semaphore_mem>>)
      %dma_wait3A = arith.constant 0 : i32
      %dma_wait3A_99 = arith.constant 0 : i32
      %dma_wait3A_100 = tpu.memref_slice %arg16[%dma_wait3A, %dma_wait3A_99] : memref<128x80xf32, #tpu.memory_space<vmem>> -> memref<104x80xf32, #tpu.memory_space<vmem>>
      %dma_wait3A_101 = arith.constant 0 : i32
      %dma_wait3A_102 = tpu.memref_slice %arg9[%add3A_33, %dma_wait3A_101] : memref<10016x80xf32, #tpu.memory_space<vmem_shared>> -> memref<104x80xf32, #tpu.memory_space<vmem_shared>>
      %dma_wait3A_103 = arith.constant 0 : i32
      %dma_wait3A_104 = tpu.memref_slice %arg9[%add3A_33, %dma_wait3A_103] : memref<10016x80xf32, #tpu.memory_space<vmem_shared>> -> memref<104x80xf32, #tpu.memory_space<vmem_shared>>
      %dma_wait3A_105 = arith.constant 0 : i32
      %dma_wait3A_106 = arith.constant 0 : i32
      %dma_wait3A_107 = tpu.memref_slice %arg16[%dma_wait3A_105, %dma_wait3A_106] : memref<128x80xf32, #tpu.memory_space<vmem>> -> memref<104x80xf32, #tpu.memory_space<vmem>>
      tpu.wait_dma2 semaphore(%run_scoped3A : memref<!tpu.dma_semaphore, #tpu.memory_space<semaphore_mem>>) src(%dma_wait3A_107 : memref<104x80xf32, #tpu.memory_space<vmem>>) dst(%dma_wait3A_104 : memref<104x80xf32, #tpu.memory_space<vmem_shared>>)
      tpu.yield
    }) : () -> ()
    %eq3A_34 = arith.constant 0 : i32
    %eq3A_35 = arith.cmpi eq, %arg1, %eq3A_34 : i32
    %convert_element_type3A_36 = arith.extui %eq3A_35 : i1 to i32
    %cond3A_37 = arith.constant 0 : i32
    %cond3A_38 = arith.cmpi ne, %convert_element_type3A_36, %cond3A_37 : i32
    scf.if %cond3A_38 {
      "tpu.region"() ({
        %run_scoped3A = tpu.sem_alloc : memref<!tpu.dma_semaphore, #tpu.memory_space<semaphore_mem>>
        %dma_start3A = arith.constant 0 : i32
        %dma_start3A_90 = arith.constant 0 : i32
        %dma_start3A_91 = tpu.memref_slice %arg16[%dma_start3A, %dma_start3A_90] : memref<128x80xf32, #tpu.memory_space<vmem>> -> memref<32x80xf32, #tpu.memory_space<vmem>>
        %dma_start3A_92 = arith.constant 9984 : i32
        %dma_start3A_93 = arith.constant 0 : i32
        %dma_start3A_94 = tpu.memref_slice %arg9[%dma_start3A_92, %dma_start3A_93] : memref<10016x80xf32, #tpu.memory_space<vmem_shared>> -> memref<32x80xf32, #tpu.memory_space<vmem_shared>>
        %dma_start3A_95 = arith.constant 9984 : i32
        %dma_start3A_96 = arith.constant 0 : i32
        %dma_start3A_97 = tpu.memref_slice %arg9[%dma_start3A_95, %dma_start3A_96] : memref<10016x80xf32, #tpu.memory_space<vmem_shared>> -> memref<32x80xf32, #tpu.memory_space<vmem_shared>>
        %dma_start3A_98 = arith.constant 0 : i32
        %dma_start3A_99 = arith.constant 0 : i32
        %dma_start3A_100 = tpu.memref_slice %arg16[%dma_start3A_98, %dma_start3A_99] : memref<128x80xf32, #tpu.memory_space<vmem>> -> memref<32x80xf32, #tpu.memory_space<vmem>>
        tpu.enqueue_dma source(%dma_start3A_100 : memref<32x80xf32, #tpu.memory_space<vmem>>) target(%dma_start3A_97 : memref<32x80xf32, #tpu.memory_space<vmem_shared>>) target_semaphore(%run_scoped3A : memref<!tpu.dma_semaphore, #tpu.memory_space<semaphore_mem>>)
        %dma_wait3A = arith.constant 0 : i32
        %dma_wait3A_101 = arith.constant 0 : i32
        %dma_wait3A_102 = tpu.memref_slice %arg16[%dma_wait3A, %dma_wait3A_101] : memref<128x80xf32, #tpu.memory_space<vmem>> -> memref<32x80xf32, #tpu.memory_space<vmem>>
        %dma_wait3A_103 = arith.constant 9984 : i32
        %dma_wait3A_104 = arith.constant 0 : i32
        %dma_wait3A_105 = tpu.memref_slice %arg9[%dma_wait3A_103, %dma_wait3A_104] : memref<10016x80xf32, #tpu.memory_space<vmem_shared>> -> memref<32x80xf32, #tpu.memory_space<vmem_shared>>
        %dma_wait3A_106 = arith.constant 9984 : i32
        %dma_wait3A_107 = arith.constant 0 : i32
        %dma_wait3A_108 = tpu.memref_slice %arg9[%dma_wait3A_106, %dma_wait3A_107] : memref<10016x80xf32, #tpu.memory_space<vmem_shared>> -> memref<32x80xf32, #tpu.memory_space<vmem_shared>>
        %dma_wait3A_109 = arith.constant 0 : i32
        %dma_wait3A_110 = arith.constant 0 : i32
        %dma_wait3A_111 = tpu.memref_slice %arg16[%dma_wait3A_109, %dma_wait3A_110] : memref<128x80xf32, #tpu.memory_space<vmem>> -> memref<32x80xf32, #tpu.memory_space<vmem>>
        tpu.wait_dma2 semaphore(%run_scoped3A : memref<!tpu.dma_semaphore, #tpu.memory_space<semaphore_mem>>) src(%dma_wait3A_111 : memref<32x80xf32, #tpu.memory_space<vmem>>) dst(%dma_wait3A_108 : memref<32x80xf32, #tpu.memory_space<vmem_shared>>)
        tpu.yield
      }) : () -> ()
    } else {
    }
    %barrier3A = arith.constant 0 : index
    tpu.barrier barrier_id(%barrier3A)
    %iota3A = tpu.iota {dimensions = array<i32: 0>} : vector<16xi32>
    %eq3A_39 = arith.constant 0 : i32
    %eq3A_40 = vector.broadcast %eq3A_39 : i32 to vector<16xi32>
    %eq3A_41 = arith.cmpi eq, %iota3A, %eq3A_40 : vector<16xi32>
    %convert_element_type3A_42 = arith.extui %eq3A_41 : vector<16xi1> to vector<16xi32>
    %convert_element_type3A_43 = arith.sitofp %convert_element_type3A_42 : vector<16xi32> to vector<16xf32>
    %eq3A_44 = arith.constant 1 : i32
    %eq3A_45 = vector.broadcast %eq3A_44 : i32 to vector<16xi32>
    %eq3A_46 = arith.cmpi eq, %iota3A, %eq3A_45 : vector<16xi32>
    %convert_element_type3A_47 = arith.extui %eq3A_46 : vector<16xi1> to vector<16xi32>
    %convert_element_type3A_48 = arith.sitofp %convert_element_type3A_47 : vector<16xi32> to vector<16xf32>
    %broadcast_in_dim3A_49 = arith.constant 1 : i32
    %broadcast_in_dim3A_50 = vector.broadcast %broadcast_in_dim3A_49 : i32 to vector<16xi32>
    %broadcast_in_dim3A_51 = arith.constant 2 : i32
    %broadcast_in_dim3A_52 = vector.broadcast %broadcast_in_dim3A_51 : i32 to vector<16xi32>
    %broadcast_in_dim3A_53 = arith.constant 3 : i32
    %broadcast_in_dim3A_54 = vector.broadcast %broadcast_in_dim3A_53 : i32 to vector<16xi32>
    %mul3A_55 = arith.constant 20096 : i32
    %mul3A_56 = arith.muli %arg1, %mul3A_55 : i32
    %mul3A_57 = arith.constant 64 : i32
    %mul3A_58 = arith.muli %arg0, %mul3A_57 : i32
    %scan3A_59 = arith.constant 0 : i32
    %scan3A_60 = arith.constant 157 : i32
    %scan3A_61 = arith.addi %scan3A_59, %scan3A_60 : i32
    %scan3A_62 = arith.constant 1 : i32
    scf.for %scan3A_90 = %scan3A_59 to %scan3A_61 step %scan3A_62  : i32 {
      %mul3A_91 = arith.constant 1 : i32
      %mul3A_92 = arith.muli %scan3A_90, %mul3A_91 : i32
      %add3A_93 = arith.constant 0 : i32
      %add3A_94 = arith.addi %add3A_93, %mul3A_92 : i32
      %mul3A_95 = arith.constant 128 : i32
      %mul3A_96 = arith.muli %add3A_94, %mul3A_95 : i32
      %add3A_97 = arith.addi %mul3A_56, %mul3A_96 : i32
      "tpu.region"() ({
        %run_scoped3A = tpu.sem_alloc : memref<!tpu.dma_semaphore, #tpu.memory_space<semaphore_mem>>
        %dma_start3A_413 = tpu.memref_slice %arg2[%add3A_97] : memref<321536xi32, #tpu.memory_space<hbm>> -> memref<128xi32, #tpu.memory_space<hbm>>
        %dma_start3A_414 = tpu.memref_slice %arg2[%add3A_97] : memref<321536xi32, #tpu.memory_space<hbm>> -> memref<128xi32, #tpu.memory_space<hbm>>
        tpu.enqueue_dma source(%dma_start3A_414 : memref<128xi32, #tpu.memory_space<hbm>>) target(%arg11 : memref<128xi32, #tpu.memory_space<vmem>>) target_semaphore(%run_scoped3A : memref<!tpu.dma_semaphore, #tpu.memory_space<semaphore_mem>>)
        %dma_wait3A_415 = tpu.memref_slice %arg2[%add3A_97] : memref<321536xi32, #tpu.memory_space<hbm>> -> memref<128xi32, #tpu.memory_space<hbm>>
        %dma_wait3A_416 = tpu.memref_slice %arg2[%add3A_97] : memref<321536xi32, #tpu.memory_space<hbm>> -> memref<128xi32, #tpu.memory_space<hbm>>
        tpu.wait_dma2 semaphore(%run_scoped3A : memref<!tpu.dma_semaphore, #tpu.memory_space<semaphore_mem>>) src(%dma_wait3A_416 : memref<128xi32, #tpu.memory_space<hbm>>) dst(%arg11 : memref<128xi32, #tpu.memory_space<vmem>>)
        tpu.yield
      }) : () -> ()
      "tpu.region"() ({
        %run_scoped3A = tpu.sem_alloc : memref<!tpu.dma_semaphore, #tpu.memory_space<semaphore_mem>>
        %dma_start3A_413 = tpu.memref_slice %arg3[%add3A_97] : memref<321536xi32, #tpu.memory_space<hbm>> -> memref<128xi32, #tpu.memory_space<hbm>>
        %dma_start3A_414 = tpu.memref_slice %arg3[%add3A_97] : memref<321536xi32, #tpu.memory_space<hbm>> -> memref<128xi32, #tpu.memory_space<hbm>>
        tpu.enqueue_dma source(%dma_start3A_414 : memref<128xi32, #tpu.memory_space<hbm>>) target(%arg12 : memref<128xi32, #tpu.memory_space<vmem>>) target_semaphore(%run_scoped3A : memref<!tpu.dma_semaphore, #tpu.memory_space<semaphore_mem>>)
        %dma_wait3A_415 = tpu.memref_slice %arg3[%add3A_97] : memref<321536xi32, #tpu.memory_space<hbm>> -> memref<128xi32, #tpu.memory_space<hbm>>
        %dma_wait3A_416 = tpu.memref_slice %arg3[%add3A_97] : memref<321536xi32, #tpu.memory_space<hbm>> -> memref<128xi32, #tpu.memory_space<hbm>>
        tpu.wait_dma2 semaphore(%run_scoped3A : memref<!tpu.dma_semaphore, #tpu.memory_space<semaphore_mem>>) src(%dma_wait3A_416 : memref<128xi32, #tpu.memory_space<hbm>>) dst(%arg12 : memref<128xi32, #tpu.memory_space<vmem>>)
        tpu.yield
      }) : () -> ()
      %dma_start3A = arith.constant 0 : i32
      %dma_start3A_98 = arith.constant 0 : i32
      %dma_start3A_99 = tpu.memref_slice %arg4[%dma_start3A, %dma_start3A_98] : memref<10016x128xf32, #tpu.memory_space<hbm>> -> memref<10016x128xf32, #tpu.memory_space<hbm>>
      tpu.enqueue_indirect_dma source(%dma_start3A_99 : memref<10016x128xf32, #tpu.memory_space<hbm>>) target(%arg15 : memref<128x128xf32, #tpu.memory_space<vmem>>) offsets(%arg11 : memref<128xi32, #tpu.memory_space<vmem>>) semaphore(%arg17 : memref<!tpu.dma_semaphore, #tpu.memory_space<semaphore_mem>>)
      %dma_wait3A = arith.constant 0 : i32
      %dma_wait3A_100 = arith.constant 0 : i32
      %dma_wait3A_101 = tpu.memref_slice %arg4[%dma_wait3A, %dma_wait3A_100] : memref<10016x128xf32, #tpu.memory_space<hbm>> -> memref<10016x128xf32, #tpu.memory_space<hbm>>
      tpu.wait_indirect_dma semaphore(%arg17 : memref<!tpu.dma_semaphore, #tpu.memory_space<semaphore_mem>>) src(%dma_wait3A_101 : memref<10016x128xf32, #tpu.memory_space<hbm>>) dst(%arg15 : memref<128x128xf32, #tpu.memory_space<vmem>>)
      %get3A = arith.constant 0 : index
      %get3A_102 = tpu.vector_load %arg11[%get3A] {strides = array<i32>} : memref<128xi32, #tpu.memory_space<vmem>>, vector<16xi32>,
      %mul3A_103 = arith.constant 4 : i32
      %mul3A_104 = vector.broadcast %mul3A_103 : i32 to vector<16xi32>
      %mul3A_105 = arith.muli %get3A_102, %mul3A_104 : vector<16xi32>
      %get3A_106 = arith.constant 0 : index
      %get3A_107 = tpu.vector_load %arg12[%get3A_106] {strides = array<i32>} : memref<128xi32, #tpu.memory_space<vmem>>, vector<16xi32>,
      %mul3A_108 = arith.constant 4 : i32
      %mul3A_109 = vector.broadcast %mul3A_108 : i32 to vector<16xi32>
      %mul3A_110 = arith.muli %get3A_107, %mul3A_109 : vector<16xi32>
      %gather3A = tpu.vector_load_idx %arg10[%mul3A_105] : memref<40064xf32, #tpu.memory_space<vmem>>[vector<16xi32>], vector<16xf32>,
      %add3A_111 = arith.addi %mul3A_110, %broadcast_in_dim3A_52 : vector<16xi32>
      %gather3A_112 = tpu.vector_load_idx %arg10[%add3A_111] : memref<40064xf32, #tpu.memory_space<vmem>>[vector<16xi32>], vector<16xf32>,
      %add3A_113 = arith.addf %gather3A, %gather3A_112 : vector<16xf32>
      %add3A_114 = arith.addi %mul3A_105, %broadcast_in_dim3A_50 : vector<16xi32>
      %gather3A_115 = tpu.vector_load_idx %arg10[%add3A_114] : memref<40064xf32, #tpu.memory_space<vmem>>[vector<16xi32>], vector<16xf32>,
      %add3A_116 = arith.addi %mul3A_110, %broadcast_in_dim3A_54 : vector<16xi32>
      %gather3A_117 = tpu.vector_load_idx %arg10[%add3A_116] : memref<40064xf32, #tpu.memory_space<vmem>>[vector<16xi32>], vector<16xf32>,
      %add3A_118 = arith.addf %gather3A_115, %gather3A_117 : vector<16xf32>
      %gt3A = arith.constant 0.000000e+00 : f32
      %gt3A_119 = vector.broadcast %gt3A : f32 to vector<16xf32>
      %gt3A_120 = arith.cmpf ogt, %add3A_113, %gt3A_119 : vector<16xf32>
      %mul3A_121 = arith.constant 2.000000e-01 : f32
      %mul3A_122 = vector.broadcast %mul3A_121 : f32 to vector<16xf32>
      %mul3A_123 = arith.mulf %mul3A_122, %add3A_113 : vector<16xf32>
      %select_n3A = arith.select %gt3A_120, %add3A_113, %mul3A_123 : vector<16xi1>, vector<16xf32>
      %exp3A = math.exp %select_n3A : vector<16xf32>
      %swap3A = arith.constant 0 : index
      %swap3A_124 = tpu.vector_load %arg13[%swap3A] {strides = array<i32>} : memref<128xf32, #tpu.memory_space<vmem>>, vector<16xf32>,
      tpu.vector_store %arg13[%swap3A], %exp3A {strides = array<i32>} : memref<128xf32, #tpu.memory_space<vmem>>, vector<16xf32>,
      %gt3A_125 = arith.constant 0.000000e+00 : f32
      %gt3A_126 = vector.broadcast %gt3A_125 : f32 to vector<16xf32>
      %gt3A_127 = arith.cmpf ogt, %add3A_118, %gt3A_126 : vector<16xf32>
      %mul3A_128 = arith.constant 2.000000e-01 : f32
      %mul3A_129 = vector.broadcast %mul3A_128 : f32 to vector<16xf32>
      %mul3A_130 = arith.mulf %mul3A_129, %add3A_118 : vector<16xf32>
      %select_n3A_131 = arith.select %gt3A_127, %add3A_118, %mul3A_130 : vector<16xi1>, vector<16xf32>
      %exp3A_132 = math.exp %select_n3A_131 : vector<16xf32>
      %swap3A_133 = arith.constant 0 : index
      %swap3A_134 = tpu.vector_load %arg14[%swap3A_133] {strides = array<i32>} : memref<128xf32, #tpu.memory_space<vmem>>, vector<16xf32>,
      tpu.vector_store %arg14[%swap3A_133], %exp3A_132 {strides = array<i32>} : memref<128xf32, #tpu.memory_space<vmem>>, vector<16xf32>,
      %get3A_135 = arith.constant 16 : index
      %get3A_136 = tpu.vector_load %arg11[%get3A_135] {strides = array<i32>} : memref<128xi32, #tpu.memory_space<vmem>>, vector<16xi32>,
      %mul3A_137 = arith.constant 4 : i32
      %mul3A_138 = vector.broadcast %mul3A_137 : i32 to vector<16xi32>
      %mul3A_139 = arith.muli %get3A_136, %mul3A_138 : vector<16xi32>
      %get3A_140 = arith.constant 16 : index
      %get3A_141 = tpu.vector_load %arg12[%get3A_140] {strides = array<i32>} : memref<128xi32, #tpu.memory_space<vmem>>, vector<16xi32>,
      %mul3A_142 = arith.constant 4 : i32
      %mul3A_143 = vector.broadcast %mul3A_142 : i32 to vector<16xi32>
      %mul3A_144 = arith.muli %get3A_141, %mul3A_143 : vector<16xi32>
      %gather3A_145 = tpu.vector_load_idx %arg10[%mul3A_139] : memref<40064xf32, #tpu.memory_space<vmem>>[vector<16xi32>], vector<16xf32>,
      %add3A_146 = arith.addi %mul3A_144, %broadcast_in_dim3A_52 : vector<16xi32>
      %gather3A_147 = tpu.vector_load_idx %arg10[%add3A_146] : memref<40064xf32, #tpu.memory_space<vmem>>[vector<16xi32>], vector<16xf32>,
      %add3A_148 = arith.addf %gather3A_145, %gather3A_147 : vector<16xf32>
      %add3A_149 = arith.addi %mul3A_139, %broadcast_in_dim3A_50 : vector<16xi32>
      %gather3A_150 = tpu.vector_load_idx %arg10[%add3A_149] : memref<40064xf32, #tpu.memory_space<vmem>>[vector<16xi32>], vector<16xf32>,
      %add3A_151 = arith.addi %mul3A_144, %broadcast_in_dim3A_54 : vector<16xi32>
      %gather3A_152 = tpu.vector_load_idx %arg10[%add3A_151] : memref<40064xf32, #tpu.memory_space<vmem>>[vector<16xi32>], vector<16xf32>,
      %add3A_153 = arith.addf %gather3A_150, %gather3A_152 : vector<16xf32>
      %gt3A_154 = arith.constant 0.000000e+00 : f32
      %gt3A_155 = vector.broadcast %gt3A_154 : f32 to vector<16xf32>
      %gt3A_156 = arith.cmpf ogt, %add3A_148, %gt3A_155 : vector<16xf32>
      %mul3A_157 = arith.constant 2.000000e-01 : f32
      %mul3A_158 = vector.broadcast %mul3A_157 : f32 to vector<16xf32>
      %mul3A_159 = arith.mulf %mul3A_158, %add3A_148 : vector<16xf32>
      %select_n3A_160 = arith.select %gt3A_156, %add3A_148, %mul3A_159 : vector<16xi1>, vector<16xf32>
      %exp3A_161 = math.exp %select_n3A_160 : vector<16xf32>
      %swap3A_162 = arith.constant 16 : index
      %swap3A_163 = tpu.vector_load %arg13[%swap3A_162] {strides = array<i32>} : memref<128xf32, #tpu.memory_space<vmem>>, vector<16xf32>,
      tpu.vector_store %arg13[%swap3A_162], %exp3A_161 {strides = array<i32>} : memref<128xf32, #tpu.memory_space<vmem>>, vector<16xf32>,
      %gt3A_164 = arith.constant 0.000000e+00 : f32
      %gt3A_165 = vector.broadcast %gt3A_164 : f32 to vector<16xf32>
      %gt3A_166 = arith.cmpf ogt, %add3A_153, %gt3A_165 : vector<16xf32>
      %mul3A_167 = arith.constant 2.000000e-01 : f32
      %mul3A_168 = vector.broadcast %mul3A_167 : f32 to vector<16xf32>
      %mul3A_169 = arith.mulf %mul3A_168, %add3A_153 : vector<16xf32>
      %select_n3A_170 = arith.select %gt3A_166, %add3A_153, %mul3A_169 : vector<16xi1>, vector<16xf32>
      %exp3A_171 = math.exp %select_n3A_170 : vector<16xf32>
      %swap3A_172 = arith.constant 16 : index
      %swap3A_173 = tpu.vector_load %arg14[%swap3A_172] {strides = array<i32>} : memref<128xf32, #tpu.memory_space<vmem>>, vector<16xf32>,
      tpu.vector_store %arg14[%swap3A_172], %exp3A_171 {strides = array<i32>} : memref<128xf32, #tpu.memory_space<vmem>>, vector<16xf32>,
      %get3A_174 = arith.constant 32 : index
      %get3A_175 = tpu.vector_load %arg11[%get3A_174] {strides = array<i32>} : memref<128xi32, #tpu.memory_space<vmem>>, vector<16xi32>,
      %mul3A_176 = arith.constant 4 : i32
      %mul3A_177 = vector.broadcast %mul3A_176 : i32 to vector<16xi32>
      %mul3A_178 = arith.muli %get3A_175, %mul3A_177 : vector<16xi32>
      %get3A_179 = arith.constant 32 : index
      %get3A_180 = tpu.vector_load %arg12[%get3A_179] {strides = array<i32>} : memref<128xi32, #tpu.memory_space<vmem>>, vector<16xi32>,
      %mul3A_181 = arith.constant 4 : i32
      %mul3A_182 = vector.broadcast %mul3A_181 : i32 to vector<16xi32>
      %mul3A_183 = arith.muli %get3A_180, %mul3A_182 : vector<16xi32>
      %gather3A_184 = tpu.vector_load_idx %arg10[%mul3A_178] : memref<40064xf32, #tpu.memory_space<vmem>>[vector<16xi32>], vector<16xf32>,
      %add3A_185 = arith.addi %mul3A_183, %broadcast_in_dim3A_52 : vector<16xi32>
      %gather3A_186 = tpu.vector_load_idx %arg10[%add3A_185] : memref<40064xf32, #tpu.memory_space<vmem>>[vector<16xi32>], vector<16xf32>,
      %add3A_187 = arith.addf %gather3A_184, %gather3A_186 : vector<16xf32>
      %add3A_188 = arith.addi %mul3A_178, %broadcast_in_dim3A_50 : vector<16xi32>
      %gather3A_189 = tpu.vector_load_idx %arg10[%add3A_188] : memref<40064xf32, #tpu.memory_space<vmem>>[vector<16xi32>], vector<16xf32>,
      %add3A_190 = arith.addi %mul3A_183, %broadcast_in_dim3A_54 : vector<16xi32>
      %gather3A_191 = tpu.vector_load_idx %arg10[%add3A_190] : memref<40064xf32, #tpu.memory_space<vmem>>[vector<16xi32>], vector<16xf32>,
      %add3A_192 = arith.addf %gather3A_189, %gather3A_191 : vector<16xf32>
      %gt3A_193 = arith.constant 0.000000e+00 : f32
      %gt3A_194 = vector.broadcast %gt3A_193 : f32 to vector<16xf32>
      %gt3A_195 = arith.cmpf ogt, %add3A_187, %gt3A_194 : vector<16xf32>
      %mul3A_196 = arith.constant 2.000000e-01 : f32
      %mul3A_197 = vector.broadcast %mul3A_196 : f32 to vector<16xf32>
      %mul3A_198 = arith.mulf %mul3A_197, %add3A_187 : vector<16xf32>
      %select_n3A_199 = arith.select %gt3A_195, %add3A_187, %mul3A_198 : vector<16xi1>, vector<16xf32>
      %exp3A_200 = math.exp %select_n3A_199 : vector<16xf32>
      %swap3A_201 = arith.constant 32 : index
      %swap3A_202 = tpu.vector_load %arg13[%swap3A_201] {strides = array<i32>} : memref<128xf32, #tpu.memory_space<vmem>>, vector<16xf32>,
      tpu.vector_store %arg13[%swap3A_201], %exp3A_200 {strides = array<i32>} : memref<128xf32, #tpu.memory_space<vmem>>, vector<16xf32>,
      %gt3A_203 = arith.constant 0.000000e+00 : f32
      %gt3A_204 = vector.broadcast %gt3A_203 : f32 to vector<16xf32>
      %gt3A_205 = arith.cmpf ogt, %add3A_192, %gt3A_204 : vector<16xf32>
      %mul3A_206 = arith.constant 2.000000e-01 : f32
      %mul3A_207 = vector.broadcast %mul3A_206 : f32 to vector<16xf32>
      %mul3A_208 = arith.mulf %mul3A_207, %add3A_192 : vector<16xf32>
      %select_n3A_209 = arith.select %gt3A_205, %add3A_192, %mul3A_208 : vector<16xi1>, vector<16xf32>
      %exp3A_210 = math.exp %select_n3A_209 : vector<16xf32>
      %swap3A_211 = arith.constant 32 : index
      %swap3A_212 = tpu.vector_load %arg14[%swap3A_211] {strides = array<i32>} : memref<128xf32, #tpu.memory_space<vmem>>, vector<16xf32>,
      tpu.vector_store %arg14[%swap3A_211], %exp3A_210 {strides = array<i32>} : memref<128xf32, #tpu.memory_space<vmem>>, vector<16xf32>,
      %get3A_213 = arith.constant 48 : index
      %get3A_214 = tpu.vector_load %arg11[%get3A_213] {strides = array<i32>} : memref<128xi32, #tpu.memory_space<vmem>>, vector<16xi32>,
      %mul3A_215 = arith.constant 4 : i32
      %mul3A_216 = vector.broadcast %mul3A_215 : i32 to vector<16xi32>
      %mul3A_217 = arith.muli %get3A_214, %mul3A_216 : vector<16xi32>
      %get3A_218 = arith.constant 48 : index
      %get3A_219 = tpu.vector_load %arg12[%get3A_218] {strides = array<i32>} : memref<128xi32, #tpu.memory_space<vmem>>, vector<16xi32>,
      %mul3A_220 = arith.constant 4 : i32
      %mul3A_221 = vector.broadcast %mul3A_220 : i32 to vector<16xi32>
      %mul3A_222 = arith.muli %get3A_219, %mul3A_221 : vector<16xi32>
      %gather3A_223 = tpu.vector_load_idx %arg10[%mul3A_217] : memref<40064xf32, #tpu.memory_space<vmem>>[vector<16xi32>], vector<16xf32>,
      %add3A_224 = arith.addi %mul3A_222, %broadcast_in_dim3A_52 : vector<16xi32>
      %gather3A_225 = tpu.vector_load_idx %arg10[%add3A_224] : memref<40064xf32, #tpu.memory_space<vmem>>[vector<16xi32>], vector<16xf32>,
      %add3A_226 = arith.addf %gather3A_223, %gather3A_225 : vector<16xf32>
      %add3A_227 = arith.addi %mul3A_217, %broadcast_in_dim3A_50 : vector<16xi32>
      %gather3A_228 = tpu.vector_load_idx %arg10[%add3A_227] : memref<40064xf32, #tpu.memory_space<vmem>>[vector<16xi32>], vector<16xf32>,
      %add3A_229 = arith.addi %mul3A_222, %broadcast_in_dim3A_54 : vector<16xi32>
      %gather3A_230 = tpu.vector_load_idx %arg10[%add3A_229] : memref<40064xf32, #tpu.memory_space<vmem>>[vector<16xi32>], vector<16xf32>,
      %add3A_231 = arith.addf %gather3A_228, %gather3A_230 : vector<16xf32>
      %gt3A_232 = arith.constant 0.000000e+00 : f32
      %gt3A_233 = vector.broadcast %gt3A_232 : f32 to vector<16xf32>
      %gt3A_234 = arith.cmpf ogt, %add3A_226, %gt3A_233 : vector<16xf32>
      %mul3A_235 = arith.constant 2.000000e-01 : f32
      %mul3A_236 = vector.broadcast %mul3A_235 : f32 to vector<16xf32>
      %mul3A_237 = arith.mulf %mul3A_236, %add3A_226 : vector<16xf32>
      %select_n3A_238 = arith.select %gt3A_234, %add3A_226, %mul3A_237 : vector<16xi1>, vector<16xf32>
      %exp3A_239 = math.exp %select_n3A_238 : vector<16xf32>
      %swap3A_240 = arith.constant 48 : index
      %swap3A_241 = tpu.vector_load %arg13[%swap3A_240] {strides = array<i32>} : memref<128xf32, #tpu.memory_space<vmem>>, vector<16xf32>,
      tpu.vector_store %arg13[%swap3A_240], %exp3A_239 {strides = array<i32>} : memref<128xf32, #tpu.memory_space<vmem>>, vector<16xf32>,
      %gt3A_242 = arith.constant 0.000000e+00 : f32
      %gt3A_243 = vector.broadcast %gt3A_242 : f32 to vector<16xf32>
      %gt3A_244 = arith.cmpf ogt, %add3A_231, %gt3A_243 : vector<16xf32>
      %mul3A_245 = arith.constant 2.000000e-01 : f32
      %mul3A_246 = vector.broadcast %mul3A_245 : f32 to vector<16xf32>
      %mul3A_247 = arith.mulf %mul3A_246, %add3A_231 : vector<16xf32>
      %select_n3A_248 = arith.select %gt3A_244, %add3A_231, %mul3A_247 : vector<16xi1>, vector<16xf32>
      %exp3A_249 = math.exp %select_n3A_248 : vector<16xf32>
      %swap3A_250 = arith.constant 48 : index
      %swap3A_251 = tpu.vector_load %arg14[%swap3A_250] {strides = array<i32>} : memref<128xf32, #tpu.memory_space<vmem>>, vector<16xf32>,
      tpu.vector_store %arg14[%swap3A_250], %exp3A_249 {strides = array<i32>} : memref<128xf32, #tpu.memory_space<vmem>>, vector<16xf32>,
      %get3A_252 = arith.constant 64 : index
      %get3A_253 = tpu.vector_load %arg11[%get3A_252] {strides = array<i32>} : memref<128xi32, #tpu.memory_space<vmem>>, vector<16xi32>,
      %mul3A_254 = arith.constant 4 : i32
      %mul3A_255 = vector.broadcast %mul3A_254 : i32 to vector<16xi32>
      %mul3A_256 = arith.muli %get3A_253, %mul3A_255 : vector<16xi32>
      %get3A_257 = arith.constant 64 : index
      %get3A_258 = tpu.vector_load %arg12[%get3A_257] {strides = array<i32>} : memref<128xi32, #tpu.memory_space<vmem>>, vector<16xi32>,
      %mul3A_259 = arith.constant 4 : i32
      %mul3A_260 = vector.broadcast %mul3A_259 : i32 to vector<16xi32>
      %mul3A_261 = arith.muli %get3A_258, %mul3A_260 : vector<16xi32>
      %gather3A_262 = tpu.vector_load_idx %arg10[%mul3A_256] : memref<40064xf32, #tpu.memory_space<vmem>>[vector<16xi32>], vector<16xf32>,
      %add3A_263 = arith.addi %mul3A_261, %broadcast_in_dim3A_52 : vector<16xi32>
      %gather3A_264 = tpu.vector_load_idx %arg10[%add3A_263] : memref<40064xf32, #tpu.memory_space<vmem>>[vector<16xi32>], vector<16xf32>,
      %add3A_265 = arith.addf %gather3A_262, %gather3A_264 : vector<16xf32>
      %add3A_266 = arith.addi %mul3A_256, %broadcast_in_dim3A_50 : vector<16xi32>
      %gather3A_267 = tpu.vector_load_idx %arg10[%add3A_266] : memref<40064xf32, #tpu.memory_space<vmem>>[vector<16xi32>], vector<16xf32>,
      %add3A_268 = arith.addi %mul3A_261, %broadcast_in_dim3A_54 : vector<16xi32>
      %gather3A_269 = tpu.vector_load_idx %arg10[%add3A_268] : memref<40064xf32, #tpu.memory_space<vmem>>[vector<16xi32>], vector<16xf32>,
      %add3A_270 = arith.addf %gather3A_267, %gather3A_269 : vector<16xf32>
      %gt3A_271 = arith.constant 0.000000e+00 : f32
      %gt3A_272 = vector.broadcast %gt3A_271 : f32 to vector<16xf32>
      %gt3A_273 = arith.cmpf ogt, %add3A_265, %gt3A_272 : vector<16xf32>
      %mul3A_274 = arith.constant 2.000000e-01 : f32
      %mul3A_275 = vector.broadcast %mul3A_274 : f32 to vector<16xf32>
      %mul3A_276 = arith.mulf %mul3A_275, %add3A_265 : vector<16xf32>
      %select_n3A_277 = arith.select %gt3A_273, %add3A_265, %mul3A_276 : vector<16xi1>, vector<16xf32>
      %exp3A_278 = math.exp %select_n3A_277 : vector<16xf32>
      %swap3A_279 = arith.constant 64 : index
      %swap3A_280 = tpu.vector_load %arg13[%swap3A_279] {strides = array<i32>} : memref<128xf32, #tpu.memory_space<vmem>>, vector<16xf32>,
      tpu.vector_store %arg13[%swap3A_279], %exp3A_278 {strides = array<i32>} : memref<128xf32, #tpu.memory_space<vmem>>, vector<16xf32>,
      %gt3A_281 = arith.constant 0.000000e+00 : f32
      %gt3A_282 = vector.broadcast %gt3A_281 : f32 to vector<16xf32>
      %gt3A_283 = arith.cmpf ogt, %add3A_270, %gt3A_282 : vector<16xf32>
      %mul3A_284 = arith.constant 2.000000e-01 : f32
      %mul3A_285 = vector.broadcast %mul3A_284 : f32 to vector<16xf32>
      %mul3A_286 = arith.mulf %mul3A_285, %add3A_270 : vector<16xf32>
      %select_n3A_287 = arith.select %gt3A_283, %add3A_270, %mul3A_286 : vector<16xi1>, vector<16xf32>
      %exp3A_288 = math.exp %select_n3A_287 : vector<16xf32>
      %swap3A_289 = arith.constant 64 : index
      %swap3A_290 = tpu.vector_load %arg14[%swap3A_289] {strides = array<i32>} : memref<128xf32, #tpu.memory_space<vmem>>, vector<16xf32>,
      tpu.vector_store %arg14[%swap3A_289], %exp3A_288 {strides = array<i32>} : memref<128xf32, #tpu.memory_space<vmem>>, vector<16xf32>,
      %get3A_291 = arith.constant 80 : index
      %get3A_292 = tpu.vector_load %arg11[%get3A_291] {strides = array<i32>} : memref<128xi32, #tpu.memory_space<vmem>>, vector<16xi32>,
      %mul3A_293 = arith.constant 4 : i32
      %mul3A_294 = vector.broadcast %mul3A_293 : i32 to vector<16xi32>
      %mul3A_295 = arith.muli %get3A_292, %mul3A_294 : vector<16xi32>
      %get3A_296 = arith.constant 80 : index
      %get3A_297 = tpu.vector_load %arg12[%get3A_296] {strides = array<i32>} : memref<128xi32, #tpu.memory_space<vmem>>, vector<16xi32>,
      %mul3A_298 = arith.constant 4 : i32
      %mul3A_299 = vector.broadcast %mul3A_298 : i32 to vector<16xi32>
      %mul3A_300 = arith.muli %get3A_297, %mul3A_299 : vector<16xi32>
      %gather3A_301 = tpu.vector_load_idx %arg10[%mul3A_295] : memref<40064xf32, #tpu.memory_space<vmem>>[vector<16xi32>], vector<16xf32>,
      %add3A_302 = arith.addi %mul3A_300, %broadcast_in_dim3A_52 : vector<16xi32>
      %gather3A_303 = tpu.vector_load_idx %arg10[%add3A_302] : memref<40064xf32, #tpu.memory_space<vmem>>[vector<16xi32>], vector<16xf32>,
      %add3A_304 = arith.addf %gather3A_301, %gather3A_303 : vector<16xf32>
      %add3A_305 = arith.addi %mul3A_295, %broadcast_in_dim3A_50 : vector<16xi32>
      %gather3A_306 = tpu.vector_load_idx %arg10[%add3A_305] : memref<40064xf32, #tpu.memory_space<vmem>>[vector<16xi32>], vector<16xf32>,
      %add3A_307 = arith.addi %mul3A_300, %broadcast_in_dim3A_54 : vector<16xi32>
      %gather3A_308 = tpu.vector_load_idx %arg10[%add3A_307] : memref<40064xf32, #tpu.memory_space<vmem>>[vector<16xi32>], vector<16xf32>,
      %add3A_309 = arith.addf %gather3A_306, %gather3A_308 : vector<16xf32>
      %gt3A_310 = arith.constant 0.000000e+00 : f32
      %gt3A_311 = vector.broadcast %gt3A_310 : f32 to vector<16xf32>
      %gt3A_312 = arith.cmpf ogt, %add3A_304, %gt3A_311 : vector<16xf32>
      %mul3A_313 = arith.constant 2.000000e-01 : f32
      %mul3A_314 = vector.broadcast %mul3A_313 : f32 to vector<16xf32>
      %mul3A_315 = arith.mulf %mul3A_314, %add3A_304 : vector<16xf32>
      %select_n3A_316 = arith.select %gt3A_312, %add3A_304, %mul3A_315 : vector<16xi1>, vector<16xf32>
      %exp3A_317 = math.exp %select_n3A_316 : vector<16xf32>
      %swap3A_318 = arith.constant 80 : index
      %swap3A_319 = tpu.vector_load %arg13[%swap3A_318] {strides = array<i32>} : memref<128xf32, #tpu.memory_space<vmem>>, vector<16xf32>,
      tpu.vector_store %arg13[%swap3A_318], %exp3A_317 {strides = array<i32>} : memref<128xf32, #tpu.memory_space<vmem>>, vector<16xf32>,
      %gt3A_320 = arith.constant 0.000000e+00 : f32
      %gt3A_321 = vector.broadcast %gt3A_320 : f32 to vector<16xf32>
      %gt3A_322 = arith.cmpf ogt, %add3A_309, %gt3A_321 : vector<16xf32>
      %mul3A_323 = arith.constant 2.000000e-01 : f32
      %mul3A_324 = vector.broadcast %mul3A_323 : f32 to vector<16xf32>
      %mul3A_325 = arith.mulf %mul3A_324, %add3A_309 : vector<16xf32>
      %select_n3A_326 = arith.select %gt3A_322, %add3A_309, %mul3A_325 : vector<16xi1>, vector<16xf32>
      %exp3A_327 = math.exp %select_n3A_326 : vector<16xf32>
      %swap3A_328 = arith.constant 80 : index
      %swap3A_329 = tpu.vector_load %arg14[%swap3A_328] {strides = array<i32>} : memref<128xf32, #tpu.memory_space<vmem>>, vector<16xf32>,
      tpu.vector_store %arg14[%swap3A_328], %exp3A_327 {strides = array<i32>} : memref<128xf32, #tpu.memory_space<vmem>>, vector<16xf32>,
      %get3A_330 = arith.constant 96 : index
      %get3A_331 = tpu.vector_load %arg11[%get3A_330] {strides = array<i32>} : memref<128xi32, #tpu.memory_space<vmem>>, vector<16xi32>,
      %mul3A_332 = arith.constant 4 : i32
      %mul3A_333 = vector.broadcast %mul3A_332 : i32 to vector<16xi32>
      %mul3A_334 = arith.muli %get3A_331, %mul3A_333 : vector<16xi32>
      %get3A_335 = arith.constant 96 : index
      %get3A_336 = tpu.vector_load %arg12[%get3A_335] {strides = array<i32>} : memref<128xi32, #tpu.memory_space<vmem>>, vector<16xi32>,
      %mul3A_337 = arith.constant 4 : i32
      %mul3A_338 = vector.broadcast %mul3A_337 : i32 to vector<16xi32>
      %mul3A_339 = arith.muli %get3A_336, %mul3A_338 : vector<16xi32>
      %gather3A_340 = tpu.vector_load_idx %arg10[%mul3A_334] : memref<40064xf32, #tpu.memory_space<vmem>>[vector<16xi32>], vector<16xf32>,
      %add3A_341 = arith.addi %mul3A_339, %broadcast_in_dim3A_52 : vector<16xi32>
      %gather3A_342 = tpu.vector_load_idx %arg10[%add3A_341] : memref<40064xf32, #tpu.memory_space<vmem>>[vector<16xi32>], vector<16xf32>,
      %add3A_343 = arith.addf %gather3A_340, %gather3A_342 : vector<16xf32>
      %add3A_344 = arith.addi %mul3A_334, %broadcast_in_dim3A_50 : vector<16xi32>
      %gather3A_345 = tpu.vector_load_idx %arg10[%add3A_344] : memref<40064xf32, #tpu.memory_space<vmem>>[vector<16xi32>], vector<16xf32>,
      %add3A_346 = arith.addi %mul3A_339, %broadcast_in_dim3A_54 : vector<16xi32>
      %gather3A_347 = tpu.vector_load_idx %arg10[%add3A_346] : memref<40064xf32, #tpu.memory_space<vmem>>[vector<16xi32>], vector<16xf32>,
      %add3A_348 = arith.addf %gather3A_345, %gather3A_347 : vector<16xf32>
      %gt3A_349 = arith.constant 0.000000e+00 : f32
      %gt3A_350 = vector.broadcast %gt3A_349 : f32 to vector<16xf32>
      %gt3A_351 = arith.cmpf ogt, %add3A_343, %gt3A_350 : vector<16xf32>
      %mul3A_352 = arith.constant 2.000000e-01 : f32
      %mul3A_353 = vector.broadcast %mul3A_352 : f32 to vector<16xf32>
      %mul3A_354 = arith.mulf %mul3A_353, %add3A_343 : vector<16xf32>
      %select_n3A_355 = arith.select %gt3A_351, %add3A_343, %mul3A_354 : vector<16xi1>, vector<16xf32>
      %exp3A_356 = math.exp %select_n3A_355 : vector<16xf32>
      %swap3A_357 = arith.constant 96 : index
      %swap3A_358 = tpu.vector_load %arg13[%swap3A_357] {strides = array<i32>} : memref<128xf32, #tpu.memory_space<vmem>>, vector<16xf32>,
      tpu.vector_store %arg13[%swap3A_357], %exp3A_356 {strides = array<i32>} : memref<128xf32, #tpu.memory_space<vmem>>, vector<16xf32>,
      %gt3A_359 = arith.constant 0.000000e+00 : f32
      %gt3A_360 = vector.broadcast %gt3A_359 : f32 to vector<16xf32>
      %gt3A_361 = arith.cmpf ogt, %add3A_348, %gt3A_360 : vector<16xf32>
      %mul3A_362 = arith.constant 2.000000e-01 : f32
      %mul3A_363 = vector.broadcast %mul3A_362 : f32 to vector<16xf32>
      %mul3A_364 = arith.mulf %mul3A_363, %add3A_348 : vector<16xf32>
      %select_n3A_365 = arith.select %gt3A_361, %add3A_348, %mul3A_364 : vector<16xi1>, vector<16xf32>
      %exp3A_366 = math.exp %select_n3A_365 : vector<16xf32>
      %swap3A_367 = arith.constant 96 : index
      %swap3A_368 = tpu.vector_load %arg14[%swap3A_367] {strides = array<i32>} : memref<128xf32, #tpu.memory_space<vmem>>, vector<16xf32>,
      tpu.vector_store %arg14[%swap3A_367], %exp3A_366 {strides = array<i32>} : memref<128xf32, #tpu.memory_space<vmem>>, vector<16xf32>,
      %get3A_369 = arith.constant 112 : index
      %get3A_370 = tpu.vector_load %arg11[%get3A_369] {strides = array<i32>} : memref<128xi32, #tpu.memory_space<vmem>>, vector<16xi32>,
      %mul3A_371 = arith.constant 4 : i32
      %mul3A_372 = vector.broadcast %mul3A_371 : i32 to vector<16xi32>
      %mul3A_373 = arith.muli %get3A_370, %mul3A_372 : vector<16xi32>
      %get3A_374 = arith.constant 112 : index
      %get3A_375 = tpu.vector_load %arg12[%get3A_374] {strides = array<i32>} : memref<128xi32, #tpu.memory_space<vmem>>, vector<16xi32>,
      %mul3A_376 = arith.constant 4 : i32
      %mul3A_377 = vector.broadcast %mul3A_376 : i32 to vector<16xi32>
      %mul3A_378 = arith.muli %get3A_375, %mul3A_377 : vector<16xi32>
      %gather3A_379 = tpu.vector_load_idx %arg10[%mul3A_373] : memref<40064xf32, #tpu.memory_space<vmem>>[vector<16xi32>], vector<16xf32>,
      %add3A_380 = arith.addi %mul3A_378, %broadcast_in_dim3A_52 : vector<16xi32>
      %gather3A_381 = tpu.vector_load_idx %arg10[%add3A_380] : memref<40064xf32, #tpu.memory_space<vmem>>[vector<16xi32>], vector<16xf32>,
      %add3A_382 = arith.addf %gather3A_379, %gather3A_381 : vector<16xf32>
      %add3A_383 = arith.addi %mul3A_373, %broadcast_in_dim3A_50 : vector<16xi32>
      %gather3A_384 = tpu.vector_load_idx %arg10[%add3A_383] : memref<40064xf32, #tpu.memory_space<vmem>>[vector<16xi32>], vector<16xf32>,
      %add3A_385 = arith.addi %mul3A_378, %broadcast_in_dim3A_54 : vector<16xi32>
      %gather3A_386 = tpu.vector_load_idx %arg10[%add3A_385] : memref<40064xf32, #tpu.memory_space<vmem>>[vector<16xi32>], vector<16xf32>,
      %add3A_387 = arith.addf %gather3A_384, %gather3A_386 : vector<16xf32>
      %gt3A_388 = arith.constant 0.000000e+00 : f32
      %gt3A_389 = vector.broadcast %gt3A_388 : f32 to vector<16xf32>
      %gt3A_390 = arith.cmpf ogt, %add3A_382, %gt3A_389 : vector<16xf32>
      %mul3A_391 = arith.constant 2.000000e-01 : f32
      %mul3A_392 = vector.broadcast %mul3A_391 : f32 to vector<16xf32>
      %mul3A_393 = arith.mulf %mul3A_392, %add3A_382 : vector<16xf32>
      %select_n3A_394 = arith.select %gt3A_390, %add3A_382, %mul3A_393 : vector<16xi1>, vector<16xf32>
      %exp3A_395 = math.exp %select_n3A_394 : vector<16xf32>
      %swap3A_396 = arith.constant 112 : index
      %swap3A_397 = tpu.vector_load %arg13[%swap3A_396] {strides = array<i32>} : memref<128xf32, #tpu.memory_space<vmem>>, vector<16xf32>,
      tpu.vector_store %arg13[%swap3A_396], %exp3A_395 {strides = array<i32>} : memref<128xf32, #tpu.memory_space<vmem>>, vector<16xf32>,
      %gt3A_398 = arith.constant 0.000000e+00 : f32
      %gt3A_399 = vector.broadcast %gt3A_398 : f32 to vector<16xf32>
      %gt3A_400 = arith.cmpf ogt, %add3A_387, %gt3A_399 : vector<16xf32>
      %mul3A_401 = arith.constant 2.000000e-01 : f32
      %mul3A_402 = vector.broadcast %mul3A_401 : f32 to vector<16xf32>
      %mul3A_403 = arith.mulf %mul3A_402, %add3A_387 : vector<16xf32>
      %select_n3A_404 = arith.select %gt3A_400, %add3A_387, %mul3A_403 : vector<16xi1>, vector<16xf32>
      %exp3A_405 = math.exp %select_n3A_404 : vector<16xf32>
      %swap3A_406 = arith.constant 112 : index
      %swap3A_407 = tpu.vector_load %arg14[%swap3A_406] {strides = array<i32>} : memref<128xf32, #tpu.memory_space<vmem>>, vector<16xf32>,
      tpu.vector_store %arg14[%swap3A_406], %exp3A_405 {strides = array<i32>} : memref<128xf32, #tpu.memory_space<vmem>>, vector<16xf32>,
      %scan3A_408 = arith.constant 0 : i32
      %scan3A_409 = arith.constant 128 : i32
      %scan3A_410 = arith.addi %scan3A_408, %scan3A_409 : i32
      %scan3A_411 = arith.constant 4 : i32
      scf.for %scan3A_413 = %scan3A_408 to %scan3A_410 step %scan3A_411  : i32 {
        %mul3A_414 = arith.constant 1 : i32
        %mul3A_415 = arith.muli %scan3A_413, %mul3A_414 : i32
        %add3A_416 = arith.constant 0 : i32
        %add3A_417 = arith.addi %add3A_416, %mul3A_415 : i32
        %broadcast_in_dim3A_418 = vector.broadcast %add3A_417 : i32 to vector<16xi32>
        %gather3A_419 = tpu.vector_load_idx %arg13[%broadcast_in_dim3A_418] : memref<128xf32, #tpu.memory_space<vmem>>[vector<16xi32>], vector<16xf32>,
        %gather3A_420 = tpu.vector_load_idx %arg14[%broadcast_in_dim3A_418] : memref<128xf32, #tpu.memory_space<vmem>>[vector<16xi32>], vector<16xf32>,
        %get3A_421 = arith.index_cast %add3A_417 : i32 to index
        %get3A_422 = arith.index_cast %mul3A_58 : i32 to index
        %get3A_423 = tpu.vector_load %arg15[%get3A_421, %get3A_422] {strides = array<i32>} : memref<128x128xf32, #tpu.memory_space<vmem>>, vector<16xf32>,
        %mul3A_424 = arith.mulf %get3A_423, %gather3A_419 : vector<16xf32>
        %swap3A_425 = arith.index_cast %add3A_417 : i32 to index
        %swap3A_426 = arith.constant 0 : index
        %swap3A_427 = tpu.vector_load %arg16[%swap3A_425, %swap3A_426] {strides = array<i32>} : memref<128x80xf32, #tpu.memory_space<vmem>>, vector<16xf32>,
        tpu.vector_store %arg16[%swap3A_425, %swap3A_426], %mul3A_424 {strides = array<i32>} : memref<128x80xf32, #tpu.memory_space<vmem>>, vector<16xf32>,
        %add3A_428 = arith.constant 16 : i32
        %add3A_429 = arith.addi %mul3A_58, %add3A_428 : i32
        %get3A_430 = arith.index_cast %add3A_417 : i32 to index
        %get3A_431 = arith.index_cast %add3A_429 : i32 to index
        %get3A_432 = tpu.vector_load %arg15[%get3A_430, %get3A_431] {strides = array<i32>} : memref<128x128xf32, #tpu.memory_space<vmem>>, vector<16xf32>,
        %mul3A_433 = arith.mulf %get3A_432, %gather3A_419 : vector<16xf32>
        %swap3A_434 = arith.index_cast %add3A_417 : i32 to index
        %swap3A_435 = arith.constant 16 : index
        %swap3A_436 = tpu.vector_load %arg16[%swap3A_434, %swap3A_435] {strides = array<i32>} : memref<128x80xf32, #tpu.memory_space<vmem>>, vector<16xf32>,
        tpu.vector_store %arg16[%swap3A_434, %swap3A_435], %mul3A_433 {strides = array<i32>} : memref<128x80xf32, #tpu.memory_space<vmem>>, vector<16xf32>,
        %add3A_437 = arith.constant 32 : i32
        %add3A_438 = arith.addi %mul3A_58, %add3A_437 : i32
        %get3A_439 = arith.index_cast %add3A_417 : i32 to index
        %get3A_440 = arith.index_cast %add3A_438 : i32 to index
        %get3A_441 = tpu.vector_load %arg15[%get3A_439, %get3A_440] {strides = array<i32>} : memref<128x128xf32, #tpu.memory_space<vmem>>, vector<16xf32>,
        %mul3A_442 = arith.mulf %get3A_441, %gather3A_420 : vector<16xf32>
        %swap3A_443 = arith.index_cast %add3A_417 : i32 to index
        %swap3A_444 = arith.constant 32 : index
        %swap3A_445 = tpu.vector_load %arg16[%swap3A_443, %swap3A_444] {strides = array<i32>} : memref<128x80xf32, #tpu.memory_space<vmem>>, vector<16xf32>,
        tpu.vector_store %arg16[%swap3A_443, %swap3A_444], %mul3A_442 {strides = array<i32>} : memref<128x80xf32, #tpu.memory_space<vmem>>, vector<16xf32>,
        %add3A_446 = arith.constant 48 : i32
        %add3A_447 = arith.addi %mul3A_58, %add3A_446 : i32
        %get3A_448 = arith.index_cast %add3A_417 : i32 to index
        %get3A_449 = arith.index_cast %add3A_447 : i32 to index
        %get3A_450 = tpu.vector_load %arg15[%get3A_448, %get3A_449] {strides = array<i32>} : memref<128x128xf32, #tpu.memory_space<vmem>>, vector<16xf32>,
        %mul3A_451 = arith.mulf %get3A_450, %gather3A_420 : vector<16xf32>
        %swap3A_452 = arith.index_cast %add3A_417 : i32 to index
        %swap3A_453 = arith.constant 48 : index
        %swap3A_454 = tpu.vector_load %arg16[%swap3A_452, %swap3A_453] {strides = array<i32>} : memref<128x80xf32, #tpu.memory_space<vmem>>, vector<16xf32>,
        tpu.vector_store %arg16[%swap3A_452, %swap3A_453], %mul3A_451 {strides = array<i32>} : memref<128x80xf32, #tpu.memory_space<vmem>>, vector<16xf32>,
        %mul3A_455 = arith.mulf %gather3A_419, %convert_element_type3A_43 : vector<16xf32>
        %mul3A_456 = arith.mulf %gather3A_420, %convert_element_type3A_48 : vector<16xf32>
        %add3A_457 = arith.addf %mul3A_455, %mul3A_456 : vector<16xf32>
        %swap3A_458 = arith.index_cast %add3A_417 : i32 to index
        %swap3A_459 = arith.constant 64 : index
        %swap3A_460 = tpu.vector_load %arg16[%swap3A_458, %swap3A_459] {strides = array<i32>} : memref<128x80xf32, #tpu.memory_space<vmem>>, vector<16xf32>,
        tpu.vector_store %arg16[%swap3A_458, %swap3A_459], %add3A_457 {strides = array<i32>} : memref<128x80xf32, #tpu.memory_space<vmem>>, vector<16xf32>,
        %scan3A_461 = arith.constant 1 : i32
        %scan3A_462 = arith.addi %scan3A_413, %scan3A_461 : i32
        %mul3A_463 = arith.constant 1 : i32
        %mul3A_464 = arith.muli %scan3A_462, %mul3A_463 : i32
        %add3A_465 = arith.constant 0 : i32
        %add3A_466 = arith.addi %add3A_465, %mul3A_464 : i32
        %broadcast_in_dim3A_467 = vector.broadcast %add3A_466 : i32 to vector<16xi32>
        %gather3A_468 = tpu.vector_load_idx %arg13[%broadcast_in_dim3A_467] : memref<128xf32, #tpu.memory_space<vmem>>[vector<16xi32>], vector<16xf32>,
        %gather3A_469 = tpu.vector_load_idx %arg14[%broadcast_in_dim3A_467] : memref<128xf32, #tpu.memory_space<vmem>>[vector<16xi32>], vector<16xf32>,
        %get3A_470 = arith.index_cast %add3A_466 : i32 to index
        %get3A_471 = arith.index_cast %mul3A_58 : i32 to index
        %get3A_472 = tpu.vector_load %arg15[%get3A_470, %get3A_471] {strides = array<i32>} : memref<128x128xf32, #tpu.memory_space<vmem>>, vector<16xf32>,
        %mul3A_473 = arith.mulf %get3A_472, %gather3A_468 : vector<16xf32>
        %swap3A_474 = arith.index_cast %add3A_466 : i32 to index
        %swap3A_475 = arith.constant 0 : index
        %swap3A_476 = tpu.vector_load %arg16[%swap3A_474, %swap3A_475] {strides = array<i32>} : memref<128x80xf32, #tpu.memory_space<vmem>>, vector<16xf32>,
        tpu.vector_store %arg16[%swap3A_474, %swap3A_475], %mul3A_473 {strides = array<i32>} : memref<128x80xf32, #tpu.memory_space<vmem>>, vector<16xf32>,
        %add3A_477 = arith.constant 16 : i32
        %add3A_478 = arith.addi %mul3A_58, %add3A_477 : i32
        %get3A_479 = arith.index_cast %add3A_466 : i32 to index
        %get3A_480 = arith.index_cast %add3A_478 : i32 to index
        %get3A_481 = tpu.vector_load %arg15[%get3A_479, %get3A_480] {strides = array<i32>} : memref<128x128xf32, #tpu.memory_space<vmem>>, vector<16xf32>,
        %mul3A_482 = arith.mulf %get3A_481, %gather3A_468 : vector<16xf32>
        %swap3A_483 = arith.index_cast %add3A_466 : i32 to index
        %swap3A_484 = arith.constant 16 : index
        %swap3A_485 = tpu.vector_load %arg16[%swap3A_483, %swap3A_484] {strides = array<i32>} : memref<128x80xf32, #tpu.memory_space<vmem>>, vector<16xf32>,
        tpu.vector_store %arg16[%swap3A_483, %swap3A_484], %mul3A_482 {strides = array<i32>} : memref<128x80xf32, #tpu.memory_space<vmem>>, vector<16xf32>,
        %add3A_486 = arith.constant 32 : i32
        %add3A_487 = arith.addi %mul3A_58, %add3A_486 : i32
        %get3A_488 = arith.index_cast %add3A_466 : i32 to index
        %get3A_489 = arith.index_cast %add3A_487 : i32 to index
        %get3A_490 = tpu.vector_load %arg15[%get3A_488, %get3A_489] {strides = array<i32>} : memref<128x128xf32, #tpu.memory_space<vmem>>, vector<16xf32>,
        %mul3A_491 = arith.mulf %get3A_490, %gather3A_469 : vector<16xf32>
        %swap3A_492 = arith.index_cast %add3A_466 : i32 to index
        %swap3A_493 = arith.constant 32 : index
        %swap3A_494 = tpu.vector_load %arg16[%swap3A_492, %swap3A_493] {strides = array<i32>} : memref<128x80xf32, #tpu.memory_space<vmem>>, vector<16xf32>,
        tpu.vector_store %arg16[%swap3A_492, %swap3A_493], %mul3A_491 {strides = array<i32>} : memref<128x80xf32, #tpu.memory_space<vmem>>, vector<16xf32>,
        %add3A_495 = arith.constant 48 : i32
        %add3A_496 = arith.addi %mul3A_58, %add3A_495 : i32
        %get3A_497 = arith.index_cast %add3A_466 : i32 to index
        %get3A_498 = arith.index_cast %add3A_496 : i32 to index
        %get3A_499 = tpu.vector_load %arg15[%get3A_497, %get3A_498] {strides = array<i32>} : memref<128x128xf32, #tpu.memory_space<vmem>>, vector<16xf32>,
        %mul3A_500 = arith.mulf %get3A_499, %gather3A_469 : vector<16xf32>
        %swap3A_501 = arith.index_cast %add3A_466 : i32 to index
        %swap3A_502 = arith.constant 48 : index
        %swap3A_503 = tpu.vector_load %arg16[%swap3A_501, %swap3A_502] {strides = array<i32>} : memref<128x80xf32, #tpu.memory_space<vmem>>, vector<16xf32>,
        tpu.vector_store %arg16[%swap3A_501, %swap3A_502], %mul3A_500 {strides = array<i32>} : memref<128x80xf32, #tpu.memory_space<vmem>>, vector<16xf32>,
        %mul3A_504 = arith.mulf %gather3A_468, %convert_element_type3A_43 : vector<16xf32>
        %mul3A_505 = arith.mulf %gather3A_469, %convert_element_type3A_48 : vector<16xf32>
        %add3A_506 = arith.addf %mul3A_504, %mul3A_505 : vector<16xf32>
        %swap3A_507 = arith.index_cast %add3A_466 : i32 to index
        %swap3A_508 = arith.constant 64 : index
        %swap3A_509 = tpu.vector_load %arg16[%swap3A_507, %swap3A_508] {strides = array<i32>} : memref<128x80xf32, #tpu.memory_space<vmem>>, vector<16xf32>,
        tpu.vector_store %arg16[%swap3A_507, %swap3A_508], %add3A_506 {strides = array<i32>} : memref<128x80xf32, #tpu.memory_space<vmem>>, vector<16xf32>,
        %scan3A_510 = arith.constant 2 : i32
        %scan3A_511 = arith.addi %scan3A_413, %scan3A_510 : i32
        %mul3A_512 = arith.constant 1 : i32
        %mul3A_513 = arith.muli %scan3A_511, %mul3A_512 : i32
        %add3A_514 = arith.constant 0 : i32
        %add3A_515 = arith.addi %add3A_514, %mul3A_513 : i32
        %broadcast_in_dim3A_516 = vector.broadcast %add3A_515 : i32 to vector<16xi32>
        %gather3A_517 = tpu.vector_load_idx %arg13[%broadcast_in_dim3A_516] : memref<128xf32, #tpu.memory_space<vmem>>[vector<16xi32>], vector<16xf32>,
        %gather3A_518 = tpu.vector_load_idx %arg14[%broadcast_in_dim3A_516] : memref<128xf32, #tpu.memory_space<vmem>>[vector<16xi32>], vector<16xf32>,
        %get3A_519 = arith.index_cast %add3A_515 : i32 to index
        %get3A_520 = arith.index_cast %mul3A_58 : i32 to index
        %get3A_521 = tpu.vector_load %arg15[%get3A_519, %get3A_520] {strides = array<i32>} : memref<128x128xf32, #tpu.memory_space<vmem>>, vector<16xf32>,
        %mul3A_522 = arith.mulf %get3A_521, %gather3A_517 : vector<16xf32>
        %swap3A_523 = arith.index_cast %add3A_515 : i32 to index
        %swap3A_524 = arith.constant 0 : index
        %swap3A_525 = tpu.vector_load %arg16[%swap3A_523, %swap3A_524] {strides = array<i32>} : memref<128x80xf32, #tpu.memory_space<vmem>>, vector<16xf32>,
        tpu.vector_store %arg16[%swap3A_523, %swap3A_524], %mul3A_522 {strides = array<i32>} : memref<128x80xf32, #tpu.memory_space<vmem>>, vector<16xf32>,
        %add3A_526 = arith.constant 16 : i32
        %add3A_527 = arith.addi %mul3A_58, %add3A_526 : i32
        %get3A_528 = arith.index_cast %add3A_515 : i32 to index
        %get3A_529 = arith.index_cast %add3A_527 : i32 to index
        %get3A_530 = tpu.vector_load %arg15[%get3A_528, %get3A_529] {strides = array<i32>} : memref<128x128xf32, #tpu.memory_space<vmem>>, vector<16xf32>,
        %mul3A_531 = arith.mulf %get3A_530, %gather3A_517 : vector<16xf32>
        %swap3A_532 = arith.index_cast %add3A_515 : i32 to index
        %swap3A_533 = arith.constant 16 : index
        %swap3A_534 = tpu.vector_load %arg16[%swap3A_532, %swap3A_533] {strides = array<i32>} : memref<128x80xf32, #tpu.memory_space<vmem>>, vector<16xf32>,
        tpu.vector_store %arg16[%swap3A_532, %swap3A_533], %mul3A_531 {strides = array<i32>} : memref<128x80xf32, #tpu.memory_space<vmem>>, vector<16xf32>,
        %add3A_535 = arith.constant 32 : i32
        %add3A_536 = arith.addi %mul3A_58, %add3A_535 : i32
        %get3A_537 = arith.index_cast %add3A_515 : i32 to index
        %get3A_538 = arith.index_cast %add3A_536 : i32 to index
        %get3A_539 = tpu.vector_load %arg15[%get3A_537, %get3A_538] {strides = array<i32>} : memref<128x128xf32, #tpu.memory_space<vmem>>, vector<16xf32>,
        %mul3A_540 = arith.mulf %get3A_539, %gather3A_518 : vector<16xf32>
        %swap3A_541 = arith.index_cast %add3A_515 : i32 to index
        %swap3A_542 = arith.constant 32 : index
        %swap3A_543 = tpu.vector_load %arg16[%swap3A_541, %swap3A_542] {strides = array<i32>} : memref<128x80xf32, #tpu.memory_space<vmem>>, vector<16xf32>,
        tpu.vector_store %arg16[%swap3A_541, %swap3A_542], %mul3A_540 {strides = array<i32>} : memref<128x80xf32, #tpu.memory_space<vmem>>, vector<16xf32>,
        %add3A_544 = arith.constant 48 : i32
        %add3A_545 = arith.addi %mul3A_58, %add3A_544 : i32
        %get3A_546 = arith.index_cast %add3A_515 : i32 to index
        %get3A_547 = arith.index_cast %add3A_545 : i32 to index
        %get3A_548 = tpu.vector_load %arg15[%get3A_546, %get3A_547] {strides = array<i32>} : memref<128x128xf32, #tpu.memory_space<vmem>>, vector<16xf32>,
        %mul3A_549 = arith.mulf %get3A_548, %gather3A_518 : vector<16xf32>
        %swap3A_550 = arith.index_cast %add3A_515 : i32 to index
        %swap3A_551 = arith.constant 48 : index
        %swap3A_552 = tpu.vector_load %arg16[%swap3A_550, %swap3A_551] {strides = array<i32>} : memref<128x80xf32, #tpu.memory_space<vmem>>, vector<16xf32>,
        tpu.vector_store %arg16[%swap3A_550, %swap3A_551], %mul3A_549 {strides = array<i32>} : memref<128x80xf32, #tpu.memory_space<vmem>>, vector<16xf32>,
        %mul3A_553 = arith.mulf %gather3A_517, %convert_element_type3A_43 : vector<16xf32>
        %mul3A_554 = arith.mulf %gather3A_518, %convert_element_type3A_48 : vector<16xf32>
        %add3A_555 = arith.addf %mul3A_553, %mul3A_554 : vector<16xf32>
        %swap3A_556 = arith.index_cast %add3A_515 : i32 to index
        %swap3A_557 = arith.constant 64 : index
        %swap3A_558 = tpu.vector_load %arg16[%swap3A_556, %swap3A_557] {strides = array<i32>} : memref<128x80xf32, #tpu.memory_space<vmem>>, vector<16xf32>,
        tpu.vector_store %arg16[%swap3A_556, %swap3A_557], %add3A_555 {strides = array<i32>} : memref<128x80xf32, #tpu.memory_space<vmem>>, vector<16xf32>,
        %scan3A_559 = arith.constant 3 : i32
        %scan3A_560 = arith.addi %scan3A_413, %scan3A_559 : i32
        %mul3A_561 = arith.constant 1 : i32
        %mul3A_562 = arith.muli %scan3A_560, %mul3A_561 : i32
        %add3A_563 = arith.constant 0 : i32
        %add3A_564 = arith.addi %add3A_563, %mul3A_562 : i32
        %broadcast_in_dim3A_565 = vector.broadcast %add3A_564 : i32 to vector<16xi32>
        %gather3A_566 = tpu.vector_load_idx %arg13[%broadcast_in_dim3A_565] : memref<128xf32, #tpu.memory_space<vmem>>[vector<16xi32>], vector<16xf32>,
        %gather3A_567 = tpu.vector_load_idx %arg14[%broadcast_in_dim3A_565] : memref<128xf32, #tpu.memory_space<vmem>>[vector<16xi32>], vector<16xf32>,
        %get3A_568 = arith.index_cast %add3A_564 : i32 to index
        %get3A_569 = arith.index_cast %mul3A_58 : i32 to index
        %get3A_570 = tpu.vector_load %arg15[%get3A_568, %get3A_569] {strides = array<i32>} : memref<128x128xf32, #tpu.memory_space<vmem>>, vector<16xf32>,
        %mul3A_571 = arith.mulf %get3A_570, %gather3A_566 : vector<16xf32>
        %swap3A_572 = arith.index_cast %add3A_564 : i32 to index
        %swap3A_573 = arith.constant 0 : index
        %swap3A_574 = tpu.vector_load %arg16[%swap3A_572, %swap3A_573] {strides = array<i32>} : memref<128x80xf32, #tpu.memory_space<vmem>>, vector<16xf32>,
        tpu.vector_store %arg16[%swap3A_572, %swap3A_573], %mul3A_571 {strides = array<i32>} : memref<128x80xf32, #tpu.memory_space<vmem>>, vector<16xf32>,
        %add3A_575 = arith.constant 16 : i32
        %add3A_576 = arith.addi %mul3A_58, %add3A_575 : i32
        %get3A_577 = arith.index_cast %add3A_564 : i32 to index
        %get3A_578 = arith.index_cast %add3A_576 : i32 to index
        %get3A_579 = tpu.vector_load %arg15[%get3A_577, %get3A_578] {strides = array<i32>} : memref<128x128xf32, #tpu.memory_space<vmem>>, vector<16xf32>,
        %mul3A_580 = arith.mulf %get3A_579, %gather3A_566 : vector<16xf32>
        %swap3A_581 = arith.index_cast %add3A_564 : i32 to index
        %swap3A_582 = arith.constant 16 : index
        %swap3A_583 = tpu.vector_load %arg16[%swap3A_581, %swap3A_582] {strides = array<i32>} : memref<128x80xf32, #tpu.memory_space<vmem>>, vector<16xf32>,
        tpu.vector_store %arg16[%swap3A_581, %swap3A_582], %mul3A_580 {strides = array<i32>} : memref<128x80xf32, #tpu.memory_space<vmem>>, vector<16xf32>,
        %add3A_584 = arith.constant 32 : i32
        %add3A_585 = arith.addi %mul3A_58, %add3A_584 : i32
        %get3A_586 = arith.index_cast %add3A_564 : i32 to index
        %get3A_587 = arith.index_cast %add3A_585 : i32 to index
        %get3A_588 = tpu.vector_load %arg15[%get3A_586, %get3A_587] {strides = array<i32>} : memref<128x128xf32, #tpu.memory_space<vmem>>, vector<16xf32>,
        %mul3A_589 = arith.mulf %get3A_588, %gather3A_567 : vector<16xf32>
        %swap3A_590 = arith.index_cast %add3A_564 : i32 to index
        %swap3A_591 = arith.constant 32 : index
        %swap3A_592 = tpu.vector_load %arg16[%swap3A_590, %swap3A_591] {strides = array<i32>} : memref<128x80xf32, #tpu.memory_space<vmem>>, vector<16xf32>,
        tpu.vector_store %arg16[%swap3A_590, %swap3A_591], %mul3A_589 {strides = array<i32>} : memref<128x80xf32, #tpu.memory_space<vmem>>, vector<16xf32>,
        %add3A_593 = arith.constant 48 : i32
        %add3A_594 = arith.addi %mul3A_58, %add3A_593 : i32
        %get3A_595 = arith.index_cast %add3A_564 : i32 to index
        %get3A_596 = arith.index_cast %add3A_594 : i32 to index
        %get3A_597 = tpu.vector_load %arg15[%get3A_595, %get3A_596] {strides = array<i32>} : memref<128x128xf32, #tpu.memory_space<vmem>>, vector<16xf32>,
        %mul3A_598 = arith.mulf %get3A_597, %gather3A_567 : vector<16xf32>
        %swap3A_599 = arith.index_cast %add3A_564 : i32 to index
        %swap3A_600 = arith.constant 48 : index
        %swap3A_601 = tpu.vector_load %arg16[%swap3A_599, %swap3A_600] {strides = array<i32>} : memref<128x80xf32, #tpu.memory_space<vmem>>, vector<16xf32>,
        tpu.vector_store %arg16[%swap3A_599, %swap3A_600], %mul3A_598 {strides = array<i32>} : memref<128x80xf32, #tpu.memory_space<vmem>>, vector<16xf32>,
        %mul3A_602 = arith.mulf %gather3A_566, %convert_element_type3A_43 : vector<16xf32>
        %mul3A_603 = arith.mulf %gather3A_567, %convert_element_type3A_48 : vector<16xf32>
        %add3A_604 = arith.addf %mul3A_602, %mul3A_603 : vector<16xf32>
        %swap3A_605 = arith.index_cast %add3A_564 : i32 to index
        %swap3A_606 = arith.constant 64 : index
        %swap3A_607 = tpu.vector_load %arg16[%swap3A_605, %swap3A_606] {strides = array<i32>} : memref<128x80xf32, #tpu.memory_space<vmem>>, vector<16xf32>,
        tpu.vector_store %arg16[%swap3A_605, %swap3A_606], %add3A_604 {strides = array<i32>} : memref<128x80xf32, #tpu.memory_space<vmem>>, vector<16xf32>,
      }
      %scan3A_412 = arith.constant 128 : i32
      "tpu.region"() ({
        %run_scoped3A = tpu.sem_alloc : memref<!tpu.dma_semaphore, #tpu.memory_space<semaphore_mem>>
        %dma_start3A_413 = arith.constant 0 : i32
        %dma_start3A_414 = arith.constant 0 : i32
        %dma_start3A_415 = tpu.memref_slice %arg9[%dma_start3A_413, %dma_start3A_414] : memref<10016x80xf32, #tpu.memory_space<vmem_shared>> -> memref<10016x80xf32, #tpu.memory_space<vmem_shared>>
        tpu.enqueue_indirect_dma source(%arg16 : memref<128x80xf32, #tpu.memory_space<vmem>>) target(%dma_start3A_415 : memref<10016x80xf32, #tpu.memory_space<vmem_shared>>) offsets(%arg12 : memref<128xi32, #tpu.memory_space<vmem>>) semaphore(%run_scoped3A : memref<!tpu.dma_semaphore, #tpu.memory_space<semaphore_mem>>) {add = true}
        %dma_wait3A_416 = arith.constant 0 : i32
        %dma_wait3A_417 = arith.constant 0 : i32
        %dma_wait3A_418 = tpu.memref_slice %arg9[%dma_wait3A_416, %dma_wait3A_417] : memref<10016x80xf32, #tpu.memory_space<vmem_shared>> -> memref<10016x80xf32, #tpu.memory_space<vmem_shared>>
        tpu.wait_indirect_dma semaphore(%run_scoped3A : memref<!tpu.dma_semaphore, #tpu.memory_space<semaphore_mem>>) src(%arg16 : memref<128x80xf32, #tpu.memory_space<vmem>>) dst(%dma_wait3A_418 : memref<10016x80xf32, #tpu.memory_space<vmem_shared>>)
        tpu.yield
      }) : () -> ()
    }
    %scan3A_63 = arith.constant 157 : i32
    %barrier3A_64 = arith.constant 0 : index
    tpu.barrier barrier_id(%barrier3A_64)
    %eq3A_65 = arith.constant 0 : i32
    %eq3A_66 = arith.cmpi eq, %arg0, %eq3A_65 : i32
    %convert_element_type3A_67 = arith.extui %eq3A_66 : i1 to i32
    %cond3A_68 = arith.constant 0 : i32
    %cond3A_69 = arith.cmpi ne, %convert_element_type3A_67, %cond3A_68 : i32
    scf.if %cond3A_69 {
      %mul3A_90 = arith.constant 624 : i32
      %mul3A_91 = arith.muli %arg1, %mul3A_90 : i32
      %mul3A_92 = arith.constant 624 : i32
      %mul3A_93 = arith.muli %arg1, %mul3A_92 : i32
      "tpu.region"() ({
        %run_scoped3A = tpu.sem_alloc : memref<!tpu.dma_semaphore, #tpu.memory_space<semaphore_mem>>
        %dma_start3A = arith.constant 0 : i32
        %dma_start3A_94 = tpu.memref_slice %arg7[%mul3A_93, %dma_start3A] : memref<10016x128xf32, #tpu.memory_space<hbm>> -> memref<624x80xf32, #tpu.memory_space<hbm>>
        %dma_start3A_95 = arith.constant 0 : i32
        %dma_start3A_96 = tpu.memref_slice %arg9[%mul3A_91, %dma_start3A_95] : memref<10016x80xf32, #tpu.memory_space<vmem_shared>> -> memref<624x80xf32, #tpu.memory_space<vmem_shared>>
        tpu.enqueue_dma source(%dma_start3A_96 : memref<624x80xf32, #tpu.memory_space<vmem_shared>>) target(%dma_start3A_94 : memref<624x80xf32, #tpu.memory_space<hbm>>) target_semaphore(%run_scoped3A : memref<!tpu.dma_semaphore, #tpu.memory_space<semaphore_mem>>)
        %dma_wait3A = arith.constant 0 : i32
        %dma_wait3A_97 = tpu.memref_slice %arg7[%mul3A_93, %dma_wait3A] : memref<10016x128xf32, #tpu.memory_space<hbm>> -> memref<624x80xf32, #tpu.memory_space<hbm>>
        %dma_wait3A_98 = arith.constant 0 : i32
        %dma_wait3A_99 = tpu.memref_slice %arg9[%mul3A_91, %dma_wait3A_98] : memref<10016x80xf32, #tpu.memory_space<vmem_shared>> -> memref<624x80xf32, #tpu.memory_space<vmem_shared>>
        tpu.wait_dma2 semaphore(%run_scoped3A : memref<!tpu.dma_semaphore, #tpu.memory_space<semaphore_mem>>) src(%dma_wait3A_99 : memref<624x80xf32, #tpu.memory_space<vmem_shared>>) dst(%dma_wait3A_97 : memref<624x80xf32, #tpu.memory_space<hbm>>)
        tpu.yield
      }) : () -> ()
    } else {
    }
    %eq3A_70 = arith.constant 1 : i32
    %eq3A_71 = arith.cmpi eq, %arg0, %eq3A_70 : i32
    %convert_element_type3A_72 = arith.extui %eq3A_71 : i1 to i32
    %cond3A_73 = arith.constant 0 : i32
    %cond3A_74 = arith.cmpi ne, %convert_element_type3A_72, %cond3A_73 : i32
    scf.if %cond3A_74 {
      %mul3A_90 = arith.constant 624 : i32
      %mul3A_91 = arith.muli %arg1, %mul3A_90 : i32
      %mul3A_92 = arith.constant 624 : i32
      %mul3A_93 = arith.muli %arg1, %mul3A_92 : i32
      "tpu.region"() ({
        %run_scoped3A = tpu.sem_alloc : memref<!tpu.dma_semaphore, #tpu.memory_space<semaphore_mem>>
        %dma_start3A = arith.constant 0 : i32
        %dma_start3A_94 = tpu.memref_slice %arg8[%mul3A_93, %dma_start3A] : memref<10016x128xf32, #tpu.memory_space<hbm>> -> memref<624x80xf32, #tpu.memory_space<hbm>>
        %dma_start3A_95 = arith.constant 0 : i32
        %dma_start3A_96 = tpu.memref_slice %arg9[%mul3A_91, %dma_start3A_95] : memref<10016x80xf32, #tpu.memory_space<vmem_shared>> -> memref<624x80xf32, #tpu.memory_space<vmem_shared>>
        tpu.enqueue_dma source(%dma_start3A_96 : memref<624x80xf32, #tpu.memory_space<vmem_shared>>) target(%dma_start3A_94 : memref<624x80xf32, #tpu.memory_space<hbm>>) target_semaphore(%run_scoped3A : memref<!tpu.dma_semaphore, #tpu.memory_space<semaphore_mem>>)
        %dma_wait3A = arith.constant 0 : i32
        %dma_wait3A_97 = tpu.memref_slice %arg8[%mul3A_93, %dma_wait3A] : memref<10016x128xf32, #tpu.memory_space<hbm>> -> memref<624x80xf32, #tpu.memory_space<hbm>>
        %dma_wait3A_98 = arith.constant 0 : i32
        %dma_wait3A_99 = tpu.memref_slice %arg9[%mul3A_91, %dma_wait3A_98] : memref<10016x80xf32, #tpu.memory_space<vmem_shared>> -> memref<624x80xf32, #tpu.memory_space<vmem_shared>>
        tpu.wait_dma2 semaphore(%run_scoped3A : memref<!tpu.dma_semaphore, #tpu.memory_space<semaphore_mem>>) src(%dma_wait3A_99 : memref<624x80xf32, #tpu.memory_space<vmem_shared>>) dst(%dma_wait3A_97 : memref<624x80xf32, #tpu.memory_space<hbm>>)
        tpu.yield
      }) : () -> ()
    } else {
    }
    %eq3A_75 = arith.constant 0 : i32
    %eq3A_76 = arith.cmpi eq, %arg1, %eq3A_75 : i32
    %eq3A_77 = arith.constant 0 : i32
    %eq3A_78 = arith.cmpi eq, %arg0, %eq3A_77 : i32
    %and3A = arith.andi %eq3A_76, %eq3A_78 : i1
    %convert_element_type3A_79 = arith.extui %and3A : i1 to i32
    %cond3A_80 = arith.constant 0 : i32
    %cond3A_81 = arith.cmpi ne, %convert_element_type3A_79, %cond3A_80 : i32
    scf.if %cond3A_81 {
      "tpu.region"() ({
        %run_scoped3A = tpu.sem_alloc : memref<!tpu.dma_semaphore, #tpu.memory_space<semaphore_mem>>
        %dma_start3A = arith.constant 9984 : i32
        %dma_start3A_90 = arith.constant 0 : i32
        %dma_start3A_91 = tpu.memref_slice %arg7[%dma_start3A, %dma_start3A_90] : memref<10016x128xf32, #tpu.memory_space<hbm>> -> memref<32x80xf32, #tpu.memory_space<hbm>>
        %dma_start3A_92 = arith.constant 9984 : i32
        %dma_start3A_93 = arith.constant 0 : i32
        %dma_start3A_94 = tpu.memref_slice %arg9[%dma_start3A_92, %dma_start3A_93] : memref<10016x80xf32, #tpu.memory_space<vmem_shared>> -> memref<32x80xf32, #tpu.memory_space<vmem_shared>>
        tpu.enqueue_dma source(%dma_start3A_94 : memref<32x80xf32, #tpu.memory_space<vmem_shared>>) target(%dma_start3A_91 : memref<32x80xf32, #tpu.memory_space<hbm>>) target_semaphore(%run_scoped3A : memref<!tpu.dma_semaphore, #tpu.memory_space<semaphore_mem>>)
        %dma_wait3A = arith.constant 9984 : i32
        %dma_wait3A_95 = arith.constant 0 : i32
        %dma_wait3A_96 = tpu.memref_slice %arg7[%dma_wait3A, %dma_wait3A_95] : memref<10016x128xf32, #tpu.memory_space<hbm>> -> memref<32x80xf32, #tpu.memory_space<hbm>>
        %dma_wait3A_97 = arith.constant 9984 : i32
        %dma_wait3A_98 = arith.constant 0 : i32
        %dma_wait3A_99 = tpu.memref_slice %arg9[%dma_wait3A_97, %dma_wait3A_98] : memref<10016x80xf32, #tpu.memory_space<vmem_shared>> -> memref<32x80xf32, #tpu.memory_space<vmem_shared>>
        tpu.wait_dma2 semaphore(%run_scoped3A : memref<!tpu.dma_semaphore, #tpu.memory_space<semaphore_mem>>) src(%dma_wait3A_99 : memref<32x80xf32, #tpu.memory_space<vmem_shared>>) dst(%dma_wait3A_96 : memref<32x80xf32, #tpu.memory_space<hbm>>)
        tpu.yield
      }) : () -> ()
    } else {
    }
    %eq3A_82 = arith.constant 0 : i32
    %eq3A_83 = arith.cmpi eq, %arg1, %eq3A_82 : i32
    %eq3A_84 = arith.constant 1 : i32
    %eq3A_85 = arith.cmpi eq, %arg0, %eq3A_84 : i32
    %and3A_86 = arith.andi %eq3A_83, %eq3A_85 : i1
    %convert_element_type3A_87 = arith.extui %and3A_86 : i1 to i32
    %cond3A_88 = arith.constant 0 : i32
    %cond3A_89 = arith.cmpi ne, %convert_element_type3A_87, %cond3A_88 : i32
    scf.if %cond3A_89 {
      "tpu.region"() ({
        %run_scoped3A = tpu.sem_alloc : memref<!tpu.dma_semaphore, #tpu.memory_space<semaphore_mem>>
        %dma_start3A = arith.constant 9984 : i32
        %dma_start3A_90 = arith.constant 0 : i32
        %dma_start3A_91 = tpu.memref_slice %arg8[%dma_start3A, %dma_start3A_90] : memref<10016x128xf32, #tpu.memory_space<hbm>> -> memref<32x80xf32, #tpu.memory_space<hbm>>
        %dma_start3A_92 = arith.constant 9984 : i32
        %dma_start3A_93 = arith.constant 0 : i32
        %dma_start3A_94 = tpu.memref_slice %arg9[%dma_start3A_92, %dma_start3A_93] : memref<10016x80xf32, #tpu.memory_space<vmem_shared>> -> memref<32x80xf32, #tpu.memory_space<vmem_shared>>
        tpu.enqueue_dma source(%dma_start3A_94 : memref<32x80xf32, #tpu.memory_space<vmem_shared>>) target(%dma_start3A_91 : memref<32x80xf32, #tpu.memory_space<hbm>>) target_semaphore(%run_scoped3A : memref<!tpu.dma_semaphore, #tpu.memory_space<semaphore_mem>>)
        %dma_wait3A = arith.constant 9984 : i32
        %dma_wait3A_95 = arith.constant 0 : i32
        %dma_wait3A_96 = tpu.memref_slice %arg8[%dma_wait3A, %dma_wait3A_95] : memref<10016x128xf32, #tpu.memory_space<hbm>> -> memref<32x80xf32, #tpu.memory_space<hbm>>
        %dma_wait3A_97 = arith.constant 9984 : i32
        %dma_wait3A_98 = arith.constant 0 : i32
        %dma_wait3A_99 = tpu.memref_slice %arg9[%dma_wait3A_97, %dma_wait3A_98] : memref<10016x80xf32, #tpu.memory_space<vmem_shared>> -> memref<32x80xf32, #tpu.memory_space<vmem_shared>>
        tpu.wait_dma2 semaphore(%run_scoped3A : memref<!tpu.dma_semaphore, #tpu.memory_space<semaphore_mem>>) src(%dma_wait3A_99 : memref<32x80xf32, #tpu.memory_space<vmem_shared>>) dst(%dma_wait3A_96 : memref<32x80xf32, #tpu.memory_space<hbm>>)
        tpu.yield
      }) : () -> ()
    } else {
    }
    return
  }
}

module attributes {stable_mosaic.version = 14 : i64} {
  func.func @_k0_body(%arg0: i32, %arg1: memref<400x128xf32, #tpu.memory_space<vmem>>, %arg2: memref<128x128xf32, #tpu.memory_space<vmem>>, %arg3: memref<1x128xf32, #tpu.memory_space<vmem>>, %arg4: memref<400x128xf32, #tpu.memory_space<vmem>>) attributes {dimension_semantics = [#tpu.dimension_semantics<arbitrary>], iteration_bounds = array<i64: 25>, scalar_prefetch = 0 : i64, scratch_operands = 0 : i64, tpu.core_type = #tpu.core_type<tc>, window_params = [{transform_indices = @transform_0, window_bounds = array<i64: 400, 128>}, {pipeline_mode = #tpu.pipeline_mode<synchronous>, transform_indices = @transform_1, window_bounds = array<i64: 128, 128>}, {pipeline_mode = #tpu.pipeline_mode<synchronous>, transform_indices = @transform_2, window_bounds = array<i64: 1, 128>}, {transform_indices = @transform_3, window_bounds = array<i64: 400, 128>}]} {
    %get3A = arith.constant 0 : index
    %get3A_0 = arith.constant 0 : index
    %get3A_1 = vector.load %arg1[%get3A, %get3A_0] : memref<400x128xf32, #tpu.memory_space<vmem>>, vector<400x128xf32>
    %get3A_2 = arith.constant 0 : index
    %get3A_3 = arith.constant 0 : index
    %get3A_4 = vector.load %arg2[%get3A_2, %get3A_3] : memref<128x128xf32, #tpu.memory_space<vmem>>, vector<128x128xf32>
    %dot_general3A = arith.constant dense<0.000000e+00> : vector<400x128xf32>
    %dot_general3A_5 = tpu.matmul %get3A_1, %get3A_4, %dot_general3A {dimension_numbers = #tpu.dot_dimension_numbers<[1], [0], [0], [1], [0, 0, 1, 1], [], []>, transpose_lhs_hint = false} : vector<400x128xf32>, vector<128x128xf32>, vector<400x128xf32> -> vector<400x128xf32>
    %get3A_6 = arith.constant 0 : index
    %get3A_7 = arith.constant 0 : index
    %get3A_8 = vector.load %arg3[%get3A_6, %get3A_7] : memref<1x128xf32, #tpu.memory_space<vmem>>, vector<1x128xf32>
    %add3A = vector.broadcast %get3A_8 : vector<1x128xf32> to vector<400x128xf32>
    %add3A_9 = arith.addf %dot_general3A_5, %add3A : vector<400x128xf32>
    %swap3A = arith.constant 0 : index
    %swap3A_10 = arith.constant 0 : index
    %swap3A_11 = vector.load %arg4[%swap3A, %swap3A_10] : memref<400x128xf32, #tpu.memory_space<vmem>>, vector<400x128xf32>
    tpu.vector_store %arg4[%swap3A, %swap3A_10], %add3A_9 {strides = array<i32>} : memref<400x128xf32, #tpu.memory_space<vmem>>, vector<400x128xf32>,
    return
  }
  func.func @transform_0(%arg0: i32) -> (i32, i32) {
    %c0_i32 = arith.constant 0 : i32
    %c0_i32_0 = arith.constant 0 : i32
    return %arg0, %c0_i32 : i32, i32
  }
  func.func @transform_1(%arg0: i32) -> (i32, i32) {
    %c0_i32 = arith.constant 0 : i32
    %c0_i32_0 = arith.constant 0 : i32
    %c0_i32_1 = arith.constant 0 : i32
    return %c0_i32, %c0_i32_0 : i32, i32
  }
  func.func @transform_2(%arg0: i32) -> (i32, i32) {
    %c0_i32 = arith.constant 0 : i32
    %c0_i32_0 = arith.constant 0 : i32
    %c0_i32_1 = arith.constant 0 : i32
    return %c0_i32, %c0_i32_0 : i32, i32
  }
  func.func @transform_3(%arg0: i32) -> (i32, i32) {
    %c0_i32 = arith.constant 0 : i32
    %c0_i32_0 = arith.constant 0 : i32
    return %arg0, %c0_i32 : i32, i32
  }
}

module attributes {stable_mosaic.version = 14 : i64} {
  func.func @_ka_body(%arg0: i32, %arg1: memref<400x128xf32, #tpu.memory_space<vmem>>, %arg2: memref<128x128xf32, #tpu.memory_space<vmem>>, %arg3: memref<128x4xf32, #tpu.memory_space<vmem>>, %arg4: memref<128x4xf32, #tpu.memory_space<vmem>>, %arg5: memref<128x4xf32, #tpu.memory_space<vmem>>, %arg6: memref<400x128xf32, #tpu.memory_space<vmem>>, %arg7: memref<400x4xf32, #tpu.memory_space<vmem>>, %arg8: memref<400x4xf32, #tpu.memory_space<vmem>>, %arg9: memref<400x4xf32, #tpu.memory_space<vmem>>) attributes {dimension_semantics = [#tpu.dimension_semantics<arbitrary>], iteration_bounds = array<i64: 25>, scalar_prefetch = 0 : i64, scratch_operands = 0 : i64, tpu.core_type = #tpu.core_type<tc>, window_params = [{transform_indices = @transform_0, window_bounds = array<i64: 400, 128>}, {pipeline_mode = #tpu.pipeline_mode<synchronous>, transform_indices = @transform_1, window_bounds = array<i64: 128, 128>}, {pipeline_mode = #tpu.pipeline_mode<synchronous>, transform_indices = @transform_2, window_bounds = array<i64: 128, 4>}, {pipeline_mode = #tpu.pipeline_mode<synchronous>, transform_indices = @transform_3, window_bounds = array<i64: 128, 4>}, {pipeline_mode = #tpu.pipeline_mode<synchronous>, transform_indices = @transform_4, window_bounds = array<i64: 128, 4>}, {transform_indices = @transform_5, window_bounds = array<i64: 400, 128>}, {transform_indices = @transform_6, window_bounds = array<i64: 400, 4>}, {transform_indices = @transform_7, window_bounds = array<i64: 400, 4>}, {transform_indices = @transform_8, window_bounds = array<i64: 400, 4>}]} {
    %get3A = arith.constant 0 : index
    %get3A_0 = arith.constant 0 : index
    %get3A_1 = vector.load %arg1[%get3A, %get3A_0] : memref<400x128xf32, #tpu.memory_space<vmem>>, vector<400x128xf32>
    %get3A_2 = arith.constant 0 : index
    %get3A_3 = arith.constant 0 : index
    %get3A_4 = vector.load %arg2[%get3A_2, %get3A_3] : memref<128x128xf32, #tpu.memory_space<vmem>>, vector<128x128xf32>
    %dot_general3A = arith.constant dense<0.000000e+00> : vector<400x128xf32>
    %dot_general3A_5 = tpu.matmul %get3A_1, %get3A_4, %dot_general3A {dimension_numbers = #tpu.dot_dimension_numbers<[1], [0], [0], [1], [0, 0, 1, 1], [], []>, transpose_lhs_hint = false} : vector<400x128xf32>, vector<128x128xf32>, vector<400x128xf32> -> vector<400x128xf32>
    %swap3A = arith.constant 0 : index
    %swap3A_6 = arith.constant 0 : index
    %swap3A_7 = vector.load %arg6[%swap3A, %swap3A_6] : memref<400x128xf32, #tpu.memory_space<vmem>>, vector<400x128xf32>
    tpu.vector_store %arg6[%swap3A, %swap3A_6], %dot_general3A_5 {strides = array<i32>} : memref<400x128xf32, #tpu.memory_space<vmem>>, vector<400x128xf32>,
    %get3A_8 = arith.constant 0 : index
    %get3A_9 = arith.constant 0 : index
    %get3A_10 = vector.load %arg3[%get3A_8, %get3A_9] : memref<128x4xf32, #tpu.memory_space<vmem>>, vector<128x4xf32>
    %dot_general3A_11 = arith.constant dense<0.000000e+00> : vector<400x4xf32>
    %dot_general3A_12 = tpu.matmul %dot_general3A_5, %get3A_10, %dot_general3A_11 {dimension_numbers = #tpu.dot_dimension_numbers<[1], [0], [0], [1], [0, 0, 1, 1], [], []>, transpose_lhs_hint = false} : vector<400x128xf32>, vector<128x4xf32>, vector<400x4xf32> -> vector<400x4xf32>
    %swap3A_13 = arith.constant 0 : index
    %swap3A_14 = arith.constant 0 : index
    %swap3A_15 = vector.load %arg7[%swap3A_13, %swap3A_14] : memref<400x4xf32, #tpu.memory_space<vmem>>, vector<400x4xf32>
    tpu.vector_store %arg7[%swap3A_13, %swap3A_14], %dot_general3A_12 {strides = array<i32>} : memref<400x4xf32, #tpu.memory_space<vmem>>, vector<400x4xf32>,
    %get3A_16 = arith.constant 0 : index
    %get3A_17 = arith.constant 0 : index
    %get3A_18 = vector.load %arg4[%get3A_16, %get3A_17] : memref<128x4xf32, #tpu.memory_space<vmem>>, vector<128x4xf32>
    %dot_general3A_19 = arith.constant dense<0.000000e+00> : vector<400x4xf32>
    %dot_general3A_20 = tpu.matmul %dot_general3A_5, %get3A_18, %dot_general3A_19 {dimension_numbers = #tpu.dot_dimension_numbers<[1], [0], [0], [1], [0, 0, 1, 1], [], []>, transpose_lhs_hint = false} : vector<400x128xf32>, vector<128x4xf32>, vector<400x4xf32> -> vector<400x4xf32>
    %swap3A_21 = arith.constant 0 : index
    %swap3A_22 = arith.constant 0 : index
    %swap3A_23 = vector.load %arg8[%swap3A_21, %swap3A_22] : memref<400x4xf32, #tpu.memory_space<vmem>>, vector<400x4xf32>
    tpu.vector_store %arg8[%swap3A_21, %swap3A_22], %dot_general3A_20 {strides = array<i32>} : memref<400x4xf32, #tpu.memory_space<vmem>>, vector<400x4xf32>,
    %get3A_24 = arith.constant 0 : index
    %get3A_25 = arith.constant 0 : index
    %get3A_26 = vector.load %arg5[%get3A_24, %get3A_25] : memref<128x4xf32, #tpu.memory_space<vmem>>, vector<128x4xf32>
    %dot_general3A_27 = arith.constant dense<0.000000e+00> : vector<400x4xf32>
    %dot_general3A_28 = tpu.matmul %dot_general3A_5, %get3A_26, %dot_general3A_27 {dimension_numbers = #tpu.dot_dimension_numbers<[1], [0], [0], [1], [0, 0, 1, 1], [], []>, transpose_lhs_hint = false} : vector<400x128xf32>, vector<128x4xf32>, vector<400x4xf32> -> vector<400x4xf32>
    %gt3A = arith.constant 0.000000e+00 : f32
    %gt3A_29 = vector.broadcast %gt3A : f32 to vector<400x4xf32>
    %gt3A_30 = arith.cmpf ogt, %dot_general3A_28, %gt3A_29 : vector<400x4xf32>
    %mul3A = arith.constant 2.000000e-01 : f32
    %mul3A_31 = vector.broadcast %mul3A : f32 to vector<400x4xf32>
    %mul3A_32 = arith.mulf %mul3A_31, %dot_general3A_28 : vector<400x4xf32>
    %select_n3A = arith.select %gt3A_30, %dot_general3A_28, %mul3A_32 : vector<400x4xi1>, vector<400x4xf32>
    %exp3A = math.exp %select_n3A : vector<400x4xf32>
    %swap3A_33 = arith.constant 0 : index
    %swap3A_34 = arith.constant 0 : index
    %swap3A_35 = vector.load %arg9[%swap3A_33, %swap3A_34] : memref<400x4xf32, #tpu.memory_space<vmem>>, vector<400x4xf32>
    tpu.vector_store %arg9[%swap3A_33, %swap3A_34], %exp3A {strides = array<i32>} : memref<400x4xf32, #tpu.memory_space<vmem>>, vector<400x4xf32>,
    return
  }
  func.func @transform_0(%arg0: i32) -> (i32, i32) {
    %c0_i32 = arith.constant 0 : i32
    %c0_i32_0 = arith.constant 0 : i32
    return %arg0, %c0_i32 : i32, i32
  }
  func.func @transform_1(%arg0: i32) -> (i32, i32) {
    %c0_i32 = arith.constant 0 : i32
    %c0_i32_0 = arith.constant 0 : i32
    %c0_i32_1 = arith.constant 0 : i32
    return %c0_i32, %c0_i32_0 : i32, i32
  }
  func.func @transform_2(%arg0: i32) -> (i32, i32) {
    %c0_i32 = arith.constant 0 : i32
    %c0_i32_0 = arith.constant 0 : i32
    %c0_i32_1 = arith.constant 0 : i32
    return %c0_i32, %c0_i32_0 : i32, i32
  }
  func.func @transform_3(%arg0: i32) -> (i32, i32) {
    %c0_i32 = arith.constant 0 : i32
    %c0_i32_0 = arith.constant 0 : i32
    %c0_i32_1 = arith.constant 0 : i32
    return %c0_i32, %c0_i32_0 : i32, i32
  }
  func.func @transform_4(%arg0: i32) -> (i32, i32) {
    %c0_i32 = arith.constant 0 : i32
    %c0_i32_0 = arith.constant 0 : i32
    %c0_i32_1 = arith.constant 0 : i32
    return %c0_i32, %c0_i32_0 : i32, i32
  }
  func.func @transform_5(%arg0: i32) -> (i32, i32) {
    %c0_i32 = arith.constant 0 : i32
    %c0_i32_0 = arith.constant 0 : i32
    return %arg0, %c0_i32 : i32, i32
  }
  func.func @transform_6(%arg0: i32) -> (i32, i32) {
    %c0_i32 = arith.constant 0 : i32
    %c0_i32_0 = arith.constant 0 : i32
    return %arg0, %c0_i32 : i32, i32
  }
  func.func @transform_7(%arg0: i32) -> (i32, i32) {
    %c0_i32 = arith.constant 0 : i32
    %c0_i32_0 = arith.constant 0 : i32
    return %arg0, %c0_i32 : i32, i32
  }
  func.func @transform_8(%arg0: i32) -> (i32, i32) {
    %c0_i32 = arith.constant 0 : i32
    %c0_i32_0 = arith.constant 0 : i32
    return %arg0, %c0_i32 : i32, i32
  }
}

module attributes {stable_mosaic.version = 14 : i64} {
  func.func @_kb_body(%arg0: i32, %arg1: memref<400x128xf32, #tpu.memory_space<vmem>>, %arg2: memref<400x8xf32, #tpu.memory_space<vmem>>, %arg3: memref<400x128xf32, #tpu.memory_space<vmem>>, %arg4: memref<400x128xf32, #tpu.memory_space<vmem>>, %arg5: memref<400x4xf32, #tpu.memory_space<vmem>>, %arg6: memref<128x128xf32, #tpu.memory_space<vmem>>, %arg7: memref<4x128xf32, #tpu.memory_space<vmem>>, %arg8: memref<80x256xf32, #tpu.memory_space<vmem>>, %arg9: memref<80x256xf32, #tpu.memory_space<vmem>>, %arg10: memref<128x128xf32, #tpu.memory_space<vmem>>, %arg11: memref<8x128xf32, #tpu.memory_space<vmem>>, %arg12: memref<1x128xf32, #tpu.memory_space<vmem>>, %arg13: memref<1x128xf32, #tpu.memory_space<vmem>>, %arg14: memref<1x128xf32, #tpu.memory_space<vmem>>, %arg15: memref<1x128xf32, #tpu.memory_space<vmem>>, %arg16: memref<1xf32, #tpu.memory_space<smem>>, %arg17: memref<400x128xf32, #tpu.memory_space<vmem>>) attributes {dimension_semantics = [#tpu.dimension_semantics<arbitrary>], iteration_bounds = array<i64: 25>, scalar_prefetch = 0 : i64, scratch_operands = 0 : i64, tpu.core_type = #tpu.core_type<tc>, window_params = [{transform_indices = @transform_0, window_bounds = array<i64: 400, 128>}, {transform_indices = @transform_1, window_bounds = array<i64: 400, 8>}, {transform_indices = @transform_2, window_bounds = array<i64: 400, 128>}, {transform_indices = @transform_3, window_bounds = array<i64: 400, 128>}, {transform_indices = @transform_4, window_bounds = array<i64: 400, 4>}, {pipeline_mode = #tpu.pipeline_mode<synchronous>, transform_indices = @transform_5, window_bounds = array<i64: 128, 128>}, {pipeline_mode = #tpu.pipeline_mode<synchronous>, transform_indices = @transform_6, window_bounds = array<i64: 4, 128>}, {pipeline_mode = #tpu.pipeline_mode<synchronous>, transform_indices = @transform_7, window_bounds = array<i64: 80, 256>}, {pipeline_mode = #tpu.pipeline_mode<synchronous>, transform_indices = @transform_8, window_bounds = array<i64: 80, 256>}, {pipeline_mode = #tpu.pipeline_mode<synchronous>, transform_indices = @transform_9, window_bounds = array<i64: 128, 128>}, {pipeline_mode = #tpu.pipeline_mode<synchronous>, transform_indices = @transform_10, window_bounds = array<i64: 8, 128>}, {pipeline_mode = #tpu.pipeline_mode<synchronous>, transform_indices = @transform_11, window_bounds = array<i64: 1, 128>}, {pipeline_mode = #tpu.pipeline_mode<synchronous>, transform_indices = @transform_12, window_bounds = array<i64: 1, 128>}, {pipeline_mode = #tpu.pipeline_mode<synchronous>, transform_indices = @transform_13, window_bounds = array<i64: 1, 128>}, {pipeline_mode = #tpu.pipeline_mode<synchronous>, transform_indices = @transform_14, window_bounds = array<i64: 1, 128>}, {transform_indices = @transform_15, window_bounds = array<i64: 1>}, {transform_indices = @transform_16, window_bounds = array<i64: 400, 128>}]} {
    %get3A = arith.constant 0 : index
    %get3A_0 = arith.constant 0 : index
    %get3A_1 = vector.load %arg3[%get3A, %get3A_0] : memref<400x128xf32, #tpu.memory_space<vmem>>, vector<400x128xf32>
    %slice3A = vector.extract_strided_slice %get3A_1 {offsets = [0, 0], sizes = [400, 80], strides = [1, 1]} : vector<400x128xf32> to vector<400x80xf32>
    %get3A_2 = arith.constant 0 : index
    %get3A_3 = arith.constant 0 : index
    %get3A_4 = vector.load %arg8[%get3A_2, %get3A_3] : memref<80x256xf32, #tpu.memory_space<vmem>>, vector<80x256xf32>
    %dot_general3A = arith.constant dense<0.000000e+00> : vector<400x256xf32>
    %dot_general3A_5 = tpu.matmul %slice3A, %get3A_4, %dot_general3A {dimension_numbers = #tpu.dot_dimension_numbers<[1], [0], [0], [1], [0, 0, 1, 1], [], []>, transpose_lhs_hint = false} : vector<400x80xf32>, vector<80x256xf32>, vector<400x256xf32> -> vector<400x256xf32>
    %get3A_6 = arith.constant 0 : index
    %get3A_7 = arith.constant 0 : index
    %get3A_8 = vector.load %arg4[%get3A_6, %get3A_7] : memref<400x128xf32, #tpu.memory_space<vmem>>, vector<400x128xf32>
    %slice3A_9 = vector.extract_strided_slice %get3A_8 {offsets = [0, 0], sizes = [400, 80], strides = [1, 1]} : vector<400x128xf32> to vector<400x80xf32>
    %get3A_10 = arith.constant 0 : index
    %get3A_11 = arith.constant 0 : index
    %get3A_12 = vector.load %arg9[%get3A_10, %get3A_11] : memref<80x256xf32, #tpu.memory_space<vmem>>, vector<80x256xf32>
    %dot_general3A_13 = arith.constant dense<0.000000e+00> : vector<400x256xf32>
    %dot_general3A_14 = tpu.matmul %slice3A_9, %get3A_12, %dot_general3A_13 {dimension_numbers = #tpu.dot_dimension_numbers<[1], [0], [0], [1], [0, 0, 1, 1], [], []>, transpose_lhs_hint = false} : vector<400x80xf32>, vector<80x256xf32>, vector<400x256xf32> -> vector<400x256xf32>
    %add3A = arith.addf %dot_general3A_5, %dot_general3A_14 : vector<400x256xf32>
    %slice3A_15 = vector.extract_strided_slice %add3A {offsets = [0, 0], sizes = [400, 128], strides = [1, 1]} : vector<400x256xf32> to vector<400x128xf32>
    %slice3A_16 = vector.extract_strided_slice %add3A {offsets = [0, 128], sizes = [400, 128], strides = [1, 1]} : vector<400x256xf32> to vector<400x128xf32>
    %get3A_17 = arith.constant 0 : index
    %get3A_18 = arith.constant 0 : index
    %get3A_19 = vector.load %arg5[%get3A_17, %get3A_18] : memref<400x4xf32, #tpu.memory_space<vmem>>, vector<400x4xf32>
    %get3A_20 = arith.constant 0 : index
    %get3A_21 = arith.constant 0 : index
    %get3A_22 = vector.load %arg7[%get3A_20, %get3A_21] : memref<4x128xf32, #tpu.memory_space<vmem>>, vector<4x128xf32>
    %dot_general3A_23 = arith.constant dense<0.000000e+00> : vector<400x128xf32>
    %dot_general3A_24 = tpu.matmul %get3A_19, %get3A_22, %dot_general3A_23 {dimension_numbers = #tpu.dot_dimension_numbers<[1], [0], [0], [1], [0, 0, 1, 1], [], []>, transpose_lhs_hint = false} : vector<400x4xf32>, vector<4x128xf32>, vector<400x128xf32> -> vector<400x128xf32>
    %get3A_25 = arith.constant 0 : index
    %get3A_26 = arith.constant 0 : index
    %get3A_27 = vector.load %arg1[%get3A_25, %get3A_26] : memref<400x128xf32, #tpu.memory_space<vmem>>, vector<400x128xf32>
    %get3A_28 = arith.constant 0 : index
    %get3A_29 = arith.constant 0 : index
    %get3A_30 = vector.load %arg6[%get3A_28, %get3A_29] : memref<128x128xf32, #tpu.memory_space<vmem>>, vector<128x128xf32>
    %dot_general3A_31 = arith.constant dense<0.000000e+00> : vector<400x128xf32>
    %dot_general3A_32 = tpu.matmul %get3A_27, %get3A_30, %dot_general3A_31 {dimension_numbers = #tpu.dot_dimension_numbers<[1], [0], [0], [1], [0, 0, 1, 1], [], []>, transpose_lhs_hint = false} : vector<400x128xf32>, vector<128x128xf32>, vector<400x128xf32> -> vector<400x128xf32>
    %mul3A = arith.mulf %dot_general3A_32, %dot_general3A_24 : vector<400x128xf32>
    %add3A_33 = arith.addf %slice3A_15, %mul3A : vector<400x128xf32>
    %add3A_34 = arith.addf %slice3A_16, %dot_general3A_24 : vector<400x128xf32>
    %div3A = arith.divf %add3A_33, %add3A_34 : vector<400x128xf32>
    %get3A_35 = arith.constant 0 : index
    %get3A_36 = arith.constant 0 : index
    %get3A_37 = vector.load %arg12[%get3A_35, %get3A_36] : memref<1x128xf32, #tpu.memory_space<vmem>>, vector<1x128xf32>
    %add3A_38 = vector.broadcast %get3A_37 : vector<1x128xf32> to vector<400x128xf32>
    %add3A_39 = arith.addf %div3A, %add3A_38 : vector<400x128xf32>
    %get3A_40 = arith.constant 0 : index
    %get3A_41 = arith.constant 0 : index
    %get3A_42 = vector.load %arg10[%get3A_40, %get3A_41] : memref<128x128xf32, #tpu.memory_space<vmem>>, vector<128x128xf32>
    %dot_general3A_43 = arith.constant dense<0.000000e+00> : vector<400x128xf32>
    %dot_general3A_44 = tpu.matmul %add3A_39, %get3A_42, %dot_general3A_43 {dimension_numbers = #tpu.dot_dimension_numbers<[1], [0], [0], [1], [0, 0, 1, 1], [], []>, transpose_lhs_hint = false} : vector<400x128xf32>, vector<128x128xf32>, vector<400x128xf32> -> vector<400x128xf32>
    %get3A_45 = arith.constant 0 : index
    %get3A_46 = arith.constant 0 : index
    %get3A_47 = vector.load %arg2[%get3A_45, %get3A_46] : memref<400x8xf32, #tpu.memory_space<vmem>>, vector<400x8xf32>
    %get3A_48 = arith.constant 0 : index
    %get3A_49 = arith.constant 0 : index
    %get3A_50 = vector.load %arg11[%get3A_48, %get3A_49] : memref<8x128xf32, #tpu.memory_space<vmem>>, vector<8x128xf32>
    %dot_general3A_51 = arith.constant dense<0.000000e+00> : vector<400x128xf32>
    %dot_general3A_52 = tpu.matmul %get3A_47, %get3A_50, %dot_general3A_51 {dimension_numbers = #tpu.dot_dimension_numbers<[1], [0], [0], [1], [0, 0, 1, 1], [], []>, transpose_lhs_hint = false} : vector<400x8xf32>, vector<8x128xf32>, vector<400x128xf32> -> vector<400x128xf32>
    %add3A_53 = arith.addf %dot_general3A_44, %dot_general3A_52 : vector<400x128xf32>
    %get3A_54 = arith.constant 0 : index
    %get3A_55 = arith.constant 0 : index
    %get3A_56 = vector.load %arg13[%get3A_54, %get3A_55] : memref<1x128xf32, #tpu.memory_space<vmem>>, vector<1x128xf32>
    %add3A_57 = vector.broadcast %get3A_56 : vector<1x128xf32> to vector<400x128xf32>
    %add3A_58 = arith.addf %add3A_53, %add3A_57 : vector<400x128xf32>
    %get3A_59 = arith.constant 0 : index
    %get3A_60 = memref.load %arg16[%get3A_59] : memref<1xf32, #tpu.memory_space<smem>>
    %get3A_61 = arith.constant 0 : index
    %get3A_62 = arith.constant 0 : index
    %get3A_63 = vector.load %arg1[%get3A_61, %get3A_62] : memref<400x128xf32, #tpu.memory_space<vmem>>, vector<400x128xf32>
    %mul3A_64 = vector.broadcast %get3A_60 : f32 to vector<400x128xf32>
    %mul3A_65 = arith.mulf %mul3A_64, %add3A_39 : vector<400x128xf32>
    %add3A_66 = arith.addf %get3A_63, %mul3A_65 : vector<400x128xf32>
    %sub3A = arith.constant 1.000000e+00 : f32
    %sub3A_67 = arith.subf %sub3A, %get3A_60 : f32
    %mul3A_68 = vector.broadcast %sub3A_67 : f32 to vector<400x128xf32>
    %mul3A_69 = arith.mulf %mul3A_68, %add3A_58 : vector<400x128xf32>
    %add3A_70 = arith.addf %add3A_66, %mul3A_69 : vector<400x128xf32>
    %reduce_sum3A = arith.constant dense<0.000000e+00> : vector<400xf32>
    %reduce_sum3A_71 = vector.multi_reduction <add>, %add3A_70, %reduce_sum3A [1] : vector<400x128xf32> to vector<400xf32>
    %broadcast_in_dim3A = vector.shape_cast %reduce_sum3A_71 : vector<400xf32> to vector<400x1xf32>
    %div3A_72 = arith.constant 1.280000e+02 : f32
    %div3A_73 = vector.broadcast %div3A_72 : f32 to vector<400x1xf32>
    %div3A_74 = arith.divf %broadcast_in_dim3A, %div3A_73 : vector<400x1xf32>
    %sub3A_75 = vector.broadcast %div3A_74 : vector<400x1xf32> to vector<400x128xf32>
    %sub3A_76 = arith.subf %add3A_70, %sub3A_75 : vector<400x128xf32>
    %mul3A_77 = arith.mulf %sub3A_76, %sub3A_76 : vector<400x128xf32>
    %reduce_sum3A_78 = arith.constant dense<0.000000e+00> : vector<400xf32>
    %reduce_sum3A_79 = vector.multi_reduction <add>, %mul3A_77, %reduce_sum3A_78 [1] : vector<400x128xf32> to vector<400xf32>
    %broadcast_in_dim3A_80 = vector.shape_cast %reduce_sum3A_79 : vector<400xf32> to vector<400x1xf32>
    %div3A_81 = arith.constant 1.280000e+02 : f32
    %div3A_82 = vector.broadcast %div3A_81 : f32 to vector<400x1xf32>
    %div3A_83 = arith.divf %broadcast_in_dim3A_80, %div3A_82 : vector<400x1xf32>
    %add3A_84 = arith.constant 9.99999974E-6 : f32
    %add3A_85 = vector.broadcast %add3A_84 : f32 to vector<400x1xf32>
    %add3A_86 = arith.addf %div3A_83, %add3A_85 : vector<400x1xf32>
    %rsqrt3A = math.rsqrt %add3A_86 : vector<400x1xf32>
    %mul3A_87 = vector.broadcast %rsqrt3A : vector<400x1xf32> to vector<400x128xf32>
    %mul3A_88 = arith.mulf %sub3A_76, %mul3A_87 : vector<400x128xf32>
    %get3A_89 = arith.constant 0 : index
    %get3A_90 = arith.constant 0 : index
    %get3A_91 = vector.load %arg14[%get3A_89, %get3A_90] : memref<1x128xf32, #tpu.memory_space<vmem>>, vector<1x128xf32>
    %mul3A_92 = vector.broadcast %get3A_91 : vector<1x128xf32> to vector<400x128xf32>
    %mul3A_93 = arith.mulf %mul3A_88, %mul3A_92 : vector<400x128xf32>
    %get3A_94 = arith.constant 0 : index
    %get3A_95 = arith.constant 0 : index
    %get3A_96 = vector.load %arg15[%get3A_94, %get3A_95] : memref<1x128xf32, #tpu.memory_space<vmem>>, vector<1x128xf32>
    %add3A_97 = vector.broadcast %get3A_96 : vector<1x128xf32> to vector<400x128xf32>
    %add3A_98 = arith.addf %mul3A_93, %add3A_97 : vector<400x128xf32>
    %gt3A = arith.constant 0.000000e+00 : f32
    %gt3A_99 = vector.broadcast %gt3A : f32 to vector<400x128xf32>
    %gt3A_100 = arith.cmpf ogt, %add3A_98, %gt3A_99 : vector<400x128xf32>
    %exp3A = math.exp %add3A_98 : vector<400x128xf32>
    %sub3A_101 = arith.constant 1.000000e+00 : f32
    %sub3A_102 = vector.broadcast %sub3A_101 : f32 to vector<400x128xf32>
    %sub3A_103 = arith.subf %exp3A, %sub3A_102 : vector<400x128xf32>
    %select_n3A = arith.select %gt3A_100, %add3A_98, %sub3A_103 : vector<400x128xi1>, vector<400x128xf32>
    %swap3A = arith.constant 0 : index
    %swap3A_104 = arith.constant 0 : index
    %swap3A_105 = vector.load %arg17[%swap3A, %swap3A_104] : memref<400x128xf32, #tpu.memory_space<vmem>>, vector<400x128xf32>
    tpu.vector_store %arg17[%swap3A, %swap3A_104], %select_n3A {strides = array<i32>} : memref<400x128xf32, #tpu.memory_space<vmem>>, vector<400x128xf32>,
    return
  }
  func.func @transform_0(%arg0: i32) -> (i32, i32) {
    %c0_i32 = arith.constant 0 : i32
    %c0_i32_0 = arith.constant 0 : i32
    return %arg0, %c0_i32 : i32, i32
  }
  func.func @transform_1(%arg0: i32) -> (i32, i32) {
    %c0_i32 = arith.constant 0 : i32
    %c0_i32_0 = arith.constant 0 : i32
    return %arg0, %c0_i32 : i32, i32
  }
  func.func @transform_2(%arg0: i32) -> (i32, i32) {
    %c0_i32 = arith.constant 0 : i32
    %c0_i32_0 = arith.constant 0 : i32
    return %arg0, %c0_i32 : i32, i32
  }
  func.func @transform_3(%arg0: i32) -> (i32, i32) {
    %c0_i32 = arith.constant 0 : i32
    %c0_i32_0 = arith.constant 0 : i32
    return %arg0, %c0_i32 : i32, i32
  }
  func.func @transform_4(%arg0: i32) -> (i32, i32) {
    %c0_i32 = arith.constant 0 : i32
    %c0_i32_0 = arith.constant 0 : i32
    return %arg0, %c0_i32 : i32, i32
  }
  func.func @transform_5(%arg0: i32) -> (i32, i32) {
    %c0_i32 = arith.constant 0 : i32
    %c0_i32_0 = arith.constant 0 : i32
    %c0_i32_1 = arith.constant 0 : i32
    return %c0_i32, %c0_i32_0 : i32, i32
  }
  func.func @transform_6(%arg0: i32) -> (i32, i32) {
    %c0_i32 = arith.constant 0 : i32
    %c0_i32_0 = arith.constant 0 : i32
    %c0_i32_1 = arith.constant 0 : i32
    return %c0_i32, %c0_i32_0 : i32, i32
  }
  func.func @transform_7(%arg0: i32) -> (i32, i32) {
    %c0_i32 = arith.constant 0 : i32
    %c0_i32_0 = arith.constant 0 : i32
    %c0_i32_1 = arith.constant 0 : i32
    return %c0_i32, %c0_i32_0 : i32, i32
  }
  func.func @transform_8(%arg0: i32) -> (i32, i32) {
    %c0_i32 = arith.constant 0 : i32
    %c0_i32_0 = arith.constant 0 : i32
    %c0_i32_1 = arith.constant 0 : i32
    return %c0_i32, %c0_i32_0 : i32, i32
  }
  func.func @transform_9(%arg0: i32) -> (i32, i32) {
    %c0_i32 = arith.constant 0 : i32
    %c0_i32_0 = arith.constant 0 : i32
    %c0_i32_1 = arith.constant 0 : i32
    return %c0_i32, %c0_i32_0 : i32, i32
  }
  func.func @transform_10(%arg0: i32) -> (i32, i32) {
    %c0_i32 = arith.constant 0 : i32
    %c0_i32_0 = arith.constant 0 : i32
    %c0_i32_1 = arith.constant 0 : i32
    return %c0_i32, %c0_i32_0 : i32, i32
  }
  func.func @transform_11(%arg0: i32) -> (i32, i32) {
    %c0_i32 = arith.constant 0 : i32
    %c0_i32_0 = arith.constant 0 : i32
    %c0_i32_1 = arith.constant 0 : i32
    return %c0_i32, %c0_i32_0 : i32, i32
  }
  func.func @transform_12(%arg0: i32) -> (i32, i32) {
    %c0_i32 = arith.constant 0 : i32
    %c0_i32_0 = arith.constant 0 : i32
    %c0_i32_1 = arith.constant 0 : i32
    return %c0_i32, %c0_i32_0 : i32, i32
  }
  func.func @transform_13(%arg0: i32) -> (i32, i32) {
    %c0_i32 = arith.constant 0 : i32
    %c0_i32_0 = arith.constant 0 : i32
    %c0_i32_1 = arith.constant 0 : i32
    return %c0_i32, %c0_i32_0 : i32, i32
  }
  func.func @transform_14(%arg0: i32) -> (i32, i32) {
    %c0_i32 = arith.constant 0 : i32
    %c0_i32_0 = arith.constant 0 : i32
    %c0_i32_1 = arith.constant 0 : i32
    return %c0_i32, %c0_i32_0 : i32, i32
  }
  func.func @transform_15(%arg0: i32) -> i32 {
    %c0_i32 = arith.constant 0 : i32
    %c0_i32_0 = arith.constant 0 : i32
    return %c0_i32 : i32
  }
  func.func @transform_16(%arg0: i32) -> (i32, i32) {
    %c0_i32 = arith.constant 0 : i32
    %c0_i32_0 = arith.constant 0 : i32
    return %arg0, %c0_i32 : i32, i32
  }
}

module attributes {stable_mosaic.version = 14 : i64} {
  func.func @_kc_body(%arg0: i32, %arg1: memref<400x128xf32, #tpu.memory_space<vmem>>, %arg2: memref<1x400x1xi32, #tpu.memory_space<vmem>>, %arg3: memref<128x128xf32, #tpu.memory_space<vmem>>, %arg4: memref<1x128xf32, #tpu.memory_space<vmem>>, %arg5: memref<128x128xf32, #tpu.memory_space<vmem>>, %arg6: memref<1x128xf32, #tpu.memory_space<vmem>>, %arg7: memref<64x128xf32, #tpu.memory_space<vmem>>, %arg8: memref<64x128xf32, #tpu.memory_space<vmem>>, %arg9: memref<64x1xf32, #tpu.memory_space<vmem>>) attributes {dimension_semantics = [#tpu.dimension_semantics<arbitrary>], iteration_bounds = array<i64: 25>, scalar_prefetch = 0 : i64, scratch_operands = 2 : i64, tpu.core_type = #tpu.core_type<tc>, window_params = [{transform_indices = @transform_0, window_bounds = array<i64: 400, 128>}, {transform_indices = @transform_1, window_bounds = array<i64: 1, 400, 1>}, {pipeline_mode = #tpu.pipeline_mode<synchronous>, transform_indices = @transform_2, window_bounds = array<i64: 128, 128>}, {pipeline_mode = #tpu.pipeline_mode<synchronous>, transform_indices = @transform_3, window_bounds = array<i64: 1, 128>}, {pipeline_mode = #tpu.pipeline_mode<synchronous>, transform_indices = @transform_4, window_bounds = array<i64: 128, 128>}, {pipeline_mode = #tpu.pipeline_mode<synchronous>, transform_indices = @transform_5, window_bounds = array<i64: 1, 128>}, {pipeline_mode = #tpu.pipeline_mode<synchronous>, transform_indices = @transform_6, window_bounds = array<i64: 64, 128>}]} {
    %eq3A = arith.constant 0 : i32
    %eq3A_0 = arith.cmpi eq, %arg0, %eq3A : i32
    %convert_element_type3A = arith.extui %eq3A_0 : i1 to i32
    %cond3A = arith.constant 0 : i32
    %cond3A_1 = arith.cmpi ne, %convert_element_type3A, %cond3A : i32
    scf.if %cond3A_1 {
      %broadcast_in_dim3A_34 = arith.constant 0.000000e+00 : f32
      %broadcast_in_dim3A_35 = vector.broadcast %broadcast_in_dim3A_34 : f32 to vector<64x128xf32>
      %swap3A_36 = arith.constant 0 : index
      %swap3A_37 = arith.constant 0 : index
      %swap3A_38 = vector.load %arg8[%swap3A_36, %swap3A_37] : memref<64x128xf32, #tpu.memory_space<vmem>>, vector<64x128xf32>
      tpu.vector_store %arg8[%swap3A_36, %swap3A_37], %broadcast_in_dim3A_35 {strides = array<i32>} : memref<64x128xf32, #tpu.memory_space<vmem>>, vector<64x128xf32>,
      %broadcast_in_dim3A_39 = arith.constant 0.000000e+00 : f32
      %broadcast_in_dim3A_40 = vector.broadcast %broadcast_in_dim3A_39 : f32 to vector<64x1xf32>
      %swap3A_41 = arith.constant 0 : index
      %swap3A_42 = arith.constant 0 : index
      %swap3A_43 = vector.load %arg9[%swap3A_41, %swap3A_42] : memref<64x1xf32, #tpu.memory_space<vmem>>, vector<64x1xf32>
      tpu.vector_store %arg9[%swap3A_41, %swap3A_42], %broadcast_in_dim3A_40 {strides = array<i32>} : memref<64x1xf32, #tpu.memory_space<vmem>>, vector<64x1xf32>,
    } else {
    }
    %get3A = arith.constant 0 : index
    %get3A_2 = arith.constant 0 : index
    %get3A_3 = arith.constant 0 : index
    %get3A_4 = vector.load %arg2[%get3A, %get3A_2, %get3A_3] : memref<1x400x1xi32, #tpu.memory_space<vmem>>, vector<1x400x1xi32>
    %get3A_5 = vector.shape_cast %get3A_4 : vector<1x400x1xi32> to vector<400x1xi32>
    %iota3A = tpu.iota {dimensions = array<i32: 1>} : vector<400x64xi32>
    %eq3A_6 = vector.broadcast %get3A_5 : vector<400x1xi32> to vector<400x64xi32>
    %eq3A_7 = arith.cmpi eq, %eq3A_6, %iota3A : vector<400x64xi32>
    %convert_element_type3A_8 = arith.extui %eq3A_7 : vector<400x64xi1> to vector<400x64xi32>
    %convert_element_type3A_9 = arith.sitofp %convert_element_type3A_8 : vector<400x64xi32> to vector<400x64xf32>
    %get3A_10 = arith.constant 0 : index
    %get3A_11 = arith.constant 0 : index
    %get3A_12 = vector.load %arg1[%get3A_10, %get3A_11] : memref<400x128xf32, #tpu.memory_space<vmem>>, vector<400x128xf32>
    %get3A_13 = arith.constant 0 : index
    %get3A_14 = arith.constant 0 : index
    %get3A_15 = vector.load %arg8[%get3A_13, %get3A_14] : memref<64x128xf32, #tpu.memory_space<vmem>>, vector<64x128xf32>
    %dot_general3A = arith.constant dense<0.000000e+00> : vector<64x128xf32>
    %dot_general3A_16 = tpu.matmul %convert_element_type3A_9, %get3A_12, %dot_general3A {dimension_numbers = #tpu.dot_dimension_numbers<[0], [0], [1], [1], [0, 1, 1, 1], [], []>, transpose_lhs_hint = false} : vector<400x64xf32>, vector<400x128xf32>, vector<64x128xf32> -> vector<64x128xf32>
    %add3A = arith.addf %get3A_15, %dot_general3A_16 : vector<64x128xf32>
    %swap3A = arith.constant 0 : index
    %swap3A_17 = arith.constant 0 : index
    %swap3A_18 = vector.load %arg8[%swap3A, %swap3A_17] : memref<64x128xf32, #tpu.memory_space<vmem>>, vector<64x128xf32>
    tpu.vector_store %arg8[%swap3A, %swap3A_17], %add3A {strides = array<i32>} : memref<64x128xf32, #tpu.memory_space<vmem>>, vector<64x128xf32>,
    %get3A_19 = arith.constant 0 : index
    %get3A_20 = arith.constant 0 : index
    %get3A_21 = vector.load %arg9[%get3A_19, %get3A_20] : memref<64x1xf32, #tpu.memory_space<vmem>>, vector<64x1xf32>
    %broadcast_in_dim3A = arith.constant 1.000000e+00 : f32
    %broadcast_in_dim3A_22 = vector.broadcast %broadcast_in_dim3A : f32 to vector<400x1xf32>
    %dot_general3A_23 = arith.constant dense<0.000000e+00> : vector<64x1xf32>
    %dot_general3A_24 = tpu.matmul %convert_element_type3A_9, %broadcast_in_dim3A_22, %dot_general3A_23 {dimension_numbers = #tpu.dot_dimension_numbers<[0], [0], [1], [1], [0, 1, 1, 1], [], []>, transpose_lhs_hint = false} : vector<400x64xf32>, vector<400x1xf32>, vector<64x1xf32> -> vector<64x1xf32>
    %add3A_25 = arith.addf %get3A_21, %dot_general3A_24 : vector<64x1xf32>
    %swap3A_26 = arith.constant 0 : index
    %swap3A_27 = arith.constant 0 : index
    %swap3A_28 = vector.load %arg9[%swap3A_26, %swap3A_27] : memref<64x1xf32, #tpu.memory_space<vmem>>, vector<64x1xf32>
    tpu.vector_store %arg9[%swap3A_26, %swap3A_27], %add3A_25 {strides = array<i32>} : memref<64x1xf32, #tpu.memory_space<vmem>>, vector<64x1xf32>,
    %eq3A_29 = arith.constant 24 : i32
    %eq3A_30 = arith.cmpi eq, %arg0, %eq3A_29 : i32
    %convert_element_type3A_31 = arith.extui %eq3A_30 : i1 to i32
    %cond3A_32 = arith.constant 0 : i32
    %cond3A_33 = arith.cmpi ne, %convert_element_type3A_31, %cond3A_32 : i32
    scf.if %cond3A_33 {
      %get3A_34 = arith.constant 0 : index
      %get3A_35 = arith.constant 0 : index
      %get3A_36 = vector.load %arg8[%get3A_34, %get3A_35] : memref<64x128xf32, #tpu.memory_space<vmem>>, vector<64x128xf32>
      %get3A_37 = arith.constant 0 : index
      %get3A_38 = arith.constant 0 : index
      %get3A_39 = vector.load %arg9[%get3A_37, %get3A_38] : memref<64x1xf32, #tpu.memory_space<vmem>>, vector<64x1xf32>
      %max3A = arith.constant 1.000000e+00 : f32
      %max3A_40 = vector.broadcast %max3A : f32 to vector<64x1xf32>
      %max3A_41 = arith.maximumf %get3A_39, %max3A_40 : vector<64x1xf32>
      %div3A = vector.broadcast %max3A_41 : vector<64x1xf32> to vector<64x128xf32>
      %div3A_42 = arith.divf %get3A_36, %div3A : vector<64x128xf32>
      %get3A_43 = arith.constant 0 : index
      %get3A_44 = arith.constant 0 : index
      %get3A_45 = vector.load %arg3[%get3A_43, %get3A_44] : memref<128x128xf32, #tpu.memory_space<vmem>>, vector<128x128xf32>
      %dot_general3A_46 = arith.constant dense<0.000000e+00> : vector<64x128xf32>
      %dot_general3A_47 = tpu.matmul %div3A_42, %get3A_45, %dot_general3A_46 {dimension_numbers = #tpu.dot_dimension_numbers<[1], [0], [0], [1], [0, 0, 1, 1], [], []>, transpose_lhs_hint = false} : vector<64x128xf32>, vector<128x128xf32>, vector<64x128xf32> -> vector<64x128xf32>
      %get3A_48 = arith.constant 0 : index
      %get3A_49 = arith.constant 0 : index
      %get3A_50 = vector.load %arg4[%get3A_48, %get3A_49] : memref<1x128xf32, #tpu.memory_space<vmem>>, vector<1x128xf32>
      %add3A_51 = vector.broadcast %get3A_50 : vector<1x128xf32> to vector<64x128xf32>
      %add3A_52 = arith.addf %dot_general3A_47, %add3A_51 : vector<64x128xf32>
      %max3A_53 = arith.constant 0.000000e+00 : f32
      %max3A_54 = vector.broadcast %max3A_53 : f32 to vector<64x128xf32>
      %max3A_55 = arith.maximumf %add3A_52, %max3A_54 : vector<64x128xf32>
      %get3A_56 = arith.constant 0 : index
      %get3A_57 = arith.constant 0 : index
      %get3A_58 = vector.load %arg5[%get3A_56, %get3A_57] : memref<128x128xf32, #tpu.memory_space<vmem>>, vector<128x128xf32>
      %dot_general3A_59 = arith.constant dense<0.000000e+00> : vector<64x128xf32>
      %dot_general3A_60 = tpu.matmul %max3A_55, %get3A_58, %dot_general3A_59 {dimension_numbers = #tpu.dot_dimension_numbers<[1], [0], [0], [1], [0, 0, 1, 1], [], []>, transpose_lhs_hint = false} : vector<64x128xf32>, vector<128x128xf32>, vector<64x128xf32> -> vector<64x128xf32>
      %get3A_61 = arith.constant 0 : index
      %get3A_62 = arith.constant 0 : index
      %get3A_63 = vector.load %arg6[%get3A_61, %get3A_62] : memref<1x128xf32, #tpu.memory_space<vmem>>, vector<1x128xf32>
      %add3A_64 = vector.broadcast %get3A_63 : vector<1x128xf32> to vector<64x128xf32>
      %add3A_65 = arith.addf %dot_general3A_60, %add3A_64 : vector<64x128xf32>
      %swap3A_66 = arith.constant 0 : index
      %swap3A_67 = arith.constant 0 : index
      %swap3A_68 = vector.load %arg7[%swap3A_66, %swap3A_67] : memref<64x128xf32, #tpu.memory_space<vmem>>, vector<64x128xf32>
      tpu.vector_store %arg7[%swap3A_66, %swap3A_67], %add3A_65 {strides = array<i32>} : memref<64x128xf32, #tpu.memory_space<vmem>>, vector<64x128xf32>,
    } else {
    }
    return
  }
  func.func @transform_0(%arg0: i32) -> (i32, i32) {
    %c0_i32 = arith.constant 0 : i32
    %c0_i32_0 = arith.constant 0 : i32
    return %arg0, %c0_i32 : i32, i32
  }
  func.func @transform_1(%arg0: i32) -> (i32, i32, i32) {
    %c0_i32 = arith.constant 0 : i32
    %c0_i32_0 = arith.constant 0 : i32
    %c0_i32_1 = arith.constant 0 : i32
    return %arg0, %c0_i32, %c0_i32_0 : i32, i32, i32
  }
  func.func @transform_2(%arg0: i32) -> (i32, i32) {
    %c0_i32 = arith.constant 0 : i32
    %c0_i32_0 = arith.constant 0 : i32
    %c0_i32_1 = arith.constant 0 : i32
    return %c0_i32, %c0_i32_0 : i32, i32
  }
  func.func @transform_3(%arg0: i32) -> (i32, i32) {
    %c0_i32 = arith.constant 0 : i32
    %c0_i32_0 = arith.constant 0 : i32
    %c0_i32_1 = arith.constant 0 : i32
    return %c0_i32, %c0_i32_0 : i32, i32
  }
  func.func @transform_4(%arg0: i32) -> (i32, i32) {
    %c0_i32 = arith.constant 0 : i32
    %c0_i32_0 = arith.constant 0 : i32
    %c0_i32_1 = arith.constant 0 : i32
    return %c0_i32, %c0_i32_0 : i32, i32
  }
  func.func @transform_5(%arg0: i32) -> (i32, i32) {
    %c0_i32 = arith.constant 0 : i32
    %c0_i32_0 = arith.constant 0 : i32
    %c0_i32_1 = arith.constant 0 : i32
    return %c0_i32, %c0_i32_0 : i32, i32
  }
  func.func @transform_6(%arg0: i32) -> (i32, i32) {
    %c0_i32 = arith.constant 0 : i32
    %c0_i32_0 = arith.constant 0 : i32
    %c0_i32_1 = arith.constant 0 : i32
    return %c0_i32, %c0_i32_0 : i32, i32
  }
}

</mosaic_0001>

<sc_bundles>
// kernel: kernel.13.cloned.1.call-start
scs
__scs_entry_jumppad:
0x0: {  	(pc) =	sbr.rel $0x88, $3  }
0x1: {  	(tag) =	ssettag $0x0;
	lr =	simm.s32 $0x1  }
0x2: {  	[smem:$0x3F8E] =	sst lr;
	_ =	strace $0xD0000000  }
0x3: {  	_ = 	snop  }
0x4: {  	_ = 	snop  }
0x5: {  	_ = 	snop  }
0x6: {  	_ = 	snop  }
0x7: {  	_ = 	snop  }
__scs_overlays_trampoline_lowered:
0x8: {  	[smem:$0x3F9D] =	sst s0  }
0x9: {  	[smem:$0x3F9E] =	sst s1  }
0xa: {  	[smem:$0x3F9F] =	sst s2  }
0xb: {  	[smem:$0x3FA0] =	sst s3  }
0xc: {  	[smem:$0x3FA1] =	sst s4  }
0xd: {  	[smem:$0x3FA2] =	sst s5  }
0xe: {  	[smem:$0x3FA3] =	sst s6  }
0xf: {  	[smem:$0x3FA4] =	sst s7  }
0x10: {  	[smem:$0x3FA5] =	sst s8  }
0x11: {  	[smem:$0x3FA6] =	sst s9;
	s0 =	simm.s32 @!p0 $0x0  }
0x12: {  	s1 =	sld [smem:$0x3F8C];
	s0 =	simm.s32 @p0 $0x1  }
0x13: {  	[smem:$0x3FA7] =	sst s0;
	s0 =	simm.s32 @!p1 $0x0  }
0x14: {  	s2 =	sld [smem:$0x3F8B];
	s0 =	simm.s32 @p1 $0x1  }
0x15: {  	[smem:$0x3FA8] =	sst s0;
	s0 =	simm.s32 @!p2 $0x0  }
0x16: {  	s3 =	sld [smem:$0x3FDB];
	s0 =	simm.s32 @p2 $0x1  }
0x17: {  	s4 =	simm.s32 $0x1BF5;
	[smem:$0x3FAA] =	sst s0  }
0x18: {  	s0 =	sld [smem:$0x3F8D];
	_ =	swait.ge [sflag:s4], $0x0  }
0x19: {  	s7 =	sld [smem:$0x3F8E]  }
0x1a: {  	s8 =	sadd.s32 $0xFFFFE003, lr  }
0x1b: {  	s9 =	sadd.s32 $0xFFFFFEF7, lr;
	s5 =	simm.s32 $0xFFFFFFFF;
	p2 =	slt.u32 s8, $0xFFFFF086  }
0x1c: {  	p1 =	slt.u32 s9, $0xF7A;
	s5 =	simm.s32 @!p2 $0x0  }
0x1d: {  	s5 =	simm.s32 @p1 $0x1;
	p0 =	seq.s32 s7, s2  }
0x1e: {  	s7 =	smul.u32 @!p0 $0xF7A, s2;
	p2 =	seq.s32 @!p0 s5, $0x0  }
0x1f: {  	s9 =	smul.u32 $0xF7A, s1;
	s8 =	simm.s32 @!p0 $0x1BF5;
	p2 =	por !p2, p0  }
0x20: {  	[sflag:s8] =	ssyncset.s32 @!p0 $0xFFFFF086;
	s6 =	sadd.s32 @!p0 s3, s7;
	s7 =	simm.s32 @!p0 $0x108  }
0x21: {  	s3 =	sadd.s32 s3, s9;
	s6 =	sadd.s32 @!p0 $0x88, s6;
	s7 =	simm.s32 @p2 $0x1082  }
0x22: {  	[simem:s7], [sflag:s8] =	dma.local @!p0 [hbm:s6], $0xF7A  }
0x23: {  	s9 =	sor.u32 $0xD0000000, s2;
	s6 =	simm.s32 $0x108;
	_ =	swait.ge @!p0 [sflag:s8], $0x0  }
0x24: {  	s3 =	sadd.s32 $0x88, s3;
	s6 =	simm.s32 @!p1 $0x1082;
	[sflag:s4] =	ssyncset.s32 $0xFFFFF086  }
0x25: {  	[simem:s6], [sflag:s4] =	dma.local [hbm:s3], $0xF7A  }
0x26: {  	[smem:$0x3F8E] =	sst s1;
	(tag) =	ssettag s2;
	_ =	strace s9  }
0x27: {  	s1 =	sld [smem:$0x3F9E]  }
0x28: {  	s2 =	sld [smem:$0x3F9F]  }
0x29: {  	s4 =	sld [smem:$0x3FA1]  }
0x2a: {  	p0 =	seq.s32 s5, $0x0;
	s5 =	sld [smem:$0x3FA2]  }
0x2b: {  	s6 =	sld [smem:$0x3FA3]  }
0x2c: {  	s7 =	sld [smem:$0x3FA4]  }
0x2d: {  	s3 =	simm.s32 $0x108;
	s8 =	sld [smem:$0x3FA5]  }
0x2e: {  	s3 =	simm.s32 @!p0 $0x1082;
	s9 =	sld [smem:$0x3FA6]  }
0x2f: {  	lr =	sadd.s32 s0, s3;
	s0 =	sld [smem:$0x3F9D]  }
0x30: {  	s3 =	sld [smem:$0x3FA0]  }
0x31: {  	[smem:$0x3FA9] =	sst s10  }
0x32: {  	s10 =	sld [smem:$0x3FA7];
	_ =	sdelay $0x3  }
0x33: {  	p0 =	seq.s32 s10, $0x1;
	s10 =	sld [smem:$0x3FA9];
	_ =	sdelay $0x3  }
0x34: {  	[smem:$0x3FA9] =	sst s10  }
0x35: {  	s10 =	sld [smem:$0x3FA8];
	_ =	sdelay $0x3  }
0x36: {  	p1 =	seq.s32 s10, $0x1;
	s10 =	sld [smem:$0x3FA9];
	_ =	sdelay $0x3  }
0x37: {  	[smem:$0x3FA9] =	sst s10  }
0x38: {  	s10 =	sld [smem:$0x3FAA]  }
0x39: {  	_ = 	snop;
	(pc) =	sbr.ind lr, $3  }
0x3a: {  	_ = 	snop  }
0x3b: {  	_ = 	snop  }
0x3c: {  	p2 =	seq.s32 s10, $0x1;
	s10 =	sld [smem:$0x3FA9]  }
0x3d: {  	_ =	shalt  }
0x3e: {  	_ =	shalt  }
0x3f: {  	_ =	shalt  }
0x40: {  	_ =	shalt  }
0x41: {  	_ =	shalt  }
0x42: {  	_ =	shalt  }
0x43: {  	_ =	shalt  }
0x44: {  	_ =	shalt  }
0x45: {  	_ =	shalt  }
0x46: {  	_ =	shalt  }
0x47: {  	_ =	shalt  }
0x48: {  	_ =	shalt  }
0x49: {  	_ =	shalt  }
0x4a: {  	_ =	shalt  }
0x4b: {  	_ =	shalt  }
0x4c: {  	_ =	shalt  }
0x4d: {  	_ =	shalt  }
0x4e: {  	_ =	shalt  }
0x4f: {  	_ =	shalt  }
0x50: {  	_ =	shalt  }
0x51: {  	_ =	shalt  }
0x52: {  	_ =	shalt  }
0x53: {  	_ =	shalt  }
0x54: {  	_ =	shalt  }
0x55: {  	_ =	shalt  }
0x56: {  	_ =	shalt  }
0x57: {  	_ =	shalt  }
0x58: {  	_ =	shalt  }
0x59: {  	_ =	shalt  }
0x5a: {  	_ =	shalt  }
0x5b: {  	_ =	shalt  }
0x5c: {  	_ =	shalt  }
0x5d: {  	_ =	shalt  }
0x5e: {  	_ =	shalt  }
0x5f: {  	_ =	shalt  }
0x60: {  	_ =	shalt  }
0x61: {  	_ =	shalt  }
0x62: {  	_ =	shalt  }
0x63: {  	_ =	shalt  }
0x64: {  	_ =	shalt  }
0x65: {  	_ =	shalt  }
0x66: {  	_ =	shalt  }
0x67: {  	_ =	shalt  }
0x68: {  	_ =	shalt  }
0x69: {  	_ =	shalt  }
0x6a: {  	_ =	shalt  }
0x6b: {  	_ =	shalt  }
0x6c: {  	_ =	shalt  }
0x6d: {  	_ =	shalt  }
0x6e: {  	_ =	shalt  }
0x6f: {  	_ =	shalt  }
0x70: {  	_ =	shalt  }
0x71: {  	_ =	shalt  }
0x72: {  	_ =	shalt  }
0x73: {  	_ =	shalt  }
0x74: {  	_ =	shalt  }
0x75: {  	_ =	shalt  }
0x76: {  	_ =	shalt  }
0x77: {  	_ =	shalt  }
0x78: {  	_ =	shalt  }
0x79: {  	_ =	shalt  }
0x7a: {  	_ =	shalt  }
0x7b: {  	_ =	shalt  }
0x7c: {  	_ =	shalt  }
0x7d: {  	_ =	shalt  }
0x7e: {  	_ =	shalt  }
0x7f: {  	_ =	shalt  }
0x80: {  	_ =	shalt  }
0x81: {  	_ =	shalt  }
0x82: {  	_ =	shalt  }
0x83: {  	_ =	shalt  }
0x84: {  	_ =	shalt  }
0x85: {  	_ =	shalt  }
0x86: {  	_ =	shalt  }
0x87: {  	_ =	shalt  }
.Lfunc_end0:
.L_simem_size_0:
called_computation_lowered:
.L_overlay_start_0:
0x88: {  	s2 =	sld [smem:$0x3FD9]  }
0x89: {  	s3 =	sld [smem:$0x3FFE];
	_ =	sdelay $0x1  }
0x8a: {  	s1 =	srdreg.scid  }
0x8b: {  	s0 =	sand.u32 $0x1, s1  }
0x8c: {  	s16 =	sshll.u32 s0, $0xA;
	s2 =	sadd.s32 s3, s2  }
0x8d: {  	s2 =	sadd.s32 s2, s16  }
0x8e: {  	[smem:$0x3FB5] =	sst s2  }
0x8f: {  	_ = 	snop  }
0x90: {  	(tm) =	ssettm $0x1  }
0x91: {  	s17 =	sld [smem:$0x3FFB];
	_ =	sdelay $0x3  }
0x92: {  	_ =	strace s17  }
0x93: {  	s2 =	sld [smem:$0x3FFC];
	_ =	sdelay $0x3  }
0x94: {  	_ =	strace s2  }
0x95: {  	s2 =	sld [smem:$0x3FFD];
	_ =	sdelay $0x3  }
0x96: {  	_ =	strace s2  }
0x97: {  	_ =	strace $0x8FFFFFFF  }
0x98: {  	s18 =	sld [smem:$0x3FDB];
	_ =	sdelay $0x1  }
0x99: {  	s19 =	simm.s32 $_scs_section_size  }
0x9a: {  	s4 =	simm.s32 $_size__tile_overlayer_lowered;
	s5 =	simm.s32 $_tile_overlayer_lowered  }
0x9b: {  	s22 =	simm.s32 $0x1BFF;
	s21 =	sshll.u32 s5, $0x1;
	s2 =	sadd.s32 s19, s18  }
0x9c: {  	s6 =	simm.s32 $0x0;
	s20 =	sshll.u32 s4, $0x1;
	s4 =	sadd.s32 s21, s2  }
0x9d: {  	[timem:s6], [sflag:s22] =	dma.local [hbm:s4], s20  }
0x9e: {  	_ =	swait.ge [sflag:s22], s20  }
0x9f: {  	s3 =	ssub.s32 $0x0, s20;
	[sflag:s22] =	ssyncset.done $0x0  }
0xa0: {  	[sflag:s22] =	ssyncadd.s32 s3;
	_ =	sdelay $0x1  }
0xa1: {  	s23 =	simm.s32 $0x1B8B  }
0xa2: {  	_ =	swait.ge [sflag:s23], $0x1  }
0xa3: {  	[sflag:s23] =	ssyncset.done $0x0  }
0xa4: {  	s25 =	simm.s32 $0x1B8E;
	s24 =	sld [smem:$0x3FFE];
	[sflag:s23] =	ssyncadd.s32 $0xFFFFFFFF  }
0xa5: {  	s26 =	simm.s32 $execute0_lowered;
	[smem:$0x3FD2] =	sst s25  }
0xa6: {  	s4 =	sshll.u32 s26, $0x1;
	_ =	strace $0x80000046;
	[dreg:$0x1] =	wrdreg $0xFFFFFFFF  }
0xa7: {  	s28 =	simm.s32 $_size_execute0_lowered;
	s2 =	sadd.s32 s2, s4;
	[dreg:$0x0] =	wrdreg $0x0  }
0xa8: {  	s4 =	sshll.u32 s28, $0x1;
	[dreg:$0x2] =	wrdreg s2  }
0xa9: {  	[dreg:$0x3] =	wrdreg s4  }
0xaa: {  	[dreg:$0x4] =	wrdreg $0xC0  }
0xab: {  	_ =	task [dreg:s6], $0x5FFFF  }
0xac: {  	[dreg:$0x1] =	wrdreg $0xFFFFFFFF  }
0xad: {  	[dreg:$0x0] =	wrdreg $0x60  }
0xae: {  	[dreg:$0x2] =	wrdreg s24  }
0xaf: {  	[dreg:$0x3] =	wrdreg $0x0  }
0xb0: {  	[dreg:$0x4] =	wrdreg $0x9  }
0xb1: {  	_ =	task.clear_ibuf [dreg:s6], $0x5FFFF;
	_ =	strace $0x90000046  }
0xb2: {  	s29 =	simm.s32 $0x9;
	_ =	strace $0x80000048  }
0xb3: {  	_ =	swait.ge [sflag:s29], $0x1  }
0xb4: {  	[sflag:s29] =	ssyncadd.s32 $0xFFFFFFFF  }
0xb5: {  	_ =	strace $0x90000048  }
0xb6: {  	_ =	sfence  }
0xb7: {  	s30 =	sld [smem:$0x0];
	_ =	sdelay $0x2  }
0xb8: {  	s31 =	sshll.u32 s1, $0xD;
	s1 =	sshrl.u32 s1, $0x2  }
0xb9: {  	s3 =	sand.u32 $0x4000, s31;
	s1 =	sadd.s32 s1, s30  }
0xba: {  	s0 =	sor.u32 s3, s0;
	s1 =	sshll.u32 s1, $0x11  }
0xbb: {  	s0 =	sor.u32 s1, s0  }
0xbc: {  	s0 =	sadd.s32 $0x8F2B, s0  }
0xbd: {  	[sflag:s0] =	ssyncadd.remote.s32 $0x1  }
0xbe: {  	_ =	sfence.sel $0xFFFF  }
0xbf: {  	[dreg:$0x0] =	wrdreg $0xFFFFFFFF;
	(pc) =	sbr.abs _section_cstart, $3  }
0xc0: {  	[dreg:$0x1] =	wrdreg $0xFFFFFFFF  }
0xc1: {  	_ =	task.clear_ibuf [dreg:s6], $0x2FFFF;
	_ =	strace $0x9FFFFFFF  }
0xc2: {  	(tm) =	ssettm $0x7FFFFFFF  }
0xc3: {  	_ =	shalt  }
tec
execute0_lowered:
.L_overlay_start_1:
0x0: {  	(tag) =	ssettag $0x1  }
0x1: {  	s0 =	rddreg [dreg:$0x0]  }
0x2: {  	s1 =	rddreg [dreg:$0x1];
	s2 =	simm.s32 $0x0;
	s5 =	stileid.u32  }
0x3: {  	s7 =	srdreg.scid;
	s28 =	simm.s32 $0x80;
	s29 =	simm.s32 $0x16220  }
0x4: {  	s30 =	simm.s32 $0x1;
	s31 =	simm.s32 $0xC3A0;
	[smem:$0x7FF] =	sst s2  }
0x5: {  	s3 =	sadd.s32 $0x38E00, s0;
	s4 =	sadd.s32 $0x2F000, s0;
	s8 =	smul.u32 $0x30C00, s5  }
0x6: {  	s6 =	sadd.s32 $0x5600, s0;
	s9 =	sadd.s32 $0x2DC00, s0;
	s15 =	smul.u32 $0x2700, s5  }
0x7: {  	s10 =	sadd.s32 $0x2C800, s0;
	_ =	strace $0x80000047;
	[dreg:$0x3] =	wrdreg s9  }
0x8: {  	s7 =	sand.u32 $0x1, s7;
	p1 =	seq.s32 s5, $0x0;
	[dreg:$0x4] =	wrdreg s10  }
0x9: {  	s16 =	ssub.s32 $0x2, s7;
	p0 =	seq.s32 s7, $0x1;
	s25 =	sor.u32 s7, s5  }
0xa: {  	s26 =	sshll.u32 s7, $0x6;
	p3 =	sne.s32 s7, $0x0;
	s7 =	simm.s32 $0x161A0  }
0xb: {  	s8 =	sshrl.u32 s8, $0x2;
	s11 =	sadd.s32 s15, s0;
	s12 =	sshrl.u32 s16, $0x1  }
0xc: {  	s15 =	sadd.s32 $0xC3000, s1;
	p1 =	por !p1, !p0;
	s13 =	sor.u32 $0x16320, s26  }
0xd: {  	p4 =	sne.s32 s25, $0x0;
	s25 =	simm.s32 $0x16020;
	s26 =	simm.s32 $0x160A0  }
0xe: {  	s9 =	sadd.s32 s8, s1;
	s17 =	ssub.s32 s16, s12;
	s24 =	sadd.s32 $0x42C00, s11  }
0xf: {  	s16 =	smul.u32 $0x4E80, s5;
	s19 =	sadd.s32 $0x2080, s9;
	[dreg:$0xa] =	wrdreg s24  }
0x10: {  	s18 =	sadd.s32 $0x69E00, s11;
	s20 =	sadd.s32 $0x4100, s9;
	[dreg:$0x5] =	wrdreg s19  }
0x11: {  	p2 =	por !p1, !p1;
	s21 =	sadd.s32 $0x6180, s9;
	[dreg:$0x6] =	wrdreg s20  }
0x12: {  	p1 =	sne.s32 s5, $0x0;
	s22 =	sadd.s32 $0x8200, s9;
	[dreg:$0x7] =	wrdreg s21  }
0x13: {  	s23 =	sadd.s32 $0xA280, s9;
	s24 =	simm.s32 $0x2;
	[dreg:$0x8] =	wrdreg s22  }
0x14: {  	v0 =	vimm.f32 $0.0e+00;
	vm0 =	vcmask $0x300;
	vm1 =	vcmask $0x704;
	[dreg:$0x9] =	wrdreg s23;
	s19 =	sadd.s32 $0x69C00, s0;
	s20 =	sadd.s32 $0x90E00, s0  }
0x15: {  	v1 =	vsel vm0, $0x3F800000, v0;
	v2 =	vsel vm1, $0x3F800000, v0;
	s21 =	smax.u32 s17, $0x1;
	s23 =	simm.s32 $0x1A220;
	s0 =	simm.s32 $0x16120  }
.LBB2_1:
0x16: {  	s8 =	simm.s32 @!p3 $0x0;
	s10 =	simm.s32 @!p3 $0xC3A0;
	s11 =	rddreg [dreg:$0x3]  }
0x17: {  	[tilespmem:s10], [sflag:$0x2] =	stream.linear.gather @!p3 [hbm4b:s11+s8], $0x9C80, $0x38;
	[tilespmem:$0x1CA20] =	vst v63  }
0x18: {  	s8 =	simm.s32 @!p3 $0x2  }
0x19: {  	_ =	swait.ge @!p3 [sflag:s8], $0x9C80  }
0x1a: {  	s10 =	simm.s32 @p0 $0xC3A0;
	[sflag:s8] =	ssyncset.done @!p3 $0x0  }
0x1b: {  	s11 =	rddreg [dreg:$0x4];
	[sflag:s8] =	ssyncadd.s32 @!p3 $0xFFFF6380;
	s8 =	simm.s32 @p0 $0x0  }
0x1c: {  	[tilespmem:s10], [sflag:$0x2] =	stream.linear.gather @p0 [hbm4b:s11+s8], $0x9C80, $0x38;
	[tilespmem:$0x1CA20] =	vst v63  }
0x1d: {  	s8 =	simm.s32 @p0 $0x2  }
0x1e: {  	_ =	swait.ge @p0 [sflag:s8], $0x9C80  }
0x1f: {  	[sflag:s8] =	ssyncset.done @p0 $0x0  }
0x20: {  	s10 =	simm.s32 $0x140;
	[sflag:s8] =	ssyncadd.s32 @p0 $0xFFFF6380;
	s8 =	simm.s32 $0x0  }
.LBB2_2:
0x21: {  	p5 =	sne.s32 s10, $0x9EC0;
	[tilespmem:s8+$0x1A260] =	vst v0;
	s11 =	smov.u32 s10;
	s10 =	sadd.s32 $0x140, s10  }
.Ltmp0:
0x22: {  	[tilespmem:s8+$0x1A250] =	vst v0;
	(pc) =	sbr.rel @p5 .LBB2_2-.Ltmp0, $4  }
0x23: {  	[tilespmem:s8+$0x1A240] =	vst v0  }
0x24: {  	[tilespmem:s8+$0x1A220] =	vst v0  }
0x25: {  	[tilespmem:s8+$0x1A230] =	vst v0  }
0x26: {  	s8 =	sshra.s32 s11, $0x2  }
0x27: {  	[tilespmem:s8+$0x1A260] =	vst v0  }
0x28: {  	[tilespmem:s8+$0x1A250] =	vst v0  }
0x29: {  	[tilespmem:s8+$0x1A240] =	vst v0  }
0x2a: {  	[tilespmem:s8+$0x1A220] =	vst v0  }
0x2b: {  	[tilespmem:s8+$0x1A230] =	vst v0  }
0x2c: {  	[spmem:s9] =	stream.linear.scatter [tilespmem:s23], [sflag:$0x2], $0x2080, $0x38;
	[tilespmem:$0x1CA20] =	vst v63  }
0x2d: {  	_ =	swait.ge [sflag:s24], $0x2080  }
0x2e: {  	[sflag:s24] =	ssyncset.done $0x0  }
0x2f: {  	s11 =	rddreg [dreg:$0x5];
	[sflag:s24] =	ssyncadd.s32 $0xFFFFDF80  }
0x30: {  	[spmem:s11] =	stream.linear.scatter [tilespmem:s23], [sflag:$0x2], $0x2080, $0x38;
	[tilespmem:$0x1CA20] =	vst v63  }
0x31: {  	_ =	swait.ge [sflag:s24], $0x2080  }
0x32: {  	[sflag:s24] =	ssyncset.done $0x0  }
0x33: {  	s12 =	rddreg [dreg:$0x6];
	[sflag:s24] =	ssyncadd.s32 $0xFFFFDF80  }
0x34: {  	[spmem:s12] =	stream.linear.scatter [tilespmem:s23], [sflag:$0x2], $0x2080, $0x38;
	[tilespmem:$0x1CA20] =	vst v63  }
0x35: {  	_ =	swait.ge [sflag:s24], $0x2080  }
0x36: {  	[sflag:s24] =	ssyncset.done $0x0  }
0x37: {  	s14 =	rddreg [dreg:$0x7];
	[sflag:s24] =	ssyncadd.s32 $0xFFFFDF80  }
0x38: {  	[spmem:s14] =	stream.linear.scatter [tilespmem:s23], [sflag:$0x2], $0x2080, $0x38;
	[tilespmem:$0x1CA20] =	vst v63  }
0x39: {  	_ =	swait.ge [sflag:s24], $0x2080  }
0x3a: {  	[sflag:s24] =	ssyncset.done $0x0  }
0x3b: {  	s17 =	rddreg [dreg:$0x8];
	[sflag:s24] =	ssyncadd.s32 $0xFFFFDF80  }
0x3c: {  	[spmem:s17] =	stream.linear.scatter [tilespmem:s23], [sflag:$0x2], $0x2080, $0x38;
	[tilespmem:$0x1CA20] =	vst v63  }
0x3d: {  	_ =	swait.ge [sflag:s24], $0x2080  }
0x3e: {  	[sflag:s24] =	ssyncset.done $0x0  }
0x3f: {  	s22 =	rddreg [dreg:$0x9];
	[sflag:s24] =	ssyncadd.s32 $0xFFFFDF80  }
0x40: {  	[spmem:s22] =	stream.linear.scatter [tilespmem:s23], [sflag:$0x2], $0x2080, $0x38;
	[tilespmem:$0x1CA20] =	vst v63  }
0x41: {  	_ =	swait.ge [sflag:s24], $0x2080  }
0x42: {  	[sflag:s24] =	ssyncset.done $0x0  }
0x43: {  	s8 =	simm.s32 @!p1 $0x1A220;
	[sflag:s24] =	ssyncadd.s32 $0xFFFFDF80  }
0x44: {  	[spmem:s15] =	stream.linear.scatter @!p1 [tilespmem:s8], [sflag:$0x2], $0xA00, $0x38;
	[tilespmem:$0x1CA20] =	vst v63  }
0x45: {  	s8 =	simm.s32 @!p1 $0x2  }
0x46: {  	_ =	swait.ge @!p1 [sflag:s8], $0xA00  }
0x47: {  	[sflag:s8] =	ssyncset.done @!p1 $0x0  }
0x48: {  	[sflag:s8] =	ssyncadd.s32 @!p1 $0xFFFFF600  }
0x49: {  	s10 =	simm.s32 $0x0;
	s8 =	simm.s32 $0x0;
	[bflag:$0x0] =	sbarrier.arrive $0xFFFF  }
.LBB2_4:
0x4a: {  	s11 =	sshll.u32 s10, $0x7  }
0x4b: {  	s11 =	sadd.s32 s16, s11  }
0x4c: {  	s11 =	sshrl.u32 s11, $0x3  }
0x4d: {  	s12 =	sadd.s32 s3, s11  }
0x4e: {  	[tilespmem:s25], [sflag:$0x2] =	stream.linear.gather [hbm4b:s12+s8], $0x80, $0x38;
	[tilespmem:$0x1CA20] =	vst v63  }
0x4f: {  	_ =	swait.ge [sflag:s24], $0x80  }
0x50: {  	[sflag:s24] =	ssyncset.done $0x0  }
0x51: {  	s11 =	sadd.s32 s4, s11;
	[sflag:s24] =	ssyncadd.s32 $0xFFFFFF80  }
0x52: {  	[tilespmem:s26], [sflag:$0x2] =	stream.linear.gather [hbm4b:s11+s8], $0x80, $0x38;
	[tilespmem:$0x1CA20] =	vst v63  }
0x53: {  	_ =	swait.ge [sflag:s24], $0x80  }
0x54: {  	[sflag:s24] =	ssyncset.done $0x0  }
0x55: {  	[sflag:s24] =	ssyncadd.s32 $0xFFFFFF80  }
0x56: {  	[tilespmem:s29], [sflag:$0x1] =	stream.indirect.gather [hbm4b:s6+s28], $0x80, s25, s28, $0xb8;
	[tilespmem:$0x1CA20] =	vst v63  }
0x57: {  	_ =	swait.ge [sflag:s30], $0x4000  }
0x58: {  	[sflag:s30] =	ssyncset.done $0x0  }
0x59: {  	[sflag:s30] =	ssyncadd.s32 $0xFFFFC000  }
0x5a: {  	v3 =	vld [tilespmem:$0x16020]  }
0x5b: {  	v4 =	vld [tilespmem:$0x160A0];
	_ =	sdelay $0x4  }
0x5c: {  	v3 =	vshll.u32 v3, $0x2;
	v4 =	vshll.u32 v4, $0x2  }
0x5d: {  	v5 =	vor.u32 $0x2, v4  }
0x5e: {  	v6 =	vor.u32 $0x1, v3  }
0x5f: {  	v4 =	vor.u32 $0x3, v4;
	_ =	sdelay $0x1  }
0x60: {  	v3 =	vld.idx.msk [tilespmem:v3+s31+$0x0], $0xffff  }
0x61: {  	v5 =	vld.idx.msk [tilespmem:v5+s31+$0x0], $0xffff  }
0x62: {  	v6 =	vld.idx.msk [tilespmem:v6+s31+$0x0], $0xffff  }
0x63: {  	v4 =	vld.idx.msk [tilespmem:v4+s31+$0x0], $0xffff;
	_ =	sdelay $0x3  }
0x64: {  	v3 =	vadd.f32 v5, v3  }
0x65: {  	v4 =	vadd.f32 v4, v6  }
0x66: {  	v5 =	vmul.f32 $2.000000030e-01, v3  }
0x67: {  	vm0 =	vgt.f32 v3, $0.0e+00;
	v6 =	vmul.f32 $2.000000030e-01, v4  }
0x68: {  	vm13 =	vgt.f32 v4, $0.0e+00;
	v3 =	vsel vm0, v3, v5  }
0x69: {  	v4 =	vsel vm13, v4, v6;
	v3 =	vmul.f32 $1.442695020e+00, v3  }
0x6a: {  	v4 =	vmul.f32 $1.442695020e+00, v4  }
0x6b: {  	(erf) = vpow2.f32 v3  }
0x6c: {  	v3 =	vld [tilespmem:$0x16030];
	(erf) = vpow2.f32 v4  }
0x6d: {  	v4 =	vld [tilespmem:$0x160B0];
	_ =	sdelay $0x4  }
0x6e: {  	v3 =	vshll.u32 v3, $0x2;
	v4 =	vshll.u32 v4, $0x2  }
0x6f: {  	v5 =	vor.u32 $0x2, v4  }
0x70: {  	v7 =	vor.u32 $0x1, v3;
	v6 =	vpop (erf)  }
0x71: {  	v4 =	vor.u32 $0x3, v4;
	[tilespmem:$0x16120] =	vst v6;
	v6 =	vpop (erf)  }
0x72: {  	[tilespmem:$0x161A0] =	vst v6  }
0x73: {  	v3 =	vld.idx.msk [tilespmem:v3+s31+$0x0], $0xffff  }
0x74: {  	v5 =	vld.idx.msk [tilespmem:v5+s31+$0x0], $0xffff  }
0x75: {  	v6 =	vld.idx.msk [tilespmem:v7+s31+$0x0], $0xffff  }
0x76: {  	v4 =	vld.idx.msk [tilespmem:v4+s31+$0x0], $0xffff;
	_ =	sdelay $0x3  }
0x77: {  	v3 =	vadd.f32 v5, v3  }
0x78: {  	v4 =	vadd.f32 v4, v6  }
0x79: {  	v5 =	vmul.f32 $2.000000030e-01, v3  }
0x7a: {  	vm14 =	vgt.f32 v3, $0.0e+00;
	v6 =	vmul.f32 $2.000000030e-01, v4  }
0x7b: {  	vm15 =	vgt.f32 v4, $0.0e+00;
	v3 =	vsel vm14, v3, v5  }
0x7c: {  	v4 =	vsel vm15, v4, v6;
	v3 =	vmul.f32 $1.442695020e+00, v3  }
0x7d: {  	v4 =	vmul.f32 $1.442695020e+00, v4  }
0x7e: {  	(erf) = vpow2.f32 v3  }
0x7f: {  	v3 =	vld [tilespmem:$0x16040];
	(erf) = vpow2.f32 v4  }
0x80: {  	v4 =	vld [tilespmem:$0x160C0];
	_ =	sdelay $0x4  }
0x81: {  	v3 =	vshll.u32 v3, $0x2;
	v4 =	vshll.u32 v4, $0x2  }
0x82: {  	v5 =	vor.u32 $0x2, v4  }
0x83: {  	v7 =	vor.u32 $0x1, v3;
	v6 =	vpop (erf)  }
0x84: {  	v4 =	vor.u32 $0x3, v4;
	[tilespmem:$0x16130] =	vst v6;
	v6 =	vpop (erf)  }
0x85: {  	[tilespmem:$0x161B0] =	vst v6  }
0x86: {  	v3 =	vld.idx.msk [tilespmem:v3+s31+$0x0], $0xffff  }
0x87: {  	v5 =	vld.idx.msk [tilespmem:v5+s31+$0x0], $0xffff  }
0x88: {  	v6 =	vld.idx.msk [tilespmem:v7+s31+$0x0], $0xffff  }
0x89: {  	v4 =	vld.idx.msk [tilespmem:v4+s31+$0x0], $0xffff;
	_ =	sdelay $0x3  }
0x8a: {  	v3 =	vadd.f32 v5, v3  }
0x8b: {  	v4 =	vadd.f32 v4, v6  }
0x8c: {  	v5 =	vmul.f32 $2.000000030e-01, v3  }
0x8d: {  	vm4 =	vgt.f32 v3, $0.0e+00;
	v6 =	vmul.f32 $2.000000030e-01, v4  }
0x8e: {  	vm5 =	vgt.f32 v4, $0.0e+00;
	v3 =	vsel vm4, v3, v5  }
0x8f: {  	v4 =	vsel vm5, v4, v6;
	v3 =	vmul.f32 $1.442695020e+00, v3  }
0x90: {  	v4 =	vmul.f32 $1.442695020e+00, v4  }
0x91: {  	(erf) = vpow2.f32 v3  }
0x92: {  	v3 =	vld [tilespmem:$0x16050];
	(erf) = vpow2.f32 v4  }
0x93: {  	v4 =	vld [tilespmem:$0x160D0];
	_ =	sdelay $0x4  }
0x94: {  	v3 =	vshll.u32 v3, $0x2;
	v4 =	vshll.u32 v4, $0x2  }
0x95: {  	v5 =	vor.u32 $0x2, v4  }
0x96: {  	v7 =	vor.u32 $0x1, v3;
	v6 =	vpop (erf)  }
0x97: {  	v4 =	vor.u32 $0x3, v4;
	[tilespmem:$0x16140] =	vst v6;
	v6 =	vpop (erf)  }
0x98: {  	[tilespmem:$0x161C0] =	vst v6  }
0x99: {  	v3 =	vld.idx.msk [tilespmem:v3+s31+$0x0], $0xffff  }
0x9a: {  	v5 =	vld.idx.msk [tilespmem:v5+s31+$0x0], $0xffff  }
0x9b: {  	v6 =	vld.idx.msk [tilespmem:v7+s31+$0x0], $0xffff  }
0x9c: {  	v4 =	vld.idx.msk [tilespmem:v4+s31+$0x0], $0xffff;
	_ =	sdelay $0x3  }
0x9d: {  	v3 =	vadd.f32 v5, v3  }
0x9e: {  	v4 =	vadd.f32 v4, v6  }
0x9f: {  	v5 =	vmul.f32 $2.000000030e-01, v3  }
0xa0: {  	vm6 =	vgt.f32 v3, $0.0e+00;
	v6 =	vmul.f32 $2.000000030e-01, v4  }
0xa1: {  	vm7 =	vgt.f32 v4, $0.0e+00;
	v3 =	vsel vm6, v3, v5  }
0xa2: {  	v4 =	vsel vm7, v4, v6;
	v3 =	vmul.f32 $1.442695020e+00, v3  }
0xa3: {  	v4 =	vmul.f32 $1.442695020e+00, v4  }
0xa4: {  	(erf) = vpow2.f32 v3  }
0xa5: {  	v3 =	vld [tilespmem:$0x16060];
	(erf) = vpow2.f32 v4  }
0xa6: {  	v4 =	vld [tilespmem:$0x160E0];
	_ =	sdelay $0x4  }
0xa7: {  	v3 =	vshll.u32 v3, $0x2;
	v4 =	vshll.u32 v4, $0x2  }
0xa8: {  	v5 =	vor.u32 $0x2, v4  }
0xa9: {  	v7 =	vor.u32 $0x1, v3;
	v6 =	vpop (erf)  }
0xaa: {  	v4 =	vor.u32 $0x3, v4;
	[tilespmem:$0x16150] =	vst v6;
	v6 =	vpop (erf)  }
0xab: {  	[tilespmem:$0x161D0] =	vst v6  }
0xac: {  	v3 =	vld.idx.msk [tilespmem:v3+s31+$0x0], $0xffff  }
0xad: {  	v5 =	vld.idx.msk [tilespmem:v5+s31+$0x0], $0xffff  }
0xae: {  	v6 =	vld.idx.msk [tilespmem:v7+s31+$0x0], $0xffff  }
0xaf: {  	v4 =	vld.idx.msk [tilespmem:v4+s31+$0x0], $0xffff;
	_ =	sdelay $0x3  }
0xb0: {  	v3 =	vadd.f32 v5, v3  }
0xb1: {  	v4 =	vadd.f32 v4, v6  }
0xb2: {  	v5 =	vmul.f32 $2.000000030e-01, v3  }
0xb3: {  	vm8 =	vgt.f32 v3, $0.0e+00;
	v6 =	vmul.f32 $2.000000030e-01, v4  }
0xb4: {  	vm9 =	vgt.f32 v4, $0.0e+00;
	v3 =	vsel vm8, v3, v5  }
0xb5: {  	v4 =	vsel vm9, v4, v6;
	v3 =	vmul.f32 $1.442695020e+00, v3  }
0xb6: {  	v4 =	vmul.f32 $1.442695020e+00, v4  }
0xb7: {  	(erf) = vpow2.f32 v3  }
0xb8: {  	v3 =	vld [tilespmem:$0x16070];
	(erf) = vpow2.f32 v4  }
0xb9: {  	v4 =	vld [tilespmem:$0x160F0];
	_ =	sdelay $0x4  }
0xba: {  	v3 =	vshll.u32 v3, $0x2;
	v4 =	vshll.u32 v4, $0x2  }
0xbb: {  	v5 =	vor.u32 $0x2, v4  }
0xbc: {  	v7 =	vor.u32 $0x1, v3;
	v6 =	vpop (erf)  }
0xbd: {  	v4 =	vor.u32 $0x3, v4;
	[tilespmem:$0x16160] =	vst v6;
	v6 =	vpop (erf)  }
0xbe: {  	[tilespmem:$0x161E0] =	vst v6  }
0xbf: {  	v3 =	vld.idx.msk [tilespmem:v3+s31+$0x0], $0xffff  }
0xc0: {  	v5 =	vld.idx.msk [tilespmem:v5+s31+$0x0], $0xffff  }
0xc1: {  	v6 =	vld.idx.msk [tilespmem:v7+s31+$0x0], $0xffff  }
0xc2: {  	v4 =	vld.idx.msk [tilespmem:v4+s31+$0x0], $0xffff;
	_ =	sdelay $0x3  }
0xc3: {  	v3 =	vadd.f32 v5, v3  }
0xc4: {  	v4 =	vadd.f32 v4, v6  }
0xc5: {  	v5 =	vmul.f32 $2.000000030e-01, v3  }
0xc6: {  	vm10 =	vgt.f32 v3, $0.0e+00;
	v6 =	vmul.f32 $2.000000030e-01, v4  }
0xc7: {  	vm11 =	vgt.f32 v4, $0.0e+00;
	v3 =	vsel vm10, v3, v5  }
0xc8: {  	v4 =	vsel vm11, v4, v6;
	v3 =	vmul.f32 $1.442695020e+00, v3  }
0xc9: {  	v4 =	vmul.f32 $1.442695020e+00, v4  }
0xca: {  	(erf) = vpow2.f32 v3  }
0xcb: {  	v3 =	vld [tilespmem:$0x16080];
	(erf) = vpow2.f32 v4  }
0xcc: {  	v4 =	vld [tilespmem:$0x16100];
	_ =	sdelay $0x4  }
0xcd: {  	v3 =	vshll.u32 v3, $0x2;
	v4 =	vshll.u32 v4, $0x2  }
0xce: {  	v5 =	vor.u32 $0x2, v4  }
0xcf: {  	v7 =	vor.u32 $0x1, v3;
	v6 =	vpop (erf)  }
0xd0: {  	v4 =	vor.u32 $0x3, v4;
	[tilespmem:$0x16170] =	vst v6;
	v6 =	vpop (erf)  }
0xd1: {  	[tilespmem:$0x161F0] =	vst v6  }
0xd2: {  	v3 =	vld.idx.msk [tilespmem:v3+s31+$0x0], $0xffff  }
0xd3: {  	v5 =	vld.idx.msk [tilespmem:v5+s31+$0x0], $0xffff  }
0xd4: {  	v6 =	vld.idx.msk [tilespmem:v7+s31+$0x0], $0xffff  }
0xd5: {  	v4 =	vld.idx.msk [tilespmem:v4+s31+$0x0], $0xffff;
	_ =	sdelay $0x3  }
0xd6: {  	v3 =	vadd.f32 v5, v3  }
0xd7: {  	v4 =	vadd.f32 v4, v6  }
0xd8: {  	v5 =	vmul.f32 $2.000000030e-01, v3  }
0xd9: {  	vm12 =	vgt.f32 v3, $0.0e+00;
	v6 =	vmul.f32 $2.000000030e-01, v4  }
0xda: {  	vm13 =	vgt.f32 v4, $0.0e+00;
	v3 =	vsel vm12, v3, v5  }
0xdb: {  	v4 =	vsel vm13, v4, v6;
	v3 =	vmul.f32 $1.442695020e+00, v3  }
0xdc: {  	v4 =	vmul.f32 $1.442695020e+00, v4  }
0xdd: {  	(erf) = vpow2.f32 v3  }
0xde: {  	v3 =	vld [tilespmem:$0x16090];
	(erf) = vpow2.f32 v4  }
0xdf: {  	v4 =	vld [tilespmem:$0x16110];
	_ =	sdelay $0x4  }
0xe0: {  	v3 =	vshll.u32 v3, $0x2;
	v4 =	vshll.u32 v4, $0x2  }
0xe1: {  	v5 =	vor.u32 $0x2, v4  }
0xe2: {  	v7 =	vor.u32 $0x1, v3;
	v6 =	vpop (erf)  }
0xe3: {  	v4 =	vor.u32 $0x3, v4;
	[tilespmem:$0x16180] =	vst v6;
	v6 =	vpop (erf)  }
0xe4: {  	[tilespmem:$0x16200] =	vst v6  }
0xe5: {  	v3 =	vld.idx.msk [tilespmem:v3+s31+$0x0], $0xffff  }
0xe6: {  	v5 =	vld.idx.msk [tilespmem:v5+s31+$0x0], $0xffff  }
0xe7: {  	v6 =	vld.idx.msk [tilespmem:v7+s31+$0x0], $0xffff  }
0xe8: {  	v4 =	vld.idx.msk [tilespmem:v4+s31+$0x0], $0xffff;
	_ =	sdelay $0x3  }
0xe9: {  	v3 =	vadd.f32 v5, v3  }
0xea: {  	v4 =	vadd.f32 v4, v6  }
0xeb: {  	v5 =	vmul.f32 $2.000000030e-01, v3  }
0xec: {  	vm14 =	vgt.f32 v3, $0.0e+00;
	v6 =	vmul.f32 $2.000000030e-01, v4  }
0xed: {  	vm15 =	vgt.f32 v4, $0.0e+00;
	v3 =	vsel vm14, v3, v5  }
0xee: {  	v4 =	vsel vm15, v4, v6;
	v3 =	vmul.f32 $1.442695020e+00, v3  }
0xef: {  	v4 =	vmul.f32 $1.442695020e+00, v4  }
0xf0: {  	(erf) = vpow2.f32 v3  }
0xf1: {  	(erf) = vpow2.f32 v4;
	_ =	sdelay $0x2  }
0xf2: {  	v3 =	vmov s8  }
0xf3: {  	v3 =	vand.u32 $0xFFFFFFFC, v3  }
0xf4: {  	v3 =	vbroadcast v3, $0x0;
	_ =	sdelay $0x2  }
0xf5: {  	v4 =	vpop (erf)  }
0xf6: {  	[tilespmem:$0x16190] =	vst v4;
	v4 =	vpop (erf)  }
0xf7: {  	[tilespmem:$0x16210] =	vst v4  }
0xf8: {  	v4 =	vld.idx.msk [tilespmem:v3+s0+$0x0], $0xffff  }
0xf9: {  	v5 =	vld [tilespmem:s13+$0xFFFFFF00];
	_ =	sdelay $0x4  }
0xfa: {  	v5 =	vmul.f32 v5, v4  }
0xfb: {  	s11 =	simm.s32 $0x1A2C0  }
0xfc: {  	v3 =	vld.idx.msk [tilespmem:v3+s7+$0x0], $0xffff;
	[tilespmem:s11+$0xFFFFFF60] =	vst v5  }
0xfd: {  	v5 =	vld [tilespmem:s13+$0xFFFFFF10];
	_ =	sdelay $0x4  }
0xfe: {  	v5 =	vmul.f32 v5, v4;
	_ =	sdelay $0x1  }
0xff: {  	[tilespmem:s11+$0xFFFFFF70] =	vst v5  }
0x100: {  	v5 =	vld [tilespmem:s13+$0xFFFFFF20];
	_ =	sdelay $0x4  }
0x101: {  	v5 =	vmul.f32 v5, v3  }
0x102: {  	s14 =	simm.s32 $0x1  }
0x103: {  	v6 =	vmov s14;
	[tilespmem:s11+$0xFFFFFF80] =	vst v5  }
0x104: {  	v6 =	vand.u32 $0xFFFFFFFD, v6;
	v5 =	vld [tilespmem:s13+$0xFFFFFF30]  }
0x105: {  	v6 =	vbroadcast v6, $0x0  }
0x106: {  	v7 =	vmul.f32 v2, v3;
	v4 =	vmul.f32 v1, v4;
	_ =	sdelay $0x1  }
0x107: {  	v4 =	vadd.f32 v7, v4  }
0x108: {  	v3 =	vmul.f32 v5, v3  }
0x109: {  	[tilespmem:s11+$0xFFFFFFA0] =	vst v4  }
0x10a: {  	[tilespmem:s11+$0xFFFFFF90] =	vst v3  }
0x10b: {  	v3 =	vld.idx.msk [tilespmem:v6+s0+$0x0], $0xffff  }
0x10c: {  	v4 =	vld [tilespmem:s13+$0xFFFFFF80];
	_ =	sdelay $0x4  }
0x10d: {  	v4 =	vmul.f32 v4, v3;
	_ =	sdelay $0x1  }
0x10e: {  	v5 =	vld.idx.msk [tilespmem:v6+s7+$0x0], $0xffff;
	[tilespmem:s11+$0xFFFFFFB0] =	vst v4  }
0x10f: {  	v4 =	vld [tilespmem:s13+$0xFFFFFF90];
	_ =	sdelay $0x4  }
0x110: {  	v4 =	vmul.f32 v4, v3;
	_ =	sdelay $0x1  }
0x111: {  	[tilespmem:s11+$0xFFFFFFC0] =	vst v4  }
0x112: {  	v4 =	vld [tilespmem:s13+$0xFFFFFFA0];
	_ =	sdelay $0x4  }
0x113: {  	v4 =	vmul.f32 v4, v5  }
0x114: {  	s17 =	simm.s32 $0x2  }
0x115: {  	v6 =	vmov s17;
	[tilespmem:s11+$0xFFFFFFD0] =	vst v4  }
0x116: {  	v6 =	vand.u32 $0xFFFFFFFE, v6;
	v4 =	vld [tilespmem:s13+$0xFFFFFFB0]  }
0x117: {  	v6 =	vbroadcast v6, $0x0  }
0x118: {  	v7 =	vmul.f32 v2, v5;
	v3 =	vmul.f32 v1, v3;
	_ =	sdelay $0x1  }
0x119: {  	v3 =	vadd.f32 v7, v3  }
0x11a: {  	v4 =	vmul.f32 v4, v5  }
0x11b: {  	[tilespmem:s11+$0xFFFFFFF0] =	vst v3  }
0x11c: {  	[tilespmem:s11+$0xFFFFFFE0] =	vst v4  }
0x11d: {  	v3 =	vld.idx.msk [tilespmem:v6+s0+$0x0], $0xffff  }
0x11e: {  	v4 =	vld [tilespmem:s13+$0x0];
	_ =	sdelay $0x4  }
0x11f: {  	v4 =	vmul.f32 v4, v3;
	_ =	sdelay $0x1  }
0x120: {  	v5 =	vld.idx.msk [tilespmem:v6+s7+$0x0], $0xffff;
	[tilespmem:s11+$0x0] =	vst v4  }
0x121: {  	v4 =	vld [tilespmem:s13+$0x10];
	_ =	sdelay $0x4  }
0x122: {  	v4 =	vmul.f32 v4, v3;
	_ =	sdelay $0x1  }
0x123: {  	[tilespmem:s11+$0x10] =	vst v4  }
0x124: {  	v4 =	vld [tilespmem:s13+$0x20];
	_ =	sdelay $0x4  }
0x125: {  	v4 =	vmul.f32 v4, v5;
	_ =	sdelay $0x1  }
0x126: {  	[tilespmem:s11+$0x20] =	vst v4  }
0x127: {  	v4 =	vld [tilespmem:s13+$0x30];
	_ =	sdelay $0x1  }
0x128: {  	s22 =	simm.s32 $0x3;
	v6 =	vmul.f32 v2, v5;
	v3 =	vmul.f32 v1, v3  }
0x129: {  	v7 =	vmov s22  }
0x12a: {  	v3 =	vadd.f32 v6, v3  }
0x12b: {  	v4 =	vmul.f32 v4, v5  }
0x12c: {  	[tilespmem:s11+$0x40] =	vst v3  }
0x12d: {  	[tilespmem:s11+$0x30] =	vst v4  }
0x12e: {  	v4 =	vld.idx.msk [tilespmem:v7+s0+$0x0], $0xffff  }
0x12f: {  	v3 =	vld [tilespmem:s13+$0x80];
	_ =	sdelay $0x4  }
0x130: {  	v5 =	vmul.f32 v3, v4;
	_ =	sdelay $0x1  }
0x131: {  	v3 =	vld.idx.msk [tilespmem:v7+s7+$0x0], $0xffff;
	[tilespmem:s11+$0x50] =	vst v5  }
0x132: {  	v5 =	vld [tilespmem:s13+$0x90];
	_ =	sdelay $0x4  }
0x133: {  	v5 =	vmul.f32 v5, v4;
	_ =	sdelay $0x1  }
0x134: {  	[tilespmem:s11+$0x60] =	vst v5  }
0x135: {  	v5 =	vld [tilespmem:s13+$0xA0];
	_ =	sdelay $0x3  }
0x136: {  	v6 =	vmul.f32 v2, v3;
	v4 =	vmul.f32 v1, v4  }
0x137: {  	v5 =	vmul.f32 v5, v3  }
0x138: {  	v6 =	vadd.f32 v6, v4  }
0x139: {  	s12 =	simm.s32 $0x4;
	[tilespmem:s11+$0x70] =	vst v5  }
0x13a: {  	s14 =	simm.s32 $0x8;
	s22 =	smov.u32 s13;
	v5 =	vmov s12;
	v4 =	vld [tilespmem:s13+$0xB0];
	[tilespmem:s11+$0x90] =	vst v6  }
.LBB2_5:
0x13b: {  	p5 =	slt.u32 s14, $0x7C;
	v5 =	vand.u32 $0xFFFFFFFC, v5  }
0x13c: {  	v5 =	vbroadcast v5, $0x0;
	_ =	sdelay $0x2  }
0x13d: {  	v3 =	vmul.f32 v4, v3;
	_ =	sdelay $0x1  }
0x13e: {  	[tilespmem:s11+$0x80] =	vst v3  }
0x13f: {  	s22 =	sadd.s32 $0x200, s22;
	v3 =	vld.idx.msk [tilespmem:v5+s0+$0x0], $0xffff  }
0x140: {  	v4 =	vld [tilespmem:s22+$0xFFFFFF00];
	_ =	sdelay $0x4  }
0x141: {  	v6 =	vmul.f32 v1, v3;
	v4 =	vmul.f32 v4, v3  }
0x142: {  	s11 =	sadd.s32 $0x140, s11  }
0x143: {  	v5 =	vld.idx.msk [tilespmem:v5+s7+$0x0], $0xffff;
	[tilespmem:s11+$0xFFFFFF60] =	vst v4  }
0x144: {  	v4 =	vld [tilespmem:s22+$0xFFFFFF10];
	_ =	sdelay $0x4  }
0x145: {  	v3 =	vmul.f32 v4, v3;
	_ =	sdelay $0x1  }
0x146: {  	[tilespmem:s11+$0xFFFFFF70] =	vst v3  }
0x147: {  	v3 =	vld [tilespmem:s22+$0xFFFFFF20];
	_ =	sdelay $0x4  }
0x148: {  	v3 =	vmul.f32 v3, v5;
	_ =	sdelay $0x1  }
0x149: {  	s17 =	sadd.s32 $0x1, s12;
	[tilespmem:s11+$0xFFFFFF80] =	vst v3  }
0x14a: {  	v4 =	vmov s17;
	v3 =	vld [tilespmem:s22+$0xFFFFFF30]  }
0x14b: {  	v4 =	vand.u32 $0xFFFFFFFD, v4  }
0x14c: {  	v7 =	vmul.f32 v2, v5;
	v4 =	vbroadcast v4, $0x0;
	_ =	sdelay $0x1  }
0x14d: {  	v6 =	vadd.f32 v7, v6  }
0x14e: {  	v3 =	vmul.f32 v3, v5  }
0x14f: {  	[tilespmem:s11+$0xFFFFFFA0] =	vst v6  }
0x150: {  	[tilespmem:s11+$0xFFFFFF90] =	vst v3  }
0x151: {  	v3 =	vld.idx.msk [tilespmem:v4+s0+$0x0], $0xffff  }
0x152: {  	v5 =	vld [tilespmem:s22+$0xFFFFFF80];
	_ =	sdelay $0x4  }
0x153: {  	v6 =	vmul.f32 v1, v3;
	v5 =	vmul.f32 v5, v3;
	_ =	sdelay $0x1  }
0x154: {  	v4 =	vld.idx.msk [tilespmem:v4+s7+$0x0], $0xffff;
	[tilespmem:s11+$0xFFFFFFB0] =	vst v5  }
0x155: {  	v5 =	vld [tilespmem:s22+$0xFFFFFF90];
	_ =	sdelay $0x4  }
0x156: {  	v3 =	vmul.f32 v5, v3;
	_ =	sdelay $0x1  }
0x157: {  	[tilespmem:s11+$0xFFFFFFC0] =	vst v3  }
0x158: {  	v3 =	vld [tilespmem:s22+$0xFFFFFFA0];
	_ =	sdelay $0x4  }
0x159: {  	v3 =	vmul.f32 v3, v4;
	_ =	sdelay $0x1  }
0x15a: {  	s17 =	sadd.s32 $0x2, s12;
	[tilespmem:s11+$0xFFFFFFD0] =	vst v3  }
0x15b: {  	v5 =	vmov s17;
	v3 =	vld [tilespmem:s22+$0xFFFFFFB0]  }
0x15c: {  	v5 =	vand.u32 $0xFFFFFFFE, v5  }
0x15d: {  	v7 =	vmul.f32 v2, v4;
	v5 =	vbroadcast v5, $0x0;
	_ =	sdelay $0x1  }
0x15e: {  	v6 =	vadd.f32 v7, v6  }
0x15f: {  	v3 =	vmul.f32 v3, v4  }
0x160: {  	[tilespmem:s11+$0xFFFFFFF0] =	vst v6  }
0x161: {  	[tilespmem:s11+$0xFFFFFFE0] =	vst v3  }
0x162: {  	v3 =	vld.idx.msk [tilespmem:v5+s0+$0x0], $0xffff  }
0x163: {  	v4 =	vld [tilespmem:s22+$0x0];
	_ =	sdelay $0x4  }
0x164: {  	v4 =	vmul.f32 v4, v3;
	_ =	sdelay $0x1  }
0x165: {  	v5 =	vld.idx.msk [tilespmem:v5+s7+$0x0], $0xffff;
	[tilespmem:s11+$0x0] =	vst v4  }
0x166: {  	v4 =	vld [tilespmem:s22+$0x10];
	_ =	sdelay $0x4  }
0x167: {  	v6 =	vmul.f32 v2, v5;
	v4 =	vmul.f32 v4, v3;
	_ =	sdelay $0x1  }
0x168: {  	[tilespmem:s11+$0x10] =	vst v4  }
0x169: {  	v4 =	vld [tilespmem:s22+$0x20];
	_ =	sdelay $0x4  }
0x16a: {  	v4 =	vmul.f32 v4, v5;
	_ =	sdelay $0x1  }
0x16b: {  	[tilespmem:s11+$0x20] =	vst v4  }
0x16c: {  	v4 =	vld [tilespmem:s22+$0x30];
	_ =	sdelay $0x1  }
0x16d: {  	s17 =	sadd.s32 $0x3, s12;
	s12 =	smov.u32 s14;
	v3 =	vmul.f32 v1, v3  }
0x16e: {  	v7 =	vmov s17  }
0x16f: {  	v3 =	vadd.f32 v6, v3  }
0x170: {  	v4 =	vmul.f32 v4, v5  }
0x171: {  	[tilespmem:s11+$0x40] =	vst v3  }
0x172: {  	[tilespmem:s11+$0x30] =	vst v4  }
0x173: {  	v4 =	vld.idx.msk [tilespmem:v7+s0+$0x0], $0xffff  }
0x174: {  	v3 =	vld [tilespmem:s22+$0x80];
	_ =	sdelay $0x4  }
0x175: {  	v6 =	vmul.f32 v1, v4;
	v5 =	vmul.f32 v3, v4;
	_ =	sdelay $0x1  }
0x176: {  	v3 =	vld.idx.msk [tilespmem:v7+s7+$0x0], $0xffff;
	[tilespmem:s11+$0x50] =	vst v5  }
0x177: {  	v5 =	vld [tilespmem:s22+$0x90];
	_ =	sdelay $0x4  }
0x178: {  	v4 =	vmul.f32 v5, v4;
	v5 =	vmul.f32 v2, v3;
	_ =	sdelay $0x1  }
0x179: {  	[tilespmem:s11+$0x60] =	vst v4;
	v6 =	vadd.f32 v5, v6  }
0x17a: {  	v4 =	vld [tilespmem:s22+$0xA0];
	_ =	sdelay $0x3  }
.Ltmp1:
0x17b: {  	(pc) =	sbr.rel @p5 .LBB2_5-.Ltmp1, $3  }
0x17c: {  	v4 =	vmul.f32 v4, v3;
	_ =	sdelay $0x1  }
0x17d: {  	[tilespmem:s11+$0x70] =	vst v4  }
0x17e: {  	s14 =	sadd.s32 $0x4, s14;
	v5 =	vmov s12;
	v4 =	vld [tilespmem:s22+$0xB0];
	[tilespmem:s11+$0x90] =	vst v6  }
0x17f: {  	v5 =	vand.u32 $0xFFFFFFFC, v5  }
0x180: {  	v5 =	vbroadcast v5, $0x0;
	_ =	sdelay $0x2  }
0x181: {  	v3 =	vmul.f32 v4, v3;
	_ =	sdelay $0x1  }
0x182: {  	[tilespmem:s11+$0x80] =	vst v3  }
0x183: {  	s14 =	sadd.s32 $0x200, s22;
	v3 =	vld.idx.msk [tilespmem:v5+s0+$0x0], $0xffff  }
0x184: {  	v56 =	vld [tilespmem:s14+$0xFFFFFF00];
	_ =	sdelay $0x4  }
0x185: {  	v4 =	vmul.f32 v56, v3  }
0x186: {  	s11 =	sadd.s32 $0x140, s11  }
0x187: {  	v5 =	vld.idx.msk [tilespmem:v5+s7+$0x0], $0xffff;
	[tilespmem:s11+$0xFFFFFF60] =	vst v4  }
0x188: {  	v4 =	vld [tilespmem:s14+$0xFFFFFF10];
	_ =	sdelay $0x4  }
0x189: {  	v4 =	vmul.f32 v4, v3;
	_ =	sdelay $0x1  }
0x18a: {  	[tilespmem:s11+$0xFFFFFF70] =	vst v4  }
0x18b: {  	v4 =	vld [tilespmem:s14+$0xFFFFFF20];
	_ =	sdelay $0x4  }
0x18c: {  	v4 =	vmul.f32 v4, v5  }
0x18d: {  	s17 =	sadd.s32 $0x1, s12  }
0x18e: {  	v6 =	vmov s17;
	[tilespmem:s11+$0xFFFFFF80] =	vst v4  }
0x18f: {  	v6 =	vand.u32 $0xFFFFFFFD, v6;
	v4 =	vld [tilespmem:s14+$0xFFFFFF30]  }
0x190: {  	v6 =	vbroadcast v6, $0x0  }
0x191: {  	v7 =	vmul.f32 v2, v5;
	v3 =	vmul.f32 v1, v3;
	_ =	sdelay $0x1  }
0x192: {  	v3 =	vadd.f32 v7, v3  }
0x193: {  	v4 =	vmul.f32 v4, v5  }
0x194: {  	[tilespmem:s11+$0xFFFFFFA0] =	vst v3  }
0x195: {  	[tilespmem:s11+$0xFFFFFF90] =	vst v4  }
0x196: {  	v3 =	vld.idx.msk [tilespmem:v6+s0+$0x0], $0xffff  }
0x197: {  	v4 =	vld [tilespmem:s14+$0xFFFFFF80];
	_ =	sdelay $0x4  }
0x198: {  	v4 =	vmul.f32 v4, v3;
	_ =	sdelay $0x1  }
0x199: {  	v57 =	vld.idx.msk [tilespmem:v6+s7+$0x0], $0xffff;
	[tilespmem:s11+$0xFFFFFFB0] =	vst v4  }
0x19a: {  	v4 =	vld [tilespmem:s14+$0xFFFFFF90];
	_ =	sdelay $0x4  }
0x19b: {  	v4 =	vmul.f32 v4, v3;
	_ =	sdelay $0x1  }
0x19c: {  	[tilespmem:s11+$0xFFFFFFC0] =	vst v4  }
0x19d: {  	v4 =	vld [tilespmem:s14+$0xFFFFFFA0];
	_ =	sdelay $0x4  }
0x19e: {  	v4 =	vmul.f32 v4, v57  }
0x19f: {  	s22 =	sadd.s32 $0x2, s12  }
0x1a0: {  	v58 =	vmov s22;
	[tilespmem:s11+$0xFFFFFFD0] =	vst v4  }
0x1a1: {  	v6 =	vand.u32 $0xFFFFFFFE, v58;
	v4 =	vld [tilespmem:s14+$0xFFFFFFB0]  }
0x1a2: {  	v6 =	vbroadcast v6, $0x0  }
0x1a3: {  	v59 =	vmul.f32 v2, v57;
	v3 =	vmul.f32 v1, v3;
	_ =	sdelay $0x1  }
0x1a4: {  	v3 =	vadd.f32 v59, v3  }
0x1a5: {  	v4 =	vmul.f32 v4, v57  }
0x1a6: {  	[tilespmem:s11+$0xFFFFFFF0] =	vst v3  }
0x1a7: {  	[tilespmem:s11+$0xFFFFFFE0] =	vst v4  }
0x1a8: {  	v3 =	vld.idx.msk [tilespmem:v6+s0+$0x0], $0xffff  }
0x1a9: {  	v4 =	vld [tilespmem:s14+$0x0];
	_ =	sdelay $0x4  }
0x1aa: {  	v4 =	vmul.f32 v4, v3;
	_ =	sdelay $0x1  }
0x1ab: {  	v60 =	vld.idx.msk [tilespmem:v6+s7+$0x0], $0xffff;
	[tilespmem:s11+$0x0] =	vst v4  }
0x1ac: {  	v4 =	vld [tilespmem:s14+$0x10];
	_ =	sdelay $0x4  }
0x1ad: {  	v4 =	vmul.f32 v4, v3;
	_ =	sdelay $0x1  }
0x1ae: {  	[tilespmem:s11+$0x10] =	vst v4  }
0x1af: {  	v4 =	vld [tilespmem:s14+$0x20];
	_ =	sdelay $0x4  }
0x1b0: {  	v4 =	vmul.f32 v4, v60;
	_ =	sdelay $0x1  }
0x1b1: {  	[tilespmem:s11+$0x20] =	vst v4  }
0x1b2: {  	v4 =	vld [tilespmem:s14+$0x30];
	_ =	sdelay $0x1  }
0x1b3: {  	s22 =	sadd.s32 $0x3, s12;
	v6 =	vmul.f32 v2, v60;
	v3 =	vmul.f32 v1, v3  }
0x1b4: {  	v61 =	vmov s22  }
0x1b5: {  	v3 =	vadd.f32 v6, v3  }
0x1b6: {  	v4 =	vmul.f32 v4, v60  }
0x1b7: {  	[tilespmem:s11+$0x40] =	vst v3  }
0x1b8: {  	[tilespmem:s11+$0x30] =	vst v4  }
0x1b9: {  	v3 =	vld.idx.msk [tilespmem:v61+s0+$0x0], $0xffff  }
0x1ba: {  	v4 =	vld [tilespmem:s14+$0x80];
	_ =	sdelay $0x4  }
0x1bb: {  	v4 =	vmul.f32 v4, v3;
	_ =	sdelay $0x1  }
0x1bc: {  	v62 =	vld.idx.msk [tilespmem:v61+s7+$0x0], $0xffff;
	[tilespmem:s11+$0x50] =	vst v4  }
0x1bd: {  	v4 =	vld [tilespmem:s14+$0x90];
	_ =	sdelay $0x4  }
0x1be: {  	v4 =	vmul.f32 v4, v3;
	_ =	sdelay $0x1  }
0x1bf: {  	[tilespmem:s11+$0x60] =	vst v4  }
0x1c0: {  	v4 =	vld [tilespmem:s14+$0xA0];
	_ =	sdelay $0x4  }
0x1c1: {  	v4 =	vmul.f32 v4, v62;
	_ =	sdelay $0x1  }
0x1c2: {  	[tilespmem:s11+$0x70] =	vst v4  }
0x1c3: {  	v4 =	vld [tilespmem:s14+$0xB0];
	_ =	sdelay $0x1  }
0x1c4: {  	v63 =	vmul.f32 v2, v62;
	v3 =	vmul.f32 v1, v3;
	_ =	sdelay $0x1  }
0x1c5: {  	v3 =	vadd.f32 v63, v3  }
0x1c6: {  	s10 =	sadd.s32 $0x1, s10;
	v4 =	vmul.f32 v4, v62  }
0x1c7: {  	p5 =	sne.s32 s10, $0x9D;
	[tilespmem:s11+$0x90] =	vst v3  }
.Ltmp2:
0x1c8: {  	[tilespmem:s11+$0x80] =	vst v4;
	(pc) =	sbr.rel @p5 .LBB2_4-.Ltmp2, $4  }
0x1c9: {  	[spmem:s1] =	stream.indirect.scatter.add.f32 [tilespmem:s23], [sflag:$0x2], $0x50, s26, s28, $0xb8;
	[tilespmem:$0x1CA20] =	vst v63  }
0x1ca: {  	_ =	swait.ge [sflag:s24], $0x2800  }
0x1cb: {  	[sflag:s24] =	ssyncset.done $0x0  }
0x1cc: {  	[sflag:s24] =	ssyncadd.s32 $0xFFFFD800  }
0x1cd: {  	s8 =	sshll.u32 @!p3 s5, $0x6;
	[bflag:$0x0] =	sbarrier.arrive $0xFFFF  }
0x1ce: {  	s10 =	sshrl.u32 @!p3 s9, $0x3;
	s11 =	simm.s32 @!p3 $0x1;
	s12 =	simm.s32 @!p3 $0x10  }
0x1cf: {  	s14 =	simm.s32 @!p3 $0xA;
	s8 =	sor.u32 @!p3 $0x1C02, s8;
	s17 =	rddreg [dreg:$0xa]  }
0x1d0: {  	[hbm:s17@s12], [sflag:s8] =	dma.strided @!p3 [spmem:s10@s14], $0x1860, s11, $0xa   }
0x1d1: {  	s8 =	simm.s32 @!p3 $0x2  }
0x1d2: {  	s10 =	sshll.u32 @p0 s5, $0x6;
	s11 =	simm.s32 @p0 $0x1;
	_ =	swait.ge @!p3 [sflag:s8], $0x1860  }
0x1d3: {  	s12 =	simm.s32 @p0 $0x10;
	s14 =	simm.s32 @p0 $0xA;
	[sflag:s8] =	ssyncset.done @!p3 $0x0  }
0x1d4: {  	[sflag:s8] =	ssyncadd.s32 @!p3 $0xFFFFE7A0;
	s8 =	sor.u32 @p0 $0x1C02, s10;
	s10 =	sshrl.u32 @p0 s9, $0x3  }
0x1d5: {  	[hbm:s18@s12], [sflag:s8] =	dma.strided @p0 [spmem:s10@s14], $0x1860, s11, $0xa   }
0x1d6: {  	s8 =	simm.s32 @p0 $0x2  }
0x1d7: {  	s10 =	sshll.u32 @!p4 s5, $0x6;
	s11 =	simm.s32 @!p4 $0x1;
	_ =	swait.ge @p0 [sflag:s8], $0x1860  }
0x1d8: {  	s12 =	simm.s32 @!p4 $0x10;
	s14 =	simm.s32 @!p4 $0xA;
	[sflag:s8] =	ssyncset.done @p0 $0x0  }
0x1d9: {  	[sflag:s8] =	ssyncadd.s32 @p0 $0xFFFFE7A0;
	s8 =	sor.u32 @!p4 $0x1C02, s10;
	s10 =	sshrl.u32 @!p4 s15, $0x3  }
0x1da: {  	[hbm:s19@s12], [sflag:s8] =	dma.strided @!p4 [spmem:s10@s14], $0x140, s11, $0xa   }
0x1db: {  	s2 =	sadd.s32 $0x1, s2;
	s8 =	simm.s32 @!p4 $0x2  }
0x1dc: {  	p5 =	sne.s32 s2, s21;
	s10 =	simm.s32 @p2 $0x1;
	_ =	swait.ge @!p4 [sflag:s8], $0x140  }
0x1dd: {  	s11 =	simm.s32 @p2 $0x10;
	s12 =	simm.s32 @p2 $0xA;
	[sflag:s8] =	ssyncset.done @!p4 $0x0  }
0x1de: {  	s14 =	simm.s32 @p2 $0x1C02;
	[sflag:s8] =	ssyncadd.s32 @!p4 $0xFFFFFEC0;
	s8 =	sshrl.u32 @p2 s15, $0x3  }
0x1df: {  	[hbm:s20@s11], [sflag:s14] =	dma.strided @p2 [spmem:s8@s12], $0x140, s10, $0xa   }
.Ltmp3:
0x1e0: {  	_ = 	snop;
	(pc) =	sbr.rel @p5 .LBB2_1-.Ltmp3, $4  }
0x1e1: {  	s8 =	simm.s32 @p2 $0x2  }
0x1e2: {  	_ =	swait.ge @p2 [sflag:s8], $0x140  }
0x1e3: {  	[sflag:s8] =	ssyncset.done @p2 $0x0  }
0x1e4: {  	[sflag:s8] =	ssyncadd.s32 @p2 $0xFFFFFEC0  }
0x1e5: {  	_ =	sfence.sel $0x180000  }
0x1e6: {  	[bflag:$0x0] =	sbarrier.arrive $0xFFFF  }
0x1e7: {  	_ =	strace $0x90000047  }
0x1e8: {  	[bflag:$0x2] =	sbarrier.arrive $0xFFFF  }
0x1e9: {  	s0 =	rddreg [dreg:$0x2]  }
0x1ea: {  	s0 =	sadd.s32 @!p1 $0x100000, s0  }
0x1eb: {  	[sflag:s0] =	ssyncadd.tile.s32 @!p1 $0x1;
	_ =	shalt  }
.Lfunc_end2:
_tile_overlayer_lowered:
.L_overlay_start_2:
0x1ec: {  	(tag) =	ssettag $0x2  }
0x1ed: {  	s0 =	rddreg [dreg:$0x0];
	s2 =	stileid.u32  }
0x1ee: {  	s1 =	rddreg [dreg:$0x1];
	p0 =	sne.s32 s2, $0x0  }
0x1ef: {  	s3 =	rddreg [dreg:$0x2];
	[bflag:$0x3] =	sbarrier.arrive $0xFFFF;
	s2 =	simm.s32 @!p0 $0x1C02  }
0x1f0: {  	[timem:s3], [sflag:s2] =	dma.local @!p0 [hbm:s0], s1  }
0x1f1: {  	s0 =	simm.s32 @!p0 $0x2  }
0x1f2: {  	_ =	swait.ge @!p0 [sflag:s0], s1  }
0x1f3: {  	s1 =	ssub.s32 @!p0 $0x0, s1;
	[sflag:s0] =	ssyncset.done @!p0 $0x0  }
0x1f4: {  	[sflag:s0] =	ssyncadd.s32 @!p0 s1  }
0x1f5: {  	[bflag:$0x3] =	sbarrier.arrive $0xFFFF  }
0x1f6: {  	_ =	shalt  }

// kernel: kernel.16.cloned.1.call-start
scs
__scs_entry_jumppad:
0x0: {  	(pc) =	sbr.rel $0x88, $3  }
0x1: {  	(tag) =	ssettag $0x0;
	lr =	simm.s32 $0x1  }
0x2: {  	[smem:$0x3F8E] =	sst lr;
	_ =	strace $0xD0000000  }
0x3: {  	_ = 	snop  }
0x4: {  	_ = 	snop  }
0x5: {  	_ = 	snop  }
0x6: {  	_ = 	snop  }
0x7: {  	_ = 	snop  }
__scs_overlays_trampoline_lowered:
0x8: {  	[smem:$0x3F9D] =	sst s0  }
0x9: {  	[smem:$0x3F9E] =	sst s1  }
0xa: {  	[smem:$0x3F9F] =	sst s2  }
0xb: {  	[smem:$0x3FA0] =	sst s3  }
0xc: {  	[smem:$0x3FA1] =	sst s4  }
0xd: {  	[smem:$0x3FA2] =	sst s5  }
0xe: {  	[smem:$0x3FA3] =	sst s6  }
0xf: {  	[smem:$0x3FA4] =	sst s7  }
0x10: {  	[smem:$0x3FA5] =	sst s8  }
0x11: {  	[smem:$0x3FA6] =	sst s9;
	s0 =	simm.s32 @!p0 $0x0  }
0x12: {  	s1 =	sld [smem:$0x3F8C];
	s0 =	simm.s32 @p0 $0x1  }
0x13: {  	[smem:$0x3FA7] =	sst s0;
	s0 =	simm.s32 @!p1 $0x0  }
0x14: {  	s2 =	sld [smem:$0x3F8B];
	s0 =	simm.s32 @p1 $0x1  }
0x15: {  	[smem:$0x3FA8] =	sst s0;
	s0 =	simm.s32 @!p2 $0x0  }
0x16: {  	s3 =	sld [smem:$0x3FDB];
	s0 =	simm.s32 @p2 $0x1  }
0x17: {  	s4 =	simm.s32 $0x1BF5;
	[smem:$0x3FAA] =	sst s0  }
0x18: {  	s0 =	sld [smem:$0x3F8D];
	_ =	swait.ge [sflag:s4], $0x0  }
0x19: {  	s7 =	sld [smem:$0x3F8E]  }
0x1a: {  	s8 =	sadd.s32 $0xFFFFE003, lr  }
0x1b: {  	s9 =	sadd.s32 $0xFFFFFEF7, lr;
	s5 =	simm.s32 $0xFFFFFFFF;
	p2 =	slt.u32 s8, $0xFFFFF086  }
0x1c: {  	p1 =	slt.u32 s9, $0xF7A;
	s5 =	simm.s32 @!p2 $0x0  }
0x1d: {  	s5 =	simm.s32 @p1 $0x1;
	p0 =	seq.s32 s7, s2  }
0x1e: {  	s7 =	smul.u32 @!p0 $0xF7A, s2;
	p2 =	seq.s32 @!p0 s5, $0x0  }
0x1f: {  	s9 =	smul.u32 $0xF7A, s1;
	s8 =	simm.s32 @!p0 $0x1BF5;
	p2 =	por !p2, p0  }
0x20: {  	[sflag:s8] =	ssyncset.s32 @!p0 $0xFFFFF086;
	s6 =	sadd.s32 @!p0 s3, s7;
	s7 =	simm.s32 @!p0 $0x108  }
0x21: {  	s3 =	sadd.s32 s3, s9;
	s6 =	sadd.s32 @!p0 $0x88, s6;
	s7 =	simm.s32 @p2 $0x1082  }
0x22: {  	[simem:s7], [sflag:s8] =	dma.local @!p0 [hbm:s6], $0xF7A  }
0x23: {  	s9 =	sor.u32 $0xD0000000, s2;
	s6 =	simm.s32 $0x108;
	_ =	swait.ge @!p0 [sflag:s8], $0x0  }
0x24: {  	s3 =	sadd.s32 $0x88, s3;
	s6 =	simm.s32 @!p1 $0x1082;
	[sflag:s4] =	ssyncset.s32 $0xFFFFF086  }
0x25: {  	[simem:s6], [sflag:s4] =	dma.local [hbm:s3], $0xF7A  }
0x26: {  	[smem:$0x3F8E] =	sst s1;
	(tag) =	ssettag s2;
	_ =	strace s9  }
0x27: {  	s1 =	sld [smem:$0x3F9E]  }
0x28: {  	s2 =	sld [smem:$0x3F9F]  }
0x29: {  	s4 =	sld [smem:$0x3FA1]  }
0x2a: {  	p0 =	seq.s32 s5, $0x0;
	s5 =	sld [smem:$0x3FA2]  }
0x2b: {  	s6 =	sld [smem:$0x3FA3]  }
0x2c: {  	s7 =	sld [smem:$0x3FA4]  }
0x2d: {  	s3 =	simm.s32 $0x108;
	s8 =	sld [smem:$0x3FA5]  }
0x2e: {  	s3 =	simm.s32 @!p0 $0x1082;
	s9 =	sld [smem:$0x3FA6]  }
0x2f: {  	lr =	sadd.s32 s0, s3;
	s0 =	sld [smem:$0x3F9D]  }
0x30: {  	s3 =	sld [smem:$0x3FA0]  }
0x31: {  	[smem:$0x3FA9] =	sst s10  }
0x32: {  	s10 =	sld [smem:$0x3FA7];
	_ =	sdelay $0x3  }
0x33: {  	p0 =	seq.s32 s10, $0x1;
	s10 =	sld [smem:$0x3FA9];
	_ =	sdelay $0x3  }
0x34: {  	[smem:$0x3FA9] =	sst s10  }
0x35: {  	s10 =	sld [smem:$0x3FA8];
	_ =	sdelay $0x3  }
0x36: {  	p1 =	seq.s32 s10, $0x1;
	s10 =	sld [smem:$0x3FA9];
	_ =	sdelay $0x3  }
0x37: {  	[smem:$0x3FA9] =	sst s10  }
0x38: {  	s10 =	sld [smem:$0x3FAA]  }
0x39: {  	_ = 	snop;
	(pc) =	sbr.ind lr, $3  }
0x3a: {  	_ = 	snop  }
0x3b: {  	_ = 	snop  }
0x3c: {  	p2 =	seq.s32 s10, $0x1;
	s10 =	sld [smem:$0x3FA9]  }
0x3d: {  	_ =	shalt  }
0x3e: {  	_ =	shalt  }
0x3f: {  	_ =	shalt  }
0x40: {  	_ =	shalt  }
0x41: {  	_ =	shalt  }
0x42: {  	_ =	shalt  }
0x43: {  	_ =	shalt  }
0x44: {  	_ =	shalt  }
0x45: {  	_ =	shalt  }
0x46: {  	_ =	shalt  }
0x47: {  	_ =	shalt  }
0x48: {  	_ =	shalt  }
0x49: {  	_ =	shalt  }
0x4a: {  	_ =	shalt  }
0x4b: {  	_ =	shalt  }
0x4c: {  	_ =	shalt  }
0x4d: {  	_ =	shalt  }
0x4e: {  	_ =	shalt  }
0x4f: {  	_ =	shalt  }
0x50: {  	_ =	shalt  }
0x51: {  	_ =	shalt  }
0x52: {  	_ =	shalt  }
0x53: {  	_ =	shalt  }
0x54: {  	_ =	shalt  }
0x55: {  	_ =	shalt  }
0x56: {  	_ =	shalt  }
0x57: {  	_ =	shalt  }
0x58: {  	_ =	shalt  }
0x59: {  	_ =	shalt  }
0x5a: {  	_ =	shalt  }
0x5b: {  	_ =	shalt  }
0x5c: {  	_ =	shalt  }
0x5d: {  	_ =	shalt  }
0x5e: {  	_ =	shalt  }
0x5f: {  	_ =	shalt  }
0x60: {  	_ =	shalt  }
0x61: {  	_ =	shalt  }
0x62: {  	_ =	shalt  }
0x63: {  	_ =	shalt  }
0x64: {  	_ =	shalt  }
0x65: {  	_ =	shalt  }
0x66: {  	_ =	shalt  }
0x67: {  	_ =	shalt  }
0x68: {  	_ =	shalt  }
0x69: {  	_ =	shalt  }
0x6a: {  	_ =	shalt  }
0x6b: {  	_ =	shalt  }
0x6c: {  	_ =	shalt  }
0x6d: {  	_ =	shalt  }
0x6e: {  	_ =	shalt  }
0x6f: {  	_ =	shalt  }
0x70: {  	_ =	shalt  }
0x71: {  	_ =	shalt  }
0x72: {  	_ =	shalt  }
0x73: {  	_ =	shalt  }
0x74: {  	_ =	shalt  }
0x75: {  	_ =	shalt  }
0x76: {  	_ =	shalt  }
0x77: {  	_ =	shalt  }
0x78: {  	_ =	shalt  }
0x79: {  	_ =	shalt  }
0x7a: {  	_ =	shalt  }
0x7b: {  	_ =	shalt  }
0x7c: {  	_ =	shalt  }
0x7d: {  	_ =	shalt  }
0x7e: {  	_ =	shalt  }
0x7f: {  	_ =	shalt  }
0x80: {  	_ =	shalt  }
0x81: {  	_ =	shalt  }
0x82: {  	_ =	shalt  }
0x83: {  	_ =	shalt  }
0x84: {  	_ =	shalt  }
0x85: {  	_ =	shalt  }
0x86: {  	_ =	shalt  }
0x87: {  	_ =	shalt  }
.Lfunc_end0:
.L_simem_size_0:
called_computation.1_lowered:
.L_overlay_start_0:
0x88: {  	s2 =	sld [smem:$0x3FD9]  }
0x89: {  	s3 =	sld [smem:$0x3FFE];
	_ =	sdelay $0x1  }
0x8a: {  	s1 =	srdreg.scid  }
0x8b: {  	s0 =	sand.u32 $0x1, s1  }
0x8c: {  	s16 =	sshll.u32 s0, $0xA;
	s2 =	sadd.s32 s3, s2  }
0x8d: {  	s2 =	sadd.s32 s2, s16  }
0x8e: {  	[smem:$0x3FB5] =	sst s2  }
0x8f: {  	_ = 	snop  }
0x90: {  	(tm) =	ssettm $0x1  }
0x91: {  	s17 =	sld [smem:$0x3FFB];
	_ =	sdelay $0x3  }
0x92: {  	_ =	strace s17  }
0x93: {  	s2 =	sld [smem:$0x3FFC];
	_ =	sdelay $0x3  }
0x94: {  	_ =	strace s2  }
0x95: {  	s2 =	sld [smem:$0x3FFD];
	_ =	sdelay $0x3  }
0x96: {  	_ =	strace s2  }
0x97: {  	_ =	strace $0x8FFFFFFF  }
0x98: {  	s18 =	sld [smem:$0x3FDB];
	_ =	sdelay $0x1  }
0x99: {  	s19 =	simm.s32 $_scs_section_size  }
0x9a: {  	s4 =	simm.s32 $_size__tile_overlayer_lowered;
	s5 =	simm.s32 $_tile_overlayer_lowered  }
0x9b: {  	s22 =	simm.s32 $0x1BFF;
	s21 =	sshll.u32 s5, $0x1;
	s2 =	sadd.s32 s19, s18  }
0x9c: {  	s6 =	simm.s32 $0x0;
	s20 =	sshll.u32 s4, $0x1;
	s4 =	sadd.s32 s21, s2  }
0x9d: {  	[timem:s6], [sflag:s22] =	dma.local [hbm:s4], s20  }
0x9e: {  	_ =	swait.ge [sflag:s22], s20  }
0x9f: {  	s3 =	ssub.s32 $0x0, s20;
	[sflag:s22] =	ssyncset.done $0x0  }
0xa0: {  	[sflag:s22] =	ssyncadd.s32 s3;
	_ =	sdelay $0x1  }
0xa1: {  	s23 =	simm.s32 $0x1B8B  }
0xa2: {  	_ =	swait.ge [sflag:s23], $0x1  }
0xa3: {  	[sflag:s23] =	ssyncset.done $0x0  }
0xa4: {  	s25 =	simm.s32 $0x1B8E;
	s24 =	sld [smem:$0x3FFE];
	[sflag:s23] =	ssyncadd.s32 $0xFFFFFFFF  }
0xa5: {  	s26 =	simm.s32 $execute0_lowered;
	[smem:$0x3FD2] =	sst s25  }
0xa6: {  	s4 =	sshll.u32 s26, $0x1;
	_ =	strace $0x80000049;
	[dreg:$0x1] =	wrdreg $0xFFFFFFFF  }
0xa7: {  	s28 =	simm.s32 $_size_execute0_lowered;
	s2 =	sadd.s32 s2, s4;
	[dreg:$0x0] =	wrdreg $0x0  }
0xa8: {  	s4 =	sshll.u32 s28, $0x1;
	[dreg:$0x2] =	wrdreg s2  }
0xa9: {  	[dreg:$0x3] =	wrdreg s4  }
0xaa: {  	[dreg:$0x4] =	wrdreg $0xC0  }
0xab: {  	_ =	task [dreg:s6], $0x5FFFF  }
0xac: {  	[dreg:$0x1] =	wrdreg $0xFFFFFFFF  }
0xad: {  	[dreg:$0x0] =	wrdreg $0x60  }
0xae: {  	[dreg:$0x2] =	wrdreg s24  }
0xaf: {  	[dreg:$0x3] =	wrdreg $0x0  }
0xb0: {  	[dreg:$0x4] =	wrdreg $0x9  }
0xb1: {  	_ =	task.clear_ibuf [dreg:s6], $0x5FFFF;
	_ =	strace $0x90000049  }
0xb2: {  	s29 =	simm.s32 $0x9;
	_ =	strace $0x8000004B  }
0xb3: {  	_ =	swait.ge [sflag:s29], $0x1  }
0xb4: {  	[sflag:s29] =	ssyncadd.s32 $0xFFFFFFFF  }
0xb5: {  	_ =	strace $0x9000004B  }
0xb6: {  	_ =	sfence  }
0xb7: {  	s30 =	sld [smem:$0x0];
	_ =	sdelay $0x2  }
0xb8: {  	s31 =	sshll.u32 s1, $0xD;
	s1 =	sshrl.u32 s1, $0x2  }
0xb9: {  	s3 =	sand.u32 $0x4000, s31;
	s1 =	sadd.s32 s1, s30  }
0xba: {  	s0 =	sor.u32 s3, s0;
	s1 =	sshll.u32 s1, $0x11  }
0xbb: {  	s0 =	sor.u32 s1, s0  }
0xbc: {  	s0 =	sadd.s32 $0x8F2B, s0  }
0xbd: {  	[sflag:s0] =	ssyncadd.remote.s32 $0x1  }
0xbe: {  	_ =	sfence.sel $0xFFFF  }
0xbf: {  	[dreg:$0x0] =	wrdreg $0xFFFFFFFF;
	(pc) =	sbr.abs _section_cstart, $3  }
0xc0: {  	[dreg:$0x1] =	wrdreg $0xFFFFFFFF  }
0xc1: {  	_ =	task.clear_ibuf [dreg:s6], $0x2FFFF;
	_ =	strace $0x9FFFFFFF  }
0xc2: {  	(tm) =	ssettm $0x7FFFFFFF  }
0xc3: {  	_ =	shalt  }
tec
execute0_lowered:
.L_overlay_start_1:
0x0: {  	(tag) =	ssettag $0x1  }
0x1: {  	s0 =	rddreg [dreg:$0x0]  }
0x2: {  	s1 =	rddreg [dreg:$0x1];
	s2 =	simm.s32 $0x0;
	s5 =	stileid.u32  }
0x3: {  	s7 =	srdreg.scid;
	s28 =	simm.s32 $0x80;
	s29 =	simm.s32 $0x16220  }
0x4: {  	s30 =	simm.s32 $0x1;
	s31 =	simm.s32 $0xC3A0;
	[smem:$0x7FF] =	sst s2  }
0x5: {  	s3 =	sadd.s32 $0x38E00, s0;
	s4 =	sadd.s32 $0x2F000, s0;
	s8 =	smul.u32 $0x30C00, s5  }
0x6: {  	s6 =	sadd.s32 $0x42C00, s0;
	s9 =	sadd.s32 $0x2C800, s0;
	s15 =	smul.u32 $0x2700, s5  }
0x7: {  	s10 =	sadd.s32 $0x2DC00, s0;
	_ =	strace $0x8000004A;
	[dreg:$0x3] =	wrdreg s9  }
0x8: {  	s7 =	sand.u32 $0x1, s7;
	p1 =	seq.s32 s5, $0x0;
	[dreg:$0x4] =	wrdreg s10  }
0x9: {  	s16 =	ssub.s32 $0x2, s7;
	p0 =	seq.s32 s7, $0x1;
	s25 =	sor.u32 s7, s5  }
0xa: {  	s26 =	sshll.u32 s7, $0x6;
	p3 =	sne.s32 s7, $0x0;
	s7 =	simm.s32 $0x161A0  }
0xb: {  	s8 =	sshrl.u32 s8, $0x2;
	s11 =	sadd.s32 s15, s0;
	s12 =	sshrl.u32 s16, $0x1  }
0xc: {  	s15 =	sadd.s32 $0xC3000, s1;
	p1 =	por !p1, !p0;
	s13 =	sor.u32 $0x16320, s26  }
0xd: {  	p4 =	sne.s32 s25, $0x0;
	s25 =	simm.s32 $0x16020;
	s26 =	simm.s32 $0x160A0  }
0xe: {  	s9 =	sadd.s32 s8, s1;
	s17 =	ssub.s32 s16, s12;
	s24 =	sadd.s32 $0x69E00, s11  }
0xf: {  	s16 =	smul.u32 $0x4E80, s5;
	s19 =	sadd.s32 $0x2080, s9;
	[dreg:$0xa] =	wrdreg s24  }
0x10: {  	s18 =	sadd.s32 $0x91400, s11;
	s20 =	sadd.s32 $0x4100, s9;
	[dreg:$0x5] =	wrdreg s19  }
0x11: {  	p2 =	por !p1, !p1;
	s21 =	sadd.s32 $0x6180, s9;
	[dreg:$0x6] =	wrdreg s20  }
0x12: {  	p1 =	sne.s32 s5, $0x0;
	s22 =	sadd.s32 $0x8200, s9;
	[dreg:$0x7] =	wrdreg s21  }
0x13: {  	s23 =	sadd.s32 $0xA280, s9;
	s24 =	simm.s32 $0x2;
	[dreg:$0x8] =	wrdreg s22  }
0x14: {  	v0 =	vimm.f32 $0.0e+00;
	vm0 =	vcmask $0x300;
	vm1 =	vcmask $0x704;
	[dreg:$0x9] =	wrdreg s23;
	s19 =	sadd.s32 $0x90E00, s0;
	s20 =	sadd.s32 $0xB8400, s0  }
0x15: {  	v1 =	vsel vm0, $0x3F800000, v0;
	v2 =	vsel vm1, $0x3F800000, v0;
	s21 =	smax.u32 s17, $0x1;
	s23 =	simm.s32 $0x1A220;
	s0 =	simm.s32 $0x16120  }
.LBB2_1:
0x16: {  	s8 =	simm.s32 @!p3 $0x0;
	s10 =	simm.s32 @!p3 $0xC3A0;
	s11 =	rddreg [dreg:$0x3]  }
0x17: {  	[tilespmem:s10], [sflag:$0x2] =	stream.linear.gather @!p3 [hbm4b:s11+s8], $0x9C80, $0x38;
	[tilespmem:$0x1CA20] =	vst v63  }
0x18: {  	s8 =	simm.s32 @!p3 $0x2  }
0x19: {  	_ =	swait.ge @!p3 [sflag:s8], $0x9C80  }
0x1a: {  	s10 =	simm.s32 @p0 $0xC3A0;
	[sflag:s8] =	ssyncset.done @!p3 $0x0  }
0x1b: {  	s11 =	rddreg [dreg:$0x4];
	[sflag:s8] =	ssyncadd.s32 @!p3 $0xFFFF6380;
	s8 =	simm.s32 @p0 $0x0  }
0x1c: {  	[tilespmem:s10], [sflag:$0x2] =	stream.linear.gather @p0 [hbm4b:s11+s8], $0x9C80, $0x38;
	[tilespmem:$0x1CA20] =	vst v63  }
0x1d: {  	s8 =	simm.s32 @p0 $0x2  }
0x1e: {  	_ =	swait.ge @p0 [sflag:s8], $0x9C80  }
0x1f: {  	[sflag:s8] =	ssyncset.done @p0 $0x0  }
0x20: {  	s10 =	simm.s32 $0x140;
	[sflag:s8] =	ssyncadd.s32 @p0 $0xFFFF6380;
	s8 =	simm.s32 $0x0  }
.LBB2_2:
0x21: {  	p5 =	sne.s32 s10, $0x9EC0;
	[tilespmem:s8+$0x1A260] =	vst v0;
	s11 =	smov.u32 s10;
	s10 =	sadd.s32 $0x140, s10  }
.Ltmp0:
0x22: {  	[tilespmem:s8+$0x1A250] =	vst v0;
	(pc) =	sbr.rel @p5 .LBB2_2-.Ltmp0, $4  }
0x23: {  	[tilespmem:s8+$0x1A240] =	vst v0  }
0x24: {  	[tilespmem:s8+$0x1A220] =	vst v0  }
0x25: {  	[tilespmem:s8+$0x1A230] =	vst v0  }
0x26: {  	s8 =	sshra.s32 s11, $0x2  }
0x27: {  	[tilespmem:s8+$0x1A260] =	vst v0  }
0x28: {  	[tilespmem:s8+$0x1A250] =	vst v0  }
0x29: {  	[tilespmem:s8+$0x1A240] =	vst v0  }
0x2a: {  	[tilespmem:s8+$0x1A220] =	vst v0  }
0x2b: {  	[tilespmem:s8+$0x1A230] =	vst v0  }
0x2c: {  	[spmem:s9] =	stream.linear.scatter [tilespmem:s23], [sflag:$0x2], $0x2080, $0x38;
	[tilespmem:$0x1CA20] =	vst v63  }
0x2d: {  	_ =	swait.ge [sflag:s24], $0x2080  }
0x2e: {  	[sflag:s24] =	ssyncset.done $0x0  }
0x2f: {  	s11 =	rddreg [dreg:$0x5];
	[sflag:s24] =	ssyncadd.s32 $0xFFFFDF80  }
0x30: {  	[spmem:s11] =	stream.linear.scatter [tilespmem:s23], [sflag:$0x2], $0x2080, $0x38;
	[tilespmem:$0x1CA20] =	vst v63  }
0x31: {  	_ =	swait.ge [sflag:s24], $0x2080  }
0x32: {  	[sflag:s24] =	ssyncset.done $0x0  }
0x33: {  	s12 =	rddreg [dreg:$0x6];
	[sflag:s24] =	ssyncadd.s32 $0xFFFFDF80  }
0x34: {  	[spmem:s12] =	stream.linear.scatter [tilespmem:s23], [sflag:$0x2], $0x2080, $0x38;
	[tilespmem:$0x1CA20] =	vst v63  }
0x35: {  	_ =	swait.ge [sflag:s24], $0x2080  }
0x36: {  	[sflag:s24] =	ssyncset.done $0x0  }
0x37: {  	s14 =	rddreg [dreg:$0x7];
	[sflag:s24] =	ssyncadd.s32 $0xFFFFDF80  }
0x38: {  	[spmem:s14] =	stream.linear.scatter [tilespmem:s23], [sflag:$0x2], $0x2080, $0x38;
	[tilespmem:$0x1CA20] =	vst v63  }
0x39: {  	_ =	swait.ge [sflag:s24], $0x2080  }
0x3a: {  	[sflag:s24] =	ssyncset.done $0x0  }
0x3b: {  	s17 =	rddreg [dreg:$0x8];
	[sflag:s24] =	ssyncadd.s32 $0xFFFFDF80  }
0x3c: {  	[spmem:s17] =	stream.linear.scatter [tilespmem:s23], [sflag:$0x2], $0x2080, $0x38;
	[tilespmem:$0x1CA20] =	vst v63  }
0x3d: {  	_ =	swait.ge [sflag:s24], $0x2080  }
0x3e: {  	[sflag:s24] =	ssyncset.done $0x0  }
0x3f: {  	s22 =	rddreg [dreg:$0x9];
	[sflag:s24] =	ssyncadd.s32 $0xFFFFDF80  }
0x40: {  	[spmem:s22] =	stream.linear.scatter [tilespmem:s23], [sflag:$0x2], $0x2080, $0x38;
	[tilespmem:$0x1CA20] =	vst v63  }
0x41: {  	_ =	swait.ge [sflag:s24], $0x2080  }
0x42: {  	[sflag:s24] =	ssyncset.done $0x0  }
0x43: {  	s8 =	simm.s32 @!p1 $0x1A220;
	[sflag:s24] =	ssyncadd.s32 $0xFFFFDF80  }
0x44: {  	[spmem:s15] =	stream.linear.scatter @!p1 [tilespmem:s8], [sflag:$0x2], $0xA00, $0x38;
	[tilespmem:$0x1CA20] =	vst v63  }
0x45: {  	s8 =	simm.s32 @!p1 $0x2  }
0x46: {  	_ =	swait.ge @!p1 [sflag:s8], $0xA00  }
0x47: {  	[sflag:s8] =	ssyncset.done @!p1 $0x0  }
0x48: {  	[sflag:s8] =	ssyncadd.s32 @!p1 $0xFFFFF600  }
0x49: {  	s10 =	simm.s32 $0x0;
	s8 =	simm.s32 $0x0;
	[bflag:$0x0] =	sbarrier.arrive $0xFFFF  }
.LBB2_4:
0x4a: {  	s11 =	sshll.u32 s10, $0x7  }
0x4b: {  	s11 =	sadd.s32 s16, s11  }
0x4c: {  	s11 =	sshrl.u32 s11, $0x3  }
0x4d: {  	s12 =	sadd.s32 s3, s11  }
0x4e: {  	[tilespmem:s25], [sflag:$0x2] =	stream.linear.gather [hbm4b:s12+s8], $0x80, $0x38;
	[tilespmem:$0x1CA20] =	vst v63  }
0x4f: {  	_ =	swait.ge [sflag:s24], $0x80  }
0x50: {  	[sflag:s24] =	ssyncset.done $0x0  }
0x51: {  	s11 =	sadd.s32 s4, s11;
	[sflag:s24] =	ssyncadd.s32 $0xFFFFFF80  }
0x52: {  	[tilespmem:s26], [sflag:$0x2] =	stream.linear.gather [hbm4b:s11+s8], $0x80, $0x38;
	[tilespmem:$0x1CA20] =	vst v63  }
0x53: {  	_ =	swait.ge [sflag:s24], $0x80  }
0x54: {  	[sflag:s24] =	ssyncset.done $0x0  }
0x55: {  	[sflag:s24] =	ssyncadd.s32 $0xFFFFFF80  }
0x56: {  	[tilespmem:s29], [sflag:$0x1] =	stream.indirect.gather [hbm4b:s6+s28], $0x80, s25, s28, $0xb8;
	[tilespmem:$0x1CA20] =	vst v63  }
0x57: {  	_ =	swait.ge [sflag:s30], $0x4000  }
0x58: {  	[sflag:s30] =	ssyncset.done $0x0  }
0x59: {  	[sflag:s30] =	ssyncadd.s32 $0xFFFFC000  }
0x5a: {  	v3 =	vld [tilespmem:$0x16020]  }
0x5b: {  	v4 =	vld [tilespmem:$0x160A0];
	_ =	sdelay $0x4  }
0x5c: {  	v3 =	vshll.u32 v3, $0x2;
	v4 =	vshll.u32 v4, $0x2  }
0x5d: {  	v5 =	vor.u32 $0x2, v4  }
0x5e: {  	v6 =	vor.u32 $0x1, v3  }
0x5f: {  	v4 =	vor.u32 $0x3, v4;
	_ =	sdelay $0x1  }
0x60: {  	v3 =	vld.idx.msk [tilespmem:v3+s31+$0x0], $0xffff  }
0x61: {  	v5 =	vld.idx.msk [tilespmem:v5+s31+$0x0], $0xffff  }
0x62: {  	v6 =	vld.idx.msk [tilespmem:v6+s31+$0x0], $0xffff  }
0x63: {  	v4 =	vld.idx.msk [tilespmem:v4+s31+$0x0], $0xffff;
	_ =	sdelay $0x3  }
0x64: {  	v3 =	vadd.f32 v5, v3  }
0x65: {  	v4 =	vadd.f32 v4, v6  }
0x66: {  	v5 =	vmul.f32 $2.000000030e-01, v3  }
0x67: {  	vm0 =	vgt.f32 v3, $0.0e+00;
	v6 =	vmul.f32 $2.000000030e-01, v4  }
0x68: {  	vm13 =	vgt.f32 v4, $0.0e+00;
	v3 =	vsel vm0, v3, v5  }
0x69: {  	v4 =	vsel vm13, v4, v6;
	v3 =	vmul.f32 $1.442695020e+00, v3  }
0x6a: {  	v4 =	vmul.f32 $1.442695020e+00, v4  }
0x6b: {  	(erf) = vpow2.f32 v3  }
0x6c: {  	v3 =	vld [tilespmem:$0x16030];
	(erf) = vpow2.f32 v4  }
0x6d: {  	v4 =	vld [tilespmem:$0x160B0];
	_ =	sdelay $0x4  }
0x6e: {  	v3 =	vshll.u32 v3, $0x2;
	v4 =	vshll.u32 v4, $0x2  }
0x6f: {  	v5 =	vor.u32 $0x2, v4  }
0x70: {  	v7 =	vor.u32 $0x1, v3;
	v6 =	vpop (erf)  }
0x71: {  	v4 =	vor.u32 $0x3, v4;
	[tilespmem:$0x16120] =	vst v6;
	v6 =	vpop (erf)  }
0x72: {  	[tilespmem:$0x161A0] =	vst v6  }
0x73: {  	v3 =	vld.idx.msk [tilespmem:v3+s31+$0x0], $0xffff  }
0x74: {  	v5 =	vld.idx.msk [tilespmem:v5+s31+$0x0], $0xffff  }
0x75: {  	v6 =	vld.idx.msk [tilespmem:v7+s31+$0x0], $0xffff  }
0x76: {  	v4 =	vld.idx.msk [tilespmem:v4+s31+$0x0], $0xffff;
	_ =	sdelay $0x3  }
0x77: {  	v3 =	vadd.f32 v5, v3  }
0x78: {  	v4 =	vadd.f32 v4, v6  }
0x79: {  	v5 =	vmul.f32 $2.000000030e-01, v3  }
0x7a: {  	vm14 =	vgt.f32 v3, $0.0e+00;
	v6 =	vmul.f32 $2.000000030e-01, v4  }
0x7b: {  	vm15 =	vgt.f32 v4, $0.0e+00;
	v3 =	vsel vm14, v3, v5  }
0x7c: {  	v4 =	vsel vm15, v4, v6;
	v3 =	vmul.f32 $1.442695020e+00, v3  }
0x7d: {  	v4 =	vmul.f32 $1.442695020e+00, v4  }
0x7e: {  	(erf) = vpow2.f32 v3  }
0x7f: {  	v3 =	vld [tilespmem:$0x16040];
	(erf) = vpow2.f32 v4  }
0x80: {  	v4 =	vld [tilespmem:$0x160C0];
	_ =	sdelay $0x4  }
0x81: {  	v3 =	vshll.u32 v3, $0x2;
	v4 =	vshll.u32 v4, $0x2  }
0x82: {  	v5 =	vor.u32 $0x2, v4  }
0x83: {  	v7 =	vor.u32 $0x1, v3;
	v6 =	vpop (erf)  }
0x84: {  	v4 =	vor.u32 $0x3, v4;
	[tilespmem:$0x16130] =	vst v6;
	v6 =	vpop (erf)  }
0x85: {  	[tilespmem:$0x161B0] =	vst v6  }
0x86: {  	v3 =	vld.idx.msk [tilespmem:v3+s31+$0x0], $0xffff  }
0x87: {  	v5 =	vld.idx.msk [tilespmem:v5+s31+$0x0], $0xffff  }
0x88: {  	v6 =	vld.idx.msk [tilespmem:v7+s31+$0x0], $0xffff  }
0x89: {  	v4 =	vld.idx.msk [tilespmem:v4+s31+$0x0], $0xffff;
	_ =	sdelay $0x3  }
0x8a: {  	v3 =	vadd.f32 v5, v3  }
0x8b: {  	v4 =	vadd.f32 v4, v6  }
0x8c: {  	v5 =	vmul.f32 $2.000000030e-01, v3  }
0x8d: {  	vm4 =	vgt.f32 v3, $0.0e+00;
	v6 =	vmul.f32 $2.000000030e-01, v4  }
0x8e: {  	vm5 =	vgt.f32 v4, $0.0e+00;
	v3 =	vsel vm4, v3, v5  }
0x8f: {  	v4 =	vsel vm5, v4, v6;
	v3 =	vmul.f32 $1.442695020e+00, v3  }
0x90: {  	v4 =	vmul.f32 $1.442695020e+00, v4  }
0x91: {  	(erf) = vpow2.f32 v3  }
0x92: {  	v3 =	vld [tilespmem:$0x16050];
	(erf) = vpow2.f32 v4  }
0x93: {  	v4 =	vld [tilespmem:$0x160D0];
	_ =	sdelay $0x4  }
0x94: {  	v3 =	vshll.u32 v3, $0x2;
	v4 =	vshll.u32 v4, $0x2  }
0x95: {  	v5 =	vor.u32 $0x2, v4  }
0x96: {  	v7 =	vor.u32 $0x1, v3;
	v6 =	vpop (erf)  }
0x97: {  	v4 =	vor.u32 $0x3, v4;
	[tilespmem:$0x16140] =	vst v6;
	v6 =	vpop (erf)  }
0x98: {  	[tilespmem:$0x161C0] =	vst v6  }
0x99: {  	v3 =	vld.idx.msk [tilespmem:v3+s31+$0x0], $0xffff  }
0x9a: {  	v5 =	vld.idx.msk [tilespmem:v5+s31+$0x0], $0xffff  }
0x9b: {  	v6 =	vld.idx.msk [tilespmem:v7+s31+$0x0], $0xffff  }
0x9c: {  	v4 =	vld.idx.msk [tilespmem:v4+s31+$0x0], $0xffff;
	_ =	sdelay $0x3  }
0x9d: {  	v3 =	vadd.f32 v5, v3  }
0x9e: {  	v4 =	vadd.f32 v4, v6  }
0x9f: {  	v5 =	vmul.f32 $2.000000030e-01, v3  }
0xa0: {  	vm6 =	vgt.f32 v3, $0.0e+00;
	v6 =	vmul.f32 $2.000000030e-01, v4  }
0xa1: {  	vm7 =	vgt.f32 v4, $0.0e+00;
	v3 =	vsel vm6, v3, v5  }
0xa2: {  	v4 =	vsel vm7, v4, v6;
	v3 =	vmul.f32 $1.442695020e+00, v3  }
0xa3: {  	v4 =	vmul.f32 $1.442695020e+00, v4  }
0xa4: {  	(erf) = vpow2.f32 v3  }
0xa5: {  	v3 =	vld [tilespmem:$0x16060];
	(erf) = vpow2.f32 v4  }
0xa6: {  	v4 =	vld [tilespmem:$0x160E0];
	_ =	sdelay $0x4  }
0xa7: {  	v3 =	vshll.u32 v3, $0x2;
	v4 =	vshll.u32 v4, $0x2  }
0xa8: {  	v5 =	vor.u32 $0x2, v4  }
0xa9: {  	v7 =	vor.u32 $0x1, v3;
	v6 =	vpop (erf)  }
0xaa: {  	v4 =	vor.u32 $0x3, v4;
	[tilespmem:$0x16150] =	vst v6;
	v6 =	vpop (erf)  }
0xab: {  	[tilespmem:$0x161D0] =	vst v6  }
0xac: {  	v3 =	vld.idx.msk [tilespmem:v3+s31+$0x0], $0xffff  }
0xad: {  	v5 =	vld.idx.msk [tilespmem:v5+s31+$0x0], $0xffff  }
0xae: {  	v6 =	vld.idx.msk [tilespmem:v7+s31+$0x0], $0xffff  }
0xaf: {  	v4 =	vld.idx.msk [tilespmem:v4+s31+$0x0], $0xffff;
	_ =	sdelay $0x3  }
0xb0: {  	v3 =	vadd.f32 v5, v3  }
0xb1: {  	v4 =	vadd.f32 v4, v6  }
0xb2: {  	v5 =	vmul.f32 $2.000000030e-01, v3  }
0xb3: {  	vm8 =	vgt.f32 v3, $0.0e+00;
	v6 =	vmul.f32 $2.000000030e-01, v4  }
0xb4: {  	vm9 =	vgt.f32 v4, $0.0e+00;
	v3 =	vsel vm8, v3, v5  }
0xb5: {  	v4 =	vsel vm9, v4, v6;
	v3 =	vmul.f32 $1.442695020e+00, v3  }
0xb6: {  	v4 =	vmul.f32 $1.442695020e+00, v4  }
0xb7: {  	(erf) = vpow2.f32 v3  }
0xb8: {  	v3 =	vld [tilespmem:$0x16070];
	(erf) = vpow2.f32 v4  }
0xb9: {  	v4 =	vld [tilespmem:$0x160F0];
	_ =	sdelay $0x4  }
0xba: {  	v3 =	vshll.u32 v3, $0x2;
	v4 =	vshll.u32 v4, $0x2  }
0xbb: {  	v5 =	vor.u32 $0x2, v4  }
0xbc: {  	v7 =	vor.u32 $0x1, v3;
	v6 =	vpop (erf)  }
0xbd: {  	v4 =	vor.u32 $0x3, v4;
	[tilespmem:$0x16160] =	vst v6;
	v6 =	vpop (erf)  }
0xbe: {  	[tilespmem:$0x161E0] =	vst v6  }
0xbf: {  	v3 =	vld.idx.msk [tilespmem:v3+s31+$0x0], $0xffff  }
0xc0: {  	v5 =	vld.idx.msk [tilespmem:v5+s31+$0x0], $0xffff  }
0xc1: {  	v6 =	vld.idx.msk [tilespmem:v7+s31+$0x0], $0xffff  }
0xc2: {  	v4 =	vld.idx.msk [tilespmem:v4+s31+$0x0], $0xffff;
	_ =	sdelay $0x3  }
0xc3: {  	v3 =	vadd.f32 v5, v3  }
0xc4: {  	v4 =	vadd.f32 v4, v6  }
0xc5: {  	v5 =	vmul.f32 $2.000000030e-01, v3  }
0xc6: {  	vm10 =	vgt.f32 v3, $0.0e+00;
	v6 =	vmul.f32 $2.000000030e-01, v4  }
0xc7: {  	vm11 =	vgt.f32 v4, $0.0e+00;
	v3 =	vsel vm10, v3, v5  }
0xc8: {  	v4 =	vsel vm11, v4, v6;
	v3 =	vmul.f32 $1.442695020e+00, v3  }
0xc9: {  	v4 =	vmul.f32 $1.442695020e+00, v4  }
0xca: {  	(erf) = vpow2.f32 v3  }
0xcb: {  	v3 =	vld [tilespmem:$0x16080];
	(erf) = vpow2.f32 v4  }
0xcc: {  	v4 =	vld [tilespmem:$0x16100];
	_ =	sdelay $0x4  }
0xcd: {  	v3 =	vshll.u32 v3, $0x2;
	v4 =	vshll.u32 v4, $0x2  }
0xce: {  	v5 =	vor.u32 $0x2, v4  }
0xcf: {  	v7 =	vor.u32 $0x1, v3;
	v6 =	vpop (erf)  }
0xd0: {  	v4 =	vor.u32 $0x3, v4;
	[tilespmem:$0x16170] =	vst v6;
	v6 =	vpop (erf)  }
0xd1: {  	[tilespmem:$0x161F0] =	vst v6  }
0xd2: {  	v3 =	vld.idx.msk [tilespmem:v3+s31+$0x0], $0xffff  }
0xd3: {  	v5 =	vld.idx.msk [tilespmem:v5+s31+$0x0], $0xffff  }
0xd4: {  	v6 =	vld.idx.msk [tilespmem:v7+s31+$0x0], $0xffff  }
0xd5: {  	v4 =	vld.idx.msk [tilespmem:v4+s31+$0x0], $0xffff;
	_ =	sdelay $0x3  }
0xd6: {  	v3 =	vadd.f32 v5, v3  }
0xd7: {  	v4 =	vadd.f32 v4, v6  }
0xd8: {  	v5 =	vmul.f32 $2.000000030e-01, v3  }
0xd9: {  	vm12 =	vgt.f32 v3, $0.0e+00;
	v6 =	vmul.f32 $2.000000030e-01, v4  }
0xda: {  	vm13 =	vgt.f32 v4, $0.0e+00;
	v3 =	vsel vm12, v3, v5  }
0xdb: {  	v4 =	vsel vm13, v4, v6;
	v3 =	vmul.f32 $1.442695020e+00, v3  }
0xdc: {  	v4 =	vmul.f32 $1.442695020e+00, v4  }
0xdd: {  	(erf) = vpow2.f32 v3  }
0xde: {  	v3 =	vld [tilespmem:$0x16090];
	(erf) = vpow2.f32 v4  }
0xdf: {  	v4 =	vld [tilespmem:$0x16110];
	_ =	sdelay $0x4  }
0xe0: {  	v3 =	vshll.u32 v3, $0x2;
	v4 =	vshll.u32 v4, $0x2  }
0xe1: {  	v5 =	vor.u32 $0x2, v4  }
0xe2: {  	v7 =	vor.u32 $0x1, v3;
	v6 =	vpop (erf)  }
0xe3: {  	v4 =	vor.u32 $0x3, v4;
	[tilespmem:$0x16180] =	vst v6;
	v6 =	vpop (erf)  }
0xe4: {  	[tilespmem:$0x16200] =	vst v6  }
0xe5: {  	v3 =	vld.idx.msk [tilespmem:v3+s31+$0x0], $0xffff  }
0xe6: {  	v5 =	vld.idx.msk [tilespmem:v5+s31+$0x0], $0xffff  }
0xe7: {  	v6 =	vld.idx.msk [tilespmem:v7+s31+$0x0], $0xffff  }
0xe8: {  	v4 =	vld.idx.msk [tilespmem:v4+s31+$0x0], $0xffff;
	_ =	sdelay $0x3  }
0xe9: {  	v3 =	vadd.f32 v5, v3  }
0xea: {  	v4 =	vadd.f32 v4, v6  }
0xeb: {  	v5 =	vmul.f32 $2.000000030e-01, v3  }
0xec: {  	vm14 =	vgt.f32 v3, $0.0e+00;
	v6 =	vmul.f32 $2.000000030e-01, v4  }
0xed: {  	vm15 =	vgt.f32 v4, $0.0e+00;
	v3 =	vsel vm14, v3, v5  }
0xee: {  	v4 =	vsel vm15, v4, v6;
	v3 =	vmul.f32 $1.442695020e+00, v3  }
0xef: {  	v4 =	vmul.f32 $1.442695020e+00, v4  }
0xf0: {  	(erf) = vpow2.f32 v3  }
0xf1: {  	(erf) = vpow2.f32 v4;
	_ =	sdelay $0x2  }
0xf2: {  	v3 =	vmov s8  }
0xf3: {  	v3 =	vand.u32 $0xFFFFFFFC, v3  }
0xf4: {  	v3 =	vbroadcast v3, $0x0;
	_ =	sdelay $0x2  }
0xf5: {  	v4 =	vpop (erf)  }
0xf6: {  	[tilespmem:$0x16190] =	vst v4;
	v4 =	vpop (erf)  }
0xf7: {  	[tilespmem:$0x16210] =	vst v4  }
0xf8: {  	v4 =	vld.idx.msk [tilespmem:v3+s0+$0x0], $0xffff  }
0xf9: {  	v5 =	vld [tilespmem:s13+$0xFFFFFF00];
	_ =	sdelay $0x4  }
0xfa: {  	v5 =	vmul.f32 v5, v4  }
0xfb: {  	s11 =	simm.s32 $0x1A2C0  }
0xfc: {  	v3 =	vld.idx.msk [tilespmem:v3+s7+$0x0], $0xffff;
	[tilespmem:s11+$0xFFFFFF60] =	vst v5  }
0xfd: {  	v5 =	vld [tilespmem:s13+$0xFFFFFF10];
	_ =	sdelay $0x4  }
0xfe: {  	v5 =	vmul.f32 v5, v4;
	_ =	sdelay $0x1  }
0xff: {  	[tilespmem:s11+$0xFFFFFF70] =	vst v5  }
0x100: {  	v5 =	vld [tilespmem:s13+$0xFFFFFF20];
	_ =	sdelay $0x4  }
0x101: {  	v5 =	vmul.f32 v5, v3  }
0x102: {  	s14 =	simm.s32 $0x1  }
0x103: {  	v6 =	vmov s14;
	[tilespmem:s11+$0xFFFFFF80] =	vst v5  }
0x104: {  	v6 =	vand.u32 $0xFFFFFFFD, v6;
	v5 =	vld [tilespmem:s13+$0xFFFFFF30]  }
0x105: {  	v6 =	vbroadcast v6, $0x0  }
0x106: {  	v7 =	vmul.f32 v2, v3;
	v4 =	vmul.f32 v1, v4;
	_ =	sdelay $0x1  }
0x107: {  	v4 =	vadd.f32 v7, v4  }
0x108: {  	v3 =	vmul.f32 v5, v3  }
0x109: {  	[tilespmem:s11+$0xFFFFFFA0] =	vst v4  }
0x10a: {  	[tilespmem:s11+$0xFFFFFF90] =	vst v3  }
0x10b: {  	v3 =	vld.idx.msk [tilespmem:v6+s0+$0x0], $0xffff  }
0x10c: {  	v4 =	vld [tilespmem:s13+$0xFFFFFF80];
	_ =	sdelay $0x4  }
0x10d: {  	v4 =	vmul.f32 v4, v3;
	_ =	sdelay $0x1  }
0x10e: {  	v5 =	vld.idx.msk [tilespmem:v6+s7+$0x0], $0xffff;
	[tilespmem:s11+$0xFFFFFFB0] =	vst v4  }
0x10f: {  	v4 =	vld [tilespmem:s13+$0xFFFFFF90];
	_ =	sdelay $0x4  }
0x110: {  	v4 =	vmul.f32 v4, v3;
	_ =	sdelay $0x1  }
0x111: {  	[tilespmem:s11+$0xFFFFFFC0] =	vst v4  }
0x112: {  	v4 =	vld [tilespmem:s13+$0xFFFFFFA0];
	_ =	sdelay $0x4  }
0x113: {  	v4 =	vmul.f32 v4, v5  }
0x114: {  	s17 =	simm.s32 $0x2  }
0x115: {  	v6 =	vmov s17;
	[tilespmem:s11+$0xFFFFFFD0] =	vst v4  }
0x116: {  	v6 =	vand.u32 $0xFFFFFFFE, v6;
	v4 =	vld [tilespmem:s13+$0xFFFFFFB0]  }
0x117: {  	v6 =	vbroadcast v6, $0x0  }
0x118: {  	v7 =	vmul.f32 v2, v5;
	v3 =	vmul.f32 v1, v3;
	_ =	sdelay $0x1  }
0x119: {  	v3 =	vadd.f32 v7, v3  }
0x11a: {  	v4 =	vmul.f32 v4, v5  }
0x11b: {  	[tilespmem:s11+$0xFFFFFFF0] =	vst v3  }
0x11c: {  	[tilespmem:s11+$0xFFFFFFE0] =	vst v4  }
0x11d: {  	v3 =	vld.idx.msk [tilespmem:v6+s0+$0x0], $0xffff  }
0x11e: {  	v4 =	vld [tilespmem:s13+$0x0];
	_ =	sdelay $0x4  }
0x11f: {  	v4 =	vmul.f32 v4, v3;
	_ =	sdelay $0x1  }
0x120: {  	v5 =	vld.idx.msk [tilespmem:v6+s7+$0x0], $0xffff;
	[tilespmem:s11+$0x0] =	vst v4  }
0x121: {  	v4 =	vld [tilespmem:s13+$0x10];
	_ =	sdelay $0x4  }
0x122: {  	v4 =	vmul.f32 v4, v3;
	_ =	sdelay $0x1  }
0x123: {  	[tilespmem:s11+$0x10] =	vst v4  }
0x124: {  	v4 =	vld [tilespmem:s13+$0x20];
	_ =	sdelay $0x4  }
0x125: {  	v4 =	vmul.f32 v4, v5;
	_ =	sdelay $0x1  }
0x126: {  	[tilespmem:s11+$0x20] =	vst v4  }
0x127: {  	v4 =	vld [tilespmem:s13+$0x30];
	_ =	sdelay $0x1  }
0x128: {  	s22 =	simm.s32 $0x3;
	v6 =	vmul.f32 v2, v5;
	v3 =	vmul.f32 v1, v3  }
0x129: {  	v7 =	vmov s22  }
0x12a: {  	v3 =	vadd.f32 v6, v3  }
0x12b: {  	v4 =	vmul.f32 v4, v5  }
0x12c: {  	[tilespmem:s11+$0x40] =	vst v3  }
0x12d: {  	[tilespmem:s11+$0x30] =	vst v4  }
0x12e: {  	v4 =	vld.idx.msk [tilespmem:v7+s0+$0x0], $0xffff  }
0x12f: {  	v3 =	vld [tilespmem:s13+$0x80];
	_ =	sdelay $0x4  }
0x130: {  	v5 =	vmul.f32 v3, v4;
	_ =	sdelay $0x1  }
0x131: {  	v3 =	vld.idx.msk [tilespmem:v7+s7+$0x0], $0xffff;
	[tilespmem:s11+$0x50] =	vst v5  }
0x132: {  	v5 =	vld [tilespmem:s13+$0x90];
	_ =	sdelay $0x4  }
0x133: {  	v5 =	vmul.f32 v5, v4;
	_ =	sdelay $0x1  }
0x134: {  	[tilespmem:s11+$0x60] =	vst v5  }
0x135: {  	v5 =	vld [tilespmem:s13+$0xA0];
	_ =	sdelay $0x3  }
0x136: {  	v6 =	vmul.f32 v2, v3;
	v4 =	vmul.f32 v1, v4  }
0x137: {  	v5 =	vmul.f32 v5, v3  }
0x138: {  	v6 =	vadd.f32 v6, v4  }
0x139: {  	s12 =	simm.s32 $0x4;
	[tilespmem:s11+$0x70] =	vst v5  }
0x13a: {  	s14 =	simm.s32 $0x8;
	s22 =	smov.u32 s13;
	v5 =	vmov s12;
	v4 =	vld [tilespmem:s13+$0xB0];
	[tilespmem:s11+$0x90] =	vst v6  }
.LBB2_5:
0x13b: {  	p5 =	slt.u32 s14, $0x7C;
	v5 =	vand.u32 $0xFFFFFFFC, v5  }
0x13c: {  	v5 =	vbroadcast v5, $0x0;
	_ =	sdelay $0x2  }
0x13d: {  	v3 =	vmul.f32 v4, v3;
	_ =	sdelay $0x1  }
0x13e: {  	[tilespmem:s11+$0x80] =	vst v3  }
0x13f: {  	s22 =	sadd.s32 $0x200, s22;
	v3 =	vld.idx.msk [tilespmem:v5+s0+$0x0], $0xffff  }
0x140: {  	v4 =	vld [tilespmem:s22+$0xFFFFFF00];
	_ =	sdelay $0x4  }
0x141: {  	v6 =	vmul.f32 v1, v3;
	v4 =	vmul.f32 v4, v3  }
0x142: {  	s11 =	sadd.s32 $0x140, s11  }
0x143: {  	v5 =	vld.idx.msk [tilespmem:v5+s7+$0x0], $0xffff;
	[tilespmem:s11+$0xFFFFFF60] =	vst v4  }
0x144: {  	v4 =	vld [tilespmem:s22+$0xFFFFFF10];
	_ =	sdelay $0x4  }
0x145: {  	v3 =	vmul.f32 v4, v3;
	_ =	sdelay $0x1  }
0x146: {  	[tilespmem:s11+$0xFFFFFF70] =	vst v3  }
0x147: {  	v3 =	vld [tilespmem:s22+$0xFFFFFF20];
	_ =	sdelay $0x4  }
0x148: {  	v3 =	vmul.f32 v3, v5;
	_ =	sdelay $0x1  }
0x149: {  	s17 =	sadd.s32 $0x1, s12;
	[tilespmem:s11+$0xFFFFFF80] =	vst v3  }
0x14a: {  	v4 =	vmov s17;
	v3 =	vld [tilespmem:s22+$0xFFFFFF30]  }
0x14b: {  	v4 =	vand.u32 $0xFFFFFFFD, v4  }
0x14c: {  	v7 =	vmul.f32 v2, v5;
	v4 =	vbroadcast v4, $0x0;
	_ =	sdelay $0x1  }
0x14d: {  	v6 =	vadd.f32 v7, v6  }
0x14e: {  	v3 =	vmul.f32 v3, v5  }
0x14f: {  	[tilespmem:s11+$0xFFFFFFA0] =	vst v6  }
0x150: {  	[tilespmem:s11+$0xFFFFFF90] =	vst v3  }
0x151: {  	v3 =	vld.idx.msk [tilespmem:v4+s0+$0x0], $0xffff  }
0x152: {  	v5 =	vld [tilespmem:s22+$0xFFFFFF80];
	_ =	sdelay $0x4  }
0x153: {  	v6 =	vmul.f32 v1, v3;
	v5 =	vmul.f32 v5, v3;
	_ =	sdelay $0x1  }
0x154: {  	v4 =	vld.idx.msk [tilespmem:v4+s7+$0x0], $0xffff;
	[tilespmem:s11+$0xFFFFFFB0] =	vst v5  }
0x155: {  	v5 =	vld [tilespmem:s22+$0xFFFFFF90];
	_ =	sdelay $0x4  }
0x156: {  	v3 =	vmul.f32 v5, v3;
	_ =	sdelay $0x1  }
0x157: {  	[tilespmem:s11+$0xFFFFFFC0] =	vst v3  }
0x158: {  	v3 =	vld [tilespmem:s22+$0xFFFFFFA0];
	_ =	sdelay $0x4  }
0x159: {  	v3 =	vmul.f32 v3, v4;
	_ =	sdelay $0x1  }
0x15a: {  	s17 =	sadd.s32 $0x2, s12;
	[tilespmem:s11+$0xFFFFFFD0] =	vst v3  }
0x15b: {  	v5 =	vmov s17;
	v3 =	vld [tilespmem:s22+$0xFFFFFFB0]  }
0x15c: {  	v5 =	vand.u32 $0xFFFFFFFE, v5  }
0x15d: {  	v7 =	vmul.f32 v2, v4;
	v5 =	vbroadcast v5, $0x0;
	_ =	sdelay $0x1  }
0x15e: {  	v6 =	vadd.f32 v7, v6  }
0x15f: {  	v3 =	vmul.f32 v3, v4  }
0x160: {  	[tilespmem:s11+$0xFFFFFFF0] =	vst v6  }
0x161: {  	[tilespmem:s11+$0xFFFFFFE0] =	vst v3  }
0x162: {  	v3 =	vld.idx.msk [tilespmem:v5+s0+$0x0], $0xffff  }
0x163: {  	v4 =	vld [tilespmem:s22+$0x0];
	_ =	sdelay $0x4  }
0x164: {  	v4 =	vmul.f32 v4, v3;
	_ =	sdelay $0x1  }
0x165: {  	v5 =	vld.idx.msk [tilespmem:v5+s7+$0x0], $0xffff;
	[tilespmem:s11+$0x0] =	vst v4  }
0x166: {  	v4 =	vld [tilespmem:s22+$0x10];
	_ =	sdelay $0x4  }
0x167: {  	v6 =	vmul.f32 v2, v5;
	v4 =	vmul.f32 v4, v3;
	_ =	sdelay $0x1  }
0x168: {  	[tilespmem:s11+$0x10] =	vst v4  }
0x169: {  	v4 =	vld [tilespmem:s22+$0x20];
	_ =	sdelay $0x4  }
0x16a: {  	v4 =	vmul.f32 v4, v5;
	_ =	sdelay $0x1  }
0x16b: {  	[tilespmem:s11+$0x20] =	vst v4  }
0x16c: {  	v4 =	vld [tilespmem:s22+$0x30];
	_ =	sdelay $0x1  }
0x16d: {  	s17 =	sadd.s32 $0x3, s12;
	s12 =	smov.u32 s14;
	v3 =	vmul.f32 v1, v3  }
0x16e: {  	v7 =	vmov s17  }
0x16f: {  	v3 =	vadd.f32 v6, v3  }
0x170: {  	v4 =	vmul.f32 v4, v5  }
0x171: {  	[tilespmem:s11+$0x40] =	vst v3  }
0x172: {  	[tilespmem:s11+$0x30] =	vst v4  }
0x173: {  	v4 =	vld.idx.msk [tilespmem:v7+s0+$0x0], $0xffff  }
0x174: {  	v3 =	vld [tilespmem:s22+$0x80];
	_ =	sdelay $0x4  }
0x175: {  	v6 =	vmul.f32 v1, v4;
	v5 =	vmul.f32 v3, v4;
	_ =	sdelay $0x1  }
0x176: {  	v3 =	vld.idx.msk [tilespmem:v7+s7+$0x0], $0xffff;
	[tilespmem:s11+$0x50] =	vst v5  }
0x177: {  	v5 =	vld [tilespmem:s22+$0x90];
	_ =	sdelay $0x4  }
0x178: {  	v4 =	vmul.f32 v5, v4;
	v5 =	vmul.f32 v2, v3;
	_ =	sdelay $0x1  }
0x179: {  	[tilespmem:s11+$0x60] =	vst v4;
	v6 =	vadd.f32 v5, v6  }
0x17a: {  	v4 =	vld [tilespmem:s22+$0xA0];
	_ =	sdelay $0x3  }
.Ltmp1:
0x17b: {  	(pc) =	sbr.rel @p5 .LBB2_5-.Ltmp1, $3  }
0x17c: {  	v4 =	vmul.f32 v4, v3;
	_ =	sdelay $0x1  }
0x17d: {  	[tilespmem:s11+$0x70] =	vst v4  }
0x17e: {  	s14 =	sadd.s32 $0x4, s14;
	v5 =	vmov s12;
	v4 =	vld [tilespmem:s22+$0xB0];
	[tilespmem:s11+$0x90] =	vst v6  }
0x17f: {  	v5 =	vand.u32 $0xFFFFFFFC, v5  }
0x180: {  	v5 =	vbroadcast v5, $0x0;
	_ =	sdelay $0x2  }
0x181: {  	v3 =	vmul.f32 v4, v3;
	_ =	sdelay $0x1  }
0x182: {  	[tilespmem:s11+$0x80] =	vst v3  }
0x183: {  	s14 =	sadd.s32 $0x200, s22;
	v3 =	vld.idx.msk [tilespmem:v5+s0+$0x0], $0xffff  }
0x184: {  	v56 =	vld [tilespmem:s14+$0xFFFFFF00];
	_ =	sdelay $0x4  }
0x185: {  	v4 =	vmul.f32 v56, v3  }
0x186: {  	s11 =	sadd.s32 $0x140, s11  }
0x187: {  	v5 =	vld.idx.msk [tilespmem:v5+s7+$0x0], $0xffff;
	[tilespmem:s11+$0xFFFFFF60] =	vst v4  }
0x188: {  	v4 =	vld [tilespmem:s14+$0xFFFFFF10];
	_ =	sdelay $0x4  }
0x189: {  	v4 =	vmul.f32 v4, v3;
	_ =	sdelay $0x1  }
0x18a: {  	[tilespmem:s11+$0xFFFFFF70] =	vst v4  }
0x18b: {  	v4 =	vld [tilespmem:s14+$0xFFFFFF20];
	_ =	sdelay $0x4  }
0x18c: {  	v4 =	vmul.f32 v4, v5  }
0x18d: {  	s17 =	sadd.s32 $0x1, s12  }
0x18e: {  	v6 =	vmov s17;
	[tilespmem:s11+$0xFFFFFF80] =	vst v4  }
0x18f: {  	v6 =	vand.u32 $0xFFFFFFFD, v6;
	v4 =	vld [tilespmem:s14+$0xFFFFFF30]  }
0x190: {  	v6 =	vbroadcast v6, $0x0  }
0x191: {  	v7 =	vmul.f32 v2, v5;
	v3 =	vmul.f32 v1, v3;
	_ =	sdelay $0x1  }
0x192: {  	v3 =	vadd.f32 v7, v3  }
0x193: {  	v4 =	vmul.f32 v4, v5  }
0x194: {  	[tilespmem:s11+$0xFFFFFFA0] =	vst v3  }
0x195: {  	[tilespmem:s11+$0xFFFFFF90] =	vst v4  }
0x196: {  	v3 =	vld.idx.msk [tilespmem:v6+s0+$0x0], $0xffff  }
0x197: {  	v4 =	vld [tilespmem:s14+$0xFFFFFF80];
	_ =	sdelay $0x4  }
0x198: {  	v4 =	vmul.f32 v4, v3;
	_ =	sdelay $0x1  }
0x199: {  	v57 =	vld.idx.msk [tilespmem:v6+s7+$0x0], $0xffff;
	[tilespmem:s11+$0xFFFFFFB0] =	vst v4  }
0x19a: {  	v4 =	vld [tilespmem:s14+$0xFFFFFF90];
	_ =	sdelay $0x4  }
0x19b: {  	v4 =	vmul.f32 v4, v3;
	_ =	sdelay $0x1  }
0x19c: {  	[tilespmem:s11+$0xFFFFFFC0] =	vst v4  }
0x19d: {  	v4 =	vld [tilespmem:s14+$0xFFFFFFA0];
	_ =	sdelay $0x4  }
0x19e: {  	v4 =	vmul.f32 v4, v57  }
0x19f: {  	s22 =	sadd.s32 $0x2, s12  }
0x1a0: {  	v58 =	vmov s22;
	[tilespmem:s11+$0xFFFFFFD0] =	vst v4  }
0x1a1: {  	v6 =	vand.u32 $0xFFFFFFFE, v58;
	v4 =	vld [tilespmem:s14+$0xFFFFFFB0]  }
0x1a2: {  	v6 =	vbroadcast v6, $0x0  }
0x1a3: {  	v59 =	vmul.f32 v2, v57;
	v3 =	vmul.f32 v1, v3;
	_ =	sdelay $0x1  }
0x1a4: {  	v3 =	vadd.f32 v59, v3  }
0x1a5: {  	v4 =	vmul.f32 v4, v57  }
0x1a6: {  	[tilespmem:s11+$0xFFFFFFF0] =	vst v3  }
0x1a7: {  	[tilespmem:s11+$0xFFFFFFE0] =	vst v4  }
0x1a8: {  	v3 =	vld.idx.msk [tilespmem:v6+s0+$0x0], $0xffff  }
0x1a9: {  	v4 =	vld [tilespmem:s14+$0x0];
	_ =	sdelay $0x4  }
0x1aa: {  	v4 =	vmul.f32 v4, v3;
	_ =	sdelay $0x1  }
0x1ab: {  	v60 =	vld.idx.msk [tilespmem:v6+s7+$0x0], $0xffff;
	[tilespmem:s11+$0x0] =	vst v4  }
0x1ac: {  	v4 =	vld [tilespmem:s14+$0x10];
	_ =	sdelay $0x4  }
0x1ad: {  	v4 =	vmul.f32 v4, v3;
	_ =	sdelay $0x1  }
0x1ae: {  	[tilespmem:s11+$0x10] =	vst v4  }
0x1af: {  	v4 =	vld [tilespmem:s14+$0x20];
	_ =	sdelay $0x4  }
0x1b0: {  	v4 =	vmul.f32 v4, v60;
	_ =	sdelay $0x1  }
0x1b1: {  	[tilespmem:s11+$0x20] =	vst v4  }
0x1b2: {  	v4 =	vld [tilespmem:s14+$0x30];
	_ =	sdelay $0x1  }
0x1b3: {  	s22 =	sadd.s32 $0x3, s12;
	v6 =	vmul.f32 v2, v60;
	v3 =	vmul.f32 v1, v3  }
0x1b4: {  	v61 =	vmov s22  }
0x1b5: {  	v3 =	vadd.f32 v6, v3  }
0x1b6: {  	v4 =	vmul.f32 v4, v60  }
0x1b7: {  	[tilespmem:s11+$0x40] =	vst v3  }
0x1b8: {  	[tilespmem:s11+$0x30] =	vst v4  }
0x1b9: {  	v3 =	vld.idx.msk [tilespmem:v61+s0+$0x0], $0xffff  }
0x1ba: {  	v4 =	vld [tilespmem:s14+$0x80];
	_ =	sdelay $0x4  }
0x1bb: {  	v4 =	vmul.f32 v4, v3;
	_ =	sdelay $0x1  }
0x1bc: {  	v62 =	vld.idx.msk [tilespmem:v61+s7+$0x0], $0xffff;
	[tilespmem:s11+$0x50] =	vst v4  }
0x1bd: {  	v4 =	vld [tilespmem:s14+$0x90];
	_ =	sdelay $0x4  }
0x1be: {  	v4 =	vmul.f32 v4, v3;
	_ =	sdelay $0x1  }
0x1bf: {  	[tilespmem:s11+$0x60] =	vst v4  }
0x1c0: {  	v4 =	vld [tilespmem:s14+$0xA0];
	_ =	sdelay $0x4  }
0x1c1: {  	v4 =	vmul.f32 v4, v62;
	_ =	sdelay $0x1  }
0x1c2: {  	[tilespmem:s11+$0x70] =	vst v4  }
0x1c3: {  	v4 =	vld [tilespmem:s14+$0xB0];
	_ =	sdelay $0x1  }
0x1c4: {  	v63 =	vmul.f32 v2, v62;
	v3 =	vmul.f32 v1, v3;
	_ =	sdelay $0x1  }
0x1c5: {  	v3 =	vadd.f32 v63, v3  }
0x1c6: {  	s10 =	sadd.s32 $0x1, s10;
	v4 =	vmul.f32 v4, v62  }
0x1c7: {  	p5 =	sne.s32 s10, $0x9D;
	[tilespmem:s11+$0x90] =	vst v3  }
.Ltmp2:
0x1c8: {  	[tilespmem:s11+$0x80] =	vst v4;
	(pc) =	sbr.rel @p5 .LBB2_4-.Ltmp2, $4  }
0x1c9: {  	[spmem:s1] =	stream.indirect.scatter.add.f32 [tilespmem:s23], [sflag:$0x2], $0x50, s26, s28, $0xb8;
	[tilespmem:$0x1CA20] =	vst v63  }
0x1ca: {  	_ =	swait.ge [sflag:s24], $0x2800  }
0x1cb: {  	[sflag:s24] =	ssyncset.done $0x0  }
0x1cc: {  	[sflag:s24] =	ssyncadd.s32 $0xFFFFD800  }
0x1cd: {  	s8 =	sshll.u32 @!p3 s5, $0x6;
	[bflag:$0x0] =	sbarrier.arrive $0xFFFF  }
0x1ce: {  	s10 =	sshrl.u32 @!p3 s9, $0x3;
	s11 =	simm.s32 @!p3 $0x1;
	s12 =	simm.s32 @!p3 $0x10  }
0x1cf: {  	s14 =	simm.s32 @!p3 $0xA;
	s8 =	sor.u32 @!p3 $0x1C02, s8;
	s17 =	rddreg [dreg:$0xa]  }
0x1d0: {  	[hbm:s17@s12], [sflag:s8] =	dma.strided @!p3 [spmem:s10@s14], $0x1860, s11, $0xa   }
0x1d1: {  	s8 =	simm.s32 @!p3 $0x2  }
0x1d2: {  	s10 =	sshll.u32 @p0 s5, $0x6;
	s11 =	simm.s32 @p0 $0x1;
	_ =	swait.ge @!p3 [sflag:s8], $0x1860  }
0x1d3: {  	s12 =	simm.s32 @p0 $0x10;
	s14 =	simm.s32 @p0 $0xA;
	[sflag:s8] =	ssyncset.done @!p3 $0x0  }
0x1d4: {  	[sflag:s8] =	ssyncadd.s32 @!p3 $0xFFFFE7A0;
	s8 =	sor.u32 @p0 $0x1C02, s10;
	s10 =	sshrl.u32 @p0 s9, $0x3  }
0x1d5: {  	[hbm:s18@s12], [sflag:s8] =	dma.strided @p0 [spmem:s10@s14], $0x1860, s11, $0xa   }
0x1d6: {  	s8 =	simm.s32 @p0 $0x2  }
0x1d7: {  	s10 =	sshll.u32 @!p4 s5, $0x6;
	s11 =	simm.s32 @!p4 $0x1;
	_ =	swait.ge @p0 [sflag:s8], $0x1860  }
0x1d8: {  	s12 =	simm.s32 @!p4 $0x10;
	s14 =	simm.s32 @!p4 $0xA;
	[sflag:s8] =	ssyncset.done @p0 $0x0  }
0x1d9: {  	[sflag:s8] =	ssyncadd.s32 @p0 $0xFFFFE7A0;
	s8 =	sor.u32 @!p4 $0x1C02, s10;
	s10 =	sshrl.u32 @!p4 s15, $0x3  }
0x1da: {  	[hbm:s19@s12], [sflag:s8] =	dma.strided @!p4 [spmem:s10@s14], $0x140, s11, $0xa   }
0x1db: {  	s2 =	sadd.s32 $0x1, s2;
	s8 =	simm.s32 @!p4 $0x2  }
0x1dc: {  	p5 =	sne.s32 s2, s21;
	s10 =	simm.s32 @p2 $0x1;
	_ =	swait.ge @!p4 [sflag:s8], $0x140  }
0x1dd: {  	s11 =	simm.s32 @p2 $0x10;
	s12 =	simm.s32 @p2 $0xA;
	[sflag:s8] =	ssyncset.done @!p4 $0x0  }
0x1de: {  	s14 =	simm.s32 @p2 $0x1C02;
	[sflag:s8] =	ssyncadd.s32 @!p4 $0xFFFFFEC0;
	s8 =	sshrl.u32 @p2 s15, $0x3  }
0x1df: {  	[hbm:s20@s11], [sflag:s14] =	dma.strided @p2 [spmem:s8@s12], $0x140, s10, $0xa   }
.Ltmp3:
0x1e0: {  	_ = 	snop;
	(pc) =	sbr.rel @p5 .LBB2_1-.Ltmp3, $4  }
0x1e1: {  	s8 =	simm.s32 @p2 $0x2  }
0x1e2: {  	_ =	swait.ge @p2 [sflag:s8], $0x140  }
0x1e3: {  	[sflag:s8] =	ssyncset.done @p2 $0x0  }
0x1e4: {  	[sflag:s8] =	ssyncadd.s32 @p2 $0xFFFFFEC0  }
0x1e5: {  	_ =	sfence.sel $0x180000  }
0x1e6: {  	[bflag:$0x0] =	sbarrier.arrive $0xFFFF  }
0x1e7: {  	_ =	strace $0x9000004A  }
0x1e8: {  	[bflag:$0x2] =	sbarrier.arrive $0xFFFF  }
0x1e9: {  	s0 =	rddreg [dreg:$0x2]  }
0x1ea: {  	s0 =	sadd.s32 @!p1 $0x100000, s0  }
0x1eb: {  	[sflag:s0] =	ssyncadd.tile.s32 @!p1 $0x1;
	_ =	shalt  }
.Lfunc_end2:
_tile_overlayer_lowered:
.L_overlay_start_2:
0x1ec: {  	(tag) =	ssettag $0x2  }
0x1ed: {  	s0 =	rddreg [dreg:$0x0];
	s2 =	stileid.u32  }
0x1ee: {  	s1 =	rddreg [dreg:$0x1];
	p0 =	sne.s32 s2, $0x0  }
0x1ef: {  	s3 =	rddreg [dreg:$0x2];
	[bflag:$0x3] =	sbarrier.arrive $0xFFFF;
	s2 =	simm.s32 @!p0 $0x1C02  }
0x1f0: {  	[timem:s3], [sflag:s2] =	dma.local @!p0 [hbm:s0], s1  }
0x1f1: {  	s0 =	simm.s32 @!p0 $0x2  }
0x1f2: {  	_ =	swait.ge @!p0 [sflag:s0], s1  }
0x1f3: {  	s1 =	ssub.s32 @!p0 $0x0, s1;
	[sflag:s0] =	ssyncset.done @!p0 $0x0  }
0x1f4: {  	[sflag:s0] =	ssyncadd.s32 @!p0 s1  }
0x1f5: {  	[bflag:$0x3] =	sbarrier.arrive $0xFFFF  }
0x1f6: {  	_ =	shalt  }

// kernel: kernel.19.cloned.1.call-start
scs
__scs_entry_jumppad:
0x0: {  	(pc) =	sbr.rel $0x88, $3  }
0x1: {  	(tag) =	ssettag $0x0;
	lr =	simm.s32 $0x1  }
0x2: {  	[smem:$0x3F8E] =	sst lr;
	_ =	strace $0xD0000000  }
0x3: {  	_ = 	snop  }
0x4: {  	_ = 	snop  }
0x5: {  	_ = 	snop  }
0x6: {  	_ = 	snop  }
0x7: {  	_ = 	snop  }
__scs_overlays_trampoline_lowered:
0x8: {  	[smem:$0x3F9D] =	sst s0  }
0x9: {  	[smem:$0x3F9E] =	sst s1  }
0xa: {  	[smem:$0x3F9F] =	sst s2  }
0xb: {  	[smem:$0x3FA0] =	sst s3  }
0xc: {  	[smem:$0x3FA1] =	sst s4  }
0xd: {  	[smem:$0x3FA2] =	sst s5  }
0xe: {  	[smem:$0x3FA3] =	sst s6  }
0xf: {  	[smem:$0x3FA4] =	sst s7  }
0x10: {  	[smem:$0x3FA5] =	sst s8  }
0x11: {  	[smem:$0x3FA6] =	sst s9;
	s0 =	simm.s32 @!p0 $0x0  }
0x12: {  	s1 =	sld [smem:$0x3F8C];
	s0 =	simm.s32 @p0 $0x1  }
0x13: {  	[smem:$0x3FA7] =	sst s0;
	s0 =	simm.s32 @!p1 $0x0  }
0x14: {  	s2 =	sld [smem:$0x3F8B];
	s0 =	simm.s32 @p1 $0x1  }
0x15: {  	[smem:$0x3FA8] =	sst s0;
	s0 =	simm.s32 @!p2 $0x0  }
0x16: {  	s3 =	sld [smem:$0x3FDB];
	s0 =	simm.s32 @p2 $0x1  }
0x17: {  	s4 =	simm.s32 $0x1BF5;
	[smem:$0x3FAA] =	sst s0  }
0x18: {  	s0 =	sld [smem:$0x3F8D];
	_ =	swait.ge [sflag:s4], $0x0  }
0x19: {  	s7 =	sld [smem:$0x3F8E]  }
0x1a: {  	s8 =	sadd.s32 $0xFFFFE003, lr  }
0x1b: {  	s9 =	sadd.s32 $0xFFFFFEF7, lr;
	s5 =	simm.s32 $0xFFFFFFFF;
	p2 =	slt.u32 s8, $0xFFFFF086  }
0x1c: {  	p1 =	slt.u32 s9, $0xF7A;
	s5 =	simm.s32 @!p2 $0x0  }
0x1d: {  	s5 =	simm.s32 @p1 $0x1;
	p0 =	seq.s32 s7, s2  }
0x1e: {  	s7 =	smul.u32 @!p0 $0xF7A, s2;
	p2 =	seq.s32 @!p0 s5, $0x0  }
0x1f: {  	s9 =	smul.u32 $0xF7A, s1;
	s8 =	simm.s32 @!p0 $0x1BF5;
	p2 =	por !p2, p0  }
0x20: {  	[sflag:s8] =	ssyncset.s32 @!p0 $0xFFFFF086;
	s6 =	sadd.s32 @!p0 s3, s7;
	s7 =	simm.s32 @!p0 $0x108  }
0x21: {  	s3 =	sadd.s32 s3, s9;
	s6 =	sadd.s32 @!p0 $0x88, s6;
	s7 =	simm.s32 @p2 $0x1082  }
0x22: {  	[simem:s7], [sflag:s8] =	dma.local @!p0 [hbm:s6], $0xF7A  }
0x23: {  	s9 =	sor.u32 $0xD0000000, s2;
	s6 =	simm.s32 $0x108;
	_ =	swait.ge @!p0 [sflag:s8], $0x0  }
0x24: {  	s3 =	sadd.s32 $0x88, s3;
	s6 =	simm.s32 @!p1 $0x1082;
	[sflag:s4] =	ssyncset.s32 $0xFFFFF086  }
0x25: {  	[simem:s6], [sflag:s4] =	dma.local [hbm:s3], $0xF7A  }
0x26: {  	[smem:$0x3F8E] =	sst s1;
	(tag) =	ssettag s2;
	_ =	strace s9  }
0x27: {  	s1 =	sld [smem:$0x3F9E]  }
0x28: {  	s2 =	sld [smem:$0x3F9F]  }
0x29: {  	s4 =	sld [smem:$0x3FA1]  }
0x2a: {  	p0 =	seq.s32 s5, $0x0;
	s5 =	sld [smem:$0x3FA2]  }
0x2b: {  	s6 =	sld [smem:$0x3FA3]  }
0x2c: {  	s7 =	sld [smem:$0x3FA4]  }
0x2d: {  	s3 =	simm.s32 $0x108;
	s8 =	sld [smem:$0x3FA5]  }
0x2e: {  	s3 =	simm.s32 @!p0 $0x1082;
	s9 =	sld [smem:$0x3FA6]  }
0x2f: {  	lr =	sadd.s32 s0, s3;
	s0 =	sld [smem:$0x3F9D]  }
0x30: {  	s3 =	sld [smem:$0x3FA0]  }
0x31: {  	[smem:$0x3FA9] =	sst s10  }
0x32: {  	s10 =	sld [smem:$0x3FA7];
	_ =	sdelay $0x3  }
0x33: {  	p0 =	seq.s32 s10, $0x1;
	s10 =	sld [smem:$0x3FA9];
	_ =	sdelay $0x3  }
0x34: {  	[smem:$0x3FA9] =	sst s10  }
0x35: {  	s10 =	sld [smem:$0x3FA8];
	_ =	sdelay $0x3  }
0x36: {  	p1 =	seq.s32 s10, $0x1;
	s10 =	sld [smem:$0x3FA9];
	_ =	sdelay $0x3  }
0x37: {  	[smem:$0x3FA9] =	sst s10  }
0x38: {  	s10 =	sld [smem:$0x3FAA]  }
0x39: {  	_ = 	snop;
	(pc) =	sbr.ind lr, $3  }
0x3a: {  	_ = 	snop  }
0x3b: {  	_ = 	snop  }
0x3c: {  	p2 =	seq.s32 s10, $0x1;
	s10 =	sld [smem:$0x3FA9]  }
0x3d: {  	_ =	shalt  }
0x3e: {  	_ =	shalt  }
0x3f: {  	_ =	shalt  }
0x40: {  	_ =	shalt  }
0x41: {  	_ =	shalt  }
0x42: {  	_ =	shalt  }
0x43: {  	_ =	shalt  }
0x44: {  	_ =	shalt  }
0x45: {  	_ =	shalt  }
0x46: {  	_ =	shalt  }
0x47: {  	_ =	shalt  }
0x48: {  	_ =	shalt  }
0x49: {  	_ =	shalt  }
0x4a: {  	_ =	shalt  }
0x4b: {  	_ =	shalt  }
0x4c: {  	_ =	shalt  }
0x4d: {  	_ =	shalt  }
0x4e: {  	_ =	shalt  }
0x4f: {  	_ =	shalt  }
0x50: {  	_ =	shalt  }
0x51: {  	_ =	shalt  }
0x52: {  	_ =	shalt  }
0x53: {  	_ =	shalt  }
0x54: {  	_ =	shalt  }
0x55: {  	_ =	shalt  }
0x56: {  	_ =	shalt  }
0x57: {  	_ =	shalt  }
0x58: {  	_ =	shalt  }
0x59: {  	_ =	shalt  }
0x5a: {  	_ =	shalt  }
0x5b: {  	_ =	shalt  }
0x5c: {  	_ =	shalt  }
0x5d: {  	_ =	shalt  }
0x5e: {  	_ =	shalt  }
0x5f: {  	_ =	shalt  }
0x60: {  	_ =	shalt  }
0x61: {  	_ =	shalt  }
0x62: {  	_ =	shalt  }
0x63: {  	_ =	shalt  }
0x64: {  	_ =	shalt  }
0x65: {  	_ =	shalt  }
0x66: {  	_ =	shalt  }
0x67: {  	_ =	shalt  }
0x68: {  	_ =	shalt  }
0x69: {  	_ =	shalt  }
0x6a: {  	_ =	shalt  }
0x6b: {  	_ =	shalt  }
0x6c: {  	_ =	shalt  }
0x6d: {  	_ =	shalt  }
0x6e: {  	_ =	shalt  }
0x6f: {  	_ =	shalt  }
0x70: {  	_ =	shalt  }
0x71: {  	_ =	shalt  }
0x72: {  	_ =	shalt  }
0x73: {  	_ =	shalt  }
0x74: {  	_ =	shalt  }
0x75: {  	_ =	shalt  }
0x76: {  	_ =	shalt  }
0x77: {  	_ =	shalt  }
0x78: {  	_ =	shalt  }
0x79: {  	_ =	shalt  }
0x7a: {  	_ =	shalt  }
0x7b: {  	_ =	shalt  }
0x7c: {  	_ =	shalt  }
0x7d: {  	_ =	shalt  }
0x7e: {  	_ =	shalt  }
0x7f: {  	_ =	shalt  }
0x80: {  	_ =	shalt  }
0x81: {  	_ =	shalt  }
0x82: {  	_ =	shalt  }
0x83: {  	_ =	shalt  }
0x84: {  	_ =	shalt  }
0x85: {  	_ =	shalt  }
0x86: {  	_ =	shalt  }
0x87: {  	_ =	shalt  }
.Lfunc_end0:
.L_simem_size_0:
called_computation.2_lowered:
.L_overlay_start_0:
0x88: {  	s2 =	sld [smem:$0x3FD9]  }
0x89: {  	s3 =	sld [smem:$0x3FFE];
	_ =	sdelay $0x1  }
0x8a: {  	s1 =	srdreg.scid  }
0x8b: {  	s0 =	sand.u32 $0x1, s1  }
0x8c: {  	s16 =	sshll.u32 s0, $0xA;
	s2 =	sadd.s32 s3, s2  }
0x8d: {  	s2 =	sadd.s32 s2, s16  }
0x8e: {  	[smem:$0x3FB5] =	sst s2  }
0x8f: {  	_ = 	snop  }
0x90: {  	(tm) =	ssettm $0x1  }
0x91: {  	s17 =	sld [smem:$0x3FFB];
	_ =	sdelay $0x3  }
0x92: {  	_ =	strace s17  }
0x93: {  	s2 =	sld [smem:$0x3FFC];
	_ =	sdelay $0x3  }
0x94: {  	_ =	strace s2  }
0x95: {  	s2 =	sld [smem:$0x3FFD];
	_ =	sdelay $0x3  }
0x96: {  	_ =	strace s2  }
0x97: {  	_ =	strace $0x8FFFFFFF  }
0x98: {  	s18 =	sld [smem:$0x3FDB];
	_ =	sdelay $0x1  }
0x99: {  	s19 =	simm.s32 $_scs_section_size  }
0x9a: {  	s4 =	simm.s32 $_size__tile_overlayer_lowered;
	s5 =	simm.s32 $_tile_overlayer_lowered  }
0x9b: {  	s22 =	simm.s32 $0x1BFF;
	s21 =	sshll.u32 s5, $0x1;
	s2 =	sadd.s32 s19, s18  }
0x9c: {  	s6 =	simm.s32 $0x0;
	s20 =	sshll.u32 s4, $0x1;
	s4 =	sadd.s32 s21, s2  }
0x9d: {  	[timem:s6], [sflag:s22] =	dma.local [hbm:s4], s20  }
0x9e: {  	_ =	swait.ge [sflag:s22], s20  }
0x9f: {  	s3 =	ssub.s32 $0x0, s20;
	[sflag:s22] =	ssyncset.done $0x0  }
0xa0: {  	[sflag:s22] =	ssyncadd.s32 s3;
	_ =	sdelay $0x1  }
0xa1: {  	s23 =	simm.s32 $0x1B8B  }
0xa2: {  	_ =	swait.ge [sflag:s23], $0x1  }
0xa3: {  	[sflag:s23] =	ssyncset.done $0x0  }
0xa4: {  	s25 =	simm.s32 $0x1B8E;
	s24 =	sld [smem:$0x3FFE];
	[sflag:s23] =	ssyncadd.s32 $0xFFFFFFFF  }
0xa5: {  	s26 =	simm.s32 $execute0_lowered;
	[smem:$0x3FD2] =	sst s25  }
0xa6: {  	s4 =	sshll.u32 s26, $0x1;
	_ =	strace $0x8000004C;
	[dreg:$0x1] =	wrdreg $0xFFFFFFFF  }
0xa7: {  	s28 =	simm.s32 $_size_execute0_lowered;
	s2 =	sadd.s32 s2, s4;
	[dreg:$0x0] =	wrdreg $0x0  }
0xa8: {  	s4 =	sshll.u32 s28, $0x1;
	[dreg:$0x2] =	wrdreg s2  }
0xa9: {  	[dreg:$0x3] =	wrdreg s4  }
0xaa: {  	[dreg:$0x4] =	wrdreg $0xC0  }
0xab: {  	_ =	task [dreg:s6], $0x5FFFF  }
0xac: {  	[dreg:$0x1] =	wrdreg $0xFFFFFFFF  }
0xad: {  	[dreg:$0x0] =	wrdreg $0x60  }
0xae: {  	[dreg:$0x2] =	wrdreg s24  }
0xaf: {  	[dreg:$0x3] =	wrdreg $0x0  }
0xb0: {  	[dreg:$0x4] =	wrdreg $0x9  }
0xb1: {  	_ =	task.clear_ibuf [dreg:s6], $0x5FFFF;
	_ =	strace $0x9000004C  }
0xb2: {  	s29 =	simm.s32 $0x9;
	_ =	strace $0x8000004E  }
0xb3: {  	_ =	swait.ge [sflag:s29], $0x1  }
0xb4: {  	[sflag:s29] =	ssyncadd.s32 $0xFFFFFFFF  }
0xb5: {  	_ =	strace $0x9000004E  }
0xb6: {  	_ =	sfence  }
0xb7: {  	s30 =	sld [smem:$0x0];
	_ =	sdelay $0x2  }
0xb8: {  	s31 =	sshll.u32 s1, $0xD;
	s1 =	sshrl.u32 s1, $0x2  }
0xb9: {  	s3 =	sand.u32 $0x4000, s31;
	s1 =	sadd.s32 s1, s30  }
0xba: {  	s0 =	sor.u32 s3, s0;
	s1 =	sshll.u32 s1, $0x11  }
0xbb: {  	s0 =	sor.u32 s1, s0  }
0xbc: {  	s0 =	sadd.s32 $0x8F2B, s0  }
0xbd: {  	[sflag:s0] =	ssyncadd.remote.s32 $0x1  }
0xbe: {  	_ =	sfence.sel $0xFFFF  }
0xbf: {  	[dreg:$0x0] =	wrdreg $0xFFFFFFFF;
	(pc) =	sbr.abs _section_cstart, $3  }
0xc0: {  	[dreg:$0x1] =	wrdreg $0xFFFFFFFF  }
0xc1: {  	_ =	task.clear_ibuf [dreg:s6], $0x2FFFF;
	_ =	strace $0x9FFFFFFF  }
0xc2: {  	(tm) =	ssettm $0x7FFFFFFF  }
0xc3: {  	_ =	shalt  }
tec
execute0_lowered:
.L_overlay_start_1:
0x0: {  	(tag) =	ssettag $0x1  }
0x1: {  	s0 =	rddreg [dreg:$0x0]  }
0x2: {  	s1 =	rddreg [dreg:$0x1];
	s2 =	simm.s32 $0x0;
	s5 =	stileid.u32  }
0x3: {  	s7 =	srdreg.scid;
	s28 =	simm.s32 $0x80;
	s29 =	simm.s32 $0x16220  }
0x4: {  	s30 =	simm.s32 $0x1;
	s31 =	simm.s32 $0xC3A0;
	[smem:$0x7FF] =	sst s2  }
0x5: {  	s3 =	sadd.s32 $0x38E00, s0;
	s4 =	sadd.s32 $0x2F000, s0;
	s8 =	smul.u32 $0x30C00, s5  }
0x6: {  	s6 =	sadd.s32 $0x5600, s0;
	s9 =	sadd.s32 $0x2DC00, s0;
	s15 =	smul.u32 $0x2700, s5  }
0x7: {  	s10 =	sadd.s32 $0x2C800, s0;
	_ =	strace $0x8000004D;
	[dreg:$0x3] =	wrdreg s9  }
0x8: {  	s7 =	sand.u32 $0x1, s7;
	p1 =	seq.s32 s5, $0x0;
	[dreg:$0x4] =	wrdreg s10  }
0x9: {  	s16 =	ssub.s32 $0x2, s7;
	p0 =	seq.s32 s7, $0x1;
	s25 =	sor.u32 s7, s5  }
0xa: {  	s26 =	sshll.u32 s7, $0x6;
	p3 =	sne.s32 s7, $0x0;
	s7 =	simm.s32 $0x161A0  }
0xb: {  	s8 =	sshrl.u32 s8, $0x2;
	s11 =	sadd.s32 s15, s0;
	s12 =	sshrl.u32 s16, $0x1  }
0xc: {  	s15 =	sadd.s32 $0xC3000, s1;
	p1 =	por !p1, !p0;
	s13 =	sor.u32 $0x16320, s26  }
0xd: {  	p4 =	sne.s32 s25, $0x0;
	s25 =	simm.s32 $0x16020;
	s26 =	simm.s32 $0x160A0  }
0xe: {  	s9 =	sadd.s32 s8, s1;
	s17 =	ssub.s32 s16, s12;
	s24 =	sadd.s32 $0x69E00, s11  }
0xf: {  	s16 =	smul.u32 $0x4E80, s5;
	s19 =	sadd.s32 $0x2080, s9;
	[dreg:$0xa] =	wrdreg s24  }
0x10: {  	s18 =	sadd.s32 $0x91000, s11;
	s20 =	sadd.s32 $0x4100, s9;
	[dreg:$0x5] =	wrdreg s19  }
0x11: {  	p2 =	por !p1, !p1;
	s21 =	sadd.s32 $0x6180, s9;
	[dreg:$0x6] =	wrdreg s20  }
0x12: {  	p1 =	sne.s32 s5, $0x0;
	s22 =	sadd.s32 $0x8200, s9;
	[dreg:$0x7] =	wrdreg s21  }
0x13: {  	s23 =	sadd.s32 $0xA280, s9;
	s24 =	simm.s32 $0x2;
	[dreg:$0x8] =	wrdreg s22  }
0x14: {  	v0 =	vimm.f32 $0.0e+00;
	vm0 =	vcmask $0x300;
	vm1 =	vcmask $0x704;
	[dreg:$0x9] =	wrdreg s23;
	s19 =	sadd.s32 $0x90E00, s0;
	s20 =	sadd.s32 $0xB8000, s0  }
0x15: {  	v1 =	vsel vm0, $0x3F800000, v0;
	v2 =	vsel vm1, $0x3F800000, v0;
	s21 =	smax.u32 s17, $0x1;
	s23 =	simm.s32 $0x1A220;
	s0 =	simm.s32 $0x16120  }
.LBB2_1:
0x16: {  	s8 =	simm.s32 @!p3 $0x0;
	s10 =	simm.s32 @!p3 $0xC3A0;
	s11 =	rddreg [dreg:$0x3]  }
0x17: {  	[tilespmem:s10], [sflag:$0x2] =	stream.linear.gather @!p3 [hbm4b:s11+s8], $0x9C80, $0x38;
	[tilespmem:$0x1CA20] =	vst v63  }
0x18: {  	s8 =	simm.s32 @!p3 $0x2  }
0x19: {  	_ =	swait.ge @!p3 [sflag:s8], $0x9C80  }
0x1a: {  	s10 =	simm.s32 @p0 $0xC3A0;
	[sflag:s8] =	ssyncset.done @!p3 $0x0  }
0x1b: {  	s11 =	rddreg [dreg:$0x4];
	[sflag:s8] =	ssyncadd.s32 @!p3 $0xFFFF6380;
	s8 =	simm.s32 @p0 $0x0  }
0x1c: {  	[tilespmem:s10], [sflag:$0x2] =	stream.linear.gather @p0 [hbm4b:s11+s8], $0x9C80, $0x38;
	[tilespmem:$0x1CA20] =	vst v63  }
0x1d: {  	s8 =	simm.s32 @p0 $0x2  }
0x1e: {  	_ =	swait.ge @p0 [sflag:s8], $0x9C80  }
0x1f: {  	[sflag:s8] =	ssyncset.done @p0 $0x0  }
0x20: {  	s10 =	simm.s32 $0x140;
	[sflag:s8] =	ssyncadd.s32 @p0 $0xFFFF6380;
	s8 =	simm.s32 $0x0  }
.LBB2_2:
0x21: {  	p5 =	sne.s32 s10, $0x9EC0;
	[tilespmem:s8+$0x1A260] =	vst v0;
	s11 =	smov.u32 s10;
	s10 =	sadd.s32 $0x140, s10  }
.Ltmp0:
0x22: {  	[tilespmem:s8+$0x1A250] =	vst v0;
	(pc) =	sbr.rel @p5 .LBB2_2-.Ltmp0, $4  }
0x23: {  	[tilespmem:s8+$0x1A240] =	vst v0  }
0x24: {  	[tilespmem:s8+$0x1A220] =	vst v0  }
0x25: {  	[tilespmem:s8+$0x1A230] =	vst v0  }
0x26: {  	s8 =	sshra.s32 s11, $0x2  }
0x27: {  	[tilespmem:s8+$0x1A260] =	vst v0  }
0x28: {  	[tilespmem:s8+$0x1A250] =	vst v0  }
0x29: {  	[tilespmem:s8+$0x1A240] =	vst v0  }
0x2a: {  	[tilespmem:s8+$0x1A220] =	vst v0  }
0x2b: {  	[tilespmem:s8+$0x1A230] =	vst v0  }
0x2c: {  	[spmem:s9] =	stream.linear.scatter [tilespmem:s23], [sflag:$0x2], $0x2080, $0x38;
	[tilespmem:$0x1CA20] =	vst v63  }
0x2d: {  	_ =	swait.ge [sflag:s24], $0x2080  }
0x2e: {  	[sflag:s24] =	ssyncset.done $0x0  }
0x2f: {  	s11 =	rddreg [dreg:$0x5];
	[sflag:s24] =	ssyncadd.s32 $0xFFFFDF80  }
0x30: {  	[spmem:s11] =	stream.linear.scatter [tilespmem:s23], [sflag:$0x2], $0x2080, $0x38;
	[tilespmem:$0x1CA20] =	vst v63  }
0x31: {  	_ =	swait.ge [sflag:s24], $0x2080  }
0x32: {  	[sflag:s24] =	ssyncset.done $0x0  }
0x33: {  	s12 =	rddreg [dreg:$0x6];
	[sflag:s24] =	ssyncadd.s32 $0xFFFFDF80  }
0x34: {  	[spmem:s12] =	stream.linear.scatter [tilespmem:s23], [sflag:$0x2], $0x2080, $0x38;
	[tilespmem:$0x1CA20] =	vst v63  }
0x35: {  	_ =	swait.ge [sflag:s24], $0x2080  }
0x36: {  	[sflag:s24] =	ssyncset.done $0x0  }
0x37: {  	s14 =	rddreg [dreg:$0x7];
	[sflag:s24] =	ssyncadd.s32 $0xFFFFDF80  }
0x38: {  	[spmem:s14] =	stream.linear.scatter [tilespmem:s23], [sflag:$0x2], $0x2080, $0x38;
	[tilespmem:$0x1CA20] =	vst v63  }
0x39: {  	_ =	swait.ge [sflag:s24], $0x2080  }
0x3a: {  	[sflag:s24] =	ssyncset.done $0x0  }
0x3b: {  	s17 =	rddreg [dreg:$0x8];
	[sflag:s24] =	ssyncadd.s32 $0xFFFFDF80  }
0x3c: {  	[spmem:s17] =	stream.linear.scatter [tilespmem:s23], [sflag:$0x2], $0x2080, $0x38;
	[tilespmem:$0x1CA20] =	vst v63  }
0x3d: {  	_ =	swait.ge [sflag:s24], $0x2080  }
0x3e: {  	[sflag:s24] =	ssyncset.done $0x0  }
0x3f: {  	s22 =	rddreg [dreg:$0x9];
	[sflag:s24] =	ssyncadd.s32 $0xFFFFDF80  }
0x40: {  	[spmem:s22] =	stream.linear.scatter [tilespmem:s23], [sflag:$0x2], $0x2080, $0x38;
	[tilespmem:$0x1CA20] =	vst v63  }
0x41: {  	_ =	swait.ge [sflag:s24], $0x2080  }
0x42: {  	[sflag:s24] =	ssyncset.done $0x0  }
0x43: {  	s8 =	simm.s32 @!p1 $0x1A220;
	[sflag:s24] =	ssyncadd.s32 $0xFFFFDF80  }
0x44: {  	[spmem:s15] =	stream.linear.scatter @!p1 [tilespmem:s8], [sflag:$0x2], $0xA00, $0x38;
	[tilespmem:$0x1CA20] =	vst v63  }
0x45: {  	s8 =	simm.s32 @!p1 $0x2  }
0x46: {  	_ =	swait.ge @!p1 [sflag:s8], $0xA00  }
0x47: {  	[sflag:s8] =	ssyncset.done @!p1 $0x0  }
0x48: {  	[sflag:s8] =	ssyncadd.s32 @!p1 $0xFFFFF600  }
0x49: {  	s10 =	simm.s32 $0x0;
	s8 =	simm.s32 $0x0;
	[bflag:$0x0] =	sbarrier.arrive $0xFFFF  }
.LBB2_4:
0x4a: {  	s11 =	sshll.u32 s10, $0x7  }
0x4b: {  	s11 =	sadd.s32 s16, s11  }
0x4c: {  	s11 =	sshrl.u32 s11, $0x3  }
0x4d: {  	s12 =	sadd.s32 s3, s11  }
0x4e: {  	[tilespmem:s25], [sflag:$0x2] =	stream.linear.gather [hbm4b:s12+s8], $0x80, $0x38;
	[tilespmem:$0x1CA20] =	vst v63  }
0x4f: {  	_ =	swait.ge [sflag:s24], $0x80  }
0x50: {  	[sflag:s24] =	ssyncset.done $0x0  }
0x51: {  	s11 =	sadd.s32 s4, s11;
	[sflag:s24] =	ssyncadd.s32 $0xFFFFFF80  }
0x52: {  	[tilespmem:s26], [sflag:$0x2] =	stream.linear.gather [hbm4b:s11+s8], $0x80, $0x38;
	[tilespmem:$0x1CA20] =	vst v63  }
0x53: {  	_ =	swait.ge [sflag:s24], $0x80  }
0x54: {  	[sflag:s24] =	ssyncset.done $0x0  }
0x55: {  	[sflag:s24] =	ssyncadd.s32 $0xFFFFFF80  }
0x56: {  	[tilespmem:s29], [sflag:$0x1] =	stream.indirect.gather [hbm4b:s6+s28], $0x80, s25, s28, $0xb8;
	[tilespmem:$0x1CA20] =	vst v63  }
0x57: {  	_ =	swait.ge [sflag:s30], $0x4000  }
0x58: {  	[sflag:s30] =	ssyncset.done $0x0  }
0x59: {  	[sflag:s30] =	ssyncadd.s32 $0xFFFFC000  }
0x5a: {  	v3 =	vld [tilespmem:$0x16020]  }
0x5b: {  	v4 =	vld [tilespmem:$0x160A0];
	_ =	sdelay $0x4  }
0x5c: {  	v3 =	vshll.u32 v3, $0x2;
	v4 =	vshll.u32 v4, $0x2  }
0x5d: {  	v5 =	vor.u32 $0x2, v4  }
0x5e: {  	v6 =	vor.u32 $0x1, v3  }
0x5f: {  	v4 =	vor.u32 $0x3, v4;
	_ =	sdelay $0x1  }
0x60: {  	v3 =	vld.idx.msk [tilespmem:v3+s31+$0x0], $0xffff  }
0x61: {  	v5 =	vld.idx.msk [tilespmem:v5+s31+$0x0], $0xffff  }
0x62: {  	v6 =	vld.idx.msk [tilespmem:v6+s31+$0x0], $0xffff  }
0x63: {  	v4 =	vld.idx.msk [tilespmem:v4+s31+$0x0], $0xffff;
	_ =	sdelay $0x3  }
0x64: {  	v3 =	vadd.f32 v5, v3  }
0x65: {  	v4 =	vadd.f32 v4, v6  }
0x66: {  	v5 =	vmul.f32 $2.000000030e-01, v3  }
0x67: {  	vm0 =	vgt.f32 v3, $0.0e+00;
	v6 =	vmul.f32 $2.000000030e-01, v4  }
0x68: {  	vm13 =	vgt.f32 v4, $0.0e+00;
	v3 =	vsel vm0, v3, v5  }
0x69: {  	v4 =	vsel vm13, v4, v6;
	v3 =	vmul.f32 $1.442695020e+00, v3  }
0x6a: {  	v4 =	vmul.f32 $1.442695020e+00, v4  }
0x6b: {  	(erf) = vpow2.f32 v3  }
0x6c: {  	v3 =	vld [tilespmem:$0x16030];
	(erf) = vpow2.f32 v4  }
0x6d: {  	v4 =	vld [tilespmem:$0x160B0];
	_ =	sdelay $0x4  }
0x6e: {  	v3 =	vshll.u32 v3, $0x2;
	v4 =	vshll.u32 v4, $0x2  }
0x6f: {  	v5 =	vor.u32 $0x2, v4  }
0x70: {  	v7 =	vor.u32 $0x1, v3;
	v6 =	vpop (erf)  }
0x71: {  	v4 =	vor.u32 $0x3, v4;
	[tilespmem:$0x16120] =	vst v6;
	v6 =	vpop (erf)  }
0x72: {  	[tilespmem:$0x161A0] =	vst v6  }
0x73: {  	v3 =	vld.idx.msk [tilespmem:v3+s31+$0x0], $0xffff  }
0x74: {  	v5 =	vld.idx.msk [tilespmem:v5+s31+$0x0], $0xffff  }
0x75: {  	v6 =	vld.idx.msk [tilespmem:v7+s31+$0x0], $0xffff  }
0x76: {  	v4 =	vld.idx.msk [tilespmem:v4+s31+$0x0], $0xffff;
	_ =	sdelay $0x3  }
0x77: {  	v3 =	vadd.f32 v5, v3  }
0x78: {  	v4 =	vadd.f32 v4, v6  }
0x79: {  	v5 =	vmul.f32 $2.000000030e-01, v3  }
0x7a: {  	vm14 =	vgt.f32 v3, $0.0e+00;
	v6 =	vmul.f32 $2.000000030e-01, v4  }
0x7b: {  	vm15 =	vgt.f32 v4, $0.0e+00;
	v3 =	vsel vm14, v3, v5  }
0x7c: {  	v4 =	vsel vm15, v4, v6;
	v3 =	vmul.f32 $1.442695020e+00, v3  }
0x7d: {  	v4 =	vmul.f32 $1.442695020e+00, v4  }
0x7e: {  	(erf) = vpow2.f32 v3  }
0x7f: {  	v3 =	vld [tilespmem:$0x16040];
	(erf) = vpow2.f32 v4  }
0x80: {  	v4 =	vld [tilespmem:$0x160C0];
	_ =	sdelay $0x4  }
0x81: {  	v3 =	vshll.u32 v3, $0x2;
	v4 =	vshll.u32 v4, $0x2  }
0x82: {  	v5 =	vor.u32 $0x2, v4  }
0x83: {  	v7 =	vor.u32 $0x1, v3;
	v6 =	vpop (erf)  }
0x84: {  	v4 =	vor.u32 $0x3, v4;
	[tilespmem:$0x16130] =	vst v6;
	v6 =	vpop (erf)  }
0x85: {  	[tilespmem:$0x161B0] =	vst v6  }
0x86: {  	v3 =	vld.idx.msk [tilespmem:v3+s31+$0x0], $0xffff  }
0x87: {  	v5 =	vld.idx.msk [tilespmem:v5+s31+$0x0], $0xffff  }
0x88: {  	v6 =	vld.idx.msk [tilespmem:v7+s31+$0x0], $0xffff  }
0x89: {  	v4 =	vld.idx.msk [tilespmem:v4+s31+$0x0], $0xffff;
	_ =	sdelay $0x3  }
0x8a: {  	v3 =	vadd.f32 v5, v3  }
0x8b: {  	v4 =	vadd.f32 v4, v6  }
0x8c: {  	v5 =	vmul.f32 $2.000000030e-01, v3  }
0x8d: {  	vm4 =	vgt.f32 v3, $0.0e+00;
	v6 =	vmul.f32 $2.000000030e-01, v4  }
0x8e: {  	vm5 =	vgt.f32 v4, $0.0e+00;
	v3 =	vsel vm4, v3, v5  }
0x8f: {  	v4 =	vsel vm5, v4, v6;
	v3 =	vmul.f32 $1.442695020e+00, v3  }
0x90: {  	v4 =	vmul.f32 $1.442695020e+00, v4  }
0x91: {  	(erf) = vpow2.f32 v3  }
0x92: {  	v3 =	vld [tilespmem:$0x16050];
	(erf) = vpow2.f32 v4  }
0x93: {  	v4 =	vld [tilespmem:$0x160D0];
	_ =	sdelay $0x4  }
0x94: {  	v3 =	vshll.u32 v3, $0x2;
	v4 =	vshll.u32 v4, $0x2  }
0x95: {  	v5 =	vor.u32 $0x2, v4  }
0x96: {  	v7 =	vor.u32 $0x1, v3;
	v6 =	vpop (erf)  }
0x97: {  	v4 =	vor.u32 $0x3, v4;
	[tilespmem:$0x16140] =	vst v6;
	v6 =	vpop (erf)  }
0x98: {  	[tilespmem:$0x161C0] =	vst v6  }
0x99: {  	v3 =	vld.idx.msk [tilespmem:v3+s31+$0x0], $0xffff  }
0x9a: {  	v5 =	vld.idx.msk [tilespmem:v5+s31+$0x0], $0xffff  }
0x9b: {  	v6 =	vld.idx.msk [tilespmem:v7+s31+$0x0], $0xffff  }
0x9c: {  	v4 =	vld.idx.msk [tilespmem:v4+s31+$0x0], $0xffff;
	_ =	sdelay $0x3  }
0x9d: {  	v3 =	vadd.f32 v5, v3  }
0x9e: {  	v4 =	vadd.f32 v4, v6  }
0x9f: {  	v5 =	vmul.f32 $2.000000030e-01, v3  }
0xa0: {  	vm6 =	vgt.f32 v3, $0.0e+00;
	v6 =	vmul.f32 $2.000000030e-01, v4  }
0xa1: {  	vm7 =	vgt.f32 v4, $0.0e+00;
	v3 =	vsel vm6, v3, v5  }
0xa2: {  	v4 =	vsel vm7, v4, v6;
	v3 =	vmul.f32 $1.442695020e+00, v3  }
0xa3: {  	v4 =	vmul.f32 $1.442695020e+00, v4  }
0xa4: {  	(erf) = vpow2.f32 v3  }
0xa5: {  	v3 =	vld [tilespmem:$0x16060];
	(erf) = vpow2.f32 v4  }
0xa6: {  	v4 =	vld [tilespmem:$0x160E0];
	_ =	sdelay $0x4  }
0xa7: {  	v3 =	vshll.u32 v3, $0x2;
	v4 =	vshll.u32 v4, $0x2  }
0xa8: {  	v5 =	vor.u32 $0x2, v4  }
0xa9: {  	v7 =	vor.u32 $0x1, v3;
	v6 =	vpop (erf)  }
0xaa: {  	v4 =	vor.u32 $0x3, v4;
	[tilespmem:$0x16150] =	vst v6;
	v6 =	vpop (erf)  }
0xab: {  	[tilespmem:$0x161D0] =	vst v6  }
0xac: {  	v3 =	vld.idx.msk [tilespmem:v3+s31+$0x0], $0xffff  }
0xad: {  	v5 =	vld.idx.msk [tilespmem:v5+s31+$0x0], $0xffff  }
0xae: {  	v6 =	vld.idx.msk [tilespmem:v7+s31+$0x0], $0xffff  }
0xaf: {  	v4 =	vld.idx.msk [tilespmem:v4+s31+$0x0], $0xffff;
	_ =	sdelay $0x3  }
0xb0: {  	v3 =	vadd.f32 v5, v3  }
0xb1: {  	v4 =	vadd.f32 v4, v6  }
0xb2: {  	v5 =	vmul.f32 $2.000000030e-01, v3  }
0xb3: {  	vm8 =	vgt.f32 v3, $0.0e+00;
	v6 =	vmul.f32 $2.000000030e-01, v4  }
0xb4: {  	vm9 =	vgt.f32 v4, $0.0e+00;
	v3 =	vsel vm8, v3, v5  }
0xb5: {  	v4 =	vsel vm9, v4, v6;
	v3 =	vmul.f32 $1.442695020e+00, v3  }
0xb6: {  	v4 =	vmul.f32 $1.442695020e+00, v4  }
0xb7: {  	(erf) = vpow2.f32 v3  }
0xb8: {  	v3 =	vld [tilespmem:$0x16070];
	(erf) = vpow2.f32 v4  }
0xb9: {  	v4 =	vld [tilespmem:$0x160F0];
	_ =	sdelay $0x4  }
0xba: {  	v3 =	vshll.u32 v3, $0x2;
	v4 =	vshll.u32 v4, $0x2  }
0xbb: {  	v5 =	vor.u32 $0x2, v4  }
0xbc: {  	v7 =	vor.u32 $0x1, v3;
	v6 =	vpop (erf)  }
0xbd: {  	v4 =	vor.u32 $0x3, v4;
	[tilespmem:$0x16160] =	vst v6;
	v6 =	vpop (erf)  }
0xbe: {  	[tilespmem:$0x161E0] =	vst v6  }
0xbf: {  	v3 =	vld.idx.msk [tilespmem:v3+s31+$0x0], $0xffff  }
0xc0: {  	v5 =	vld.idx.msk [tilespmem:v5+s31+$0x0], $0xffff  }
0xc1: {  	v6 =	vld.idx.msk [tilespmem:v7+s31+$0x0], $0xffff  }
0xc2: {  	v4 =	vld.idx.msk [tilespmem:v4+s31+$0x0], $0xffff;
	_ =	sdelay $0x3  }
0xc3: {  	v3 =	vadd.f32 v5, v3  }
0xc4: {  	v4 =	vadd.f32 v4, v6  }
0xc5: {  	v5 =	vmul.f32 $2.000000030e-01, v3  }
0xc6: {  	vm10 =	vgt.f32 v3, $0.0e+00;
	v6 =	vmul.f32 $2.000000030e-01, v4  }
0xc7: {  	vm11 =	vgt.f32 v4, $0.0e+00;
	v3 =	vsel vm10, v3, v5  }
0xc8: {  	v4 =	vsel vm11, v4, v6;
	v3 =	vmul.f32 $1.442695020e+00, v3  }
0xc9: {  	v4 =	vmul.f32 $1.442695020e+00, v4  }
0xca: {  	(erf) = vpow2.f32 v3  }
0xcb: {  	v3 =	vld [tilespmem:$0x16080];
	(erf) = vpow2.f32 v4  }
0xcc: {  	v4 =	vld [tilespmem:$0x16100];
	_ =	sdelay $0x4  }
0xcd: {  	v3 =	vshll.u32 v3, $0x2;
	v4 =	vshll.u32 v4, $0x2  }
0xce: {  	v5 =	vor.u32 $0x2, v4  }
0xcf: {  	v7 =	vor.u32 $0x1, v3;
	v6 =	vpop (erf)  }
0xd0: {  	v4 =	vor.u32 $0x3, v4;
	[tilespmem:$0x16170] =	vst v6;
	v6 =	vpop (erf)  }
0xd1: {  	[tilespmem:$0x161F0] =	vst v6  }
0xd2: {  	v3 =	vld.idx.msk [tilespmem:v3+s31+$0x0], $0xffff  }
0xd3: {  	v5 =	vld.idx.msk [tilespmem:v5+s31+$0x0], $0xffff  }
0xd4: {  	v6 =	vld.idx.msk [tilespmem:v7+s31+$0x0], $0xffff  }
0xd5: {  	v4 =	vld.idx.msk [tilespmem:v4+s31+$0x0], $0xffff;
	_ =	sdelay $0x3  }
0xd6: {  	v3 =	vadd.f32 v5, v3  }
0xd7: {  	v4 =	vadd.f32 v4, v6  }
0xd8: {  	v5 =	vmul.f32 $2.000000030e-01, v3  }
0xd9: {  	vm12 =	vgt.f32 v3, $0.0e+00;
	v6 =	vmul.f32 $2.000000030e-01, v4  }
0xda: {  	vm13 =	vgt.f32 v4, $0.0e+00;
	v3 =	vsel vm12, v3, v5  }
0xdb: {  	v4 =	vsel vm13, v4, v6;
	v3 =	vmul.f32 $1.442695020e+00, v3  }
0xdc: {  	v4 =	vmul.f32 $1.442695020e+00, v4  }
0xdd: {  	(erf) = vpow2.f32 v3  }
0xde: {  	v3 =	vld [tilespmem:$0x16090];
	(erf) = vpow2.f32 v4  }
0xdf: {  	v4 =	vld [tilespmem:$0x16110];
	_ =	sdelay $0x4  }
0xe0: {  	v3 =	vshll.u32 v3, $0x2;
	v4 =	vshll.u32 v4, $0x2  }
0xe1: {  	v5 =	vor.u32 $0x2, v4  }
0xe2: {  	v7 =	vor.u32 $0x1, v3;
	v6 =	vpop (erf)  }
0xe3: {  	v4 =	vor.u32 $0x3, v4;
	[tilespmem:$0x16180] =	vst v6;
	v6 =	vpop (erf)  }
0xe4: {  	[tilespmem:$0x16200] =	vst v6  }
0xe5: {  	v3 =	vld.idx.msk [tilespmem:v3+s31+$0x0], $0xffff  }
0xe6: {  	v5 =	vld.idx.msk [tilespmem:v5+s31+$0x0], $0xffff  }
0xe7: {  	v6 =	vld.idx.msk [tilespmem:v7+s31+$0x0], $0xffff  }
0xe8: {  	v4 =	vld.idx.msk [tilespmem:v4+s31+$0x0], $0xffff;
	_ =	sdelay $0x3  }
0xe9: {  	v3 =	vadd.f32 v5, v3  }
0xea: {  	v4 =	vadd.f32 v4, v6  }
0xeb: {  	v5 =	vmul.f32 $2.000000030e-01, v3  }
0xec: {  	vm14 =	vgt.f32 v3, $0.0e+00;
	v6 =	vmul.f32 $2.000000030e-01, v4  }
0xed: {  	vm15 =	vgt.f32 v4, $0.0e+00;
	v3 =	vsel vm14, v3, v5  }
0xee: {  	v4 =	vsel vm15, v4, v6;
	v3 =	vmul.f32 $1.442695020e+00, v3  }
0xef: {  	v4 =	vmul.f32 $1.442695020e+00, v4  }
0xf0: {  	(erf) = vpow2.f32 v3  }
0xf1: {  	(erf) = vpow2.f32 v4;
	_ =	sdelay $0x2  }
0xf2: {  	v3 =	vmov s8  }
0xf3: {  	v3 =	vand.u32 $0xFFFFFFFC, v3  }
0xf4: {  	v3 =	vbroadcast v3, $0x0;
	_ =	sdelay $0x2  }
0xf5: {  	v4 =	vpop (erf)  }
0xf6: {  	[tilespmem:$0x16190] =	vst v4;
	v4 =	vpop (erf)  }
0xf7: {  	[tilespmem:$0x16210] =	vst v4  }
0xf8: {  	v4 =	vld.idx.msk [tilespmem:v3+s0+$0x0], $0xffff  }
0xf9: {  	v5 =	vld [tilespmem:s13+$0xFFFFFF00];
	_ =	sdelay $0x4  }
0xfa: {  	v5 =	vmul.f32 v5, v4  }
0xfb: {  	s11 =	simm.s32 $0x1A2C0  }
0xfc: {  	v3 =	vld.idx.msk [tilespmem:v3+s7+$0x0], $0xffff;
	[tilespmem:s11+$0xFFFFFF60] =	vst v5  }
0xfd: {  	v5 =	vld [tilespmem:s13+$0xFFFFFF10];
	_ =	sdelay $0x4  }
0xfe: {  	v5 =	vmul.f32 v5, v4;
	_ =	sdelay $0x1  }
0xff: {  	[tilespmem:s11+$0xFFFFFF70] =	vst v5  }
0x100: {  	v5 =	vld [tilespmem:s13+$0xFFFFFF20];
	_ =	sdelay $0x4  }
0x101: {  	v5 =	vmul.f32 v5, v3  }
0x102: {  	s14 =	simm.s32 $0x1  }
0x103: {  	v6 =	vmov s14;
	[tilespmem:s11+$0xFFFFFF80] =	vst v5  }
0x104: {  	v6 =	vand.u32 $0xFFFFFFFD, v6;
	v5 =	vld [tilespmem:s13+$0xFFFFFF30]  }
0x105: {  	v6 =	vbroadcast v6, $0x0  }
0x106: {  	v7 =	vmul.f32 v2, v3;
	v4 =	vmul.f32 v1, v4;
	_ =	sdelay $0x1  }
0x107: {  	v4 =	vadd.f32 v7, v4  }
0x108: {  	v3 =	vmul.f32 v5, v3  }
0x109: {  	[tilespmem:s11+$0xFFFFFFA0] =	vst v4  }
0x10a: {  	[tilespmem:s11+$0xFFFFFF90] =	vst v3  }
0x10b: {  	v3 =	vld.idx.msk [tilespmem:v6+s0+$0x0], $0xffff  }
0x10c: {  	v4 =	vld [tilespmem:s13+$0xFFFFFF80];
	_ =	sdelay $0x4  }
0x10d: {  	v4 =	vmul.f32 v4, v3;
	_ =	sdelay $0x1  }
0x10e: {  	v5 =	vld.idx.msk [tilespmem:v6+s7+$0x0], $0xffff;
	[tilespmem:s11+$0xFFFFFFB0] =	vst v4  }
0x10f: {  	v4 =	vld [tilespmem:s13+$0xFFFFFF90];
	_ =	sdelay $0x4  }
0x110: {  	v4 =	vmul.f32 v4, v3;
	_ =	sdelay $0x1  }
0x111: {  	[tilespmem:s11+$0xFFFFFFC0] =	vst v4  }
0x112: {  	v4 =	vld [tilespmem:s13+$0xFFFFFFA0];
	_ =	sdelay $0x4  }
0x113: {  	v4 =	vmul.f32 v4, v5  }
0x114: {  	s17 =	simm.s32 $0x2  }
0x115: {  	v6 =	vmov s17;
	[tilespmem:s11+$0xFFFFFFD0] =	vst v4  }
0x116: {  	v6 =	vand.u32 $0xFFFFFFFE, v6;
	v4 =	vld [tilespmem:s13+$0xFFFFFFB0]  }
0x117: {  	v6 =	vbroadcast v6, $0x0  }
0x118: {  	v7 =	vmul.f32 v2, v5;
	v3 =	vmul.f32 v1, v3;
	_ =	sdelay $0x1  }
0x119: {  	v3 =	vadd.f32 v7, v3  }
0x11a: {  	v4 =	vmul.f32 v4, v5  }
0x11b: {  	[tilespmem:s11+$0xFFFFFFF0] =	vst v3  }
0x11c: {  	[tilespmem:s11+$0xFFFFFFE0] =	vst v4  }
0x11d: {  	v3 =	vld.idx.msk [tilespmem:v6+s0+$0x0], $0xffff  }
0x11e: {  	v4 =	vld [tilespmem:s13+$0x0];
	_ =	sdelay $0x4  }
0x11f: {  	v4 =	vmul.f32 v4, v3;
	_ =	sdelay $0x1  }
0x120: {  	v5 =	vld.idx.msk [tilespmem:v6+s7+$0x0], $0xffff;
	[tilespmem:s11+$0x0] =	vst v4  }
0x121: {  	v4 =	vld [tilespmem:s13+$0x10];
	_ =	sdelay $0x4  }
0x122: {  	v4 =	vmul.f32 v4, v3;
	_ =	sdelay $0x1  }
0x123: {  	[tilespmem:s11+$0x10] =	vst v4  }
0x124: {  	v4 =	vld [tilespmem:s13+$0x20];
	_ =	sdelay $0x4  }
0x125: {  	v4 =	vmul.f32 v4, v5;
	_ =	sdelay $0x1  }
0x126: {  	[tilespmem:s11+$0x20] =	vst v4  }
0x127: {  	v4 =	vld [tilespmem:s13+$0x30];
	_ =	sdelay $0x1  }
0x128: {  	s22 =	simm.s32 $0x3;
	v6 =	vmul.f32 v2, v5;
	v3 =	vmul.f32 v1, v3  }
0x129: {  	v7 =	vmov s22  }
0x12a: {  	v3 =	vadd.f32 v6, v3  }
0x12b: {  	v4 =	vmul.f32 v4, v5  }
0x12c: {  	[tilespmem:s11+$0x40] =	vst v3  }
0x12d: {  	[tilespmem:s11+$0x30] =	vst v4  }
0x12e: {  	v4 =	vld.idx.msk [tilespmem:v7+s0+$0x0], $0xffff  }
0x12f: {  	v3 =	vld [tilespmem:s13+$0x80];
	_ =	sdelay $0x4  }
0x130: {  	v5 =	vmul.f32 v3, v4;
	_ =	sdelay $0x1  }
0x131: {  	v3 =	vld.idx.msk [tilespmem:v7+s7+$0x0], $0xffff;
	[tilespmem:s11+$0x50] =	vst v5  }
0x132: {  	v5 =	vld [tilespmem:s13+$0x90];
	_ =	sdelay $0x4  }
0x133: {  	v5 =	vmul.f32 v5, v4;
	_ =	sdelay $0x1  }
0x134: {  	[tilespmem:s11+$0x60] =	vst v5  }
0x135: {  	v5 =	vld [tilespmem:s13+$0xA0];
	_ =	sdelay $0x3  }
0x136: {  	v6 =	vmul.f32 v2, v3;
	v4 =	vmul.f32 v1, v4  }
0x137: {  	v5 =	vmul.f32 v5, v3  }
0x138: {  	v6 =	vadd.f32 v6, v4  }
0x139: {  	s12 =	simm.s32 $0x4;
	[tilespmem:s11+$0x70] =	vst v5  }
0x13a: {  	s14 =	simm.s32 $0x8;
	s22 =	smov.u32 s13;
	v5 =	vmov s12;
	v4 =	vld [tilespmem:s13+$0xB0];
	[tilespmem:s11+$0x90] =	vst v6  }
.LBB2_5:
0x13b: {  	p5 =	slt.u32 s14, $0x7C;
	v5 =	vand.u32 $0xFFFFFFFC, v5  }
0x13c: {  	v5 =	vbroadcast v5, $0x0;
	_ =	sdelay $0x2  }
0x13d: {  	v3 =	vmul.f32 v4, v3;
	_ =	sdelay $0x1  }
0x13e: {  	[tilespmem:s11+$0x80] =	vst v3  }
0x13f: {  	s22 =	sadd.s32 $0x200, s22;
	v3 =	vld.idx.msk [tilespmem:v5+s0+$0x0], $0xffff  }
0x140: {  	v4 =	vld [tilespmem:s22+$0xFFFFFF00];
	_ =	sdelay $0x4  }
0x141: {  	v6 =	vmul.f32 v1, v3;
	v4 =	vmul.f32 v4, v3  }
0x142: {  	s11 =	sadd.s32 $0x140, s11  }
0x143: {  	v5 =	vld.idx.msk [tilespmem:v5+s7+$0x0], $0xffff;
	[tilespmem:s11+$0xFFFFFF60] =	vst v4  }
0x144: {  	v4 =	vld [tilespmem:s22+$0xFFFFFF10];
	_ =	sdelay $0x4  }
0x145: {  	v3 =	vmul.f32 v4, v3;
	_ =	sdelay $0x1  }
0x146: {  	[tilespmem:s11+$0xFFFFFF70] =	vst v3  }
0x147: {  	v3 =	vld [tilespmem:s22+$0xFFFFFF20];
	_ =	sdelay $0x4  }
0x148: {  	v3 =	vmul.f32 v3, v5;
	_ =	sdelay $0x1  }
0x149: {  	s17 =	sadd.s32 $0x1, s12;
	[tilespmem:s11+$0xFFFFFF80] =	vst v3  }
0x14a: {  	v4 =	vmov s17;
	v3 =	vld [tilespmem:s22+$0xFFFFFF30]  }
0x14b: {  	v4 =	vand.u32 $0xFFFFFFFD, v4  }
0x14c: {  	v7 =	vmul.f32 v2, v5;
	v4 =	vbroadcast v4, $0x0;
	_ =	sdelay $0x1  }
0x14d: {  	v6 =	vadd.f32 v7, v6  }
0x14e: {  	v3 =	vmul.f32 v3, v5  }
0x14f: {  	[tilespmem:s11+$0xFFFFFFA0] =	vst v6  }
0x150: {  	[tilespmem:s11+$0xFFFFFF90] =	vst v3  }
0x151: {  	v3 =	vld.idx.msk [tilespmem:v4+s0+$0x0], $0xffff  }
0x152: {  	v5 =	vld [tilespmem:s22+$0xFFFFFF80];
	_ =	sdelay $0x4  }
0x153: {  	v6 =	vmul.f32 v1, v3;
	v5 =	vmul.f32 v5, v3;
	_ =	sdelay $0x1  }
0x154: {  	v4 =	vld.idx.msk [tilespmem:v4+s7+$0x0], $0xffff;
	[tilespmem:s11+$0xFFFFFFB0] =	vst v5  }
0x155: {  	v5 =	vld [tilespmem:s22+$0xFFFFFF90];
	_ =	sdelay $0x4  }
0x156: {  	v3 =	vmul.f32 v5, v3;
	_ =	sdelay $0x1  }
0x157: {  	[tilespmem:s11+$0xFFFFFFC0] =	vst v3  }
0x158: {  	v3 =	vld [tilespmem:s22+$0xFFFFFFA0];
	_ =	sdelay $0x4  }
0x159: {  	v3 =	vmul.f32 v3, v4;
	_ =	sdelay $0x1  }
0x15a: {  	s17 =	sadd.s32 $0x2, s12;
	[tilespmem:s11+$0xFFFFFFD0] =	vst v3  }
0x15b: {  	v5 =	vmov s17;
	v3 =	vld [tilespmem:s22+$0xFFFFFFB0]  }
0x15c: {  	v5 =	vand.u32 $0xFFFFFFFE, v5  }
0x15d: {  	v7 =	vmul.f32 v2, v4;
	v5 =	vbroadcast v5, $0x0;
	_ =	sdelay $0x1  }
0x15e: {  	v6 =	vadd.f32 v7, v6  }
0x15f: {  	v3 =	vmul.f32 v3, v4  }
0x160: {  	[tilespmem:s11+$0xFFFFFFF0] =	vst v6  }
0x161: {  	[tilespmem:s11+$0xFFFFFFE0] =	vst v3  }
0x162: {  	v3 =	vld.idx.msk [tilespmem:v5+s0+$0x0], $0xffff  }
0x163: {  	v4 =	vld [tilespmem:s22+$0x0];
	_ =	sdelay $0x4  }
0x164: {  	v4 =	vmul.f32 v4, v3;
	_ =	sdelay $0x1  }
0x165: {  	v5 =	vld.idx.msk [tilespmem:v5+s7+$0x0], $0xffff;
	[tilespmem:s11+$0x0] =	vst v4  }
0x166: {  	v4 =	vld [tilespmem:s22+$0x10];
	_ =	sdelay $0x4  }
0x167: {  	v6 =	vmul.f32 v2, v5;
	v4 =	vmul.f32 v4, v3;
	_ =	sdelay $0x1  }
0x168: {  	[tilespmem:s11+$0x10] =	vst v4  }
0x169: {  	v4 =	vld [tilespmem:s22+$0x20];
	_ =	sdelay $0x4  }
0x16a: {  	v4 =	vmul.f32 v4, v5;
	_ =	sdelay $0x1  }
0x16b: {  	[tilespmem:s11+$0x20] =	vst v4  }
0x16c: {  	v4 =	vld [tilespmem:s22+$0x30];
	_ =	sdelay $0x1  }
0x16d: {  	s17 =	sadd.s32 $0x3, s12;
	s12 =	smov.u32 s14;
	v3 =	vmul.f32 v1, v3  }
0x16e: {  	v7 =	vmov s17  }
0x16f: {  	v3 =	vadd.f32 v6, v3  }
0x170: {  	v4 =	vmul.f32 v4, v5  }
0x171: {  	[tilespmem:s11+$0x40] =	vst v3  }
0x172: {  	[tilespmem:s11+$0x30] =	vst v4  }
0x173: {  	v4 =	vld.idx.msk [tilespmem:v7+s0+$0x0], $0xffff  }
0x174: {  	v3 =	vld [tilespmem:s22+$0x80];
	_ =	sdelay $0x4  }
0x175: {  	v6 =	vmul.f32 v1, v4;
	v5 =	vmul.f32 v3, v4;
	_ =	sdelay $0x1  }
0x176: {  	v3 =	vld.idx.msk [tilespmem:v7+s7+$0x0], $0xffff;
	[tilespmem:s11+$0x50] =	vst v5  }
0x177: {  	v5 =	vld [tilespmem:s22+$0x90];
	_ =	sdelay $0x4  }
0x178: {  	v4 =	vmul.f32 v5, v4;
	v5 =	vmul.f32 v2, v3;
	_ =	sdelay $0x1  }
0x179: {  	[tilespmem:s11+$0x60] =	vst v4;
	v6 =	vadd.f32 v5, v6  }
0x17a: {  	v4 =	vld [tilespmem:s22+$0xA0];
	_ =	sdelay $0x3  }
.Ltmp1:
0x17b: {  	(pc) =	sbr.rel @p5 .LBB2_5-.Ltmp1, $3  }
0x17c: {  	v4 =	vmul.f32 v4, v3;
	_ =	sdelay $0x1  }
0x17d: {  	[tilespmem:s11+$0x70] =	vst v4  }
0x17e: {  	s14 =	sadd.s32 $0x4, s14;
	v5 =	vmov s12;
	v4 =	vld [tilespmem:s22+$0xB0];
	[tilespmem:s11+$0x90] =	vst v6  }
0x17f: {  	v5 =	vand.u32 $0xFFFFFFFC, v5  }
0x180: {  	v5 =	vbroadcast v5, $0x0;
	_ =	sdelay $0x2  }
0x181: {  	v3 =	vmul.f32 v4, v3;
	_ =	sdelay $0x1  }
0x182: {  	[tilespmem:s11+$0x80] =	vst v3  }
0x183: {  	s14 =	sadd.s32 $0x200, s22;
	v3 =	vld.idx.msk [tilespmem:v5+s0+$0x0], $0xffff  }
0x184: {  	v56 =	vld [tilespmem:s14+$0xFFFFFF00];
	_ =	sdelay $0x4  }
0x185: {  	v4 =	vmul.f32 v56, v3  }
0x186: {  	s11 =	sadd.s32 $0x140, s11  }
0x187: {  	v5 =	vld.idx.msk [tilespmem:v5+s7+$0x0], $0xffff;
	[tilespmem:s11+$0xFFFFFF60] =	vst v4  }
0x188: {  	v4 =	vld [tilespmem:s14+$0xFFFFFF10];
	_ =	sdelay $0x4  }
0x189: {  	v4 =	vmul.f32 v4, v3;
	_ =	sdelay $0x1  }
0x18a: {  	[tilespmem:s11+$0xFFFFFF70] =	vst v4  }
0x18b: {  	v4 =	vld [tilespmem:s14+$0xFFFFFF20];
	_ =	sdelay $0x4  }
0x18c: {  	v4 =	vmul.f32 v4, v5  }
0x18d: {  	s17 =	sadd.s32 $0x1, s12  }
0x18e: {  	v6 =	vmov s17;
	[tilespmem:s11+$0xFFFFFF80] =	vst v4  }
0x18f: {  	v6 =	vand.u32 $0xFFFFFFFD, v6;
	v4 =	vld [tilespmem:s14+$0xFFFFFF30]  }
0x190: {  	v6 =	vbroadcast v6, $0x0  }
0x191: {  	v7 =	vmul.f32 v2, v5;
	v3 =	vmul.f32 v1, v3;
	_ =	sdelay $0x1  }
0x192: {  	v3 =	vadd.f32 v7, v3  }
0x193: {  	v4 =	vmul.f32 v4, v5  }
0x194: {  	[tilespmem:s11+$0xFFFFFFA0] =	vst v3  }
0x195: {  	[tilespmem:s11+$0xFFFFFF90] =	vst v4  }
0x196: {  	v3 =	vld.idx.msk [tilespmem:v6+s0+$0x0], $0xffff  }
0x197: {  	v4 =	vld [tilespmem:s14+$0xFFFFFF80];
	_ =	sdelay $0x4  }
0x198: {  	v4 =	vmul.f32 v4, v3;
	_ =	sdelay $0x1  }
0x199: {  	v57 =	vld.idx.msk [tilespmem:v6+s7+$0x0], $0xffff;
	[tilespmem:s11+$0xFFFFFFB0] =	vst v4  }
0x19a: {  	v4 =	vld [tilespmem:s14+$0xFFFFFF90];
	_ =	sdelay $0x4  }
0x19b: {  	v4 =	vmul.f32 v4, v3;
	_ =	sdelay $0x1  }
0x19c: {  	[tilespmem:s11+$0xFFFFFFC0] =	vst v4  }
0x19d: {  	v4 =	vld [tilespmem:s14+$0xFFFFFFA0];
	_ =	sdelay $0x4  }
0x19e: {  	v4 =	vmul.f32 v4, v57  }
0x19f: {  	s22 =	sadd.s32 $0x2, s12  }
0x1a0: {  	v58 =	vmov s22;
	[tilespmem:s11+$0xFFFFFFD0] =	vst v4  }
0x1a1: {  	v6 =	vand.u32 $0xFFFFFFFE, v58;
	v4 =	vld [tilespmem:s14+$0xFFFFFFB0]  }
0x1a2: {  	v6 =	vbroadcast v6, $0x0  }
0x1a3: {  	v59 =	vmul.f32 v2, v57;
	v3 =	vmul.f32 v1, v3;
	_ =	sdelay $0x1  }
0x1a4: {  	v3 =	vadd.f32 v59, v3  }
0x1a5: {  	v4 =	vmul.f32 v4, v57  }
0x1a6: {  	[tilespmem:s11+$0xFFFFFFF0] =	vst v3  }
0x1a7: {  	[tilespmem:s11+$0xFFFFFFE0] =	vst v4  }
0x1a8: {  	v3 =	vld.idx.msk [tilespmem:v6+s0+$0x0], $0xffff  }
0x1a9: {  	v4 =	vld [tilespmem:s14+$0x0];
	_ =	sdelay $0x4  }
0x1aa: {  	v4 =	vmul.f32 v4, v3;
	_ =	sdelay $0x1  }
0x1ab: {  	v60 =	vld.idx.msk [tilespmem:v6+s7+$0x0], $0xffff;
	[tilespmem:s11+$0x0] =	vst v4  }
0x1ac: {  	v4 =	vld [tilespmem:s14+$0x10];
	_ =	sdelay $0x4  }
0x1ad: {  	v4 =	vmul.f32 v4, v3;
	_ =	sdelay $0x1  }
0x1ae: {  	[tilespmem:s11+$0x10] =	vst v4  }
0x1af: {  	v4 =	vld [tilespmem:s14+$0x20];
	_ =	sdelay $0x4  }
0x1b0: {  	v4 =	vmul.f32 v4, v60;
	_ =	sdelay $0x1  }
0x1b1: {  	[tilespmem:s11+$0x20] =	vst v4  }
0x1b2: {  	v4 =	vld [tilespmem:s14+$0x30];
	_ =	sdelay $0x1  }
0x1b3: {  	s22 =	sadd.s32 $0x3, s12;
	v6 =	vmul.f32 v2, v60;
	v3 =	vmul.f32 v1, v3  }
0x1b4: {  	v61 =	vmov s22  }
0x1b5: {  	v3 =	vadd.f32 v6, v3  }
0x1b6: {  	v4 =	vmul.f32 v4, v60  }
0x1b7: {  	[tilespmem:s11+$0x40] =	vst v3  }
0x1b8: {  	[tilespmem:s11+$0x30] =	vst v4  }
0x1b9: {  	v3 =	vld.idx.msk [tilespmem:v61+s0+$0x0], $0xffff  }
0x1ba: {  	v4 =	vld [tilespmem:s14+$0x80];
	_ =	sdelay $0x4  }
0x1bb: {  	v4 =	vmul.f32 v4, v3;
	_ =	sdelay $0x1  }
0x1bc: {  	v62 =	vld.idx.msk [tilespmem:v61+s7+$0x0], $0xffff;
	[tilespmem:s11+$0x50] =	vst v4  }
0x1bd: {  	v4 =	vld [tilespmem:s14+$0x90];
	_ =	sdelay $0x4  }
0x1be: {  	v4 =	vmul.f32 v4, v3;
	_ =	sdelay $0x1  }
0x1bf: {  	[tilespmem:s11+$0x60] =	vst v4  }
0x1c0: {  	v4 =	vld [tilespmem:s14+$0xA0];
	_ =	sdelay $0x4  }
0x1c1: {  	v4 =	vmul.f32 v4, v62;
	_ =	sdelay $0x1  }
0x1c2: {  	[tilespmem:s11+$0x70] =	vst v4  }
0x1c3: {  	v4 =	vld [tilespmem:s14+$0xB0];
	_ =	sdelay $0x1  }
0x1c4: {  	v63 =	vmul.f32 v2, v62;
	v3 =	vmul.f32 v1, v3;
	_ =	sdelay $0x1  }
0x1c5: {  	v3 =	vadd.f32 v63, v3  }
0x1c6: {  	s10 =	sadd.s32 $0x1, s10;
	v4 =	vmul.f32 v4, v62  }
0x1c7: {  	p5 =	sne.s32 s10, $0x9D;
	[tilespmem:s11+$0x90] =	vst v3  }
.Ltmp2:
0x1c8: {  	[tilespmem:s11+$0x80] =	vst v4;
	(pc) =	sbr.rel @p5 .LBB2_4-.Ltmp2, $4  }
0x1c9: {  	[spmem:s1] =	stream.indirect.scatter.add.f32 [tilespmem:s23], [sflag:$0x2], $0x50, s26, s28, $0xb8;
	[tilespmem:$0x1CA20] =	vst v63  }
0x1ca: {  	_ =	swait.ge [sflag:s24], $0x2800  }
0x1cb: {  	[sflag:s24] =	ssyncset.done $0x0  }
0x1cc: {  	[sflag:s24] =	ssyncadd.s32 $0xFFFFD800  }
0x1cd: {  	s8 =	sshll.u32 @!p3 s5, $0x6;
	[bflag:$0x0] =	sbarrier.arrive $0xFFFF  }
0x1ce: {  	s10 =	sshrl.u32 @!p3 s9, $0x3;
	s11 =	simm.s32 @!p3 $0x1;
	s12 =	simm.s32 @!p3 $0x10  }
0x1cf: {  	s14 =	simm.s32 @!p3 $0xA;
	s8 =	sor.u32 @!p3 $0x1C02, s8;
	s17 =	rddreg [dreg:$0xa]  }
0x1d0: {  	[hbm:s17@s12], [sflag:s8] =	dma.strided @!p3 [spmem:s10@s14], $0x1860, s11, $0xa   }
0x1d1: {  	s8 =	simm.s32 @!p3 $0x2  }
0x1d2: {  	s10 =	sshll.u32 @p0 s5, $0x6;
	s11 =	simm.s32 @p0 $0x1;
	_ =	swait.ge @!p3 [sflag:s8], $0x1860  }
0x1d3: {  	s12 =	simm.s32 @p0 $0x10;
	s14 =	simm.s32 @p0 $0xA;
	[sflag:s8] =	ssyncset.done @!p3 $0x0  }
0x1d4: {  	[sflag:s8] =	ssyncadd.s32 @!p3 $0xFFFFE7A0;
	s8 =	sor.u32 @p0 $0x1C02, s10;
	s10 =	sshrl.u32 @p0 s9, $0x3  }
0x1d5: {  	[hbm:s18@s12], [sflag:s8] =	dma.strided @p0 [spmem:s10@s14], $0x1860, s11, $0xa   }
0x1d6: {  	s8 =	simm.s32 @p0 $0x2  }
0x1d7: {  	s10 =	sshll.u32 @!p4 s5, $0x6;
	s11 =	simm.s32 @!p4 $0x1;
	_ =	swait.ge @p0 [sflag:s8], $0x1860  }
0x1d8: {  	s12 =	simm.s32 @!p4 $0x10;
	s14 =	simm.s32 @!p4 $0xA;
	[sflag:s8] =	ssyncset.done @p0 $0x0  }
0x1d9: {  	[sflag:s8] =	ssyncadd.s32 @p0 $0xFFFFE7A0;
	s8 =	sor.u32 @!p4 $0x1C02, s10;
	s10 =	sshrl.u32 @!p4 s15, $0x3  }
0x1da: {  	[hbm:s19@s12], [sflag:s8] =	dma.strided @!p4 [spmem:s10@s14], $0x140, s11, $0xa   }
0x1db: {  	s2 =	sadd.s32 $0x1, s2;
	s8 =	simm.s32 @!p4 $0x2  }
0x1dc: {  	p5 =	sne.s32 s2, s21;
	s10 =	simm.s32 @p2 $0x1;
	_ =	swait.ge @!p4 [sflag:s8], $0x140  }
0x1dd: {  	s11 =	simm.s32 @p2 $0x10;
	s12 =	simm.s32 @p2 $0xA;
	[sflag:s8] =	ssyncset.done @!p4 $0x0  }
0x1de: {  	s14 =	simm.s32 @p2 $0x1C02;
	[sflag:s8] =	ssyncadd.s32 @!p4 $0xFFFFFEC0;
	s8 =	sshrl.u32 @p2 s15, $0x3  }
0x1df: {  	[hbm:s20@s11], [sflag:s14] =	dma.strided @p2 [spmem:s8@s12], $0x140, s10, $0xa   }
.Ltmp3:
0x1e0: {  	_ = 	snop;
	(pc) =	sbr.rel @p5 .LBB2_1-.Ltmp3, $4  }
0x1e1: {  	s8 =	simm.s32 @p2 $0x2  }
0x1e2: {  	_ =	swait.ge @p2 [sflag:s8], $0x140  }
0x1e3: {  	[sflag:s8] =	ssyncset.done @p2 $0x0  }
0x1e4: {  	[sflag:s8] =	ssyncadd.s32 @p2 $0xFFFFFEC0  }
0x1e5: {  	_ =	sfence.sel $0x180000  }
0x1e6: {  	[bflag:$0x0] =	sbarrier.arrive $0xFFFF  }
0x1e7: {  	_ =	strace $0x9000004D  }
0x1e8: {  	[bflag:$0x2] =	sbarrier.arrive $0xFFFF  }
0x1e9: {  	s0 =	rddreg [dreg:$0x2]  }
0x1ea: {  	s0 =	sadd.s32 @!p1 $0x100000, s0  }
0x1eb: {  	[sflag:s0] =	ssyncadd.tile.s32 @!p1 $0x1;
	_ =	shalt  }
.Lfunc_end2:
_tile_overlayer_lowered:
.L_overlay_start_2:
0x1ec: {  	(tag) =	ssettag $0x2  }
0x1ed: {  	s0 =	rddreg [dreg:$0x0];
	s2 =	stileid.u32  }
0x1ee: {  	s1 =	rddreg [dreg:$0x1];
	p0 =	sne.s32 s2, $0x0  }
0x1ef: {  	s3 =	rddreg [dreg:$0x2];
	[bflag:$0x3] =	sbarrier.arrive $0xFFFF;
	s2 =	simm.s32 @!p0 $0x1C02  }
0x1f0: {  	[timem:s3], [sflag:s2] =	dma.local @!p0 [hbm:s0], s1  }
0x1f1: {  	s0 =	simm.s32 @!p0 $0x2  }
0x1f2: {  	_ =	swait.ge @!p0 [sflag:s0], s1  }
0x1f3: {  	s1 =	ssub.s32 @!p0 $0x0, s1;
	[sflag:s0] =	ssyncset.done @!p0 $0x0  }
0x1f4: {  	[sflag:s0] =	ssyncadd.s32 @!p0 s1  }
0x1f5: {  	[bflag:$0x3] =	sbarrier.arrive $0xFFFF  }
0x1f6: {  	_ =	shalt  }

</sc_bundles>
